<compile_context>
chip_gen: v7x
topology: tpu7x:2x2x1
jax: 0.10.2.dev20260603
libtpu: 0.0.44.dev20260713+nightly
codegen_flags: <defaults>
</compile_context>

<pallas_src>
import functools

import jax
import jax.numpy as jnp
from jax import lax
from jax.experimental import pallas as pl
from jax.experimental.pallas import tpu as pltpu
from jax.experimental.pallas import tpu_sc as plsc

_NC, _NS = 2, 16
_NW = _NC * _NS

_H, _W, _D = 1024, 1024, 48
_R = _H * _W
_B = 524288
_BANDS = _D // 8
_WT = _W // 128
_OT = _B // 128

_mesh = plsc.VectorSubcoreMesh(core_axis_name="c", subcore_axis_name="s")
_params = pltpu.CompilerParams(use_tc_tiling_on_sc=False,
                               needs_layout_passes=False)


def _wid():
    return lax.axis_index("s") * _NC + lax.axis_index("c")


@functools.partial(
    pl.kernel,
    out_type=jax.ShapeDtypeStruct((_R * _D,), jnp.float32),
    mesh=_mesh,
    scratch_types=[
        pltpu.VMEM((2, _BANDS, 8, 128), jnp.float32),
        pltpu.VMEM((2, 128 * _D), jnp.float32),
        pltpu.SemaphoreType.DMA,
        pltpu.SemaphoreType.DMA,
        pltpu.SemaphoreType.DMA,
        pltpu.SemaphoreType.DMA,
    ],
    compiler_params=_params,
)
def _transpose_kernel(tab_v, rm_out, src_v, dst_v, si0, si1, so0, so1):
    wid = _wid()
    h0 = wid * (_H // _NW)
    n_blocks = (_H // _NW) * _WT
    sin = (si0, si1)
    sout = (so0, so1)
    i16 = lax.iota(jnp.int32, 16)

    def src_slice(blk):
        h = h0 + blk // _WT
        wt = blk % _WT
        return tab_v.at[h, :, wt]

    def out_slice(blk):
        return rm_out.at[pl.ds((h0 * _WT + blk) * 128 * _D, 128 * _D)]

    for u in (0, 1):
        pltpu.async_copy(src_slice(u), src_v.at[u], sin[u])

    def body(g, carry):
        for u in (0, 1):
            i = 2 * g + u
            pltpu.make_async_copy(src_slice(i), src_v.at[u], sin[u]).wait()

            @pl.when(g > 0)
            def _():
                pltpu.make_async_copy(dst_v.at[u], out_slice(i - 2),
                                      sout[u]).wait()

            @plsc.parallel_loop(0, 48, unroll=4)
            def shuf(q):
                t = q // _BANDS
                bb = q % _BANDS
                row48 = (t * 16 + i16) * _D + bb * 8
                for ss in range(8):
                    vals = src_v[u, bb, ss, pl.ds(t * 16, 16)]
                    plsc.store_scatter(dst_v.at[u], [row48 + ss], vals)

            pltpu.async_copy(dst_v.at[u], out_slice(i), sout[u])

            @pl.when(g <= (n_blocks // 2 - 2))
            def _():
                pltpu.async_copy(src_slice(i + 2), src_v.at[u], sin[u])
        return carry

    lax.fori_loop(0, n_blocks // 2, body, 0)
    for u in (0, 1):
        i = n_blocks - 2 + u
        pltpu.make_async_copy(dst_v.at[u], out_slice(i), sout[u]).wait()


@functools.partial(
    pl.kernel,
    out_type=jax.ShapeDtypeStruct((_BANDS * _OT * 1024,), jnp.float32),
    mesh=_mesh,
    scratch_types=[
        pltpu.VMEM((_B // _NW,), jnp.int32),
        pltpu.VMEM((2, 512, _D), jnp.float32),
        pltpu.VMEM((2, 4 * _BANDS * 1024), jnp.float32),
        pltpu.SemaphoreType.DMA,
        pltpu.SemaphoreType.DMA,
        pltpu.SemaphoreType.DMA,
        pltpu.SemaphoreType.DMA,
    ],
    compiler_params=_params,
)
def _gather_kernel(rm_tab, idx_hbm, out_v, idx_v, rows_v, dst_v,
                   sg0, sg1, so0, so1):
    wid = _wid()
    b_per_w = _B // _NW
    n_blocks = b_per_w // 512
    ot0 = wid * (b_per_w // 128)
    sg = (sg0, sg1)
    so = (so0, so1)
    pltpu.sync_copy(idx_hbm.at[pl.ds(wid * b_per_w, b_per_w)], idx_v)
    i16 = lax.iota(jnp.int32, 16)
    flat_idx = []
    for p in range(3):
        dv = p * 16 + i16
        flat_idx.append((dv % 8) * 128 + (dv // 8) * 1024)

    def gather(i, u):
        return pltpu.async_copy(
            rm_tab.at[idx_v.at[pl.ds(i * 512, 512)]], rows_v.at[u], sg[u])

    def out_copies(i, u, fn):
        for sb in range(4):
            ot = ot0 + i * 4 + sb
            for bb in range(_BANDS):
                fn(dst_v.at[u, pl.ds(sb * (_BANDS * 1024) + bb * 1024, 1024)],
                   out_v.at[pl.ds(bb * (_OT * 1024) + ot * 1024, 1024)],
                   so[u])

    for u in (0, 1):
        gather(u, u)

    def body(g, carry):
        for u in (0, 1):
            i = 2 * g + u
            pltpu.make_async_copy(
                rm_tab.at[idx_v.at[pl.ds(i * 512, 512)]],
                rows_v.at[u], sg[u]).wait()

            @pl.when(g > 0)
            def _():
                pltpu.make_async_copy(
                    out_v.at[pl.ds(0, 4 * _BANDS * 1024)],
                    dst_v.at[u], so[u]).wait()

            @plsc.parallel_loop(0, 512, step=4, unroll=4)
            def shuf(j0):
                sb = j0 // 128
                base = sb * (_BANDS * 1024) - sb * 128
                for jj in range(4):
                    j = j0 + jj
                    for p in range(3):
                        vals = rows_v[u, j, pl.ds(p * 16, 16)]
                        plsc.store_scatter(
                            dst_v.at[u], [flat_idx[p] + (base + j)], vals)

            out_copies(i, u, pltpu.async_copy)

            @pl.when(g <= (n_blocks // 2 - 2))
            def _():
                gather(i + 2, u)
        return carry

    lax.fori_loop(0, n_blocks // 2, body, 0)
    for u in (0, 1):
        pltpu.make_async_copy(
            out_v.at[pl.ds(0, 4 * _BANDS * 1024)], dst_v.at[u], so[u]).wait()


def kernel(feat_plane, mask_indices):
    tab_v = feat_plane.reshape(_H, _WT, 128, _BANDS, 8).transpose(0, 3, 1, 4, 2)
    idx = mask_indices.astype(jnp.int32)
    rm = _transpose_kernel(tab_v).reshape(_R, _D)
    out_flat = _gather_kernel(rm, idx)
    return (out_flat.reshape(_BANDS, _OT, 8, 128)
            .transpose(1, 3, 0, 2)
            .reshape(_B, _D))

# --- scband reference (transcript-rebuilt; emitter-appended) ---
"""Pipeline reference for scband-uvplane-29094108463698 (READ-ONLY COPY).

The authoritative reference and input builder live on the scoring server;
editing this copy changes nothing except your own understanding.
"""

import jax, jax.numpy as jnp
import numpy as np


def setup_inputs(seed: int = 0) -> dict:
    key = jax.random.key(seed)
    k1, k2 = jax.random.split(key)
    batch, H, W, D = 1, 1024, 1024, 48
    num_gauss = 524288  # ~50% UV-atlas coverage
    # Original: self._feat_plane = 0.1 * torch.rand((batch, H, W, D))
    feat_plane = 0.1 * jax.random.uniform(k1, (batch, H, W, D), dtype=jnp.float32)
    # The rasterized atlas boolean mask is data-dependent (mesh rasterization);
    # we precompute its equivalent flat texel indices so the gather is jit-safe.
    mask_indices = jax.random.randint(k2, (num_gauss,), 0, batch * H * W, dtype=jnp.int64)
    return {"feat_plane": feat_plane, "mask_indices": mask_indices}


def reference(feat_plane, mask_indices):
    # Faithful translation of UVPlane.get_feat: self._feat_plane[self.mask]
    # Boolean-mask advanced indexing over a [B, H, W, D] plane with a [B, H, W]
    # mask is exactly a row-gather from the flattened [B*H*W, D] plane at the
    # positions where the mask is True.
    D = feat_plane.shape[-1]
    flat = feat_plane.reshape(-1, D)
    return jnp.take(flat, mask_indices, axis=0)

if __name__ == "__main__":
    import jax
    _d = setup_inputs()
    print(jax.jit(kernel)(*tuple(_d.values())))

</pallas_src>

<mosaic_0001>
#map = affine_map<(d0, d1) -> (0, 0)>
#map1 = affine_map<(d0, d1) -> (0)>
module attributes {stable_mosaic.version = 14 : i64} {
  func.func @_gather_kernel(%arg0: i32, %arg1: i32, %arg2: memref<1048576x48xf32, #tpu.memory_space<hbm>>, %arg3: memref<524288xi32, #tpu.memory_space<hbm>>, %arg4: memref<25165824xf32, #tpu.memory_space<hbm>>, %arg5: memref<16384xi32, #tpu.memory_space<vmem>>, %arg6: memref<2x512x48xf32, #tpu.memory_space<vmem>>, %arg7: memref<2x24576xf32, #tpu.memory_space<vmem>>, %arg8: memref<!tpu.dma_semaphore, #tpu.memory_space<semaphore_mem>>, %arg9: memref<!tpu.dma_semaphore, #tpu.memory_space<semaphore_mem>>, %arg10: memref<!tpu.dma_semaphore, #tpu.memory_space<semaphore_mem>>, %arg11: memref<!tpu.dma_semaphore, #tpu.memory_space<semaphore_mem>>) attributes {dimension_semantics = [#tpu.dimension_semantics<core_parallel>, #tpu.dimension_semantics<subcore_parallel>], iteration_bounds = array<i64: 2, 16>, scalar_prefetch = 0 : i64, scratch_operands = 7 : i64, tpu.core_type = #tpu.core_type<sc_vector_subcore>, window_params = [{transform_indices = #map}, {transform_indices = #map1}, {transform_indices = #map1}]} {
    %mul3A = arith.constant 2 : i32
    %mul3A_0 = arith.muli %arg1, %mul3A : i32
    %add3A = arith.addi %mul3A_0, %arg0 : i32
    %mul3A_1 = arith.constant 128 : i32
    %mul3A_2 = arith.muli %add3A, %mul3A_1 : i32
    %mul3A_3 = arith.constant 16384 : i32
    %mul3A_4 = arith.muli %add3A, %mul3A_3 : i32
    "tpu.region"() ({
      %run_scoped3A = tpu.sem_alloc : memref<!tpu.dma_semaphore, #tpu.memory_space<semaphore_mem>>
      %dma_start3A_229 = tpu.memref_slice %arg3[%mul3A_4] : memref<524288xi32, #tpu.memory_space<hbm>> -> memref<16384xi32, #tpu.memory_space<hbm>>
      %dma_start3A_230 = tpu.memref_slice %arg3[%mul3A_4] : memref<524288xi32, #tpu.memory_space<hbm>> -> memref<16384xi32, #tpu.memory_space<hbm>>
      tpu.enqueue_dma source(%dma_start3A_230 : memref<16384xi32, #tpu.memory_space<hbm>>) target(%arg5 : memref<16384xi32, #tpu.memory_space<vmem>>) target_semaphore(%run_scoped3A : memref<!tpu.dma_semaphore, #tpu.memory_space<semaphore_mem>>)
      %dma_wait3A_231 = tpu.memref_slice %arg3[%mul3A_4] : memref<524288xi32, #tpu.memory_space<hbm>> -> memref<16384xi32, #tpu.memory_space<hbm>>
      %dma_wait3A_232 = tpu.memref_slice %arg3[%mul3A_4] : memref<524288xi32, #tpu.memory_space<hbm>> -> memref<16384xi32, #tpu.memory_space<hbm>>
      tpu.wait_dma2 semaphore(%run_scoped3A : memref<!tpu.dma_semaphore, #tpu.memory_space<semaphore_mem>>) src(%dma_wait3A_232 : memref<16384xi32, #tpu.memory_space<hbm>>) dst(%arg5 : memref<16384xi32, #tpu.memory_space<vmem>>)
      tpu.yield
    }) : () -> ()
    %iota3A = tpu.iota {dimensions = array<i32: 0>} : vector<16xi32>
    %add3A_5 = arith.constant 0 : i32
    %add3A_6 = vector.broadcast %add3A_5 : i32 to vector<16xi32>
    %add3A_7 = arith.addi %add3A_6, %iota3A : vector<16xi32>
    %jit3A = arith.constant 8 : i32
    %eq3A = arith.constant 0 : i32
    %eq3A_8 = arith.cmpi eq, %jit3A, %eq3A : i32
    %jit3A_9 = arith.constant 1 : i32
    %select_n3A = arith.select %eq3A_8, %jit3A_9, %jit3A : i32
    %rem3A = vector.broadcast %select_n3A : i32 to vector<16xi32>
    %rem3A_10 = arith.remsi %add3A_7, %rem3A : vector<16xi32>
    %ne3A = arith.constant 0 : i32
    %ne3A_11 = vector.broadcast %ne3A : i32 to vector<16xi32>
    %ne3A_12 = arith.cmpi ne, %rem3A_10, %ne3A_11 : vector<16xi32>
    %lt3A = arith.constant 0 : i32
    %lt3A_13 = vector.broadcast %lt3A : i32 to vector<16xi32>
    %lt3A_14 = arith.cmpi slt, %rem3A_10, %lt3A_13 : vector<16xi32>
    %lt3A_15 = arith.constant 0 : i32
    %lt3A_16 = arith.cmpi slt, %select_n3A, %lt3A_15 : i32
    %ne3A_17 = vector.broadcast %lt3A_16 : i1 to vector<16xi1>
    %ne3A_18 = vector.broadcast %ne3A_17 : vector<16xi1> to vector<16xi1>
    %ne3A_19 = arith.xori %lt3A_14, %ne3A_18 : vector<16xi1>
    %and3A = arith.andi %ne3A_19, %ne3A_12 : vector<16xi1>
    %add3A_20 = vector.broadcast %select_n3A : i32 to vector<16xi32>
    %add3A_21 = arith.addi %rem3A_10, %add3A_20 : vector<16xi32>
    %select_n3A_22 = arith.select %and3A, %add3A_21, %rem3A_10 : vector<16xi1>, vector<16xi32>
    %mul3A_23 = arith.constant 128 : i32
    %mul3A_24 = vector.broadcast %mul3A_23 : i32 to vector<16xi32>
    %mul3A_25 = arith.muli %select_n3A_22, %mul3A_24 : vector<16xi32>
    %jit3A_26 = arith.constant 8 : i32
    %div3A = vector.broadcast %jit3A_26 : i32 to vector<16xi32>
    %div3A_27 = arith.divsi %add3A_7, %div3A : vector<16xi32>
    %sign3A = arith.constant 0 : i32
    %sign3A_28 = vector.broadcast %sign3A : i32 to vector<16xi32>
    %sign3A_29 = arith.cmpi sgt, %add3A_7, %sign3A_28 : vector<16xi32>
    %sign3A_30 = arith.extui %sign3A_29 : vector<16xi1> to vector<16xi32>
    %sign3A_31 = arith.constant 0 : i32
    %sign3A_32 = vector.broadcast %sign3A_31 : i32 to vector<16xi32>
    %sign3A_33 = arith.cmpi slt, %add3A_7, %sign3A_32 : vector<16xi32>
    %sign3A_34 = arith.extui %sign3A_33 : vector<16xi1> to vector<16xi32>
    %sign3A_35 = arith.subi %sign3A_30, %sign3A_34 : vector<16xi32>
    %sign3A_36 = arith.constant 0 : i32
    %sign3A_37 = arith.cmpi sgt, %jit3A_26, %sign3A_36 : i32
    %sign3A_38 = arith.extui %sign3A_37 : i1 to i32
    %sign3A_39 = arith.constant 0 : i32
    %sign3A_40 = arith.cmpi slt, %jit3A_26, %sign3A_39 : i32
    %sign3A_41 = arith.extui %sign3A_40 : i1 to i32
    %sign3A_42 = arith.subi %sign3A_38, %sign3A_41 : i32
    %ne3A_43 = vector.broadcast %sign3A_42 : i32 to vector<16xi32>
    %ne3A_44 = arith.cmpi ne, %sign3A_35, %ne3A_43 : vector<16xi32>
    %rem3A_45 = vector.broadcast %jit3A_26 : i32 to vector<16xi32>
    %rem3A_46 = arith.remsi %add3A_7, %rem3A_45 : vector<16xi32>
    %ne3A_47 = arith.constant 0 : i32
    %ne3A_48 = vector.broadcast %ne3A_47 : i32 to vector<16xi32>
    %ne3A_49 = arith.cmpi ne, %rem3A_46, %ne3A_48 : vector<16xi32>
    %and3A_50 = arith.andi %ne3A_44, %ne3A_49 : vector<16xi1>
    %sub3A = arith.constant 1 : i32
    %sub3A_51 = vector.broadcast %sub3A : i32 to vector<16xi32>
    %sub3A_52 = arith.subi %div3A_27, %sub3A_51 : vector<16xi32>
    %select_n3A_53 = arith.select %and3A_50, %sub3A_52, %div3A_27 : vector<16xi1>, vector<16xi32>
    %mul3A_54 = arith.constant 1024 : i32
    %mul3A_55 = vector.broadcast %mul3A_54 : i32 to vector<16xi32>
    %mul3A_56 = arith.muli %select_n3A_53, %mul3A_55 : vector<16xi32>
    %add3A_57 = arith.addi %mul3A_25, %mul3A_56 : vector<16xi32>
    %add3A_58 = arith.constant 16 : i32
    %add3A_59 = vector.broadcast %add3A_58 : i32 to vector<16xi32>
    %add3A_60 = arith.addi %add3A_59, %iota3A : vector<16xi32>
    %jit3A_61 = arith.constant 8 : i32
    %eq3A_62 = arith.constant 0 : i32
    %eq3A_63 = arith.cmpi eq, %jit3A_61, %eq3A_62 : i32
    %jit3A_64 = arith.constant 1 : i32
    %select_n3A_65 = arith.select %eq3A_63, %jit3A_64, %jit3A_61 : i32
    %rem3A_66 = vector.broadcast %select_n3A_65 : i32 to vector<16xi32>
    %rem3A_67 = arith.remsi %add3A_60, %rem3A_66 : vector<16xi32>
    %ne3A_68 = arith.constant 0 : i32
    %ne3A_69 = vector.broadcast %ne3A_68 : i32 to vector<16xi32>
    %ne3A_70 = arith.cmpi ne, %rem3A_67, %ne3A_69 : vector<16xi32>
    %lt3A_71 = arith.constant 0 : i32
    %lt3A_72 = vector.broadcast %lt3A_71 : i32 to vector<16xi32>
    %lt3A_73 = arith.cmpi slt, %rem3A_67, %lt3A_72 : vector<16xi32>
    %lt3A_74 = arith.constant 0 : i32
    %lt3A_75 = arith.cmpi slt, %select_n3A_65, %lt3A_74 : i32
    %ne3A_76 = vector.broadcast %lt3A_75 : i1 to vector<16xi1>
    %ne3A_77 = vector.broadcast %ne3A_76 : vector<16xi1> to vector<16xi1>
    %ne3A_78 = arith.xori %lt3A_73, %ne3A_77 : vector<16xi1>
    %and3A_79 = arith.andi %ne3A_78, %ne3A_70 : vector<16xi1>
    %add3A_80 = vector.broadcast %select_n3A_65 : i32 to vector<16xi32>
    %add3A_81 = arith.addi %rem3A_67, %add3A_80 : vector<16xi32>
    %select_n3A_82 = arith.select %and3A_79, %add3A_81, %rem3A_67 : vector<16xi1>, vector<16xi32>
    %mul3A_83 = arith.constant 128 : i32
    %mul3A_84 = vector.broadcast %mul3A_83 : i32 to vector<16xi32>
    %mul3A_85 = arith.muli %select_n3A_82, %mul3A_84 : vector<16xi32>
    %jit3A_86 = arith.constant 8 : i32
    %div3A_87 = vector.broadcast %jit3A_86 : i32 to vector<16xi32>
    %div3A_88 = arith.divsi %add3A_60, %div3A_87 : vector<16xi32>
    %sign3A_89 = arith.constant 0 : i32
    %sign3A_90 = vector.broadcast %sign3A_89 : i32 to vector<16xi32>
    %sign3A_91 = arith.cmpi sgt, %add3A_60, %sign3A_90 : vector<16xi32>
    %sign3A_92 = arith.extui %sign3A_91 : vector<16xi1> to vector<16xi32>
    %sign3A_93 = arith.constant 0 : i32
    %sign3A_94 = vector.broadcast %sign3A_93 : i32 to vector<16xi32>
    %sign3A_95 = arith.cmpi slt, %add3A_60, %sign3A_94 : vector<16xi32>
    %sign3A_96 = arith.extui %sign3A_95 : vector<16xi1> to vector<16xi32>
    %sign3A_97 = arith.subi %sign3A_92, %sign3A_96 : vector<16xi32>
    %sign3A_98 = arith.constant 0 : i32
    %sign3A_99 = arith.cmpi sgt, %jit3A_86, %sign3A_98 : i32
    %sign3A_100 = arith.extui %sign3A_99 : i1 to i32
    %sign3A_101 = arith.constant 0 : i32
    %sign3A_102 = arith.cmpi slt, %jit3A_86, %sign3A_101 : i32
    %sign3A_103 = arith.extui %sign3A_102 : i1 to i32
    %sign3A_104 = arith.subi %sign3A_100, %sign3A_103 : i32
    %ne3A_105 = vector.broadcast %sign3A_104 : i32 to vector<16xi32>
    %ne3A_106 = arith.cmpi ne, %sign3A_97, %ne3A_105 : vector<16xi32>
    %rem3A_107 = vector.broadcast %jit3A_86 : i32 to vector<16xi32>
    %rem3A_108 = arith.remsi %add3A_60, %rem3A_107 : vector<16xi32>
    %ne3A_109 = arith.constant 0 : i32
    %ne3A_110 = vector.broadcast %ne3A_109 : i32 to vector<16xi32>
    %ne3A_111 = arith.cmpi ne, %rem3A_108, %ne3A_110 : vector<16xi32>
    %and3A_112 = arith.andi %ne3A_106, %ne3A_111 : vector<16xi1>
    %sub3A_113 = arith.constant 1 : i32
    %sub3A_114 = vector.broadcast %sub3A_113 : i32 to vector<16xi32>
    %sub3A_115 = arith.subi %div3A_88, %sub3A_114 : vector<16xi32>
    %select_n3A_116 = arith.select %and3A_112, %sub3A_115, %div3A_88 : vector<16xi1>, vector<16xi32>
    %mul3A_117 = arith.constant 1024 : i32
    %mul3A_118 = vector.broadcast %mul3A_117 : i32 to vector<16xi32>
    %mul3A_119 = arith.muli %select_n3A_116, %mul3A_118 : vector<16xi32>
    %add3A_120 = arith.addi %mul3A_85, %mul3A_119 : vector<16xi32>
    %add3A_121 = arith.constant 32 : i32
    %add3A_122 = vector.broadcast %add3A_121 : i32 to vector<16xi32>
    %add3A_123 = arith.addi %add3A_122, %iota3A : vector<16xi32>
    %jit3A_124 = arith.constant 8 : i32
    %eq3A_125 = arith.constant 0 : i32
    %eq3A_126 = arith.cmpi eq, %jit3A_124, %eq3A_125 : i32
    %jit3A_127 = arith.constant 1 : i32
    %select_n3A_128 = arith.select %eq3A_126, %jit3A_127, %jit3A_124 : i32
    %rem3A_129 = vector.broadcast %select_n3A_128 : i32 to vector<16xi32>
    %rem3A_130 = arith.remsi %add3A_123, %rem3A_129 : vector<16xi32>
    %ne3A_131 = arith.constant 0 : i32
    %ne3A_132 = vector.broadcast %ne3A_131 : i32 to vector<16xi32>
    %ne3A_133 = arith.cmpi ne, %rem3A_130, %ne3A_132 : vector<16xi32>
    %lt3A_134 = arith.constant 0 : i32
    %lt3A_135 = vector.broadcast %lt3A_134 : i32 to vector<16xi32>
    %lt3A_136 = arith.cmpi slt, %rem3A_130, %lt3A_135 : vector<16xi32>
    %lt3A_137 = arith.constant 0 : i32
    %lt3A_138 = arith.cmpi slt, %select_n3A_128, %lt3A_137 : i32
    %ne3A_139 = vector.broadcast %lt3A_138 : i1 to vector<16xi1>
    %ne3A_140 = vector.broadcast %ne3A_139 : vector<16xi1> to vector<16xi1>
    %ne3A_141 = arith.xori %lt3A_136, %ne3A_140 : vector<16xi1>
    %and3A_142 = arith.andi %ne3A_141, %ne3A_133 : vector<16xi1>
    %add3A_143 = vector.broadcast %select_n3A_128 : i32 to vector<16xi32>
    %add3A_144 = arith.addi %rem3A_130, %add3A_143 : vector<16xi32>
    %select_n3A_145 = arith.select %and3A_142, %add3A_144, %rem3A_130 : vector<16xi1>, vector<16xi32>
    %mul3A_146 = arith.constant 128 : i32
    %mul3A_147 = vector.broadcast %mul3A_146 : i32 to vector<16xi32>
    %mul3A_148 = arith.muli %select_n3A_145, %mul3A_147 : vector<16xi32>
    %jit3A_149 = arith.constant 8 : i32
    %div3A_150 = vector.broadcast %jit3A_149 : i32 to vector<16xi32>
    %div3A_151 = arith.divsi %add3A_123, %div3A_150 : vector<16xi32>
    %sign3A_152 = arith.constant 0 : i32
    %sign3A_153 = vector.broadcast %sign3A_152 : i32 to vector<16xi32>
    %sign3A_154 = arith.cmpi sgt, %add3A_123, %sign3A_153 : vector<16xi32>
    %sign3A_155 = arith.extui %sign3A_154 : vector<16xi1> to vector<16xi32>
    %sign3A_156 = arith.constant 0 : i32
    %sign3A_157 = vector.broadcast %sign3A_156 : i32 to vector<16xi32>
    %sign3A_158 = arith.cmpi slt, %add3A_123, %sign3A_157 : vector<16xi32>
    %sign3A_159 = arith.extui %sign3A_158 : vector<16xi1> to vector<16xi32>
    %sign3A_160 = arith.subi %sign3A_155, %sign3A_159 : vector<16xi32>
    %sign3A_161 = arith.constant 0 : i32
    %sign3A_162 = arith.cmpi sgt, %jit3A_149, %sign3A_161 : i32
    %sign3A_163 = arith.extui %sign3A_162 : i1 to i32
    %sign3A_164 = arith.constant 0 : i32
    %sign3A_165 = arith.cmpi slt, %jit3A_149, %sign3A_164 : i32
    %sign3A_166 = arith.extui %sign3A_165 : i1 to i32
    %sign3A_167 = arith.subi %sign3A_163, %sign3A_166 : i32
    %ne3A_168 = vector.broadcast %sign3A_167 : i32 to vector<16xi32>
    %ne3A_169 = arith.cmpi ne, %sign3A_160, %ne3A_168 : vector<16xi32>
    %rem3A_170 = vector.broadcast %jit3A_149 : i32 to vector<16xi32>
    %rem3A_171 = arith.remsi %add3A_123, %rem3A_170 : vector<16xi32>
    %ne3A_172 = arith.constant 0 : i32
    %ne3A_173 = vector.broadcast %ne3A_172 : i32 to vector<16xi32>
    %ne3A_174 = arith.cmpi ne, %rem3A_171, %ne3A_173 : vector<16xi32>
    %and3A_175 = arith.andi %ne3A_169, %ne3A_174 : vector<16xi1>
    %sub3A_176 = arith.constant 1 : i32
    %sub3A_177 = vector.broadcast %sub3A_176 : i32 to vector<16xi32>
    %sub3A_178 = arith.subi %div3A_151, %sub3A_177 : vector<16xi32>
    %select_n3A_179 = arith.select %and3A_175, %sub3A_178, %div3A_151 : vector<16xi1>, vector<16xi32>
    %mul3A_180 = arith.constant 1024 : i32
    %mul3A_181 = vector.broadcast %mul3A_180 : i32 to vector<16xi32>
    %mul3A_182 = arith.muli %select_n3A_179, %mul3A_181 : vector<16xi32>
    %add3A_183 = arith.addi %mul3A_148, %mul3A_182 : vector<16xi32>
    %dma_start3A = arith.constant 0 : i32
    %dma_start3A_184 = arith.constant 0 : i32
    %dma_start3A_185 = arith.constant 0 : i32
    %dma_start3A_186 = tpu.memref_slice %arg6[%dma_start3A, %dma_start3A_184, %dma_start3A_185] : memref<2x512x48xf32, #tpu.memory_space<vmem>> -> memref<1x512x48xf32, #tpu.memory_space<vmem>>
    %dma_start3A_187 = tpu.memref_squeeze %dma_start3A_186 : memref<1x512x48xf32, #tpu.memory_space<vmem>> -> memref<512x48xf32, #tpu.memory_space<vmem>>
    %dma_start3A_188 = arith.constant 0 : i32
    %dma_start3A_189 = tpu.memref_slice %arg5[%dma_start3A_188] : memref<16384xi32, #tpu.memory_space<vmem>> -> memref<512xi32, #tpu.memory_space<vmem>>
    %dma_start3A_190 = arith.constant 0 : i32
    %dma_start3A_191 = arith.constant 0 : i32
    %dma_start3A_192 = tpu.memref_slice %arg2[%dma_start3A_190, %dma_start3A_191] : memref<1048576x48xf32, #tpu.memory_space<hbm>> -> memref<1048576x48xf32, #tpu.memory_space<hbm>>
    tpu.enqueue_indirect_dma source(%dma_start3A_192 : memref<1048576x48xf32, #tpu.memory_space<hbm>>) target(%dma_start3A_187 : memref<512x48xf32, #tpu.memory_space<vmem>>) offsets(%dma_start3A_189 : memref<512xi32, #tpu.memory_space<vmem>>) semaphore(%arg8 : memref<!tpu.dma_semaphore, #tpu.memory_space<semaphore_mem>>)
    %dma_start3A_193 = arith.constant 1 : i32
    %dma_start3A_194 = arith.constant 0 : i32
    %dma_start3A_195 = arith.constant 0 : i32
    %dma_start3A_196 = tpu.memref_slice %arg6[%dma_start3A_193, %dma_start3A_194, %dma_start3A_195] : memref<2x512x48xf32, #tpu.memory_space<vmem>> -> memref<1x512x48xf32, #tpu.memory_space<vmem>>
    %dma_start3A_197 = tpu.memref_squeeze %dma_start3A_196 : memref<1x512x48xf32, #tpu.memory_space<vmem>> -> memref<512x48xf32, #tpu.memory_space<vmem>>
    %dma_start3A_198 = arith.constant 512 : i32
    %dma_start3A_199 = tpu.memref_slice %arg5[%dma_start3A_198] : memref<16384xi32, #tpu.memory_space<vmem>> -> memref<512xi32, #tpu.memory_space<vmem>>
    %dma_start3A_200 = arith.constant 0 : i32
    %dma_start3A_201 = arith.constant 0 : i32
    %dma_start3A_202 = tpu.memref_slice %arg2[%dma_start3A_200, %dma_start3A_201] : memref<1048576x48xf32, #tpu.memory_space<hbm>> -> memref<1048576x48xf32, #tpu.memory_space<hbm>>
    tpu.enqueue_indirect_dma source(%dma_start3A_202 : memref<1048576x48xf32, #tpu.memory_space<hbm>>) target(%dma_start3A_197 : memref<512x48xf32, #tpu.memory_space<vmem>>) offsets(%dma_start3A_199 : memref<512xi32, #tpu.memory_space<vmem>>) semaphore(%arg9 : memref<!tpu.dma_semaphore, #tpu.memory_space<semaphore_mem>>)
    %scan3A = arith.constant 0 : i32
    %scan3A_203 = arith.constant 0 : i32
    %scan3A_204 = arith.constant 16 : i32
    %scan3A_205 = arith.addi %scan3A_203, %scan3A_204 : i32
    %scan3A_206 = arith.constant 1 : i32
    scf.for %scan3A_229 = %scan3A_203 to %scan3A_205 step %scan3A_206  : i32 {
      %mul3A_230 = arith.constant 2 : i32
      %mul3A_231 = arith.muli %mul3A_230, %scan3A_229 : i32
      %add3A_232 = arith.constant 0 : i32
      %add3A_233 = arith.addi %mul3A_231, %add3A_232 : i32
      %mul3A_234 = arith.constant 512 : i32
      %mul3A_235 = arith.muli %add3A_233, %mul3A_234 : i32
      %dma_wait3A_236 = arith.constant 0 : i32
      %dma_wait3A_237 = arith.constant 0 : i32
      %dma_wait3A_238 = arith.constant 0 : i32
      %dma_wait3A_239 = tpu.memref_slice %arg6[%dma_wait3A_236, %dma_wait3A_237, %dma_wait3A_238] : memref<2x512x48xf32, #tpu.memory_space<vmem>> -> memref<1x512x48xf32, #tpu.memory_space<vmem>>
      %dma_wait3A_240 = tpu.memref_squeeze %dma_wait3A_239 : memref<1x512x48xf32, #tpu.memory_space<vmem>> -> memref<512x48xf32, #tpu.memory_space<vmem>>
      %dma_wait3A_241 = tpu.memref_slice %arg5[%mul3A_235] : memref<16384xi32, #tpu.memory_space<vmem>> -> memref<512xi32, #tpu.memory_space<vmem>>
      %dma_wait3A_242 = arith.constant 0 : i32
      %dma_wait3A_243 = arith.constant 0 : i32
      %dma_wait3A_244 = tpu.memref_slice %arg2[%dma_wait3A_242, %dma_wait3A_243] : memref<1048576x48xf32, #tpu.memory_space<hbm>> -> memref<1048576x48xf32, #tpu.memory_space<hbm>>
      tpu.wait_indirect_dma semaphore(%arg8 : memref<!tpu.dma_semaphore, #tpu.memory_space<semaphore_mem>>) src(%dma_wait3A_244 : memref<1048576x48xf32, #tpu.memory_space<hbm>>) dst(%dma_wait3A_240 : memref<512x48xf32, #tpu.memory_space<vmem>>)
      %gt3A = arith.constant 0 : i32
      %gt3A_245 = arith.cmpi sgt, %scan3A_229, %gt3A : i32
      %convert_element_type3A = arith.extui %gt3A_245 : i1 to i32
      %cond3A = arith.constant 0 : i32
      %cond3A_246 = arith.cmpi ne, %convert_element_type3A, %cond3A : i32
      scf.if %cond3A_246 {
        %dma_wait3A_945 = arith.constant 0 : i32
        %dma_wait3A_946 = arith.constant 0 : i32
        %dma_wait3A_947 = tpu.memref_slice %arg7[%dma_wait3A_945, %dma_wait3A_946] : memref<2x24576xf32, #tpu.memory_space<vmem>> -> memref<1x24576xf32, #tpu.memory_space<vmem>>
        %dma_wait3A_948 = tpu.memref_squeeze %dma_wait3A_947 : memref<1x24576xf32, #tpu.memory_space<vmem>> -> memref<24576xf32, #tpu.memory_space<vmem>>
        %dma_wait3A_949 = arith.constant 0 : i32
        %dma_wait3A_950 = tpu.memref_slice %arg4[%dma_wait3A_949] : memref<25165824xf32, #tpu.memory_space<hbm>> -> memref<24576xf32, #tpu.memory_space<hbm>>
        %dma_wait3A_951 = arith.constant 0 : i32
        %dma_wait3A_952 = tpu.memref_slice %arg7[%dma_wait3A_945, %dma_wait3A_951] : memref<2x24576xf32, #tpu.memory_space<vmem>> -> memref<1x24576xf32, #tpu.memory_space<vmem>>
        %dma_wait3A_953 = tpu.memref_squeeze %dma_wait3A_952 : memref<1x24576xf32, #tpu.memory_space<vmem>> -> memref<24576xf32, #tpu.memory_space<vmem>>
        %dma_wait3A_954 = arith.constant 0 : i32
        %dma_wait3A_955 = tpu.memref_slice %arg4[%dma_wait3A_954] : memref<25165824xf32, #tpu.memory_space<hbm>> -> memref<24576xf32, #tpu.memory_space<hbm>>
        tpu.wait_dma2 semaphore(%arg10 : memref<!tpu.dma_semaphore, #tpu.memory_space<semaphore_mem>>) src(%dma_wait3A_955 : memref<24576xf32, #tpu.memory_space<hbm>>) dst(%dma_wait3A_953 : memref<24576xf32, #tpu.memory_space<vmem>>)
      } else {
      }
      %parallel_loop3A = arith.constant 0 : i32
      %parallel_loop3A_247 = arith.constant 512 : i32
      %parallel_loop3A_248 = arith.constant 4 : i32
      scf.for %parallel_loop3A_945 = %parallel_loop3A to %parallel_loop3A_247 step %parallel_loop3A_248  : i32 {
        %parallel_loop3A_946 = arith.constant 128 : i32
        %parallel_loop3A_947 = arith.divsi %parallel_loop3A_945, %parallel_loop3A_946 : i32
        %parallel_loop3A_948 = arith.constant 0 : i32
        %parallel_loop3A_949 = arith.cmpi sgt, %parallel_loop3A_945, %parallel_loop3A_948 : i32
        %parallel_loop3A_950 = arith.extui %parallel_loop3A_949 : i1 to i32
        %parallel_loop3A_951 = arith.constant 0 : i32
        %parallel_loop3A_952 = arith.cmpi slt, %parallel_loop3A_945, %parallel_loop3A_951 : i32
        %parallel_loop3A_953 = arith.extui %parallel_loop3A_952 : i1 to i32
        %parallel_loop3A_954 = arith.subi %parallel_loop3A_950, %parallel_loop3A_953 : i32
        %parallel_loop3A_955 = arith.constant 0 : i32
        %parallel_loop3A_956 = arith.cmpi sgt, %parallel_loop3A_946, %parallel_loop3A_955 : i32
        %parallel_loop3A_957 = arith.extui %parallel_loop3A_956 : i1 to i32
        %parallel_loop3A_958 = arith.constant 0 : i32
        %parallel_loop3A_959 = arith.cmpi slt, %parallel_loop3A_946, %parallel_loop3A_958 : i32
        %parallel_loop3A_960 = arith.extui %parallel_loop3A_959 : i1 to i32
        %parallel_loop3A_961 = arith.subi %parallel_loop3A_957, %parallel_loop3A_960 : i32
        %parallel_loop3A_962 = arith.cmpi ne, %parallel_loop3A_954, %parallel_loop3A_961 : i32
        %parallel_loop3A_963 = arith.remsi %parallel_loop3A_945, %parallel_loop3A_946 : i32
        %parallel_loop3A_964 = arith.constant 0 : i32
        %parallel_loop3A_965 = arith.cmpi ne, %parallel_loop3A_963, %parallel_loop3A_964 : i32
        %parallel_loop3A_966 = arith.andi %parallel_loop3A_962, %parallel_loop3A_965 : i1
        %parallel_loop3A_967 = arith.constant 1 : i32
        %parallel_loop3A_968 = arith.subi %parallel_loop3A_947, %parallel_loop3A_967 : i32
        %parallel_loop3A_969 = arith.select %parallel_loop3A_966, %parallel_loop3A_968, %parallel_loop3A_947 : i32
        %parallel_loop3A_970 = arith.constant 6144 : i32
        %parallel_loop3A_971 = arith.muli %parallel_loop3A_969, %parallel_loop3A_970 : i32
        %parallel_loop3A_972 = arith.constant 128 : i32
        %parallel_loop3A_973 = arith.muli %parallel_loop3A_969, %parallel_loop3A_972 : i32
        %parallel_loop3A_974 = arith.subi %parallel_loop3A_971, %parallel_loop3A_973 : i32
        %parallel_loop3A_975 = arith.constant 0 : i32
        %parallel_loop3A_976 = arith.addi %parallel_loop3A_945, %parallel_loop3A_975 : i32
        %parallel_loop3A_977 = arith.constant 0 : i32
        %parallel_loop3A_978 = arith.index_cast %parallel_loop3A_977 : i32 to index
        %parallel_loop3A_979 = arith.index_cast %parallel_loop3A_976 : i32 to index
        %parallel_loop3A_980 = arith.constant 0 : index
        %parallel_loop3A_981 = tpu.vector_load %arg6[%parallel_loop3A_978, %parallel_loop3A_979, %parallel_loop3A_980] {strides = array<i32>} : memref<2x512x48xf32, #tpu.memory_space<vmem>>, vector<16xf32>,
        %parallel_loop3A_982 = arith.addi %parallel_loop3A_974, %parallel_loop3A_976 : i32
        %parallel_loop3A_983 = vector.broadcast %parallel_loop3A_982 : i32 to vector<16xi32>
        %parallel_loop3A_984 = arith.addi %add3A_57, %parallel_loop3A_983 : vector<16xi32>
        %parallel_loop3A_985 = arith.constant 0 : i32
        %parallel_loop3A_986 = arith.constant 0 : i32
        %parallel_loop3A_987 = tpu.memref_slice %arg7[%parallel_loop3A_985, %parallel_loop3A_986] : memref<2x24576xf32, #tpu.memory_space<vmem>> -> memref<1x24576xf32, #tpu.memory_space<vmem>>
        %parallel_loop3A_988 = tpu.memref_squeeze %parallel_loop3A_987 : memref<1x24576xf32, #tpu.memory_space<vmem>> -> memref<24576xf32, #tpu.memory_space<vmem>>
        tpu.vector_store_idx %parallel_loop3A_988[%parallel_loop3A_984], %parallel_loop3A_981 : memref<24576xf32, #tpu.memory_space<vmem>>[vector<16xi32>], vector<16xf32>,
        %parallel_loop3A_989 = arith.constant 0 : i32
        %parallel_loop3A_990 = arith.index_cast %parallel_loop3A_989 : i32 to index
        %parallel_loop3A_991 = arith.index_cast %parallel_loop3A_976 : i32 to index
        %parallel_loop3A_992 = arith.constant 16 : index
        %parallel_loop3A_993 = tpu.vector_load %arg6[%parallel_loop3A_990, %parallel_loop3A_991, %parallel_loop3A_992] {strides = array<i32>} : memref<2x512x48xf32, #tpu.memory_space<vmem>>, vector<16xf32>,
        %parallel_loop3A_994 = arith.addi %parallel_loop3A_974, %parallel_loop3A_976 : i32
        %parallel_loop3A_995 = vector.broadcast %parallel_loop3A_994 : i32 to vector<16xi32>
        %parallel_loop3A_996 = arith.addi %add3A_120, %parallel_loop3A_995 : vector<16xi32>
        %parallel_loop3A_997 = arith.constant 0 : i32
        %parallel_loop3A_998 = arith.constant 0 : i32
        %parallel_loop3A_999 = tpu.memref_slice %arg7[%parallel_loop3A_997, %parallel_loop3A_998] : memref<2x24576xf32, #tpu.memory_space<vmem>> -> memref<1x24576xf32, #tpu.memory_space<vmem>>
        %parallel_loop3A_1000 = tpu.memref_squeeze %parallel_loop3A_999 : memref<1x24576xf32, #tpu.memory_space<vmem>> -> memref<24576xf32, #tpu.memory_space<vmem>>
        tpu.vector_store_idx %parallel_loop3A_1000[%parallel_loop3A_996], %parallel_loop3A_993 : memref<24576xf32, #tpu.memory_space<vmem>>[vector<16xi32>], vector<16xf32>,
        %parallel_loop3A_1001 = arith.constant 0 : i32
        %parallel_loop3A_1002 = arith.index_cast %parallel_loop3A_1001 : i32 to index
        %parallel_loop3A_1003 = arith.index_cast %parallel_loop3A_976 : i32 to index
        %parallel_loop3A_1004 = arith.constant 32 : index
        %parallel_loop3A_1005 = tpu.vector_load %arg6[%parallel_loop3A_1002, %parallel_loop3A_1003, %parallel_loop3A_1004] {strides = array<i32>} : memref<2x512x48xf32, #tpu.memory_space<vmem>>, vector<16xf32>,
        %parallel_loop3A_1006 = arith.addi %parallel_loop3A_974, %parallel_loop3A_976 : i32
        %parallel_loop3A_1007 = vector.broadcast %parallel_loop3A_1006 : i32 to vector<16xi32>
        %parallel_loop3A_1008 = arith.addi %add3A_183, %parallel_loop3A_1007 : vector<16xi32>
        %parallel_loop3A_1009 = arith.constant 0 : i32
        %parallel_loop3A_1010 = arith.constant 0 : i32
        %parallel_loop3A_1011 = tpu.memref_slice %arg7[%parallel_loop3A_1009, %parallel_loop3A_1010] : memref<2x24576xf32, #tpu.memory_space<vmem>> -> memref<1x24576xf32, #tpu.memory_space<vmem>>
        %parallel_loop3A_1012 = tpu.memref_squeeze %parallel_loop3A_1011 : memref<1x24576xf32, #tpu.memory_space<vmem>> -> memref<24576xf32, #tpu.memory_space<vmem>>
        tpu.vector_store_idx %parallel_loop3A_1012[%parallel_loop3A_1008], %parallel_loop3A_1005 : memref<24576xf32, #tpu.memory_space<vmem>>[vector<16xi32>], vector<16xf32>,
        %parallel_loop3A_1013 = arith.constant 1 : i32
        %parallel_loop3A_1014 = arith.addi %parallel_loop3A_945, %parallel_loop3A_1013 : i32
        %parallel_loop3A_1015 = arith.constant 0 : i32
        %parallel_loop3A_1016 = arith.index_cast %parallel_loop3A_1015 : i32 to index
        %parallel_loop3A_1017 = arith.index_cast %parallel_loop3A_1014 : i32 to index
        %parallel_loop3A_1018 = arith.constant 0 : index
        %parallel_loop3A_1019 = tpu.vector_load %arg6[%parallel_loop3A_1016, %parallel_loop3A_1017, %parallel_loop3A_1018] {strides = array<i32>} : memref<2x512x48xf32, #tpu.memory_space<vmem>>, vector<16xf32>,
        %parallel_loop3A_1020 = arith.addi %parallel_loop3A_974, %parallel_loop3A_1014 : i32
        %parallel_loop3A_1021 = vector.broadcast %parallel_loop3A_1020 : i32 to vector<16xi32>
        %parallel_loop3A_1022 = arith.addi %add3A_57, %parallel_loop3A_1021 : vector<16xi32>
        %parallel_loop3A_1023 = arith.constant 0 : i32
        %parallel_loop3A_1024 = arith.constant 0 : i32
        %parallel_loop3A_1025 = tpu.memref_slice %arg7[%parallel_loop3A_1023, %parallel_loop3A_1024] : memref<2x24576xf32, #tpu.memory_space<vmem>> -> memref<1x24576xf32, #tpu.memory_space<vmem>>
        %parallel_loop3A_1026 = tpu.memref_squeeze %parallel_loop3A_1025 : memref<1x24576xf32, #tpu.memory_space<vmem>> -> memref<24576xf32, #tpu.memory_space<vmem>>
        tpu.vector_store_idx %parallel_loop3A_1026[%parallel_loop3A_1022], %parallel_loop3A_1019 : memref<24576xf32, #tpu.memory_space<vmem>>[vector<16xi32>], vector<16xf32>,
        %parallel_loop3A_1027 = arith.constant 0 : i32
        %parallel_loop3A_1028 = arith.index_cast %parallel_loop3A_1027 : i32 to index
        %parallel_loop3A_1029 = arith.index_cast %parallel_loop3A_1014 : i32 to index
        %parallel_loop3A_1030 = arith.constant 16 : index
        %parallel_loop3A_1031 = tpu.vector_load %arg6[%parallel_loop3A_1028, %parallel_loop3A_1029, %parallel_loop3A_1030] {strides = array<i32>} : memref<2x512x48xf32, #tpu.memory_space<vmem>>, vector<16xf32>,
        %parallel_loop3A_1032 = arith.addi %parallel_loop3A_974, %parallel_loop3A_1014 : i32
        %parallel_loop3A_1033 = vector.broadcast %parallel_loop3A_1032 : i32 to vector<16xi32>
        %parallel_loop3A_1034 = arith.addi %add3A_120, %parallel_loop3A_1033 : vector<16xi32>
        %parallel_loop3A_1035 = arith.constant 0 : i32
        %parallel_loop3A_1036 = arith.constant 0 : i32
        %parallel_loop3A_1037 = tpu.memref_slice %arg7[%parallel_loop3A_1035, %parallel_loop3A_1036] : memref<2x24576xf32, #tpu.memory_space<vmem>> -> memref<1x24576xf32, #tpu.memory_space<vmem>>
        %parallel_loop3A_1038 = tpu.memref_squeeze %parallel_loop3A_1037 : memref<1x24576xf32, #tpu.memory_space<vmem>> -> memref<24576xf32, #tpu.memory_space<vmem>>
        tpu.vector_store_idx %parallel_loop3A_1038[%parallel_loop3A_1034], %parallel_loop3A_1031 : memref<24576xf32, #tpu.memory_space<vmem>>[vector<16xi32>], vector<16xf32>,
        %parallel_loop3A_1039 = arith.constant 0 : i32
        %parallel_loop3A_1040 = arith.index_cast %parallel_loop3A_1039 : i32 to index
        %parallel_loop3A_1041 = arith.index_cast %parallel_loop3A_1014 : i32 to index
        %parallel_loop3A_1042 = arith.constant 32 : index
        %parallel_loop3A_1043 = tpu.vector_load %arg6[%parallel_loop3A_1040, %parallel_loop3A_1041, %parallel_loop3A_1042] {strides = array<i32>} : memref<2x512x48xf32, #tpu.memory_space<vmem>>, vector<16xf32>,
        %parallel_loop3A_1044 = arith.addi %parallel_loop3A_974, %parallel_loop3A_1014 : i32
        %parallel_loop3A_1045 = vector.broadcast %parallel_loop3A_1044 : i32 to vector<16xi32>
        %parallel_loop3A_1046 = arith.addi %add3A_183, %parallel_loop3A_1045 : vector<16xi32>
        %parallel_loop3A_1047 = arith.constant 0 : i32
        %parallel_loop3A_1048 = arith.constant 0 : i32
        %parallel_loop3A_1049 = tpu.memref_slice %arg7[%parallel_loop3A_1047, %parallel_loop3A_1048] : memref<2x24576xf32, #tpu.memory_space<vmem>> -> memref<1x24576xf32, #tpu.memory_space<vmem>>
        %parallel_loop3A_1050 = tpu.memref_squeeze %parallel_loop3A_1049 : memref<1x24576xf32, #tpu.memory_space<vmem>> -> memref<24576xf32, #tpu.memory_space<vmem>>
        tpu.vector_store_idx %parallel_loop3A_1050[%parallel_loop3A_1046], %parallel_loop3A_1043 : memref<24576xf32, #tpu.memory_space<vmem>>[vector<16xi32>], vector<16xf32>,
        %parallel_loop3A_1051 = arith.constant 2 : i32
        %parallel_loop3A_1052 = arith.addi %parallel_loop3A_945, %parallel_loop3A_1051 : i32
        %parallel_loop3A_1053 = arith.constant 0 : i32
        %parallel_loop3A_1054 = arith.index_cast %parallel_loop3A_1053 : i32 to index
        %parallel_loop3A_1055 = arith.index_cast %parallel_loop3A_1052 : i32 to index
        %parallel_loop3A_1056 = arith.constant 0 : index
        %parallel_loop3A_1057 = tpu.vector_load %arg6[%parallel_loop3A_1054, %parallel_loop3A_1055, %parallel_loop3A_1056] {strides = array<i32>} : memref<2x512x48xf32, #tpu.memory_space<vmem>>, vector<16xf32>,
        %parallel_loop3A_1058 = arith.addi %parallel_loop3A_974, %parallel_loop3A_1052 : i32
        %parallel_loop3A_1059 = vector.broadcast %parallel_loop3A_1058 : i32 to vector<16xi32>
        %parallel_loop3A_1060 = arith.addi %add3A_57, %parallel_loop3A_1059 : vector<16xi32>
        %parallel_loop3A_1061 = arith.constant 0 : i32
        %parallel_loop3A_1062 = arith.constant 0 : i32
        %parallel_loop3A_1063 = tpu.memref_slice %arg7[%parallel_loop3A_1061, %parallel_loop3A_1062] : memref<2x24576xf32, #tpu.memory_space<vmem>> -> memref<1x24576xf32, #tpu.memory_space<vmem>>
        %parallel_loop3A_1064 = tpu.memref_squeeze %parallel_loop3A_1063 : memref<1x24576xf32, #tpu.memory_space<vmem>> -> memref<24576xf32, #tpu.memory_space<vmem>>
        tpu.vector_store_idx %parallel_loop3A_1064[%parallel_loop3A_1060], %parallel_loop3A_1057 : memref<24576xf32, #tpu.memory_space<vmem>>[vector<16xi32>], vector<16xf32>,
        %parallel_loop3A_1065 = arith.constant 0 : i32
        %parallel_loop3A_1066 = arith.index_cast %parallel_loop3A_1065 : i32 to index
        %parallel_loop3A_1067 = arith.index_cast %parallel_loop3A_1052 : i32 to index
        %parallel_loop3A_1068 = arith.constant 16 : index
        %parallel_loop3A_1069 = tpu.vector_load %arg6[%parallel_loop3A_1066, %parallel_loop3A_1067, %parallel_loop3A_1068] {strides = array<i32>} : memref<2x512x48xf32, #tpu.memory_space<vmem>>, vector<16xf32>,
        %parallel_loop3A_1070 = arith.addi %parallel_loop3A_974, %parallel_loop3A_1052 : i32
        %parallel_loop3A_1071 = vector.broadcast %parallel_loop3A_1070 : i32 to vector<16xi32>
        %parallel_loop3A_1072 = arith.addi %add3A_120, %parallel_loop3A_1071 : vector<16xi32>
        %parallel_loop3A_1073 = arith.constant 0 : i32
        %parallel_loop3A_1074 = arith.constant 0 : i32
        %parallel_loop3A_1075 = tpu.memref_slice %arg7[%parallel_loop3A_1073, %parallel_loop3A_1074] : memref<2x24576xf32, #tpu.memory_space<vmem>> -> memref<1x24576xf32, #tpu.memory_space<vmem>>
        %parallel_loop3A_1076 = tpu.memref_squeeze %parallel_loop3A_1075 : memref<1x24576xf32, #tpu.memory_space<vmem>> -> memref<24576xf32, #tpu.memory_space<vmem>>
        tpu.vector_store_idx %parallel_loop3A_1076[%parallel_loop3A_1072], %parallel_loop3A_1069 : memref<24576xf32, #tpu.memory_space<vmem>>[vector<16xi32>], vector<16xf32>,
        %parallel_loop3A_1077 = arith.constant 0 : i32
        %parallel_loop3A_1078 = arith.index_cast %parallel_loop3A_1077 : i32 to index
        %parallel_loop3A_1079 = arith.index_cast %parallel_loop3A_1052 : i32 to index
        %parallel_loop3A_1080 = arith.constant 32 : index
        %parallel_loop3A_1081 = tpu.vector_load %arg6[%parallel_loop3A_1078, %parallel_loop3A_1079, %parallel_loop3A_1080] {strides = array<i32>} : memref<2x512x48xf32, #tpu.memory_space<vmem>>, vector<16xf32>,
        %parallel_loop3A_1082 = arith.addi %parallel_loop3A_974, %parallel_loop3A_1052 : i32
        %parallel_loop3A_1083 = vector.broadcast %parallel_loop3A_1082 : i32 to vector<16xi32>
        %parallel_loop3A_1084 = arith.addi %add3A_183, %parallel_loop3A_1083 : vector<16xi32>
        %parallel_loop3A_1085 = arith.constant 0 : i32
        %parallel_loop3A_1086 = arith.constant 0 : i32
        %parallel_loop3A_1087 = tpu.memref_slice %arg7[%parallel_loop3A_1085, %parallel_loop3A_1086] : memref<2x24576xf32, #tpu.memory_space<vmem>> -> memref<1x24576xf32, #tpu.memory_space<vmem>>
        %parallel_loop3A_1088 = tpu.memref_squeeze %parallel_loop3A_1087 : memref<1x24576xf32, #tpu.memory_space<vmem>> -> memref<24576xf32, #tpu.memory_space<vmem>>
        tpu.vector_store_idx %parallel_loop3A_1088[%parallel_loop3A_1084], %parallel_loop3A_1081 : memref<24576xf32, #tpu.memory_space<vmem>>[vector<16xi32>], vector<16xf32>,
        %parallel_loop3A_1089 = arith.constant 3 : i32
        %parallel_loop3A_1090 = arith.addi %parallel_loop3A_945, %parallel_loop3A_1089 : i32
        %parallel_loop3A_1091 = arith.constant 0 : i32
        %parallel_loop3A_1092 = arith.index_cast %parallel_loop3A_1091 : i32 to index
        %parallel_loop3A_1093 = arith.index_cast %parallel_loop3A_1090 : i32 to index
        %parallel_loop3A_1094 = arith.constant 0 : index
        %parallel_loop3A_1095 = tpu.vector_load %arg6[%parallel_loop3A_1092, %parallel_loop3A_1093, %parallel_loop3A_1094] {strides = array<i32>} : memref<2x512x48xf32, #tpu.memory_space<vmem>>, vector<16xf32>,
        %parallel_loop3A_1096 = arith.addi %parallel_loop3A_974, %parallel_loop3A_1090 : i32
        %parallel_loop3A_1097 = vector.broadcast %parallel_loop3A_1096 : i32 to vector<16xi32>
        %parallel_loop3A_1098 = arith.addi %add3A_57, %parallel_loop3A_1097 : vector<16xi32>
        %parallel_loop3A_1099 = arith.constant 0 : i32
        %parallel_loop3A_1100 = arith.constant 0 : i32
        %parallel_loop3A_1101 = tpu.memref_slice %arg7[%parallel_loop3A_1099, %parallel_loop3A_1100] : memref<2x24576xf32, #tpu.memory_space<vmem>> -> memref<1x24576xf32, #tpu.memory_space<vmem>>
        %parallel_loop3A_1102 = tpu.memref_squeeze %parallel_loop3A_1101 : memref<1x24576xf32, #tpu.memory_space<vmem>> -> memref<24576xf32, #tpu.memory_space<vmem>>
        tpu.vector_store_idx %parallel_loop3A_1102[%parallel_loop3A_1098], %parallel_loop3A_1095 : memref<24576xf32, #tpu.memory_space<vmem>>[vector<16xi32>], vector<16xf32>,
        %parallel_loop3A_1103 = arith.constant 0 : i32
        %parallel_loop3A_1104 = arith.index_cast %parallel_loop3A_1103 : i32 to index
        %parallel_loop3A_1105 = arith.index_cast %parallel_loop3A_1090 : i32 to index
        %parallel_loop3A_1106 = arith.constant 16 : index
        %parallel_loop3A_1107 = tpu.vector_load %arg6[%parallel_loop3A_1104, %parallel_loop3A_1105, %parallel_loop3A_1106] {strides = array<i32>} : memref<2x512x48xf32, #tpu.memory_space<vmem>>, vector<16xf32>,
        %parallel_loop3A_1108 = arith.addi %parallel_loop3A_974, %parallel_loop3A_1090 : i32
        %parallel_loop3A_1109 = vector.broadcast %parallel_loop3A_1108 : i32 to vector<16xi32>
        %parallel_loop3A_1110 = arith.addi %add3A_120, %parallel_loop3A_1109 : vector<16xi32>
        %parallel_loop3A_1111 = arith.constant 0 : i32
        %parallel_loop3A_1112 = arith.constant 0 : i32
        %parallel_loop3A_1113 = tpu.memref_slice %arg7[%parallel_loop3A_1111, %parallel_loop3A_1112] : memref<2x24576xf32, #tpu.memory_space<vmem>> -> memref<1x24576xf32, #tpu.memory_space<vmem>>
        %parallel_loop3A_1114 = tpu.memref_squeeze %parallel_loop3A_1113 : memref<1x24576xf32, #tpu.memory_space<vmem>> -> memref<24576xf32, #tpu.memory_space<vmem>>
        tpu.vector_store_idx %parallel_loop3A_1114[%parallel_loop3A_1110], %parallel_loop3A_1107 : memref<24576xf32, #tpu.memory_space<vmem>>[vector<16xi32>], vector<16xf32>,
        %parallel_loop3A_1115 = arith.constant 0 : i32
        %parallel_loop3A_1116 = arith.index_cast %parallel_loop3A_1115 : i32 to index
        %parallel_loop3A_1117 = arith.index_cast %parallel_loop3A_1090 : i32 to index
        %parallel_loop3A_1118 = arith.constant 32 : index
        %parallel_loop3A_1119 = tpu.vector_load %arg6[%parallel_loop3A_1116, %parallel_loop3A_1117, %parallel_loop3A_1118] {strides = array<i32>} : memref<2x512x48xf32, #tpu.memory_space<vmem>>, vector<16xf32>,
        %parallel_loop3A_1120 = arith.addi %parallel_loop3A_974, %parallel_loop3A_1090 : i32
        %parallel_loop3A_1121 = vector.broadcast %parallel_loop3A_1120 : i32 to vector<16xi32>
        %parallel_loop3A_1122 = arith.addi %add3A_183, %parallel_loop3A_1121 : vector<16xi32>
        %parallel_loop3A_1123 = arith.constant 0 : i32
        %parallel_loop3A_1124 = arith.constant 0 : i32
        %parallel_loop3A_1125 = tpu.memref_slice %arg7[%parallel_loop3A_1123, %parallel_loop3A_1124] : memref<2x24576xf32, #tpu.memory_space<vmem>> -> memref<1x24576xf32, #tpu.memory_space<vmem>>
        %parallel_loop3A_1126 = tpu.memref_squeeze %parallel_loop3A_1125 : memref<1x24576xf32, #tpu.memory_space<vmem>> -> memref<24576xf32, #tpu.memory_space<vmem>>
        tpu.vector_store_idx %parallel_loop3A_1126[%parallel_loop3A_1122], %parallel_loop3A_1119 : memref<24576xf32, #tpu.memory_space<vmem>>[vector<16xi32>], vector<16xf32>,
      } {sc.loop_unroll_factor = 4 : i64, sc.parallel_access}
      %mul3A_249 = arith.constant 4 : i32
      %mul3A_250 = arith.muli %add3A_233, %mul3A_249 : i32
      %add3A_251 = arith.addi %mul3A_2, %mul3A_250 : i32
      %add3A_252 = arith.constant 0 : i32
      %add3A_253 = arith.addi %add3A_251, %add3A_252 : i32
      %mul3A_254 = arith.constant 1024 : i32
      %mul3A_255 = arith.muli %add3A_253, %mul3A_254 : i32
      %add3A_256 = arith.constant 0 : i32
      %add3A_257 = arith.addi %add3A_256, %mul3A_255 : i32
      %dma_start3A_258 = arith.constant 0 : i32
      %dma_start3A_259 = arith.constant 0 : i32
      %dma_start3A_260 = tpu.memref_slice %arg7[%dma_start3A_258, %dma_start3A_259] : memref<2x24576xf32, #tpu.memory_space<vmem>> -> memref<1x1024xf32, #tpu.memory_space<vmem>>
      %dma_start3A_261 = tpu.memref_squeeze %dma_start3A_260 : memref<1x1024xf32, #tpu.memory_space<vmem>> -> memref<1024xf32, #tpu.memory_space<vmem>>
      %dma_start3A_262 = tpu.memref_slice %arg4[%add3A_257] : memref<25165824xf32, #tpu.memory_space<hbm>> -> memref<1024xf32, #tpu.memory_space<hbm>>
      %dma_start3A_263 = tpu.memref_slice %arg4[%add3A_257] : memref<25165824xf32, #tpu.memory_space<hbm>> -> memref<1024xf32, #tpu.memory_space<hbm>>
      %dma_start3A_264 = arith.constant 0 : i32
      %dma_start3A_265 = tpu.memref_slice %arg7[%dma_start3A_258, %dma_start3A_264] : memref<2x24576xf32, #tpu.memory_space<vmem>> -> memref<1x1024xf32, #tpu.memory_space<vmem>>
      %dma_start3A_266 = tpu.memref_squeeze %dma_start3A_265 : memref<1x1024xf32, #tpu.memory_space<vmem>> -> memref<1024xf32, #tpu.memory_space<vmem>>
      tpu.enqueue_dma source(%dma_start3A_266 : memref<1024xf32, #tpu.memory_space<vmem>>) target(%dma_start3A_263 : memref<1024xf32, #tpu.memory_space<hbm>>) target_semaphore(%arg10 : memref<!tpu.dma_semaphore, #tpu.memory_space<semaphore_mem>>)
      %mul3A_267 = arith.constant 1024 : i32
      %mul3A_268 = arith.muli %add3A_253, %mul3A_267 : i32
      %add3A_269 = arith.constant 4194304 : i32
      %add3A_270 = arith.addi %add3A_269, %mul3A_268 : i32
      %dma_start3A_271 = arith.constant 0 : i32
      %dma_start3A_272 = arith.constant 1024 : i32
      %dma_start3A_273 = tpu.memref_slice %arg7[%dma_start3A_271, %dma_start3A_272] : memref<2x24576xf32, #tpu.memory_space<vmem>> -> memref<1x1024xf32, #tpu.memory_space<vmem>>
      %dma_start3A_274 = tpu.memref_squeeze %dma_start3A_273 : memref<1x1024xf32, #tpu.memory_space<vmem>> -> memref<1024xf32, #tpu.memory_space<vmem>>
      %dma_start3A_275 = tpu.memref_slice %arg4[%add3A_270] : memref<25165824xf32, #tpu.memory_space<hbm>> -> memref<1024xf32, #tpu.memory_space<hbm>>
      %dma_start3A_276 = tpu.memref_slice %arg4[%add3A_270] : memref<25165824xf32, #tpu.memory_space<hbm>> -> memref<1024xf32, #tpu.memory_space<hbm>>
      %dma_start3A_277 = arith.constant 1024 : i32
      %dma_start3A_278 = tpu.memref_slice %arg7[%dma_start3A_271, %dma_start3A_277] : memref<2x24576xf32, #tpu.memory_space<vmem>> -> memref<1x1024xf32, #tpu.memory_space<vmem>>
      %dma_start3A_279 = tpu.memref_squeeze %dma_start3A_278 : memref<1x1024xf32, #tpu.memory_space<vmem>> -> memref<1024xf32, #tpu.memory_space<vmem>>
      tpu.enqueue_dma source(%dma_start3A_279 : memref<1024xf32, #tpu.memory_space<vmem>>) target(%dma_start3A_276 : memref<1024xf32, #tpu.memory_space<hbm>>) target_semaphore(%arg10 : memref<!tpu.dma_semaphore, #tpu.memory_space<semaphore_mem>>)
      %mul3A_280 = arith.constant 1024 : i32
      %mul3A_281 = arith.muli %add3A_253, %mul3A_280 : i32
      %add3A_282 = arith.constant 8388608 : i32
      %add3A_283 = arith.addi %add3A_282, %mul3A_281 : i32
      %dma_start3A_284 = arith.constant 0 : i32
      %dma_start3A_285 = arith.constant 2048 : i32
      %dma_start3A_286 = tpu.memref_slice %arg7[%dma_start3A_284, %dma_start3A_285] : memref<2x24576xf32, #tpu.memory_space<vmem>> -> memref<1x1024xf32, #tpu.memory_space<vmem>>
      %dma_start3A_287 = tpu.memref_squeeze %dma_start3A_286 : memref<1x1024xf32, #tpu.memory_space<vmem>> -> memref<1024xf32, #tpu.memory_space<vmem>>
      %dma_start3A_288 = tpu.memref_slice %arg4[%add3A_283] : memref<25165824xf32, #tpu.memory_space<hbm>> -> memref<1024xf32, #tpu.memory_space<hbm>>
      %dma_start3A_289 = tpu.memref_slice %arg4[%add3A_283] : memref<25165824xf32, #tpu.memory_space<hbm>> -> memref<1024xf32, #tpu.memory_space<hbm>>
      %dma_start3A_290 = arith.constant 2048 : i32
      %dma_start3A_291 = tpu.memref_slice %arg7[%dma_start3A_284, %dma_start3A_290] : memref<2x24576xf32, #tpu.memory_space<vmem>> -> memref<1x1024xf32, #tpu.memory_space<vmem>>
      %dma_start3A_292 = tpu.memref_squeeze %dma_start3A_291 : memref<1x1024xf32, #tpu.memory_space<vmem>> -> memref<1024xf32, #tpu.memory_space<vmem>>
      tpu.enqueue_dma source(%dma_start3A_292 : memref<1024xf32, #tpu.memory_space<vmem>>) target(%dma_start3A_289 : memref<1024xf32, #tpu.memory_space<hbm>>) target_semaphore(%arg10 : memref<!tpu.dma_semaphore, #tpu.memory_space<semaphore_mem>>)
      %mul3A_293 = arith.constant 1024 : i32
      %mul3A_294 = arith.muli %add3A_253, %mul3A_293 : i32
      %add3A_295 = arith.constant 12582912 : i32
      %add3A_296 = arith.addi %add3A_295, %mul3A_294 : i32
      %dma_start3A_297 = arith.constant 0 : i32
      %dma_start3A_298 = arith.constant 3072 : i32
      %dma_start3A_299 = tpu.memref_slice %arg7[%dma_start3A_297, %dma_start3A_298] : memref<2x24576xf32, #tpu.memory_space<vmem>> -> memref<1x1024xf32, #tpu.memory_space<vmem>>
      %dma_start3A_300 = tpu.memref_squeeze %dma_start3A_299 : memref<1x1024xf32, #tpu.memory_space<vmem>> -> memref<1024xf32, #tpu.memory_space<vmem>>
      %dma_start3A_301 = tpu.memref_slice %arg4[%add3A_296] : memref<25165824xf32, #tpu.memory_space<hbm>> -> memref<1024xf32, #tpu.memory_space<hbm>>
      %dma_start3A_302 = tpu.memref_slice %arg4[%add3A_296] : memref<25165824xf32, #tpu.memory_space<hbm>> -> memref<1024xf32, #tpu.memory_space<hbm>>
      %dma_start3A_303 = arith.constant 3072 : i32
      %dma_start3A_304 = tpu.memref_slice %arg7[%dma_start3A_297, %dma_start3A_303] : memref<2x24576xf32, #tpu.memory_space<vmem>> -> memref<1x1024xf32, #tpu.memory_space<vmem>>
      %dma_start3A_305 = tpu.memref_squeeze %dma_start3A_304 : memref<1x1024xf32, #tpu.memory_space<vmem>> -> memref<1024xf32, #tpu.memory_space<vmem>>
      tpu.enqueue_dma source(%dma_start3A_305 : memref<1024xf32, #tpu.memory_space<vmem>>) target(%dma_start3A_302 : memref<1024xf32, #tpu.memory_space<hbm>>) target_semaphore(%arg10 : memref<!tpu.dma_semaphore, #tpu.memory_space<semaphore_mem>>)
      %mul3A_306 = arith.constant 1024 : i32
      %mul3A_307 = arith.muli %add3A_253, %mul3A_306 : i32
      %add3A_308 = arith.constant 16777216 : i32
      %add3A_309 = arith.addi %add3A_308, %mul3A_307 : i32
      %dma_start3A_310 = arith.constant 0 : i32
      %dma_start3A_311 = arith.constant 4096 : i32
      %dma_start3A_312 = tpu.memref_slice %arg7[%dma_start3A_310, %dma_start3A_311] : memref<2x24576xf32, #tpu.memory_space<vmem>> -> memref<1x1024xf32, #tpu.memory_space<vmem>>
      %dma_start3A_313 = tpu.memref_squeeze %dma_start3A_312 : memref<1x1024xf32, #tpu.memory_space<vmem>> -> memref<1024xf32, #tpu.memory_space<vmem>>
      %dma_start3A_314 = tpu.memref_slice %arg4[%add3A_309] : memref<25165824xf32, #tpu.memory_space<hbm>> -> memref<1024xf32, #tpu.memory_space<hbm>>
      %dma_start3A_315 = tpu.memref_slice %arg4[%add3A_309] : memref<25165824xf32, #tpu.memory_space<hbm>> -> memref<1024xf32, #tpu.memory_space<hbm>>
      %dma_start3A_316 = arith.constant 4096 : i32
      %dma_start3A_317 = tpu.memref_slice %arg7[%dma_start3A_310, %dma_start3A_316] : memref<2x24576xf32, #tpu.memory_space<vmem>> -> memref<1x1024xf32, #tpu.memory_space<vmem>>
      %dma_start3A_318 = tpu.memref_squeeze %dma_start3A_317 : memref<1x1024xf32, #tpu.memory_space<vmem>> -> memref<1024xf32, #tpu.memory_space<vmem>>
      tpu.enqueue_dma source(%dma_start3A_318 : memref<1024xf32, #tpu.memory_space<vmem>>) target(%dma_start3A_315 : memref<1024xf32, #tpu.memory_space<hbm>>) target_semaphore(%arg10 : memref<!tpu.dma_semaphore, #tpu.memory_space<semaphore_mem>>)
      %mul3A_319 = arith.constant 1024 : i32
      %mul3A_320 = arith.muli %add3A_253, %mul3A_319 : i32
      %add3A_321 = arith.constant 20971520 : i32
      %add3A_322 = arith.addi %add3A_321, %mul3A_320 : i32
      %dma_start3A_323 = arith.constant 0 : i32
      %dma_start3A_324 = arith.constant 5120 : i32
      %dma_start3A_325 = tpu.memref_slice %arg7[%dma_start3A_323, %dma_start3A_324] : memref<2x24576xf32, #tpu.memory_space<vmem>> -> memref<1x1024xf32, #tpu.memory_space<vmem>>
      %dma_start3A_326 = tpu.memref_squeeze %dma_start3A_325 : memref<1x1024xf32, #tpu.memory_space<vmem>> -> memref<1024xf32, #tpu.memory_space<vmem>>
      %dma_start3A_327 = tpu.memref_slice %arg4[%add3A_322] : memref<25165824xf32, #tpu.memory_space<hbm>> -> memref<1024xf32, #tpu.memory_space<hbm>>
      %dma_start3A_328 = tpu.memref_slice %arg4[%add3A_322] : memref<25165824xf32, #tpu.memory_space<hbm>> -> memref<1024xf32, #tpu.memory_space<hbm>>
      %dma_start3A_329 = arith.constant 5120 : i32
      %dma_start3A_330 = tpu.memref_slice %arg7[%dma_start3A_323, %dma_start3A_329] : memref<2x24576xf32, #tpu.memory_space<vmem>> -> memref<1x1024xf32, #tpu.memory_space<vmem>>
      %dma_start3A_331 = tpu.memref_squeeze %dma_start3A_330 : memref<1x1024xf32, #tpu.memory_space<vmem>> -> memref<1024xf32, #tpu.memory_space<vmem>>
      tpu.enqueue_dma source(%dma_start3A_331 : memref<1024xf32, #tpu.memory_space<vmem>>) target(%dma_start3A_328 : memref<1024xf32, #tpu.memory_space<hbm>>) target_semaphore(%arg10 : memref<!tpu.dma_semaphore, #tpu.memory_space<semaphore_mem>>)
      %mul3A_332 = arith.constant 4 : i32
      %mul3A_333 = arith.muli %add3A_233, %mul3A_332 : i32
      %add3A_334 = arith.addi %mul3A_2, %mul3A_333 : i32
      %add3A_335 = arith.constant 1 : i32
      %add3A_336 = arith.addi %add3A_334, %add3A_335 : i32
      %mul3A_337 = arith.constant 1024 : i32
      %mul3A_338 = arith.muli %add3A_336, %mul3A_337 : i32
      %add3A_339 = arith.constant 0 : i32
      %add3A_340 = arith.addi %add3A_339, %mul3A_338 : i32
      %dma_start3A_341 = arith.constant 0 : i32
      %dma_start3A_342 = arith.constant 6144 : i32
      %dma_start3A_343 = tpu.memref_slice %arg7[%dma_start3A_341, %dma_start3A_342] : memref<2x24576xf32, #tpu.memory_space<vmem>> -> memref<1x1024xf32, #tpu.memory_space<vmem>>
      %dma_start3A_344 = tpu.memref_squeeze %dma_start3A_343 : memref<1x1024xf32, #tpu.memory_space<vmem>> -> memref<1024xf32, #tpu.memory_space<vmem>>
      %dma_start3A_345 = tpu.memref_slice %arg4[%add3A_340] : memref<25165824xf32, #tpu.memory_space<hbm>> -> memref<1024xf32, #tpu.memory_space<hbm>>
      %dma_start3A_346 = tpu.memref_slice %arg4[%add3A_340] : memref<25165824xf32, #tpu.memory_space<hbm>> -> memref<1024xf32, #tpu.memory_space<hbm>>
      %dma_start3A_347 = arith.constant 6144 : i32
      %dma_start3A_348 = tpu.memref_slice %arg7[%dma_start3A_341, %dma_start3A_347] : memref<2x24576xf32, #tpu.memory_space<vmem>> -> memref<1x1024xf32, #tpu.memory_space<vmem>>
      %dma_start3A_349 = tpu.memref_squeeze %dma_start3A_348 : memref<1x1024xf32, #tpu.memory_space<vmem>> -> memref<1024xf32, #tpu.memory_space<vmem>>
      tpu.enqueue_dma source(%dma_start3A_349 : memref<1024xf32, #tpu.memory_space<vmem>>) target(%dma_start3A_346 : memref<1024xf32, #tpu.memory_space<hbm>>) target_semaphore(%arg10 : memref<!tpu.dma_semaphore, #tpu.memory_space<semaphore_mem>>)
      %mul3A_350 = arith.constant 1024 : i32
      %mul3A_351 = arith.muli %add3A_336, %mul3A_350 : i32
      %add3A_352 = arith.constant 4194304 : i32
      %add3A_353 = arith.addi %add3A_352, %mul3A_351 : i32
      %dma_start3A_354 = arith.constant 0 : i32
      %dma_start3A_355 = arith.constant 7168 : i32
      %dma_start3A_356 = tpu.memref_slice %arg7[%dma_start3A_354, %dma_start3A_355] : memref<2x24576xf32, #tpu.memory_space<vmem>> -> memref<1x1024xf32, #tpu.memory_space<vmem>>
      %dma_start3A_357 = tpu.memref_squeeze %dma_start3A_356 : memref<1x1024xf32, #tpu.memory_space<vmem>> -> memref<1024xf32, #tpu.memory_space<vmem>>
      %dma_start3A_358 = tpu.memref_slice %arg4[%add3A_353] : memref<25165824xf32, #tpu.memory_space<hbm>> -> memref<1024xf32, #tpu.memory_space<hbm>>
      %dma_start3A_359 = tpu.memref_slice %arg4[%add3A_353] : memref<25165824xf32, #tpu.memory_space<hbm>> -> memref<1024xf32, #tpu.memory_space<hbm>>
      %dma_start3A_360 = arith.constant 7168 : i32
      %dma_start3A_361 = tpu.memref_slice %arg7[%dma_start3A_354, %dma_start3A_360] : memref<2x24576xf32, #tpu.memory_space<vmem>> -> memref<1x1024xf32, #tpu.memory_space<vmem>>
      %dma_start3A_362 = tpu.memref_squeeze %dma_start3A_361 : memref<1x1024xf32, #tpu.memory_space<vmem>> -> memref<1024xf32, #tpu.memory_space<vmem>>
      tpu.enqueue_dma source(%dma_start3A_362 : memref<1024xf32, #tpu.memory_space<vmem>>) target(%dma_start3A_359 : memref<1024xf32, #tpu.memory_space<hbm>>) target_semaphore(%arg10 : memref<!tpu.dma_semaphore, #tpu.memory_space<semaphore_mem>>)
      %mul3A_363 = arith.constant 1024 : i32
      %mul3A_364 = arith.muli %add3A_336, %mul3A_363 : i32
      %add3A_365 = arith.constant 8388608 : i32
      %add3A_366 = arith.addi %add3A_365, %mul3A_364 : i32
      %dma_start3A_367 = arith.constant 0 : i32
      %dma_start3A_368 = arith.constant 8192 : i32
      %dma_start3A_369 = tpu.memref_slice %arg7[%dma_start3A_367, %dma_start3A_368] : memref<2x24576xf32, #tpu.memory_space<vmem>> -> memref<1x1024xf32, #tpu.memory_space<vmem>>
      %dma_start3A_370 = tpu.memref_squeeze %dma_start3A_369 : memref<1x1024xf32, #tpu.memory_space<vmem>> -> memref<1024xf32, #tpu.memory_space<vmem>>
      %dma_start3A_371 = tpu.memref_slice %arg4[%add3A_366] : memref<25165824xf32, #tpu.memory_space<hbm>> -> memref<1024xf32, #tpu.memory_space<hbm>>
      %dma_start3A_372 = tpu.memref_slice %arg4[%add3A_366] : memref<25165824xf32, #tpu.memory_space<hbm>> -> memref<1024xf32, #tpu.memory_space<hbm>>
      %dma_start3A_373 = arith.constant 8192 : i32
      %dma_start3A_374 = tpu.memref_slice %arg7[%dma_start3A_367, %dma_start3A_373] : memref<2x24576xf32, #tpu.memory_space<vmem>> -> memref<1x1024xf32, #tpu.memory_space<vmem>>
      %dma_start3A_375 = tpu.memref_squeeze %dma_start3A_374 : memref<1x1024xf32, #tpu.memory_space<vmem>> -> memref<1024xf32, #tpu.memory_space<vmem>>
      tpu.enqueue_dma source(%dma_start3A_375 : memref<1024xf32, #tpu.memory_space<vmem>>) target(%dma_start3A_372 : memref<1024xf32, #tpu.memory_space<hbm>>) target_semaphore(%arg10 : memref<!tpu.dma_semaphore, #tpu.memory_space<semaphore_mem>>)
      %mul3A_376 = arith.constant 1024 : i32
      %mul3A_377 = arith.muli %add3A_336, %mul3A_376 : i32
      %add3A_378 = arith.constant 12582912 : i32
      %add3A_379 = arith.addi %add3A_378, %mul3A_377 : i32
      %dma_start3A_380 = arith.constant 0 : i32
      %dma_start3A_381 = arith.constant 9216 : i32
      %dma_start3A_382 = tpu.memref_slice %arg7[%dma_start3A_380, %dma_start3A_381] : memref<2x24576xf32, #tpu.memory_space<vmem>> -> memref<1x1024xf32, #tpu.memory_space<vmem>>
      %dma_start3A_383 = tpu.memref_squeeze %dma_start3A_382 : memref<1x1024xf32, #tpu.memory_space<vmem>> -> memref<1024xf32, #tpu.memory_space<vmem>>
      %dma_start3A_384 = tpu.memref_slice %arg4[%add3A_379] : memref<25165824xf32, #tpu.memory_space<hbm>> -> memref<1024xf32, #tpu.memory_space<hbm>>
      %dma_start3A_385 = tpu.memref_slice %arg4[%add3A_379] : memref<25165824xf32, #tpu.memory_space<hbm>> -> memref<1024xf32, #tpu.memory_space<hbm>>
      %dma_start3A_386 = arith.constant 9216 : i32
      %dma_start3A_387 = tpu.memref_slice %arg7[%dma_start3A_380, %dma_start3A_386] : memref<2x24576xf32, #tpu.memory_space<vmem>> -> memref<1x1024xf32, #tpu.memory_space<vmem>>
      %dma_start3A_388 = tpu.memref_squeeze %dma_start3A_387 : memref<1x1024xf32, #tpu.memory_space<vmem>> -> memref<1024xf32, #tpu.memory_space<vmem>>
      tpu.enqueue_dma source(%dma_start3A_388 : memref<1024xf32, #tpu.memory_space<vmem>>) target(%dma_start3A_385 : memref<1024xf32, #tpu.memory_space<hbm>>) target_semaphore(%arg10 : memref<!tpu.dma_semaphore, #tpu.memory_space<semaphore_mem>>)
      %mul3A_389 = arith.constant 1024 : i32
      %mul3A_390 = arith.muli %add3A_336, %mul3A_389 : i32
      %add3A_391 = arith.constant 16777216 : i32
      %add3A_392 = arith.addi %add3A_391, %mul3A_390 : i32
      %dma_start3A_393 = arith.constant 0 : i32
      %dma_start3A_394 = arith.constant 10240 : i32
      %dma_start3A_395 = tpu.memref_slice %arg7[%dma_start3A_393, %dma_start3A_394] : memref<2x24576xf32, #tpu.memory_space<vmem>> -> memref<1x1024xf32, #tpu.memory_space<vmem>>
      %dma_start3A_396 = tpu.memref_squeeze %dma_start3A_395 : memref<1x1024xf32, #tpu.memory_space<vmem>> -> memref<1024xf32, #tpu.memory_space<vmem>>
      %dma_start3A_397 = tpu.memref_slice %arg4[%add3A_392] : memref<25165824xf32, #tpu.memory_space<hbm>> -> memref<1024xf32, #tpu.memory_space<hbm>>
      %dma_start3A_398 = tpu.memref_slice %arg4[%add3A_392] : memref<25165824xf32, #tpu.memory_space<hbm>> -> memref<1024xf32, #tpu.memory_space<hbm>>
      %dma_start3A_399 = arith.constant 10240 : i32
      %dma_start3A_400 = tpu.memref_slice %arg7[%dma_start3A_393, %dma_start3A_399] : memref<2x24576xf32, #tpu.memory_space<vmem>> -> memref<1x1024xf32, #tpu.memory_space<vmem>>
      %dma_start3A_401 = tpu.memref_squeeze %dma_start3A_400 : memref<1x1024xf32, #tpu.memory_space<vmem>> -> memref<1024xf32, #tpu.memory_space<vmem>>
      tpu.enqueue_dma source(%dma_start3A_401 : memref<1024xf32, #tpu.memory_space<vmem>>) target(%dma_start3A_398 : memref<1024xf32, #tpu.memory_space<hbm>>) target_semaphore(%arg10 : memref<!tpu.dma_semaphore, #tpu.memory_space<semaphore_mem>>)
      %mul3A_402 = arith.constant 1024 : i32
      %mul3A_403 = arith.muli %add3A_336, %mul3A_402 : i32
      %add3A_404 = arith.constant 20971520 : i32
      %add3A_405 = arith.addi %add3A_404, %mul3A_403 : i32
      %dma_start3A_406 = arith.constant 0 : i32
      %dma_start3A_407 = arith.constant 11264 : i32
      %dma_start3A_408 = tpu.memref_slice %arg7[%dma_start3A_406, %dma_start3A_407] : memref<2x24576xf32, #tpu.memory_space<vmem>> -> memref<1x1024xf32, #tpu.memory_space<vmem>>
      %dma_start3A_409 = tpu.memref_squeeze %dma_start3A_408 : memref<1x1024xf32, #tpu.memory_space<vmem>> -> memref<1024xf32, #tpu.memory_space<vmem>>
      %dma_start3A_410 = tpu.memref_slice %arg4[%add3A_405] : memref<25165824xf32, #tpu.memory_space<hbm>> -> memref<1024xf32, #tpu.memory_space<hbm>>
      %dma_start3A_411 = tpu.memref_slice %arg4[%add3A_405] : memref<25165824xf32, #tpu.memory_space<hbm>> -> memref<1024xf32, #tpu.memory_space<hbm>>
      %dma_start3A_412 = arith.constant 11264 : i32
      %dma_start3A_413 = tpu.memref_slice %arg7[%dma_start3A_406, %dma_start3A_412] : memref<2x24576xf32, #tpu.memory_space<vmem>> -> memref<1x1024xf32, #tpu.memory_space<vmem>>
      %dma_start3A_414 = tpu.memref_squeeze %dma_start3A_413 : memref<1x1024xf32, #tpu.memory_space<vmem>> -> memref<1024xf32, #tpu.memory_space<vmem>>
      tpu.enqueue_dma source(%dma_start3A_414 : memref<1024xf32, #tpu.memory_space<vmem>>) target(%dma_start3A_411 : memref<1024xf32, #tpu.memory_space<hbm>>) target_semaphore(%arg10 : memref<!tpu.dma_semaphore, #tpu.memory_space<semaphore_mem>>)
      %mul3A_415 = arith.constant 4 : i32
      %mul3A_416 = arith.muli %add3A_233, %mul3A_415 : i32
      %add3A_417 = arith.addi %mul3A_2, %mul3A_416 : i32
      %add3A_418 = arith.constant 2 : i32
      %add3A_419 = arith.addi %add3A_417, %add3A_418 : i32
      %mul3A_420 = arith.constant 1024 : i32
      %mul3A_421 = arith.muli %add3A_419, %mul3A_420 : i32
      %add3A_422 = arith.constant 0 : i32
      %add3A_423 = arith.addi %add3A_422, %mul3A_421 : i32
      %dma_start3A_424 = arith.constant 0 : i32
      %dma_start3A_425 = arith.constant 12288 : i32
      %dma_start3A_426 = tpu.memref_slice %arg7[%dma_start3A_424, %dma_start3A_425] : memref<2x24576xf32, #tpu.memory_space<vmem>> -> memref<1x1024xf32, #tpu.memory_space<vmem>>
      %dma_start3A_427 = tpu.memref_squeeze %dma_start3A_426 : memref<1x1024xf32, #tpu.memory_space<vmem>> -> memref<1024xf32, #tpu.memory_space<vmem>>
      %dma_start3A_428 = tpu.memref_slice %arg4[%add3A_423] : memref<25165824xf32, #tpu.memory_space<hbm>> -> memref<1024xf32, #tpu.memory_space<hbm>>
      %dma_start3A_429 = tpu.memref_slice %arg4[%add3A_423] : memref<25165824xf32, #tpu.memory_space<hbm>> -> memref<1024xf32, #tpu.memory_space<hbm>>
      %dma_start3A_430 = arith.constant 12288 : i32
      %dma_start3A_431 = tpu.memref_slice %arg7[%dma_start3A_424, %dma_start3A_430] : memref<2x24576xf32, #tpu.memory_space<vmem>> -> memref<1x1024xf32, #tpu.memory_space<vmem>>
      %dma_start3A_432 = tpu.memref_squeeze %dma_start3A_431 : memref<1x1024xf32, #tpu.memory_space<vmem>> -> memref<1024xf32, #tpu.memory_space<vmem>>
      tpu.enqueue_dma source(%dma_start3A_432 : memref<1024xf32, #tpu.memory_space<vmem>>) target(%dma_start3A_429 : memref<1024xf32, #tpu.memory_space<hbm>>) target_semaphore(%arg10 : memref<!tpu.dma_semaphore, #tpu.memory_space<semaphore_mem>>)
      %mul3A_433 = arith.constant 1024 : i32
      %mul3A_434 = arith.muli %add3A_419, %mul3A_433 : i32
      %add3A_435 = arith.constant 4194304 : i32
      %add3A_436 = arith.addi %add3A_435, %mul3A_434 : i32
      %dma_start3A_437 = arith.constant 0 : i32
      %dma_start3A_438 = arith.constant 13312 : i32
      %dma_start3A_439 = tpu.memref_slice %arg7[%dma_start3A_437, %dma_start3A_438] : memref<2x24576xf32, #tpu.memory_space<vmem>> -> memref<1x1024xf32, #tpu.memory_space<vmem>>
      %dma_start3A_440 = tpu.memref_squeeze %dma_start3A_439 : memref<1x1024xf32, #tpu.memory_space<vmem>> -> memref<1024xf32, #tpu.memory_space<vmem>>
      %dma_start3A_441 = tpu.memref_slice %arg4[%add3A_436] : memref<25165824xf32, #tpu.memory_space<hbm>> -> memref<1024xf32, #tpu.memory_space<hbm>>
      %dma_start3A_442 = tpu.memref_slice %arg4[%add3A_436] : memref<25165824xf32, #tpu.memory_space<hbm>> -> memref<1024xf32, #tpu.memory_space<hbm>>
      %dma_start3A_443 = arith.constant 13312 : i32
      %dma_start3A_444 = tpu.memref_slice %arg7[%dma_start3A_437, %dma_start3A_443] : memref<2x24576xf32, #tpu.memory_space<vmem>> -> memref<1x1024xf32, #tpu.memory_space<vmem>>
      %dma_start3A_445 = tpu.memref_squeeze %dma_start3A_444 : memref<1x1024xf32, #tpu.memory_space<vmem>> -> memref<1024xf32, #tpu.memory_space<vmem>>
      tpu.enqueue_dma source(%dma_start3A_445 : memref<1024xf32, #tpu.memory_space<vmem>>) target(%dma_start3A_442 : memref<1024xf32, #tpu.memory_space<hbm>>) target_semaphore(%arg10 : memref<!tpu.dma_semaphore, #tpu.memory_space<semaphore_mem>>)
      %mul3A_446 = arith.constant 1024 : i32
      %mul3A_447 = arith.muli %add3A_419, %mul3A_446 : i32
      %add3A_448 = arith.constant 8388608 : i32
      %add3A_449 = arith.addi %add3A_448, %mul3A_447 : i32
      %dma_start3A_450 = arith.constant 0 : i32
      %dma_start3A_451 = arith.constant 14336 : i32
      %dma_start3A_452 = tpu.memref_slice %arg7[%dma_start3A_450, %dma_start3A_451] : memref<2x24576xf32, #tpu.memory_space<vmem>> -> memref<1x1024xf32, #tpu.memory_space<vmem>>
      %dma_start3A_453 = tpu.memref_squeeze %dma_start3A_452 : memref<1x1024xf32, #tpu.memory_space<vmem>> -> memref<1024xf32, #tpu.memory_space<vmem>>
      %dma_start3A_454 = tpu.memref_slice %arg4[%add3A_449] : memref<25165824xf32, #tpu.memory_space<hbm>> -> memref<1024xf32, #tpu.memory_space<hbm>>
      %dma_start3A_455 = tpu.memref_slice %arg4[%add3A_449] : memref<25165824xf32, #tpu.memory_space<hbm>> -> memref<1024xf32, #tpu.memory_space<hbm>>
      %dma_start3A_456 = arith.constant 14336 : i32
      %dma_start3A_457 = tpu.memref_slice %arg7[%dma_start3A_450, %dma_start3A_456] : memref<2x24576xf32, #tpu.memory_space<vmem>> -> memref<1x1024xf32, #tpu.memory_space<vmem>>
      %dma_start3A_458 = tpu.memref_squeeze %dma_start3A_457 : memref<1x1024xf32, #tpu.memory_space<vmem>> -> memref<1024xf32, #tpu.memory_space<vmem>>
      tpu.enqueue_dma source(%dma_start3A_458 : memref<1024xf32, #tpu.memory_space<vmem>>) target(%dma_start3A_455 : memref<1024xf32, #tpu.memory_space<hbm>>) target_semaphore(%arg10 : memref<!tpu.dma_semaphore, #tpu.memory_space<semaphore_mem>>)
      %mul3A_459 = arith.constant 1024 : i32
      %mul3A_460 = arith.muli %add3A_419, %mul3A_459 : i32
      %add3A_461 = arith.constant 12582912 : i32
      %add3A_462 = arith.addi %add3A_461, %mul3A_460 : i32
      %dma_start3A_463 = arith.constant 0 : i32
      %dma_start3A_464 = arith.constant 15360 : i32
      %dma_start3A_465 = tpu.memref_slice %arg7[%dma_start3A_463, %dma_start3A_464] : memref<2x24576xf32, #tpu.memory_space<vmem>> -> memref<1x1024xf32, #tpu.memory_space<vmem>>
      %dma_start3A_466 = tpu.memref_squeeze %dma_start3A_465 : memref<1x1024xf32, #tpu.memory_space<vmem>> -> memref<1024xf32, #tpu.memory_space<vmem>>
      %dma_start3A_467 = tpu.memref_slice %arg4[%add3A_462] : memref<25165824xf32, #tpu.memory_space<hbm>> -> memref<1024xf32, #tpu.memory_space<hbm>>
      %dma_start3A_468 = tpu.memref_slice %arg4[%add3A_462] : memref<25165824xf32, #tpu.memory_space<hbm>> -> memref<1024xf32, #tpu.memory_space<hbm>>
      %dma_start3A_469 = arith.constant 15360 : i32
      %dma_start3A_470 = tpu.memref_slice %arg7[%dma_start3A_463, %dma_start3A_469] : memref<2x24576xf32, #tpu.memory_space<vmem>> -> memref<1x1024xf32, #tpu.memory_space<vmem>>
      %dma_start3A_471 = tpu.memref_squeeze %dma_start3A_470 : memref<1x1024xf32, #tpu.memory_space<vmem>> -> memref<1024xf32, #tpu.memory_space<vmem>>
      tpu.enqueue_dma source(%dma_start3A_471 : memref<1024xf32, #tpu.memory_space<vmem>>) target(%dma_start3A_468 : memref<1024xf32, #tpu.memory_space<hbm>>) target_semaphore(%arg10 : memref<!tpu.dma_semaphore, #tpu.memory_space<semaphore_mem>>)
      %mul3A_472 = arith.constant 1024 : i32
      %mul3A_473 = arith.muli %add3A_419, %mul3A_472 : i32
      %add3A_474 = arith.constant 16777216 : i32
      %add3A_475 = arith.addi %add3A_474, %mul3A_473 : i32
      %dma_start3A_476 = arith.constant 0 : i32
      %dma_start3A_477 = arith.constant 16384 : i32
      %dma_start3A_478 = tpu.memref_slice %arg7[%dma_start3A_476, %dma_start3A_477] : memref<2x24576xf32, #tpu.memory_space<vmem>> -> memref<1x1024xf32, #tpu.memory_space<vmem>>
      %dma_start3A_479 = tpu.memref_squeeze %dma_start3A_478 : memref<1x1024xf32, #tpu.memory_space<vmem>> -> memref<1024xf32, #tpu.memory_space<vmem>>
      %dma_start3A_480 = tpu.memref_slice %arg4[%add3A_475] : memref<25165824xf32, #tpu.memory_space<hbm>> -> memref<1024xf32, #tpu.memory_space<hbm>>
      %dma_start3A_481 = tpu.memref_slice %arg4[%add3A_475] : memref<25165824xf32, #tpu.memory_space<hbm>> -> memref<1024xf32, #tpu.memory_space<hbm>>
      %dma_start3A_482 = arith.constant 16384 : i32
      %dma_start3A_483 = tpu.memref_slice %arg7[%dma_start3A_476, %dma_start3A_482] : memref<2x24576xf32, #tpu.memory_space<vmem>> -> memref<1x1024xf32, #tpu.memory_space<vmem>>
      %dma_start3A_484 = tpu.memref_squeeze %dma_start3A_483 : memref<1x1024xf32, #tpu.memory_space<vmem>> -> memref<1024xf32, #tpu.memory_space<vmem>>
      tpu.enqueue_dma source(%dma_start3A_484 : memref<1024xf32, #tpu.memory_space<vmem>>) target(%dma_start3A_481 : memref<1024xf32, #tpu.memory_space<hbm>>) target_semaphore(%arg10 : memref<!tpu.dma_semaphore, #tpu.memory_space<semaphore_mem>>)
      %mul3A_485 = arith.constant 1024 : i32
      %mul3A_486 = arith.muli %add3A_419, %mul3A_485 : i32
      %add3A_487 = arith.constant 20971520 : i32
      %add3A_488 = arith.addi %add3A_487, %mul3A_486 : i32
      %dma_start3A_489 = arith.constant 0 : i32
      %dma_start3A_490 = arith.constant 17408 : i32
      %dma_start3A_491 = tpu.memref_slice %arg7[%dma_start3A_489, %dma_start3A_490] : memref<2x24576xf32, #tpu.memory_space<vmem>> -> memref<1x1024xf32, #tpu.memory_space<vmem>>
      %dma_start3A_492 = tpu.memref_squeeze %dma_start3A_491 : memref<1x1024xf32, #tpu.memory_space<vmem>> -> memref<1024xf32, #tpu.memory_space<vmem>>
      %dma_start3A_493 = tpu.memref_slice %arg4[%add3A_488] : memref<25165824xf32, #tpu.memory_space<hbm>> -> memref<1024xf32, #tpu.memory_space<hbm>>
      %dma_start3A_494 = tpu.memref_slice %arg4[%add3A_488] : memref<25165824xf32, #tpu.memory_space<hbm>> -> memref<1024xf32, #tpu.memory_space<hbm>>
      %dma_start3A_495 = arith.constant 17408 : i32
      %dma_start3A_496 = tpu.memref_slice %arg7[%dma_start3A_489, %dma_start3A_495] : memref<2x24576xf32, #tpu.memory_space<vmem>> -> memref<1x1024xf32, #tpu.memory_space<vmem>>
      %dma_start3A_497 = tpu.memref_squeeze %dma_start3A_496 : memref<1x1024xf32, #tpu.memory_space<vmem>> -> memref<1024xf32, #tpu.memory_space<vmem>>
      tpu.enqueue_dma source(%dma_start3A_497 : memref<1024xf32, #tpu.memory_space<vmem>>) target(%dma_start3A_494 : memref<1024xf32, #tpu.memory_space<hbm>>) target_semaphore(%arg10 : memref<!tpu.dma_semaphore, #tpu.memory_space<semaphore_mem>>)
      %mul3A_498 = arith.constant 4 : i32
      %mul3A_499 = arith.muli %add3A_233, %mul3A_498 : i32
      %add3A_500 = arith.addi %mul3A_2, %mul3A_499 : i32
      %add3A_501 = arith.constant 3 : i32
      %add3A_502 = arith.addi %add3A_500, %add3A_501 : i32
      %mul3A_503 = arith.constant 1024 : i32
      %mul3A_504 = arith.muli %add3A_502, %mul3A_503 : i32
      %add3A_505 = arith.constant 0 : i32
      %add3A_506 = arith.addi %add3A_505, %mul3A_504 : i32
      %dma_start3A_507 = arith.constant 0 : i32
      %dma_start3A_508 = arith.constant 18432 : i32
      %dma_start3A_509 = tpu.memref_slice %arg7[%dma_start3A_507, %dma_start3A_508] : memref<2x24576xf32, #tpu.memory_space<vmem>> -> memref<1x1024xf32, #tpu.memory_space<vmem>>
      %dma_start3A_510 = tpu.memref_squeeze %dma_start3A_509 : memref<1x1024xf32, #tpu.memory_space<vmem>> -> memref<1024xf32, #tpu.memory_space<vmem>>
      %dma_start3A_511 = tpu.memref_slice %arg4[%add3A_506] : memref<25165824xf32, #tpu.memory_space<hbm>> -> memref<1024xf32, #tpu.memory_space<hbm>>
      %dma_start3A_512 = tpu.memref_slice %arg4[%add3A_506] : memref<25165824xf32, #tpu.memory_space<hbm>> -> memref<1024xf32, #tpu.memory_space<hbm>>
      %dma_start3A_513 = arith.constant 18432 : i32
      %dma_start3A_514 = tpu.memref_slice %arg7[%dma_start3A_507, %dma_start3A_513] : memref<2x24576xf32, #tpu.memory_space<vmem>> -> memref<1x1024xf32, #tpu.memory_space<vmem>>
      %dma_start3A_515 = tpu.memref_squeeze %dma_start3A_514 : memref<1x1024xf32, #tpu.memory_space<vmem>> -> memref<1024xf32, #tpu.memory_space<vmem>>
      tpu.enqueue_dma source(%dma_start3A_515 : memref<1024xf32, #tpu.memory_space<vmem>>) target(%dma_start3A_512 : memref<1024xf32, #tpu.memory_space<hbm>>) target_semaphore(%arg10 : memref<!tpu.dma_semaphore, #tpu.memory_space<semaphore_mem>>)
      %mul3A_516 = arith.constant 1024 : i32
      %mul3A_517 = arith.muli %add3A_502, %mul3A_516 : i32
      %add3A_518 = arith.constant 4194304 : i32
      %add3A_519 = arith.addi %add3A_518, %mul3A_517 : i32
      %dma_start3A_520 = arith.constant 0 : i32
      %dma_start3A_521 = arith.constant 19456 : i32
      %dma_start3A_522 = tpu.memref_slice %arg7[%dma_start3A_520, %dma_start3A_521] : memref<2x24576xf32, #tpu.memory_space<vmem>> -> memref<1x1024xf32, #tpu.memory_space<vmem>>
      %dma_start3A_523 = tpu.memref_squeeze %dma_start3A_522 : memref<1x1024xf32, #tpu.memory_space<vmem>> -> memref<1024xf32, #tpu.memory_space<vmem>>
      %dma_start3A_524 = tpu.memref_slice %arg4[%add3A_519] : memref<25165824xf32, #tpu.memory_space<hbm>> -> memref<1024xf32, #tpu.memory_space<hbm>>
      %dma_start3A_525 = tpu.memref_slice %arg4[%add3A_519] : memref<25165824xf32, #tpu.memory_space<hbm>> -> memref<1024xf32, #tpu.memory_space<hbm>>
      %dma_start3A_526 = arith.constant 19456 : i32
      %dma_start3A_527 = tpu.memref_slice %arg7[%dma_start3A_520, %dma_start3A_526] : memref<2x24576xf32, #tpu.memory_space<vmem>> -> memref<1x1024xf32, #tpu.memory_space<vmem>>
      %dma_start3A_528 = tpu.memref_squeeze %dma_start3A_527 : memref<1x1024xf32, #tpu.memory_space<vmem>> -> memref<1024xf32, #tpu.memory_space<vmem>>
      tpu.enqueue_dma source(%dma_start3A_528 : memref<1024xf32, #tpu.memory_space<vmem>>) target(%dma_start3A_525 : memref<1024xf32, #tpu.memory_space<hbm>>) target_semaphore(%arg10 : memref<!tpu.dma_semaphore, #tpu.memory_space<semaphore_mem>>)
      %mul3A_529 = arith.constant 1024 : i32
      %mul3A_530 = arith.muli %add3A_502, %mul3A_529 : i32
      %add3A_531 = arith.constant 8388608 : i32
      %add3A_532 = arith.addi %add3A_531, %mul3A_530 : i32
      %dma_start3A_533 = arith.constant 0 : i32
      %dma_start3A_534 = arith.constant 20480 : i32
      %dma_start3A_535 = tpu.memref_slice %arg7[%dma_start3A_533, %dma_start3A_534] : memref<2x24576xf32, #tpu.memory_space<vmem>> -> memref<1x1024xf32, #tpu.memory_space<vmem>>
      %dma_start3A_536 = tpu.memref_squeeze %dma_start3A_535 : memref<1x1024xf32, #tpu.memory_space<vmem>> -> memref<1024xf32, #tpu.memory_space<vmem>>
      %dma_start3A_537 = tpu.memref_slice %arg4[%add3A_532] : memref<25165824xf32, #tpu.memory_space<hbm>> -> memref<1024xf32, #tpu.memory_space<hbm>>
      %dma_start3A_538 = tpu.memref_slice %arg4[%add3A_532] : memref<25165824xf32, #tpu.memory_space<hbm>> -> memref<1024xf32, #tpu.memory_space<hbm>>
      %dma_start3A_539 = arith.constant 20480 : i32
      %dma_start3A_540 = tpu.memref_slice %arg7[%dma_start3A_533, %dma_start3A_539] : memref<2x24576xf32, #tpu.memory_space<vmem>> -> memref<1x1024xf32, #tpu.memory_space<vmem>>
      %dma_start3A_541 = tpu.memref_squeeze %dma_start3A_540 : memref<1x1024xf32, #tpu.memory_space<vmem>> -> memref<1024xf32, #tpu.memory_space<vmem>>
      tpu.enqueue_dma source(%dma_start3A_541 : memref<1024xf32, #tpu.memory_space<vmem>>) target(%dma_start3A_538 : memref<1024xf32, #tpu.memory_space<hbm>>) target_semaphore(%arg10 : memref<!tpu.dma_semaphore, #tpu.memory_space<semaphore_mem>>)
      %mul3A_542 = arith.constant 1024 : i32
      %mul3A_543 = arith.muli %add3A_502, %mul3A_542 : i32
      %add3A_544 = arith.constant 12582912 : i32
      %add3A_545 = arith.addi %add3A_544, %mul3A_543 : i32
      %dma_start3A_546 = arith.constant 0 : i32
      %dma_start3A_547 = arith.constant 21504 : i32
      %dma_start3A_548 = tpu.memref_slice %arg7[%dma_start3A_546, %dma_start3A_547] : memref<2x24576xf32, #tpu.memory_space<vmem>> -> memref<1x1024xf32, #tpu.memory_space<vmem>>
      %dma_start3A_549 = tpu.memref_squeeze %dma_start3A_548 : memref<1x1024xf32, #tpu.memory_space<vmem>> -> memref<1024xf32, #tpu.memory_space<vmem>>
      %dma_start3A_550 = tpu.memref_slice %arg4[%add3A_545] : memref<25165824xf32, #tpu.memory_space<hbm>> -> memref<1024xf32, #tpu.memory_space<hbm>>
      %dma_start3A_551 = tpu.memref_slice %arg4[%add3A_545] : memref<25165824xf32, #tpu.memory_space<hbm>> -> memref<1024xf32, #tpu.memory_space<hbm>>
      %dma_start3A_552 = arith.constant 21504 : i32
      %dma_start3A_553 = tpu.memref_slice %arg7[%dma_start3A_546, %dma_start3A_552] : memref<2x24576xf32, #tpu.memory_space<vmem>> -> memref<1x1024xf32, #tpu.memory_space<vmem>>
      %dma_start3A_554 = tpu.memref_squeeze %dma_start3A_553 : memref<1x1024xf32, #tpu.memory_space<vmem>> -> memref<1024xf32, #tpu.memory_space<vmem>>
      tpu.enqueue_dma source(%dma_start3A_554 : memref<1024xf32, #tpu.memory_space<vmem>>) target(%dma_start3A_551 : memref<1024xf32, #tpu.memory_space<hbm>>) target_semaphore(%arg10 : memref<!tpu.dma_semaphore, #tpu.memory_space<semaphore_mem>>)
      %mul3A_555 = arith.constant 1024 : i32
      %mul3A_556 = arith.muli %add3A_502, %mul3A_555 : i32
      %add3A_557 = arith.constant 16777216 : i32
      %add3A_558 = arith.addi %add3A_557, %mul3A_556 : i32
      %dma_start3A_559 = arith.constant 0 : i32
      %dma_start3A_560 = arith.constant 22528 : i32
      %dma_start3A_561 = tpu.memref_slice %arg7[%dma_start3A_559, %dma_start3A_560] : memref<2x24576xf32, #tpu.memory_space<vmem>> -> memref<1x1024xf32, #tpu.memory_space<vmem>>
      %dma_start3A_562 = tpu.memref_squeeze %dma_start3A_561 : memref<1x1024xf32, #tpu.memory_space<vmem>> -> memref<1024xf32, #tpu.memory_space<vmem>>
      %dma_start3A_563 = tpu.memref_slice %arg4[%add3A_558] : memref<25165824xf32, #tpu.memory_space<hbm>> -> memref<1024xf32, #tpu.memory_space<hbm>>
      %dma_start3A_564 = tpu.memref_slice %arg4[%add3A_558] : memref<25165824xf32, #tpu.memory_space<hbm>> -> memref<1024xf32, #tpu.memory_space<hbm>>
      %dma_start3A_565 = arith.constant 22528 : i32
      %dma_start3A_566 = tpu.memref_slice %arg7[%dma_start3A_559, %dma_start3A_565] : memref<2x24576xf32, #tpu.memory_space<vmem>> -> memref<1x1024xf32, #tpu.memory_space<vmem>>
      %dma_start3A_567 = tpu.memref_squeeze %dma_start3A_566 : memref<1x1024xf32, #tpu.memory_space<vmem>> -> memref<1024xf32, #tpu.memory_space<vmem>>
      tpu.enqueue_dma source(%dma_start3A_567 : memref<1024xf32, #tpu.memory_space<vmem>>) target(%dma_start3A_564 : memref<1024xf32, #tpu.memory_space<hbm>>) target_semaphore(%arg10 : memref<!tpu.dma_semaphore, #tpu.memory_space<semaphore_mem>>)
      %mul3A_568 = arith.constant 1024 : i32
      %mul3A_569 = arith.muli %add3A_502, %mul3A_568 : i32
      %add3A_570 = arith.constant 20971520 : i32
      %add3A_571 = arith.addi %add3A_570, %mul3A_569 : i32
      %dma_start3A_572 = arith.constant 0 : i32
      %dma_start3A_573 = arith.constant 23552 : i32
      %dma_start3A_574 = tpu.memref_slice %arg7[%dma_start3A_572, %dma_start3A_573] : memref<2x24576xf32, #tpu.memory_space<vmem>> -> memref<1x1024xf32, #tpu.memory_space<vmem>>
      %dma_start3A_575 = tpu.memref_squeeze %dma_start3A_574 : memref<1x1024xf32, #tpu.memory_space<vmem>> -> memref<1024xf32, #tpu.memory_space<vmem>>
      %dma_start3A_576 = tpu.memref_slice %arg4[%add3A_571] : memref<25165824xf32, #tpu.memory_space<hbm>> -> memref<1024xf32, #tpu.memory_space<hbm>>
      %dma_start3A_577 = tpu.memref_slice %arg4[%add3A_571] : memref<25165824xf32, #tpu.memory_space<hbm>> -> memref<1024xf32, #tpu.memory_space<hbm>>
      %dma_start3A_578 = arith.constant 23552 : i32
      %dma_start3A_579 = tpu.memref_slice %arg7[%dma_start3A_572, %dma_start3A_578] : memref<2x24576xf32, #tpu.memory_space<vmem>> -> memref<1x1024xf32, #tpu.memory_space<vmem>>
      %dma_start3A_580 = tpu.memref_squeeze %dma_start3A_579 : memref<1x1024xf32, #tpu.memory_space<vmem>> -> memref<1024xf32, #tpu.memory_space<vmem>>
      tpu.enqueue_dma source(%dma_start3A_580 : memref<1024xf32, #tpu.memory_space<vmem>>) target(%dma_start3A_577 : memref<1024xf32, #tpu.memory_space<hbm>>) target_semaphore(%arg10 : memref<!tpu.dma_semaphore, #tpu.memory_space<semaphore_mem>>)
      %le3A = arith.constant 14 : i32
      %le3A_581 = arith.cmpi sle, %scan3A_229, %le3A : i32
      %convert_element_type3A_582 = arith.extui %le3A_581 : i1 to i32
      %cond3A_583 = arith.constant 0 : i32
      %cond3A_584 = arith.cmpi ne, %convert_element_type3A_582, %cond3A_583 : i32
      scf.if %cond3A_584 {
        %add3A_945 = arith.constant 2 : i32
        %add3A_946 = arith.addi %add3A_233, %add3A_945 : i32
        %mul3A_947 = arith.constant 512 : i32
        %mul3A_948 = arith.muli %add3A_946, %mul3A_947 : i32
        %dma_start3A_949 = arith.constant 0 : i32
        %dma_start3A_950 = arith.constant 0 : i32
        %dma_start3A_951 = arith.constant 0 : i32
        %dma_start3A_952 = tpu.memref_slice %arg6[%dma_start3A_949, %dma_start3A_950, %dma_start3A_951] : memref<2x512x48xf32, #tpu.memory_space<vmem>> -> memref<1x512x48xf32, #tpu.memory_space<vmem>>
        %dma_start3A_953 = tpu.memref_squeeze %dma_start3A_952 : memref<1x512x48xf32, #tpu.memory_space<vmem>> -> memref<512x48xf32, #tpu.memory_space<vmem>>
        %dma_start3A_954 = tpu.memref_slice %arg5[%mul3A_948] : memref<16384xi32, #tpu.memory_space<vmem>> -> memref<512xi32, #tpu.memory_space<vmem>>
        %dma_start3A_955 = arith.constant 0 : i32
        %dma_start3A_956 = arith.constant 0 : i32
        %dma_start3A_957 = tpu.memref_slice %arg2[%dma_start3A_955, %dma_start3A_956] : memref<1048576x48xf32, #tpu.memory_space<hbm>> -> memref<1048576x48xf32, #tpu.memory_space<hbm>>
        tpu.enqueue_indirect_dma source(%dma_start3A_957 : memref<1048576x48xf32, #tpu.memory_space<hbm>>) target(%dma_start3A_953 : memref<512x48xf32, #tpu.memory_space<vmem>>) offsets(%dma_start3A_954 : memref<512xi32, #tpu.memory_space<vmem>>) semaphore(%arg8 : memref<!tpu.dma_semaphore, #tpu.memory_space<semaphore_mem>>)
      } else {
      }
      %mul3A_585 = arith.constant 2 : i32
      %mul3A_586 = arith.muli %mul3A_585, %scan3A_229 : i32
      %add3A_587 = arith.constant 1 : i32
      %add3A_588 = arith.addi %mul3A_586, %add3A_587 : i32
      %mul3A_589 = arith.constant 512 : i32
      %mul3A_590 = arith.muli %add3A_588, %mul3A_589 : i32
      %dma_wait3A_591 = arith.constant 1 : i32
      %dma_wait3A_592 = arith.constant 0 : i32
      %dma_wait3A_593 = arith.constant 0 : i32
      %dma_wait3A_594 = tpu.memref_slice %arg6[%dma_wait3A_591, %dma_wait3A_592, %dma_wait3A_593] : memref<2x512x48xf32, #tpu.memory_space<vmem>> -> memref<1x512x48xf32, #tpu.memory_space<vmem>>
      %dma_wait3A_595 = tpu.memref_squeeze %dma_wait3A_594 : memref<1x512x48xf32, #tpu.memory_space<vmem>> -> memref<512x48xf32, #tpu.memory_space<vmem>>
      %dma_wait3A_596 = tpu.memref_slice %arg5[%mul3A_590] : memref<16384xi32, #tpu.memory_space<vmem>> -> memref<512xi32, #tpu.memory_space<vmem>>
      %dma_wait3A_597 = arith.constant 0 : i32
      %dma_wait3A_598 = arith.constant 0 : i32
      %dma_wait3A_599 = tpu.memref_slice %arg2[%dma_wait3A_597, %dma_wait3A_598] : memref<1048576x48xf32, #tpu.memory_space<hbm>> -> memref<1048576x48xf32, #tpu.memory_space<hbm>>
      tpu.wait_indirect_dma semaphore(%arg9 : memref<!tpu.dma_semaphore, #tpu.memory_space<semaphore_mem>>) src(%dma_wait3A_599 : memref<1048576x48xf32, #tpu.memory_space<hbm>>) dst(%dma_wait3A_595 : memref<512x48xf32, #tpu.memory_space<vmem>>)
      %gt3A_600 = arith.constant 0 : i32
      %gt3A_601 = arith.cmpi sgt, %scan3A_229, %gt3A_600 : i32
      %convert_element_type3A_602 = arith.extui %gt3A_601 : i1 to i32
      %cond3A_603 = arith.constant 0 : i32
      %cond3A_604 = arith.cmpi ne, %convert_element_type3A_602, %cond3A_603 : i32
      scf.if %cond3A_604 {
        %dma_wait3A_945 = arith.constant 1 : i32
        %dma_wait3A_946 = arith.constant 0 : i32
        %dma_wait3A_947 = tpu.memref_slice %arg7[%dma_wait3A_945, %dma_wait3A_946] : memref<2x24576xf32, #tpu.memory_space<vmem>> -> memref<1x24576xf32, #tpu.memory_space<vmem>>
        %dma_wait3A_948 = tpu.memref_squeeze %dma_wait3A_947 : memref<1x24576xf32, #tpu.memory_space<vmem>> -> memref<24576xf32, #tpu.memory_space<vmem>>
        %dma_wait3A_949 = arith.constant 0 : i32
        %dma_wait3A_950 = tpu.memref_slice %arg4[%dma_wait3A_949] : memref<25165824xf32, #tpu.memory_space<hbm>> -> memref<24576xf32, #tpu.memory_space<hbm>>
        %dma_wait3A_951 = arith.constant 0 : i32
        %dma_wait3A_952 = tpu.memref_slice %arg7[%dma_wait3A_945, %dma_wait3A_951] : memref<2x24576xf32, #tpu.memory_space<vmem>> -> memref<1x24576xf32, #tpu.memory_space<vmem>>
        %dma_wait3A_953 = tpu.memref_squeeze %dma_wait3A_952 : memref<1x24576xf32, #tpu.memory_space<vmem>> -> memref<24576xf32, #tpu.memory_space<vmem>>
        %dma_wait3A_954 = arith.constant 0 : i32
        %dma_wait3A_955 = tpu.memref_slice %arg4[%dma_wait3A_954] : memref<25165824xf32, #tpu.memory_space<hbm>> -> memref<24576xf32, #tpu.memory_space<hbm>>
        tpu.wait_dma2 semaphore(%arg11 : memref<!tpu.dma_semaphore, #tpu.memory_space<semaphore_mem>>) src(%dma_wait3A_955 : memref<24576xf32, #tpu.memory_space<hbm>>) dst(%dma_wait3A_953 : memref<24576xf32, #tpu.memory_space<vmem>>)
      } else {
      }
      %parallel_loop3A_605 = arith.constant 0 : i32
      %parallel_loop3A_606 = arith.constant 512 : i32
      %parallel_loop3A_607 = arith.constant 4 : i32
      scf.for %parallel_loop3A_945 = %parallel_loop3A_605 to %parallel_loop3A_606 step %parallel_loop3A_607  : i32 {
        %parallel_loop3A_946 = arith.constant 128 : i32
        %parallel_loop3A_947 = arith.divsi %parallel_loop3A_945, %parallel_loop3A_946 : i32
        %parallel_loop3A_948 = arith.constant 0 : i32
        %parallel_loop3A_949 = arith.cmpi sgt, %parallel_loop3A_945, %parallel_loop3A_948 : i32
        %parallel_loop3A_950 = arith.extui %parallel_loop3A_949 : i1 to i32
        %parallel_loop3A_951 = arith.constant 0 : i32
        %parallel_loop3A_952 = arith.cmpi slt, %parallel_loop3A_945, %parallel_loop3A_951 : i32
        %parallel_loop3A_953 = arith.extui %parallel_loop3A_952 : i1 to i32
        %parallel_loop3A_954 = arith.subi %parallel_loop3A_950, %parallel_loop3A_953 : i32
        %parallel_loop3A_955 = arith.constant 0 : i32
        %parallel_loop3A_956 = arith.cmpi sgt, %parallel_loop3A_946, %parallel_loop3A_955 : i32
        %parallel_loop3A_957 = arith.extui %parallel_loop3A_956 : i1 to i32
        %parallel_loop3A_958 = arith.constant 0 : i32
        %parallel_loop3A_959 = arith.cmpi slt, %parallel_loop3A_946, %parallel_loop3A_958 : i32
        %parallel_loop3A_960 = arith.extui %parallel_loop3A_959 : i1 to i32
        %parallel_loop3A_961 = arith.subi %parallel_loop3A_957, %parallel_loop3A_960 : i32
        %parallel_loop3A_962 = arith.cmpi ne, %parallel_loop3A_954, %parallel_loop3A_961 : i32
        %parallel_loop3A_963 = arith.remsi %parallel_loop3A_945, %parallel_loop3A_946 : i32
        %parallel_loop3A_964 = arith.constant 0 : i32
        %parallel_loop3A_965 = arith.cmpi ne, %parallel_loop3A_963, %parallel_loop3A_964 : i32
        %parallel_loop3A_966 = arith.andi %parallel_loop3A_962, %parallel_loop3A_965 : i1
        %parallel_loop3A_967 = arith.constant 1 : i32
        %parallel_loop3A_968 = arith.subi %parallel_loop3A_947, %parallel_loop3A_967 : i32
        %parallel_loop3A_969 = arith.select %parallel_loop3A_966, %parallel_loop3A_968, %parallel_loop3A_947 : i32
        %parallel_loop3A_970 = arith.constant 6144 : i32
        %parallel_loop3A_971 = arith.muli %parallel_loop3A_969, %parallel_loop3A_970 : i32
        %parallel_loop3A_972 = arith.constant 128 : i32
        %parallel_loop3A_973 = arith.muli %parallel_loop3A_969, %parallel_loop3A_972 : i32
        %parallel_loop3A_974 = arith.subi %parallel_loop3A_971, %parallel_loop3A_973 : i32
        %parallel_loop3A_975 = arith.constant 0 : i32
        %parallel_loop3A_976 = arith.addi %parallel_loop3A_945, %parallel_loop3A_975 : i32
        %parallel_loop3A_977 = arith.constant 1 : i32
        %parallel_loop3A_978 = arith.index_cast %parallel_loop3A_977 : i32 to index
        %parallel_loop3A_979 = arith.index_cast %parallel_loop3A_976 : i32 to index
        %parallel_loop3A_980 = arith.constant 0 : index
        %parallel_loop3A_981 = tpu.vector_load %arg6[%parallel_loop3A_978, %parallel_loop3A_979, %parallel_loop3A_980] {strides = array<i32>} : memref<2x512x48xf32, #tpu.memory_space<vmem>>, vector<16xf32>,
        %parallel_loop3A_982 = arith.addi %parallel_loop3A_974, %parallel_loop3A_976 : i32
        %parallel_loop3A_983 = vector.broadcast %parallel_loop3A_982 : i32 to vector<16xi32>
        %parallel_loop3A_984 = arith.addi %add3A_57, %parallel_loop3A_983 : vector<16xi32>
        %parallel_loop3A_985 = arith.constant 1 : i32
        %parallel_loop3A_986 = arith.constant 0 : i32
        %parallel_loop3A_987 = tpu.memref_slice %arg7[%parallel_loop3A_985, %parallel_loop3A_986] : memref<2x24576xf32, #tpu.memory_space<vmem>> -> memref<1x24576xf32, #tpu.memory_space<vmem>>
        %parallel_loop3A_988 = tpu.memref_squeeze %parallel_loop3A_987 : memref<1x24576xf32, #tpu.memory_space<vmem>> -> memref<24576xf32, #tpu.memory_space<vmem>>
        tpu.vector_store_idx %parallel_loop3A_988[%parallel_loop3A_984], %parallel_loop3A_981 : memref<24576xf32, #tpu.memory_space<vmem>>[vector<16xi32>], vector<16xf32>,
        %parallel_loop3A_989 = arith.constant 1 : i32
        %parallel_loop3A_990 = arith.index_cast %parallel_loop3A_989 : i32 to index
        %parallel_loop3A_991 = arith.index_cast %parallel_loop3A_976 : i32 to index
        %parallel_loop3A_992 = arith.constant 16 : index
        %parallel_loop3A_993 = tpu.vector_load %arg6[%parallel_loop3A_990, %parallel_loop3A_991, %parallel_loop3A_992] {strides = array<i32>} : memref<2x512x48xf32, #tpu.memory_space<vmem>>, vector<16xf32>,
        %parallel_loop3A_994 = arith.addi %parallel_loop3A_974, %parallel_loop3A_976 : i32
        %parallel_loop3A_995 = vector.broadcast %parallel_loop3A_994 : i32 to vector<16xi32>
        %parallel_loop3A_996 = arith.addi %add3A_120, %parallel_loop3A_995 : vector<16xi32>
        %parallel_loop3A_997 = arith.constant 1 : i32
        %parallel_loop3A_998 = arith.constant 0 : i32
        %parallel_loop3A_999 = tpu.memref_slice %arg7[%parallel_loop3A_997, %parallel_loop3A_998] : memref<2x24576xf32, #tpu.memory_space<vmem>> -> memref<1x24576xf32, #tpu.memory_space<vmem>>
        %parallel_loop3A_1000 = tpu.memref_squeeze %parallel_loop3A_999 : memref<1x24576xf32, #tpu.memory_space<vmem>> -> memref<24576xf32, #tpu.memory_space<vmem>>
        tpu.vector_store_idx %parallel_loop3A_1000[%parallel_loop3A_996], %parallel_loop3A_993 : memref<24576xf32, #tpu.memory_space<vmem>>[vector<16xi32>], vector<16xf32>,
        %parallel_loop3A_1001 = arith.constant 1 : i32
        %parallel_loop3A_1002 = arith.index_cast %parallel_loop3A_1001 : i32 to index
        %parallel_loop3A_1003 = arith.index_cast %parallel_loop3A_976 : i32 to index
        %parallel_loop3A_1004 = arith.constant 32 : index
        %parallel_loop3A_1005 = tpu.vector_load %arg6[%parallel_loop3A_1002, %parallel_loop3A_1003, %parallel_loop3A_1004] {strides = array<i32>} : memref<2x512x48xf32, #tpu.memory_space<vmem>>, vector<16xf32>,
        %parallel_loop3A_1006 = arith.addi %parallel_loop3A_974, %parallel_loop3A_976 : i32
        %parallel_loop3A_1007 = vector.broadcast %parallel_loop3A_1006 : i32 to vector<16xi32>
        %parallel_loop3A_1008 = arith.addi %add3A_183, %parallel_loop3A_1007 : vector<16xi32>
        %parallel_loop3A_1009 = arith.constant 1 : i32
        %parallel_loop3A_1010 = arith.constant 0 : i32
        %parallel_loop3A_1011 = tpu.memref_slice %arg7[%parallel_loop3A_1009, %parallel_loop3A_1010] : memref<2x24576xf32, #tpu.memory_space<vmem>> -> memref<1x24576xf32, #tpu.memory_space<vmem>>
        %parallel_loop3A_1012 = tpu.memref_squeeze %parallel_loop3A_1011 : memref<1x24576xf32, #tpu.memory_space<vmem>> -> memref<24576xf32, #tpu.memory_space<vmem>>
        tpu.vector_store_idx %parallel_loop3A_1012[%parallel_loop3A_1008], %parallel_loop3A_1005 : memref<24576xf32, #tpu.memory_space<vmem>>[vector<16xi32>], vector<16xf32>,
        %parallel_loop3A_1013 = arith.constant 1 : i32
        %parallel_loop3A_1014 = arith.addi %parallel_loop3A_945, %parallel_loop3A_1013 : i32
        %parallel_loop3A_1015 = arith.constant 1 : i32
        %parallel_loop3A_1016 = arith.index_cast %parallel_loop3A_1015 : i32 to index
        %parallel_loop3A_1017 = arith.index_cast %parallel_loop3A_1014 : i32 to index
        %parallel_loop3A_1018 = arith.constant 0 : index
        %parallel_loop3A_1019 = tpu.vector_load %arg6[%parallel_loop3A_1016, %parallel_loop3A_1017, %parallel_loop3A_1018] {strides = array<i32>} : memref<2x512x48xf32, #tpu.memory_space<vmem>>, vector<16xf32>,
        %parallel_loop3A_1020 = arith.addi %parallel_loop3A_974, %parallel_loop3A_1014 : i32
        %parallel_loop3A_1021 = vector.broadcast %parallel_loop3A_1020 : i32 to vector<16xi32>
        %parallel_loop3A_1022 = arith.addi %add3A_57, %parallel_loop3A_1021 : vector<16xi32>
        %parallel_loop3A_1023 = arith.constant 1 : i32
        %parallel_loop3A_1024 = arith.constant 0 : i32
        %parallel_loop3A_1025 = tpu.memref_slice %arg7[%parallel_loop3A_1023, %parallel_loop3A_1024] : memref<2x24576xf32, #tpu.memory_space<vmem>> -> memref<1x24576xf32, #tpu.memory_space<vmem>>
        %parallel_loop3A_1026 = tpu.memref_squeeze %parallel_loop3A_1025 : memref<1x24576xf32, #tpu.memory_space<vmem>> -> memref<24576xf32, #tpu.memory_space<vmem>>
        tpu.vector_store_idx %parallel_loop3A_1026[%parallel_loop3A_1022], %parallel_loop3A_1019 : memref<24576xf32, #tpu.memory_space<vmem>>[vector<16xi32>], vector<16xf32>,
        %parallel_loop3A_1027 = arith.constant 1 : i32
        %parallel_loop3A_1028 = arith.index_cast %parallel_loop3A_1027 : i32 to index
        %parallel_loop3A_1029 = arith.index_cast %parallel_loop3A_1014 : i32 to index
        %parallel_loop3A_1030 = arith.constant 16 : index
        %parallel_loop3A_1031 = tpu.vector_load %arg6[%parallel_loop3A_1028, %parallel_loop3A_1029, %parallel_loop3A_1030] {strides = array<i32>} : memref<2x512x48xf32, #tpu.memory_space<vmem>>, vector<16xf32>,
        %parallel_loop3A_1032 = arith.addi %parallel_loop3A_974, %parallel_loop3A_1014 : i32
        %parallel_loop3A_1033 = vector.broadcast %parallel_loop3A_1032 : i32 to vector<16xi32>
        %parallel_loop3A_1034 = arith.addi %add3A_120, %parallel_loop3A_1033 : vector<16xi32>
        %parallel_loop3A_1035 = arith.constant 1 : i32
        %parallel_loop3A_1036 = arith.constant 0 : i32
        %parallel_loop3A_1037 = tpu.memref_slice %arg7[%parallel_loop3A_1035, %parallel_loop3A_1036] : memref<2x24576xf32, #tpu.memory_space<vmem>> -> memref<1x24576xf32, #tpu.memory_space<vmem>>
        %parallel_loop3A_1038 = tpu.memref_squeeze %parallel_loop3A_1037 : memref<1x24576xf32, #tpu.memory_space<vmem>> -> memref<24576xf32, #tpu.memory_space<vmem>>
        tpu.vector_store_idx %parallel_loop3A_1038[%parallel_loop3A_1034], %parallel_loop3A_1031 : memref<24576xf32, #tpu.memory_space<vmem>>[vector<16xi32>], vector<16xf32>,
        %parallel_loop3A_1039 = arith.constant 1 : i32
        %parallel_loop3A_1040 = arith.index_cast %parallel_loop3A_1039 : i32 to index
        %parallel_loop3A_1041 = arith.index_cast %parallel_loop3A_1014 : i32 to index
        %parallel_loop3A_1042 = arith.constant 32 : index
        %parallel_loop3A_1043 = tpu.vector_load %arg6[%parallel_loop3A_1040, %parallel_loop3A_1041, %parallel_loop3A_1042] {strides = array<i32>} : memref<2x512x48xf32, #tpu.memory_space<vmem>>, vector<16xf32>,
        %parallel_loop3A_1044 = arith.addi %parallel_loop3A_974, %parallel_loop3A_1014 : i32
        %parallel_loop3A_1045 = vector.broadcast %parallel_loop3A_1044 : i32 to vector<16xi32>
        %parallel_loop3A_1046 = arith.addi %add3A_183, %parallel_loop3A_1045 : vector<16xi32>
        %parallel_loop3A_1047 = arith.constant 1 : i32
        %parallel_loop3A_1048 = arith.constant 0 : i32
        %parallel_loop3A_1049 = tpu.memref_slice %arg7[%parallel_loop3A_1047, %parallel_loop3A_1048] : memref<2x24576xf32, #tpu.memory_space<vmem>> -> memref<1x24576xf32, #tpu.memory_space<vmem>>
        %parallel_loop3A_1050 = tpu.memref_squeeze %parallel_loop3A_1049 : memref<1x24576xf32, #tpu.memory_space<vmem>> -> memref<24576xf32, #tpu.memory_space<vmem>>
        tpu.vector_store_idx %parallel_loop3A_1050[%parallel_loop3A_1046], %parallel_loop3A_1043 : memref<24576xf32, #tpu.memory_space<vmem>>[vector<16xi32>], vector<16xf32>,
        %parallel_loop3A_1051 = arith.constant 2 : i32
        %parallel_loop3A_1052 = arith.addi %parallel_loop3A_945, %parallel_loop3A_1051 : i32
        %parallel_loop3A_1053 = arith.constant 1 : i32
        %parallel_loop3A_1054 = arith.index_cast %parallel_loop3A_1053 : i32 to index
        %parallel_loop3A_1055 = arith.index_cast %parallel_loop3A_1052 : i32 to index
        %parallel_loop3A_1056 = arith.constant 0 : index
        %parallel_loop3A_1057 = tpu.vector_load %arg6[%parallel_loop3A_1054, %parallel_loop3A_1055, %parallel_loop3A_1056] {strides = array<i32>} : memref<2x512x48xf32, #tpu.memory_space<vmem>>, vector<16xf32>,
        %parallel_loop3A_1058 = arith.addi %parallel_loop3A_974, %parallel_loop3A_1052 : i32
        %parallel_loop3A_1059 = vector.broadcast %parallel_loop3A_1058 : i32 to vector<16xi32>
        %parallel_loop3A_1060 = arith.addi %add3A_57, %parallel_loop3A_1059 : vector<16xi32>
        %parallel_loop3A_1061 = arith.constant 1 : i32
        %parallel_loop3A_1062 = arith.constant 0 : i32
        %parallel_loop3A_1063 = tpu.memref_slice %arg7[%parallel_loop3A_1061, %parallel_loop3A_1062] : memref<2x24576xf32, #tpu.memory_space<vmem>> -> memref<1x24576xf32, #tpu.memory_space<vmem>>
        %parallel_loop3A_1064 = tpu.memref_squeeze %parallel_loop3A_1063 : memref<1x24576xf32, #tpu.memory_space<vmem>> -> memref<24576xf32, #tpu.memory_space<vmem>>
        tpu.vector_store_idx %parallel_loop3A_1064[%parallel_loop3A_1060], %parallel_loop3A_1057 : memref<24576xf32, #tpu.memory_space<vmem>>[vector<16xi32>], vector<16xf32>,
        %parallel_loop3A_1065 = arith.constant 1 : i32
        %parallel_loop3A_1066 = arith.index_cast %parallel_loop3A_1065 : i32 to index
        %parallel_loop3A_1067 = arith.index_cast %parallel_loop3A_1052 : i32 to index
        %parallel_loop3A_1068 = arith.constant 16 : index
        %parallel_loop3A_1069 = tpu.vector_load %arg6[%parallel_loop3A_1066, %parallel_loop3A_1067, %parallel_loop3A_1068] {strides = array<i32>} : memref<2x512x48xf32, #tpu.memory_space<vmem>>, vector<16xf32>,
        %parallel_loop3A_1070 = arith.addi %parallel_loop3A_974, %parallel_loop3A_1052 : i32
        %parallel_loop3A_1071 = vector.broadcast %parallel_loop3A_1070 : i32 to vector<16xi32>
        %parallel_loop3A_1072 = arith.addi %add3A_120, %parallel_loop3A_1071 : vector<16xi32>
        %parallel_loop3A_1073 = arith.constant 1 : i32
        %parallel_loop3A_1074 = arith.constant 0 : i32
        %parallel_loop3A_1075 = tpu.memref_slice %arg7[%parallel_loop3A_1073, %parallel_loop3A_1074] : memref<2x24576xf32, #tpu.memory_space<vmem>> -> memref<1x24576xf32, #tpu.memory_space<vmem>>
        %parallel_loop3A_1076 = tpu.memref_squeeze %parallel_loop3A_1075 : memref<1x24576xf32, #tpu.memory_space<vmem>> -> memref<24576xf32, #tpu.memory_space<vmem>>
        tpu.vector_store_idx %parallel_loop3A_1076[%parallel_loop3A_1072], %parallel_loop3A_1069 : memref<24576xf32, #tpu.memory_space<vmem>>[vector<16xi32>], vector<16xf32>,
        %parallel_loop3A_1077 = arith.constant 1 : i32
        %parallel_loop3A_1078 = arith.index_cast %parallel_loop3A_1077 : i32 to index
        %parallel_loop3A_1079 = arith.index_cast %parallel_loop3A_1052 : i32 to index
        %parallel_loop3A_1080 = arith.constant 32 : index
        %parallel_loop3A_1081 = tpu.vector_load %arg6[%parallel_loop3A_1078, %parallel_loop3A_1079, %parallel_loop3A_1080] {strides = array<i32>} : memref<2x512x48xf32, #tpu.memory_space<vmem>>, vector<16xf32>,
        %parallel_loop3A_1082 = arith.addi %parallel_loop3A_974, %parallel_loop3A_1052 : i32
        %parallel_loop3A_1083 = vector.broadcast %parallel_loop3A_1082 : i32 to vector<16xi32>
        %parallel_loop3A_1084 = arith.addi %add3A_183, %parallel_loop3A_1083 : vector<16xi32>
        %parallel_loop3A_1085 = arith.constant 1 : i32
        %parallel_loop3A_1086 = arith.constant 0 : i32
        %parallel_loop3A_1087 = tpu.memref_slice %arg7[%parallel_loop3A_1085, %parallel_loop3A_1086] : memref<2x24576xf32, #tpu.memory_space<vmem>> -> memref<1x24576xf32, #tpu.memory_space<vmem>>
        %parallel_loop3A_1088 = tpu.memref_squeeze %parallel_loop3A_1087 : memref<1x24576xf32, #tpu.memory_space<vmem>> -> memref<24576xf32, #tpu.memory_space<vmem>>
        tpu.vector_store_idx %parallel_loop3A_1088[%parallel_loop3A_1084], %parallel_loop3A_1081 : memref<24576xf32, #tpu.memory_space<vmem>>[vector<16xi32>], vector<16xf32>,
        %parallel_loop3A_1089 = arith.constant 3 : i32
        %parallel_loop3A_1090 = arith.addi %parallel_loop3A_945, %parallel_loop3A_1089 : i32
        %parallel_loop3A_1091 = arith.constant 1 : i32
        %parallel_loop3A_1092 = arith.index_cast %parallel_loop3A_1091 : i32 to index
        %parallel_loop3A_1093 = arith.index_cast %parallel_loop3A_1090 : i32 to index
        %parallel_loop3A_1094 = arith.constant 0 : index
        %parallel_loop3A_1095 = tpu.vector_load %arg6[%parallel_loop3A_1092, %parallel_loop3A_1093, %parallel_loop3A_1094] {strides = array<i32>} : memref<2x512x48xf32, #tpu.memory_space<vmem>>, vector<16xf32>,
        %parallel_loop3A_1096 = arith.addi %parallel_loop3A_974, %parallel_loop3A_1090 : i32
        %parallel_loop3A_1097 = vector.broadcast %parallel_loop3A_1096 : i32 to vector<16xi32>
        %parallel_loop3A_1098 = arith.addi %add3A_57, %parallel_loop3A_1097 : vector<16xi32>
        %parallel_loop3A_1099 = arith.constant 1 : i32
        %parallel_loop3A_1100 = arith.constant 0 : i32
        %parallel_loop3A_1101 = tpu.memref_slice %arg7[%parallel_loop3A_1099, %parallel_loop3A_1100] : memref<2x24576xf32, #tpu.memory_space<vmem>> -> memref<1x24576xf32, #tpu.memory_space<vmem>>
        %parallel_loop3A_1102 = tpu.memref_squeeze %parallel_loop3A_1101 : memref<1x24576xf32, #tpu.memory_space<vmem>> -> memref<24576xf32, #tpu.memory_space<vmem>>
        tpu.vector_store_idx %parallel_loop3A_1102[%parallel_loop3A_1098], %parallel_loop3A_1095 : memref<24576xf32, #tpu.memory_space<vmem>>[vector<16xi32>], vector<16xf32>,
        %parallel_loop3A_1103 = arith.constant 1 : i32
        %parallel_loop3A_1104 = arith.index_cast %parallel_loop3A_1103 : i32 to index
        %parallel_loop3A_1105 = arith.index_cast %parallel_loop3A_1090 : i32 to index
        %parallel_loop3A_1106 = arith.constant 16 : index
        %parallel_loop3A_1107 = tpu.vector_load %arg6[%parallel_loop3A_1104, %parallel_loop3A_1105, %parallel_loop3A_1106] {strides = array<i32>} : memref<2x512x48xf32, #tpu.memory_space<vmem>>, vector<16xf32>,
        %parallel_loop3A_1108 = arith.addi %parallel_loop3A_974, %parallel_loop3A_1090 : i32
        %parallel_loop3A_1109 = vector.broadcast %parallel_loop3A_1108 : i32 to vector<16xi32>
        %parallel_loop3A_1110 = arith.addi %add3A_120, %parallel_loop3A_1109 : vector<16xi32>
        %parallel_loop3A_1111 = arith.constant 1 : i32
        %parallel_loop3A_1112 = arith.constant 0 : i32
        %parallel_loop3A_1113 = tpu.memref_slice %arg7[%parallel_loop3A_1111, %parallel_loop3A_1112] : memref<2x24576xf32, #tpu.memory_space<vmem>> -> memref<1x24576xf32, #tpu.memory_space<vmem>>
        %parallel_loop3A_1114 = tpu.memref_squeeze %parallel_loop3A_1113 : memref<1x24576xf32, #tpu.memory_space<vmem>> -> memref<24576xf32, #tpu.memory_space<vmem>>
        tpu.vector_store_idx %parallel_loop3A_1114[%parallel_loop3A_1110], %parallel_loop3A_1107 : memref<24576xf32, #tpu.memory_space<vmem>>[vector<16xi32>], vector<16xf32>,
        %parallel_loop3A_1115 = arith.constant 1 : i32
        %parallel_loop3A_1116 = arith.index_cast %parallel_loop3A_1115 : i32 to index
        %parallel_loop3A_1117 = arith.index_cast %parallel_loop3A_1090 : i32 to index
        %parallel_loop3A_1118 = arith.constant 32 : index
        %parallel_loop3A_1119 = tpu.vector_load %arg6[%parallel_loop3A_1116, %parallel_loop3A_1117, %parallel_loop3A_1118] {strides = array<i32>} : memref<2x512x48xf32, #tpu.memory_space<vmem>>, vector<16xf32>,
        %parallel_loop3A_1120 = arith.addi %parallel_loop3A_974, %parallel_loop3A_1090 : i32
        %parallel_loop3A_1121 = vector.broadcast %parallel_loop3A_1120 : i32 to vector<16xi32>
        %parallel_loop3A_1122 = arith.addi %add3A_183, %parallel_loop3A_1121 : vector<16xi32>
        %parallel_loop3A_1123 = arith.constant 1 : i32
        %parallel_loop3A_1124 = arith.constant 0 : i32
        %parallel_loop3A_1125 = tpu.memref_slice %arg7[%parallel_loop3A_1123, %parallel_loop3A_1124] : memref<2x24576xf32, #tpu.memory_space<vmem>> -> memref<1x24576xf32, #tpu.memory_space<vmem>>
        %parallel_loop3A_1126 = tpu.memref_squeeze %parallel_loop3A_1125 : memref<1x24576xf32, #tpu.memory_space<vmem>> -> memref<24576xf32, #tpu.memory_space<vmem>>
        tpu.vector_store_idx %parallel_loop3A_1126[%parallel_loop3A_1122], %parallel_loop3A_1119 : memref<24576xf32, #tpu.memory_space<vmem>>[vector<16xi32>], vector<16xf32>,
      } {sc.loop_unroll_factor = 4 : i64, sc.parallel_access}
      %mul3A_608 = arith.constant 4 : i32
      %mul3A_609 = arith.muli %add3A_588, %mul3A_608 : i32
      %add3A_610 = arith.addi %mul3A_2, %mul3A_609 : i32
      %add3A_611 = arith.constant 0 : i32
      %add3A_612 = arith.addi %add3A_610, %add3A_611 : i32
      %mul3A_613 = arith.constant 1024 : i32
      %mul3A_614 = arith.muli %add3A_612, %mul3A_613 : i32
      %add3A_615 = arith.constant 0 : i32
      %add3A_616 = arith.addi %add3A_615, %mul3A_614 : i32
      %dma_start3A_617 = arith.constant 1 : i32
      %dma_start3A_618 = arith.constant 0 : i32
      %dma_start3A_619 = tpu.memref_slice %arg7[%dma_start3A_617, %dma_start3A_618] : memref<2x24576xf32, #tpu.memory_space<vmem>> -> memref<1x1024xf32, #tpu.memory_space<vmem>>
      %dma_start3A_620 = tpu.memref_squeeze %dma_start3A_619 : memref<1x1024xf32, #tpu.memory_space<vmem>> -> memref<1024xf32, #tpu.memory_space<vmem>>
      %dma_start3A_621 = tpu.memref_slice %arg4[%add3A_616] : memref<25165824xf32, #tpu.memory_space<hbm>> -> memref<1024xf32, #tpu.memory_space<hbm>>
      %dma_start3A_622 = tpu.memref_slice %arg4[%add3A_616] : memref<25165824xf32, #tpu.memory_space<hbm>> -> memref<1024xf32, #tpu.memory_space<hbm>>
      %dma_start3A_623 = arith.constant 0 : i32
      %dma_start3A_624 = tpu.memref_slice %arg7[%dma_start3A_617, %dma_start3A_623] : memref<2x24576xf32, #tpu.memory_space<vmem>> -> memref<1x1024xf32, #tpu.memory_space<vmem>>
      %dma_start3A_625 = tpu.memref_squeeze %dma_start3A_624 : memref<1x1024xf32, #tpu.memory_space<vmem>> -> memref<1024xf32, #tpu.memory_space<vmem>>
      tpu.enqueue_dma source(%dma_start3A_625 : memref<1024xf32, #tpu.memory_space<vmem>>) target(%dma_start3A_622 : memref<1024xf32, #tpu.memory_space<hbm>>) target_semaphore(%arg11 : memref<!tpu.dma_semaphore, #tpu.memory_space<semaphore_mem>>)
      %mul3A_626 = arith.constant 1024 : i32
      %mul3A_627 = arith.muli %add3A_612, %mul3A_626 : i32
      %add3A_628 = arith.constant 4194304 : i32
      %add3A_629 = arith.addi %add3A_628, %mul3A_627 : i32
      %dma_start3A_630 = arith.constant 1 : i32
      %dma_start3A_631 = arith.constant 1024 : i32
      %dma_start3A_632 = tpu.memref_slice %arg7[%dma_start3A_630, %dma_start3A_631] : memref<2x24576xf32, #tpu.memory_space<vmem>> -> memref<1x1024xf32, #tpu.memory_space<vmem>>
      %dma_start3A_633 = tpu.memref_squeeze %dma_start3A_632 : memref<1x1024xf32, #tpu.memory_space<vmem>> -> memref<1024xf32, #tpu.memory_space<vmem>>
      %dma_start3A_634 = tpu.memref_slice %arg4[%add3A_629] : memref<25165824xf32, #tpu.memory_space<hbm>> -> memref<1024xf32, #tpu.memory_space<hbm>>
      %dma_start3A_635 = tpu.memref_slice %arg4[%add3A_629] : memref<25165824xf32, #tpu.memory_space<hbm>> -> memref<1024xf32, #tpu.memory_space<hbm>>
      %dma_start3A_636 = arith.constant 1024 : i32
      %dma_start3A_637 = tpu.memref_slice %arg7[%dma_start3A_630, %dma_start3A_636] : memref<2x24576xf32, #tpu.memory_space<vmem>> -> memref<1x1024xf32, #tpu.memory_space<vmem>>
      %dma_start3A_638 = tpu.memref_squeeze %dma_start3A_637 : memref<1x1024xf32, #tpu.memory_space<vmem>> -> memref<1024xf32, #tpu.memory_space<vmem>>
      tpu.enqueue_dma source(%dma_start3A_638 : memref<1024xf32, #tpu.memory_space<vmem>>) target(%dma_start3A_635 : memref<1024xf32, #tpu.memory_space<hbm>>) target_semaphore(%arg11 : memref<!tpu.dma_semaphore, #tpu.memory_space<semaphore_mem>>)
      %mul3A_639 = arith.constant 1024 : i32
      %mul3A_640 = arith.muli %add3A_612, %mul3A_639 : i32
      %add3A_641 = arith.constant 8388608 : i32
      %add3A_642 = arith.addi %add3A_641, %mul3A_640 : i32
      %dma_start3A_643 = arith.constant 1 : i32
      %dma_start3A_644 = arith.constant 2048 : i32
      %dma_start3A_645 = tpu.memref_slice %arg7[%dma_start3A_643, %dma_start3A_644] : memref<2x24576xf32, #tpu.memory_space<vmem>> -> memref<1x1024xf32, #tpu.memory_space<vmem>>
      %dma_start3A_646 = tpu.memref_squeeze %dma_start3A_645 : memref<1x1024xf32, #tpu.memory_space<vmem>> -> memref<1024xf32, #tpu.memory_space<vmem>>
      %dma_start3A_647 = tpu.memref_slice %arg4[%add3A_642] : memref<25165824xf32, #tpu.memory_space<hbm>> -> memref<1024xf32, #tpu.memory_space<hbm>>
      %dma_start3A_648 = tpu.memref_slice %arg4[%add3A_642] : memref<25165824xf32, #tpu.memory_space<hbm>> -> memref<1024xf32, #tpu.memory_space<hbm>>
      %dma_start3A_649 = arith.constant 2048 : i32
      %dma_start3A_650 = tpu.memref_slice %arg7[%dma_start3A_643, %dma_start3A_649] : memref<2x24576xf32, #tpu.memory_space<vmem>> -> memref<1x1024xf32, #tpu.memory_space<vmem>>
      %dma_start3A_651 = tpu.memref_squeeze %dma_start3A_650 : memref<1x1024xf32, #tpu.memory_space<vmem>> -> memref<1024xf32, #tpu.memory_space<vmem>>
      tpu.enqueue_dma source(%dma_start3A_651 : memref<1024xf32, #tpu.memory_space<vmem>>) target(%dma_start3A_648 : memref<1024xf32, #tpu.memory_space<hbm>>) target_semaphore(%arg11 : memref<!tpu.dma_semaphore, #tpu.memory_space<semaphore_mem>>)
      %mul3A_652 = arith.constant 1024 : i32
      %mul3A_653 = arith.muli %add3A_612, %mul3A_652 : i32
      %add3A_654 = arith.constant 12582912 : i32
      %add3A_655 = arith.addi %add3A_654, %mul3A_653 : i32
      %dma_start3A_656 = arith.constant 1 : i32
      %dma_start3A_657 = arith.constant 3072 : i32
      %dma_start3A_658 = tpu.memref_slice %arg7[%dma_start3A_656, %dma_start3A_657] : memref<2x24576xf32, #tpu.memory_space<vmem>> -> memref<1x1024xf32, #tpu.memory_space<vmem>>
      %dma_start3A_659 = tpu.memref_squeeze %dma_start3A_658 : memref<1x1024xf32, #tpu.memory_space<vmem>> -> memref<1024xf32, #tpu.memory_space<vmem>>
      %dma_start3A_660 = tpu.memref_slice %arg4[%add3A_655] : memref<25165824xf32, #tpu.memory_space<hbm>> -> memref<1024xf32, #tpu.memory_space<hbm>>
      %dma_start3A_661 = tpu.memref_slice %arg4[%add3A_655] : memref<25165824xf32, #tpu.memory_space<hbm>> -> memref<1024xf32, #tpu.memory_space<hbm>>
      %dma_start3A_662 = arith.constant 3072 : i32
      %dma_start3A_663 = tpu.memref_slice %arg7[%dma_start3A_656, %dma_start3A_662] : memref<2x24576xf32, #tpu.memory_space<vmem>> -> memref<1x1024xf32, #tpu.memory_space<vmem>>
      %dma_start3A_664 = tpu.memref_squeeze %dma_start3A_663 : memref<1x1024xf32, #tpu.memory_space<vmem>> -> memref<1024xf32, #tpu.memory_space<vmem>>
      tpu.enqueue_dma source(%dma_start3A_664 : memref<1024xf32, #tpu.memory_space<vmem>>) target(%dma_start3A_661 : memref<1024xf32, #tpu.memory_space<hbm>>) target_semaphore(%arg11 : memref<!tpu.dma_semaphore, #tpu.memory_space<semaphore_mem>>)
      %mul3A_665 = arith.constant 1024 : i32
      %mul3A_666 = arith.muli %add3A_612, %mul3A_665 : i32
      %add3A_667 = arith.constant 16777216 : i32
      %add3A_668 = arith.addi %add3A_667, %mul3A_666 : i32
      %dma_start3A_669 = arith.constant 1 : i32
      %dma_start3A_670 = arith.constant 4096 : i32
      %dma_start3A_671 = tpu.memref_slice %arg7[%dma_start3A_669, %dma_start3A_670] : memref<2x24576xf32, #tpu.memory_space<vmem>> -> memref<1x1024xf32, #tpu.memory_space<vmem>>
      %dma_start3A_672 = tpu.memref_squeeze %dma_start3A_671 : memref<1x1024xf32, #tpu.memory_space<vmem>> -> memref<1024xf32, #tpu.memory_space<vmem>>
      %dma_start3A_673 = tpu.memref_slice %arg4[%add3A_668] : memref<25165824xf32, #tpu.memory_space<hbm>> -> memref<1024xf32, #tpu.memory_space<hbm>>
      %dma_start3A_674 = tpu.memref_slice %arg4[%add3A_668] : memref<25165824xf32, #tpu.memory_space<hbm>> -> memref<1024xf32, #tpu.memory_space<hbm>>
      %dma_start3A_675 = arith.constant 4096 : i32
      %dma_start3A_676 = tpu.memref_slice %arg7[%dma_start3A_669, %dma_start3A_675] : memref<2x24576xf32, #tpu.memory_space<vmem>> -> memref<1x1024xf32, #tpu.memory_space<vmem>>
      %dma_start3A_677 = tpu.memref_squeeze %dma_start3A_676 : memref<1x1024xf32, #tpu.memory_space<vmem>> -> memref<1024xf32, #tpu.memory_space<vmem>>
      tpu.enqueue_dma source(%dma_start3A_677 : memref<1024xf32, #tpu.memory_space<vmem>>) target(%dma_start3A_674 : memref<1024xf32, #tpu.memory_space<hbm>>) target_semaphore(%arg11 : memref<!tpu.dma_semaphore, #tpu.memory_space<semaphore_mem>>)
      %mul3A_678 = arith.constant 1024 : i32
      %mul3A_679 = arith.muli %add3A_612, %mul3A_678 : i32
      %add3A_680 = arith.constant 20971520 : i32
      %add3A_681 = arith.addi %add3A_680, %mul3A_679 : i32
      %dma_start3A_682 = arith.constant 1 : i32
      %dma_start3A_683 = arith.constant 5120 : i32
      %dma_start3A_684 = tpu.memref_slice %arg7[%dma_start3A_682, %dma_start3A_683] : memref<2x24576xf32, #tpu.memory_space<vmem>> -> memref<1x1024xf32, #tpu.memory_space<vmem>>
      %dma_start3A_685 = tpu.memref_squeeze %dma_start3A_684 : memref<1x1024xf32, #tpu.memory_space<vmem>> -> memref<1024xf32, #tpu.memory_space<vmem>>
      %dma_start3A_686 = tpu.memref_slice %arg4[%add3A_681] : memref<25165824xf32, #tpu.memory_space<hbm>> -> memref<1024xf32, #tpu.memory_space<hbm>>
      %dma_start3A_687 = tpu.memref_slice %arg4[%add3A_681] : memref<25165824xf32, #tpu.memory_space<hbm>> -> memref<1024xf32, #tpu.memory_space<hbm>>
      %dma_start3A_688 = arith.constant 5120 : i32
      %dma_start3A_689 = tpu.memref_slice %arg7[%dma_start3A_682, %dma_start3A_688] : memref<2x24576xf32, #tpu.memory_space<vmem>> -> memref<1x1024xf32, #tpu.memory_space<vmem>>
      %dma_start3A_690 = tpu.memref_squeeze %dma_start3A_689 : memref<1x1024xf32, #tpu.memory_space<vmem>> -> memref<1024xf32, #tpu.memory_space<vmem>>
      tpu.enqueue_dma source(%dma_start3A_690 : memref<1024xf32, #tpu.memory_space<vmem>>) target(%dma_start3A_687 : memref<1024xf32, #tpu.memory_space<hbm>>) target_semaphore(%arg11 : memref<!tpu.dma_semaphore, #tpu.memory_space<semaphore_mem>>)
      %mul3A_691 = arith.constant 4 : i32
      %mul3A_692 = arith.muli %add3A_588, %mul3A_691 : i32
      %add3A_693 = arith.addi %mul3A_2, %mul3A_692 : i32
      %add3A_694 = arith.constant 1 : i32
      %add3A_695 = arith.addi %add3A_693, %add3A_694 : i32
      %mul3A_696 = arith.constant 1024 : i32
      %mul3A_697 = arith.muli %add3A_695, %mul3A_696 : i32
      %add3A_698 = arith.constant 0 : i32
      %add3A_699 = arith.addi %add3A_698, %mul3A_697 : i32
      %dma_start3A_700 = arith.constant 1 : i32
      %dma_start3A_701 = arith.constant 6144 : i32
      %dma_start3A_702 = tpu.memref_slice %arg7[%dma_start3A_700, %dma_start3A_701] : memref<2x24576xf32, #tpu.memory_space<vmem>> -> memref<1x1024xf32, #tpu.memory_space<vmem>>
      %dma_start3A_703 = tpu.memref_squeeze %dma_start3A_702 : memref<1x1024xf32, #tpu.memory_space<vmem>> -> memref<1024xf32, #tpu.memory_space<vmem>>
      %dma_start3A_704 = tpu.memref_slice %arg4[%add3A_699] : memref<25165824xf32, #tpu.memory_space<hbm>> -> memref<1024xf32, #tpu.memory_space<hbm>>
      %dma_start3A_705 = tpu.memref_slice %arg4[%add3A_699] : memref<25165824xf32, #tpu.memory_space<hbm>> -> memref<1024xf32, #tpu.memory_space<hbm>>
      %dma_start3A_706 = arith.constant 6144 : i32
      %dma_start3A_707 = tpu.memref_slice %arg7[%dma_start3A_700, %dma_start3A_706] : memref<2x24576xf32, #tpu.memory_space<vmem>> -> memref<1x1024xf32, #tpu.memory_space<vmem>>
      %dma_start3A_708 = tpu.memref_squeeze %dma_start3A_707 : memref<1x1024xf32, #tpu.memory_space<vmem>> -> memref<1024xf32, #tpu.memory_space<vmem>>
      tpu.enqueue_dma source(%dma_start3A_708 : memref<1024xf32, #tpu.memory_space<vmem>>) target(%dma_start3A_705 : memref<1024xf32, #tpu.memory_space<hbm>>) target_semaphore(%arg11 : memref<!tpu.dma_semaphore, #tpu.memory_space<semaphore_mem>>)
      %mul3A_709 = arith.constant 1024 : i32
      %mul3A_710 = arith.muli %add3A_695, %mul3A_709 : i32
      %add3A_711 = arith.constant 4194304 : i32
      %add3A_712 = arith.addi %add3A_711, %mul3A_710 : i32
      %dma_start3A_713 = arith.constant 1 : i32
      %dma_start3A_714 = arith.constant 7168 : i32
      %dma_start3A_715 = tpu.memref_slice %arg7[%dma_start3A_713, %dma_start3A_714] : memref<2x24576xf32, #tpu.memory_space<vmem>> -> memref<1x1024xf32, #tpu.memory_space<vmem>>
      %dma_start3A_716 = tpu.memref_squeeze %dma_start3A_715 : memref<1x1024xf32, #tpu.memory_space<vmem>> -> memref<1024xf32, #tpu.memory_space<vmem>>
      %dma_start3A_717 = tpu.memref_slice %arg4[%add3A_712] : memref<25165824xf32, #tpu.memory_space<hbm>> -> memref<1024xf32, #tpu.memory_space<hbm>>
      %dma_start3A_718 = tpu.memref_slice %arg4[%add3A_712] : memref<25165824xf32, #tpu.memory_space<hbm>> -> memref<1024xf32, #tpu.memory_space<hbm>>
      %dma_start3A_719 = arith.constant 7168 : i32
      %dma_start3A_720 = tpu.memref_slice %arg7[%dma_start3A_713, %dma_start3A_719] : memref<2x24576xf32, #tpu.memory_space<vmem>> -> memref<1x1024xf32, #tpu.memory_space<vmem>>
      %dma_start3A_721 = tpu.memref_squeeze %dma_start3A_720 : memref<1x1024xf32, #tpu.memory_space<vmem>> -> memref<1024xf32, #tpu.memory_space<vmem>>
      tpu.enqueue_dma source(%dma_start3A_721 : memref<1024xf32, #tpu.memory_space<vmem>>) target(%dma_start3A_718 : memref<1024xf32, #tpu.memory_space<hbm>>) target_semaphore(%arg11 : memref<!tpu.dma_semaphore, #tpu.memory_space<semaphore_mem>>)
      %mul3A_722 = arith.constant 1024 : i32
      %mul3A_723 = arith.muli %add3A_695, %mul3A_722 : i32
      %add3A_724 = arith.constant 8388608 : i32
      %add3A_725 = arith.addi %add3A_724, %mul3A_723 : i32
      %dma_start3A_726 = arith.constant 1 : i32
      %dma_start3A_727 = arith.constant 8192 : i32
      %dma_start3A_728 = tpu.memref_slice %arg7[%dma_start3A_726, %dma_start3A_727] : memref<2x24576xf32, #tpu.memory_space<vmem>> -> memref<1x1024xf32, #tpu.memory_space<vmem>>
      %dma_start3A_729 = tpu.memref_squeeze %dma_start3A_728 : memref<1x1024xf32, #tpu.memory_space<vmem>> -> memref<1024xf32, #tpu.memory_space<vmem>>
      %dma_start3A_730 = tpu.memref_slice %arg4[%add3A_725] : memref<25165824xf32, #tpu.memory_space<hbm>> -> memref<1024xf32, #tpu.memory_space<hbm>>
      %dma_start3A_731 = tpu.memref_slice %arg4[%add3A_725] : memref<25165824xf32, #tpu.memory_space<hbm>> -> memref<1024xf32, #tpu.memory_space<hbm>>
      %dma_start3A_732 = arith.constant 8192 : i32
      %dma_start3A_733 = tpu.memref_slice %arg7[%dma_start3A_726, %dma_start3A_732] : memref<2x24576xf32, #tpu.memory_space<vmem>> -> memref<1x1024xf32, #tpu.memory_space<vmem>>
      %dma_start3A_734 = tpu.memref_squeeze %dma_start3A_733 : memref<1x1024xf32, #tpu.memory_space<vmem>> -> memref<1024xf32, #tpu.memory_space<vmem>>
      tpu.enqueue_dma source(%dma_start3A_734 : memref<1024xf32, #tpu.memory_space<vmem>>) target(%dma_start3A_731 : memref<1024xf32, #tpu.memory_space<hbm>>) target_semaphore(%arg11 : memref<!tpu.dma_semaphore, #tpu.memory_space<semaphore_mem>>)
      %mul3A_735 = arith.constant 1024 : i32
      %mul3A_736 = arith.muli %add3A_695, %mul3A_735 : i32
      %add3A_737 = arith.constant 12582912 : i32
      %add3A_738 = arith.addi %add3A_737, %mul3A_736 : i32
      %dma_start3A_739 = arith.constant 1 : i32
      %dma_start3A_740 = arith.constant 9216 : i32
      %dma_start3A_741 = tpu.memref_slice %arg7[%dma_start3A_739, %dma_start3A_740] : memref<2x24576xf32, #tpu.memory_space<vmem>> -> memref<1x1024xf32, #tpu.memory_space<vmem>>
      %dma_start3A_742 = tpu.memref_squeeze %dma_start3A_741 : memref<1x1024xf32, #tpu.memory_space<vmem>> -> memref<1024xf32, #tpu.memory_space<vmem>>
      %dma_start3A_743 = tpu.memref_slice %arg4[%add3A_738] : memref<25165824xf32, #tpu.memory_space<hbm>> -> memref<1024xf32, #tpu.memory_space<hbm>>
      %dma_start3A_744 = tpu.memref_slice %arg4[%add3A_738] : memref<25165824xf32, #tpu.memory_space<hbm>> -> memref<1024xf32, #tpu.memory_space<hbm>>
      %dma_start3A_745 = arith.constant 9216 : i32
      %dma_start3A_746 = tpu.memref_slice %arg7[%dma_start3A_739, %dma_start3A_745] : memref<2x24576xf32, #tpu.memory_space<vmem>> -> memref<1x1024xf32, #tpu.memory_space<vmem>>
      %dma_start3A_747 = tpu.memref_squeeze %dma_start3A_746 : memref<1x1024xf32, #tpu.memory_space<vmem>> -> memref<1024xf32, #tpu.memory_space<vmem>>
      tpu.enqueue_dma source(%dma_start3A_747 : memref<1024xf32, #tpu.memory_space<vmem>>) target(%dma_start3A_744 : memref<1024xf32, #tpu.memory_space<hbm>>) target_semaphore(%arg11 : memref<!tpu.dma_semaphore, #tpu.memory_space<semaphore_mem>>)
      %mul3A_748 = arith.constant 1024 : i32
      %mul3A_749 = arith.muli %add3A_695, %mul3A_748 : i32
      %add3A_750 = arith.constant 16777216 : i32
      %add3A_751 = arith.addi %add3A_750, %mul3A_749 : i32
      %dma_start3A_752 = arith.constant 1 : i32
      %dma_start3A_753 = arith.constant 10240 : i32
      %dma_start3A_754 = tpu.memref_slice %arg7[%dma_start3A_752, %dma_start3A_753] : memref<2x24576xf32, #tpu.memory_space<vmem>> -> memref<1x1024xf32, #tpu.memory_space<vmem>>
      %dma_start3A_755 = tpu.memref_squeeze %dma_start3A_754 : memref<1x1024xf32, #tpu.memory_space<vmem>> -> memref<1024xf32, #tpu.memory_space<vmem>>
      %dma_start3A_756 = tpu.memref_slice %arg4[%add3A_751] : memref<25165824xf32, #tpu.memory_space<hbm>> -> memref<1024xf32, #tpu.memory_space<hbm>>
      %dma_start3A_757 = tpu.memref_slice %arg4[%add3A_751] : memref<25165824xf32, #tpu.memory_space<hbm>> -> memref<1024xf32, #tpu.memory_space<hbm>>
      %dma_start3A_758 = arith.constant 10240 : i32
      %dma_start3A_759 = tpu.memref_slice %arg7[%dma_start3A_752, %dma_start3A_758] : memref<2x24576xf32, #tpu.memory_space<vmem>> -> memref<1x1024xf32, #tpu.memory_space<vmem>>
      %dma_start3A_760 = tpu.memref_squeeze %dma_start3A_759 : memref<1x1024xf32, #tpu.memory_space<vmem>> -> memref<1024xf32, #tpu.memory_space<vmem>>
      tpu.enqueue_dma source(%dma_start3A_760 : memref<1024xf32, #tpu.memory_space<vmem>>) target(%dma_start3A_757 : memref<1024xf32, #tpu.memory_space<hbm>>) target_semaphore(%arg11 : memref<!tpu.dma_semaphore, #tpu.memory_space<semaphore_mem>>)
      %mul3A_761 = arith.constant 1024 : i32
      %mul3A_762 = arith.muli %add3A_695, %mul3A_761 : i32
      %add3A_763 = arith.constant 20971520 : i32
      %add3A_764 = arith.addi %add3A_763, %mul3A_762 : i32
      %dma_start3A_765 = arith.constant 1 : i32
      %dma_start3A_766 = arith.constant 11264 : i32
      %dma_start3A_767 = tpu.memref_slice %arg7[%dma_start3A_765, %dma_start3A_766] : memref<2x24576xf32, #tpu.memory_space<vmem>> -> memref<1x1024xf32, #tpu.memory_space<vmem>>
      %dma_start3A_768 = tpu.memref_squeeze %dma_start3A_767 : memref<1x1024xf32, #tpu.memory_space<vmem>> -> memref<1024xf32, #tpu.memory_space<vmem>>
      %dma_start3A_769 = tpu.memref_slice %arg4[%add3A_764] : memref<25165824xf32, #tpu.memory_space<hbm>> -> memref<1024xf32, #tpu.memory_space<hbm>>
      %dma_start3A_770 = tpu.memref_slice %arg4[%add3A_764] : memref<25165824xf32, #tpu.memory_space<hbm>> -> memref<1024xf32, #tpu.memory_space<hbm>>
      %dma_start3A_771 = arith.constant 11264 : i32
      %dma_start3A_772 = tpu.memref_slice %arg7[%dma_start3A_765, %dma_start3A_771] : memref<2x24576xf32, #tpu.memory_space<vmem>> -> memref<1x1024xf32, #tpu.memory_space<vmem>>
      %dma_start3A_773 = tpu.memref_squeeze %dma_start3A_772 : memref<1x1024xf32, #tpu.memory_space<vmem>> -> memref<1024xf32, #tpu.memory_space<vmem>>
      tpu.enqueue_dma source(%dma_start3A_773 : memref<1024xf32, #tpu.memory_space<vmem>>) target(%dma_start3A_770 : memref<1024xf32, #tpu.memory_space<hbm>>) target_semaphore(%arg11 : memref<!tpu.dma_semaphore, #tpu.memory_space<semaphore_mem>>)
      %mul3A_774 = arith.constant 4 : i32
      %mul3A_775 = arith.muli %add3A_588, %mul3A_774 : i32
      %add3A_776 = arith.addi %mul3A_2, %mul3A_775 : i32
      %add3A_777 = arith.constant 2 : i32
      %add3A_778 = arith.addi %add3A_776, %add3A_777 : i32
      %mul3A_779 = arith.constant 1024 : i32
      %mul3A_780 = arith.muli %add3A_778, %mul3A_779 : i32
      %add3A_781 = arith.constant 0 : i32
      %add3A_782 = arith.addi %add3A_781, %mul3A_780 : i32
      %dma_start3A_783 = arith.constant 1 : i32
      %dma_start3A_784 = arith.constant 12288 : i32
      %dma_start3A_785 = tpu.memref_slice %arg7[%dma_start3A_783, %dma_start3A_784] : memref<2x24576xf32, #tpu.memory_space<vmem>> -> memref<1x1024xf32, #tpu.memory_space<vmem>>
      %dma_start3A_786 = tpu.memref_squeeze %dma_start3A_785 : memref<1x1024xf32, #tpu.memory_space<vmem>> -> memref<1024xf32, #tpu.memory_space<vmem>>
      %dma_start3A_787 = tpu.memref_slice %arg4[%add3A_782] : memref<25165824xf32, #tpu.memory_space<hbm>> -> memref<1024xf32, #tpu.memory_space<hbm>>
      %dma_start3A_788 = tpu.memref_slice %arg4[%add3A_782] : memref<25165824xf32, #tpu.memory_space<hbm>> -> memref<1024xf32, #tpu.memory_space<hbm>>
      %dma_start3A_789 = arith.constant 12288 : i32
      %dma_start3A_790 = tpu.memref_slice %arg7[%dma_start3A_783, %dma_start3A_789] : memref<2x24576xf32, #tpu.memory_space<vmem>> -> memref<1x1024xf32, #tpu.memory_space<vmem>>
      %dma_start3A_791 = tpu.memref_squeeze %dma_start3A_790 : memref<1x1024xf32, #tpu.memory_space<vmem>> -> memref<1024xf32, #tpu.memory_space<vmem>>
      tpu.enqueue_dma source(%dma_start3A_791 : memref<1024xf32, #tpu.memory_space<vmem>>) target(%dma_start3A_788 : memref<1024xf32, #tpu.memory_space<hbm>>) target_semaphore(%arg11 : memref<!tpu.dma_semaphore, #tpu.memory_space<semaphore_mem>>)
      %mul3A_792 = arith.constant 1024 : i32
      %mul3A_793 = arith.muli %add3A_778, %mul3A_792 : i32
      %add3A_794 = arith.constant 4194304 : i32
      %add3A_795 = arith.addi %add3A_794, %mul3A_793 : i32
      %dma_start3A_796 = arith.constant 1 : i32
      %dma_start3A_797 = arith.constant 13312 : i32
      %dma_start3A_798 = tpu.memref_slice %arg7[%dma_start3A_796, %dma_start3A_797] : memref<2x24576xf32, #tpu.memory_space<vmem>> -> memref<1x1024xf32, #tpu.memory_space<vmem>>
      %dma_start3A_799 = tpu.memref_squeeze %dma_start3A_798 : memref<1x1024xf32, #tpu.memory_space<vmem>> -> memref<1024xf32, #tpu.memory_space<vmem>>
      %dma_start3A_800 = tpu.memref_slice %arg4[%add3A_795] : memref<25165824xf32, #tpu.memory_space<hbm>> -> memref<1024xf32, #tpu.memory_space<hbm>>
      %dma_start3A_801 = tpu.memref_slice %arg4[%add3A_795] : memref<25165824xf32, #tpu.memory_space<hbm>> -> memref<1024xf32, #tpu.memory_space<hbm>>
      %dma_start3A_802 = arith.constant 13312 : i32
      %dma_start3A_803 = tpu.memref_slice %arg7[%dma_start3A_796, %dma_start3A_802] : memref<2x24576xf32, #tpu.memory_space<vmem>> -> memref<1x1024xf32, #tpu.memory_space<vmem>>
      %dma_start3A_804 = tpu.memref_squeeze %dma_start3A_803 : memref<1x1024xf32, #tpu.memory_space<vmem>> -> memref<1024xf32, #tpu.memory_space<vmem>>
      tpu.enqueue_dma source(%dma_start3A_804 : memref<1024xf32, #tpu.memory_space<vmem>>) target(%dma_start3A_801 : memref<1024xf32, #tpu.memory_space<hbm>>) target_semaphore(%arg11 : memref<!tpu.dma_semaphore, #tpu.memory_space<semaphore_mem>>)
      %mul3A_805 = arith.constant 1024 : i32
      %mul3A_806 = arith.muli %add3A_778, %mul3A_805 : i32
      %add3A_807 = arith.constant 8388608 : i32
      %add3A_808 = arith.addi %add3A_807, %mul3A_806 : i32
      %dma_start3A_809 = arith.constant 1 : i32
      %dma_start3A_810 = arith.constant 14336 : i32
      %dma_start3A_811 = tpu.memref_slice %arg7[%dma_start3A_809, %dma_start3A_810] : memref<2x24576xf32, #tpu.memory_space<vmem>> -> memref<1x1024xf32, #tpu.memory_space<vmem>>
      %dma_start3A_812 = tpu.memref_squeeze %dma_start3A_811 : memref<1x1024xf32, #tpu.memory_space<vmem>> -> memref<1024xf32, #tpu.memory_space<vmem>>
      %dma_start3A_813 = tpu.memref_slice %arg4[%add3A_808] : memref<25165824xf32, #tpu.memory_space<hbm>> -> memref<1024xf32, #tpu.memory_space<hbm>>
      %dma_start3A_814 = tpu.memref_slice %arg4[%add3A_808] : memref<25165824xf32, #tpu.memory_space<hbm>> -> memref<1024xf32, #tpu.memory_space<hbm>>
      %dma_start3A_815 = arith.constant 14336 : i32
      %dma_start3A_816 = tpu.memref_slice %arg7[%dma_start3A_809, %dma_start3A_815] : memref<2x24576xf32, #tpu.memory_space<vmem>> -> memref<1x1024xf32, #tpu.memory_space<vmem>>
      %dma_start3A_817 = tpu.memref_squeeze %dma_start3A_816 : memref<1x1024xf32, #tpu.memory_space<vmem>> -> memref<1024xf32, #tpu.memory_space<vmem>>
      tpu.enqueue_dma source(%dma_start3A_817 : memref<1024xf32, #tpu.memory_space<vmem>>) target(%dma_start3A_814 : memref<1024xf32, #tpu.memory_space<hbm>>) target_semaphore(%arg11 : memref<!tpu.dma_semaphore, #tpu.memory_space<semaphore_mem>>)
      %mul3A_818 = arith.constant 1024 : i32
      %mul3A_819 = arith.muli %add3A_778, %mul3A_818 : i32
      %add3A_820 = arith.constant 12582912 : i32
      %add3A_821 = arith.addi %add3A_820, %mul3A_819 : i32
      %dma_start3A_822 = arith.constant 1 : i32
      %dma_start3A_823 = arith.constant 15360 : i32
      %dma_start3A_824 = tpu.memref_slice %arg7[%dma_start3A_822, %dma_start3A_823] : memref<2x24576xf32, #tpu.memory_space<vmem>> -> memref<1x1024xf32, #tpu.memory_space<vmem>>
      %dma_start3A_825 = tpu.memref_squeeze %dma_start3A_824 : memref<1x1024xf32, #tpu.memory_space<vmem>> -> memref<1024xf32, #tpu.memory_space<vmem>>
      %dma_start3A_826 = tpu.memref_slice %arg4[%add3A_821] : memref<25165824xf32, #tpu.memory_space<hbm>> -> memref<1024xf32, #tpu.memory_space<hbm>>
      %dma_start3A_827 = tpu.memref_slice %arg4[%add3A_821] : memref<25165824xf32, #tpu.memory_space<hbm>> -> memref<1024xf32, #tpu.memory_space<hbm>>
      %dma_start3A_828 = arith.constant 15360 : i32
      %dma_start3A_829 = tpu.memref_slice %arg7[%dma_start3A_822, %dma_start3A_828] : memref<2x24576xf32, #tpu.memory_space<vmem>> -> memref<1x1024xf32, #tpu.memory_space<vmem>>
      %dma_start3A_830 = tpu.memref_squeeze %dma_start3A_829 : memref<1x1024xf32, #tpu.memory_space<vmem>> -> memref<1024xf32, #tpu.memory_space<vmem>>
      tpu.enqueue_dma source(%dma_start3A_830 : memref<1024xf32, #tpu.memory_space<vmem>>) target(%dma_start3A_827 : memref<1024xf32, #tpu.memory_space<hbm>>) target_semaphore(%arg11 : memref<!tpu.dma_semaphore, #tpu.memory_space<semaphore_mem>>)
      %mul3A_831 = arith.constant 1024 : i32
      %mul3A_832 = arith.muli %add3A_778, %mul3A_831 : i32
      %add3A_833 = arith.constant 16777216 : i32
      %add3A_834 = arith.addi %add3A_833, %mul3A_832 : i32
      %dma_start3A_835 = arith.constant 1 : i32
      %dma_start3A_836 = arith.constant 16384 : i32
      %dma_start3A_837 = tpu.memref_slice %arg7[%dma_start3A_835, %dma_start3A_836] : memref<2x24576xf32, #tpu.memory_space<vmem>> -> memref<1x1024xf32, #tpu.memory_space<vmem>>
      %dma_start3A_838 = tpu.memref_squeeze %dma_start3A_837 : memref<1x1024xf32, #tpu.memory_space<vmem>> -> memref<1024xf32, #tpu.memory_space<vmem>>
      %dma_start3A_839 = tpu.memref_slice %arg4[%add3A_834] : memref<25165824xf32, #tpu.memory_space<hbm>> -> memref<1024xf32, #tpu.memory_space<hbm>>
      %dma_start3A_840 = tpu.memref_slice %arg4[%add3A_834] : memref<25165824xf32, #tpu.memory_space<hbm>> -> memref<1024xf32, #tpu.memory_space<hbm>>
      %dma_start3A_841 = arith.constant 16384 : i32
      %dma_start3A_842 = tpu.memref_slice %arg7[%dma_start3A_835, %dma_start3A_841] : memref<2x24576xf32, #tpu.memory_space<vmem>> -> memref<1x1024xf32, #tpu.memory_space<vmem>>
      %dma_start3A_843 = tpu.memref_squeeze %dma_start3A_842 : memref<1x1024xf32, #tpu.memory_space<vmem>> -> memref<1024xf32, #tpu.memory_space<vmem>>
      tpu.enqueue_dma source(%dma_start3A_843 : memref<1024xf32, #tpu.memory_space<vmem>>) target(%dma_start3A_840 : memref<1024xf32, #tpu.memory_space<hbm>>) target_semaphore(%arg11 : memref<!tpu.dma_semaphore, #tpu.memory_space<semaphore_mem>>)
      %mul3A_844 = arith.constant 1024 : i32
      %mul3A_845 = arith.muli %add3A_778, %mul3A_844 : i32
      %add3A_846 = arith.constant 20971520 : i32
      %add3A_847 = arith.addi %add3A_846, %mul3A_845 : i32
      %dma_start3A_848 = arith.constant 1 : i32
      %dma_start3A_849 = arith.constant 17408 : i32
      %dma_start3A_850 = tpu.memref_slice %arg7[%dma_start3A_848, %dma_start3A_849] : memref<2x24576xf32, #tpu.memory_space<vmem>> -> memref<1x1024xf32, #tpu.memory_space<vmem>>
      %dma_start3A_851 = tpu.memref_squeeze %dma_start3A_850 : memref<1x1024xf32, #tpu.memory_space<vmem>> -> memref<1024xf32, #tpu.memory_space<vmem>>
      %dma_start3A_852 = tpu.memref_slice %arg4[%add3A_847] : memref<25165824xf32, #tpu.memory_space<hbm>> -> memref<1024xf32, #tpu.memory_space<hbm>>
      %dma_start3A_853 = tpu.memref_slice %arg4[%add3A_847] : memref<25165824xf32, #tpu.memory_space<hbm>> -> memref<1024xf32, #tpu.memory_space<hbm>>
      %dma_start3A_854 = arith.constant 17408 : i32
      %dma_start3A_855 = tpu.memref_slice %arg7[%dma_start3A_848, %dma_start3A_854] : memref<2x24576xf32, #tpu.memory_space<vmem>> -> memref<1x1024xf32, #tpu.memory_space<vmem>>
      %dma_start3A_856 = tpu.memref_squeeze %dma_start3A_855 : memref<1x1024xf32, #tpu.memory_space<vmem>> -> memref<1024xf32, #tpu.memory_space<vmem>>
      tpu.enqueue_dma source(%dma_start3A_856 : memref<1024xf32, #tpu.memory_space<vmem>>) target(%dma_start3A_853 : memref<1024xf32, #tpu.memory_space<hbm>>) target_semaphore(%arg11 : memref<!tpu.dma_semaphore, #tpu.memory_space<semaphore_mem>>)
      %mul3A_857 = arith.constant 4 : i32
      %mul3A_858 = arith.muli %add3A_588, %mul3A_857 : i32
      %add3A_859 = arith.addi %mul3A_2, %mul3A_858 : i32
      %add3A_860 = arith.constant 3 : i32
      %add3A_861 = arith.addi %add3A_859, %add3A_860 : i32
      %mul3A_862 = arith.constant 1024 : i32
      %mul3A_863 = arith.muli %add3A_861, %mul3A_862 : i32
      %add3A_864 = arith.constant 0 : i32
      %add3A_865 = arith.addi %add3A_864, %mul3A_863 : i32
      %dma_start3A_866 = arith.constant 1 : i32
      %dma_start3A_867 = arith.constant 18432 : i32
      %dma_start3A_868 = tpu.memref_slice %arg7[%dma_start3A_866, %dma_start3A_867] : memref<2x24576xf32, #tpu.memory_space<vmem>> -> memref<1x1024xf32, #tpu.memory_space<vmem>>
      %dma_start3A_869 = tpu.memref_squeeze %dma_start3A_868 : memref<1x1024xf32, #tpu.memory_space<vmem>> -> memref<1024xf32, #tpu.memory_space<vmem>>
      %dma_start3A_870 = tpu.memref_slice %arg4[%add3A_865] : memref<25165824xf32, #tpu.memory_space<hbm>> -> memref<1024xf32, #tpu.memory_space<hbm>>
      %dma_start3A_871 = tpu.memref_slice %arg4[%add3A_865] : memref<25165824xf32, #tpu.memory_space<hbm>> -> memref<1024xf32, #tpu.memory_space<hbm>>
      %dma_start3A_872 = arith.constant 18432 : i32
      %dma_start3A_873 = tpu.memref_slice %arg7[%dma_start3A_866, %dma_start3A_872] : memref<2x24576xf32, #tpu.memory_space<vmem>> -> memref<1x1024xf32, #tpu.memory_space<vmem>>
      %dma_start3A_874 = tpu.memref_squeeze %dma_start3A_873 : memref<1x1024xf32, #tpu.memory_space<vmem>> -> memref<1024xf32, #tpu.memory_space<vmem>>
      tpu.enqueue_dma source(%dma_start3A_874 : memref<1024xf32, #tpu.memory_space<vmem>>) target(%dma_start3A_871 : memref<1024xf32, #tpu.memory_space<hbm>>) target_semaphore(%arg11 : memref<!tpu.dma_semaphore, #tpu.memory_space<semaphore_mem>>)
      %mul3A_875 = arith.constant 1024 : i32
      %mul3A_876 = arith.muli %add3A_861, %mul3A_875 : i32
      %add3A_877 = arith.constant 4194304 : i32
      %add3A_878 = arith.addi %add3A_877, %mul3A_876 : i32
      %dma_start3A_879 = arith.constant 1 : i32
      %dma_start3A_880 = arith.constant 19456 : i32
      %dma_start3A_881 = tpu.memref_slice %arg7[%dma_start3A_879, %dma_start3A_880] : memref<2x24576xf32, #tpu.memory_space<vmem>> -> memref<1x1024xf32, #tpu.memory_space<vmem>>
      %dma_start3A_882 = tpu.memref_squeeze %dma_start3A_881 : memref<1x1024xf32, #tpu.memory_space<vmem>> -> memref<1024xf32, #tpu.memory_space<vmem>>
      %dma_start3A_883 = tpu.memref_slice %arg4[%add3A_878] : memref<25165824xf32, #tpu.memory_space<hbm>> -> memref<1024xf32, #tpu.memory_space<hbm>>
      %dma_start3A_884 = tpu.memref_slice %arg4[%add3A_878] : memref<25165824xf32, #tpu.memory_space<hbm>> -> memref<1024xf32, #tpu.memory_space<hbm>>
      %dma_start3A_885 = arith.constant 19456 : i32
      %dma_start3A_886 = tpu.memref_slice %arg7[%dma_start3A_879, %dma_start3A_885] : memref<2x24576xf32, #tpu.memory_space<vmem>> -> memref<1x1024xf32, #tpu.memory_space<vmem>>
      %dma_start3A_887 = tpu.memref_squeeze %dma_start3A_886 : memref<1x1024xf32, #tpu.memory_space<vmem>> -> memref<1024xf32, #tpu.memory_space<vmem>>
      tpu.enqueue_dma source(%dma_start3A_887 : memref<1024xf32, #tpu.memory_space<vmem>>) target(%dma_start3A_884 : memref<1024xf32, #tpu.memory_space<hbm>>) target_semaphore(%arg11 : memref<!tpu.dma_semaphore, #tpu.memory_space<semaphore_mem>>)
      %mul3A_888 = arith.constant 1024 : i32
      %mul3A_889 = arith.muli %add3A_861, %mul3A_888 : i32
      %add3A_890 = arith.constant 8388608 : i32
      %add3A_891 = arith.addi %add3A_890, %mul3A_889 : i32
      %dma_start3A_892 = arith.constant 1 : i32
      %dma_start3A_893 = arith.constant 20480 : i32
      %dma_start3A_894 = tpu.memref_slice %arg7[%dma_start3A_892, %dma_start3A_893] : memref<2x24576xf32, #tpu.memory_space<vmem>> -> memref<1x1024xf32, #tpu.memory_space<vmem>>
      %dma_start3A_895 = tpu.memref_squeeze %dma_start3A_894 : memref<1x1024xf32, #tpu.memory_space<vmem>> -> memref<1024xf32, #tpu.memory_space<vmem>>
      %dma_start3A_896 = tpu.memref_slice %arg4[%add3A_891] : memref<25165824xf32, #tpu.memory_space<hbm>> -> memref<1024xf32, #tpu.memory_space<hbm>>
      %dma_start3A_897 = tpu.memref_slice %arg4[%add3A_891] : memref<25165824xf32, #tpu.memory_space<hbm>> -> memref<1024xf32, #tpu.memory_space<hbm>>
      %dma_start3A_898 = arith.constant 20480 : i32
      %dma_start3A_899 = tpu.memref_slice %arg7[%dma_start3A_892, %dma_start3A_898] : memref<2x24576xf32, #tpu.memory_space<vmem>> -> memref<1x1024xf32, #tpu.memory_space<vmem>>
      %dma_start3A_900 = tpu.memref_squeeze %dma_start3A_899 : memref<1x1024xf32, #tpu.memory_space<vmem>> -> memref<1024xf32, #tpu.memory_space<vmem>>
      tpu.enqueue_dma source(%dma_start3A_900 : memref<1024xf32, #tpu.memory_space<vmem>>) target(%dma_start3A_897 : memref<1024xf32, #tpu.memory_space<hbm>>) target_semaphore(%arg11 : memref<!tpu.dma_semaphore, #tpu.memory_space<semaphore_mem>>)
      %mul3A_901 = arith.constant 1024 : i32
      %mul3A_902 = arith.muli %add3A_861, %mul3A_901 : i32
      %add3A_903 = arith.constant 12582912 : i32
      %add3A_904 = arith.addi %add3A_903, %mul3A_902 : i32
      %dma_start3A_905 = arith.constant 1 : i32
      %dma_start3A_906 = arith.constant 21504 : i32
      %dma_start3A_907 = tpu.memref_slice %arg7[%dma_start3A_905, %dma_start3A_906] : memref<2x24576xf32, #tpu.memory_space<vmem>> -> memref<1x1024xf32, #tpu.memory_space<vmem>>
      %dma_start3A_908 = tpu.memref_squeeze %dma_start3A_907 : memref<1x1024xf32, #tpu.memory_space<vmem>> -> memref<1024xf32, #tpu.memory_space<vmem>>
      %dma_start3A_909 = tpu.memref_slice %arg4[%add3A_904] : memref<25165824xf32, #tpu.memory_space<hbm>> -> memref<1024xf32, #tpu.memory_space<hbm>>
      %dma_start3A_910 = tpu.memref_slice %arg4[%add3A_904] : memref<25165824xf32, #tpu.memory_space<hbm>> -> memref<1024xf32, #tpu.memory_space<hbm>>
      %dma_start3A_911 = arith.constant 21504 : i32
      %dma_start3A_912 = tpu.memref_slice %arg7[%dma_start3A_905, %dma_start3A_911] : memref<2x24576xf32, #tpu.memory_space<vmem>> -> memref<1x1024xf32, #tpu.memory_space<vmem>>
      %dma_start3A_913 = tpu.memref_squeeze %dma_start3A_912 : memref<1x1024xf32, #tpu.memory_space<vmem>> -> memref<1024xf32, #tpu.memory_space<vmem>>
      tpu.enqueue_dma source(%dma_start3A_913 : memref<1024xf32, #tpu.memory_space<vmem>>) target(%dma_start3A_910 : memref<1024xf32, #tpu.memory_space<hbm>>) target_semaphore(%arg11 : memref<!tpu.dma_semaphore, #tpu.memory_space<semaphore_mem>>)
      %mul3A_914 = arith.constant 1024 : i32
      %mul3A_915 = arith.muli %add3A_861, %mul3A_914 : i32
      %add3A_916 = arith.constant 16777216 : i32
      %add3A_917 = arith.addi %add3A_916, %mul3A_915 : i32
      %dma_start3A_918 = arith.constant 1 : i32
      %dma_start3A_919 = arith.constant 22528 : i32
      %dma_start3A_920 = tpu.memref_slice %arg7[%dma_start3A_918, %dma_start3A_919] : memref<2x24576xf32, #tpu.memory_space<vmem>> -> memref<1x1024xf32, #tpu.memory_space<vmem>>
      %dma_start3A_921 = tpu.memref_squeeze %dma_start3A_920 : memref<1x1024xf32, #tpu.memory_space<vmem>> -> memref<1024xf32, #tpu.memory_space<vmem>>
      %dma_start3A_922 = tpu.memref_slice %arg4[%add3A_917] : memref<25165824xf32, #tpu.memory_space<hbm>> -> memref<1024xf32, #tpu.memory_space<hbm>>
      %dma_start3A_923 = tpu.memref_slice %arg4[%add3A_917] : memref<25165824xf32, #tpu.memory_space<hbm>> -> memref<1024xf32, #tpu.memory_space<hbm>>
      %dma_start3A_924 = arith.constant 22528 : i32
      %dma_start3A_925 = tpu.memref_slice %arg7[%dma_start3A_918, %dma_start3A_924] : memref<2x24576xf32, #tpu.memory_space<vmem>> -> memref<1x1024xf32, #tpu.memory_space<vmem>>
      %dma_start3A_926 = tpu.memref_squeeze %dma_start3A_925 : memref<1x1024xf32, #tpu.memory_space<vmem>> -> memref<1024xf32, #tpu.memory_space<vmem>>
      tpu.enqueue_dma source(%dma_start3A_926 : memref<1024xf32, #tpu.memory_space<vmem>>) target(%dma_start3A_923 : memref<1024xf32, #tpu.memory_space<hbm>>) target_semaphore(%arg11 : memref<!tpu.dma_semaphore, #tpu.memory_space<semaphore_mem>>)
      %mul3A_927 = arith.constant 1024 : i32
      %mul3A_928 = arith.muli %add3A_861, %mul3A_927 : i32
      %add3A_929 = arith.constant 20971520 : i32
      %add3A_930 = arith.addi %add3A_929, %mul3A_928 : i32
      %dma_start3A_931 = arith.constant 1 : i32
      %dma_start3A_932 = arith.constant 23552 : i32
      %dma_start3A_933 = tpu.memref_slice %arg7[%dma_start3A_931, %dma_start3A_932] : memref<2x24576xf32, #tpu.memory_space<vmem>> -> memref<1x1024xf32, #tpu.memory_space<vmem>>
      %dma_start3A_934 = tpu.memref_squeeze %dma_start3A_933 : memref<1x1024xf32, #tpu.memory_space<vmem>> -> memref<1024xf32, #tpu.memory_space<vmem>>
      %dma_start3A_935 = tpu.memref_slice %arg4[%add3A_930] : memref<25165824xf32, #tpu.memory_space<hbm>> -> memref<1024xf32, #tpu.memory_space<hbm>>
      %dma_start3A_936 = tpu.memref_slice %arg4[%add3A_930] : memref<25165824xf32, #tpu.memory_space<hbm>> -> memref<1024xf32, #tpu.memory_space<hbm>>
      %dma_start3A_937 = arith.constant 23552 : i32
      %dma_start3A_938 = tpu.memref_slice %arg7[%dma_start3A_931, %dma_start3A_937] : memref<2x24576xf32, #tpu.memory_space<vmem>> -> memref<1x1024xf32, #tpu.memory_space<vmem>>
      %dma_start3A_939 = tpu.memref_squeeze %dma_start3A_938 : memref<1x1024xf32, #tpu.memory_space<vmem>> -> memref<1024xf32, #tpu.memory_space<vmem>>
      tpu.enqueue_dma source(%dma_start3A_939 : memref<1024xf32, #tpu.memory_space<vmem>>) target(%dma_start3A_936 : memref<1024xf32, #tpu.memory_space<hbm>>) target_semaphore(%arg11 : memref<!tpu.dma_semaphore, #tpu.memory_space<semaphore_mem>>)
      %le3A_940 = arith.constant 14 : i32
      %le3A_941 = arith.cmpi sle, %scan3A_229, %le3A_940 : i32
      %convert_element_type3A_942 = arith.extui %le3A_941 : i1 to i32
      %cond3A_943 = arith.constant 0 : i32
      %cond3A_944 = arith.cmpi ne, %convert_element_type3A_942, %cond3A_943 : i32
      scf.if %cond3A_944 {
        %add3A_945 = arith.constant 2 : i32
        %add3A_946 = arith.addi %add3A_588, %add3A_945 : i32
        %mul3A_947 = arith.constant 512 : i32
        %mul3A_948 = arith.muli %add3A_946, %mul3A_947 : i32
        %dma_start3A_949 = arith.constant 1 : i32
        %dma_start3A_950 = arith.constant 0 : i32
        %dma_start3A_951 = arith.constant 0 : i32
        %dma_start3A_952 = tpu.memref_slice %arg6[%dma_start3A_949, %dma_start3A_950, %dma_start3A_951] : memref<2x512x48xf32, #tpu.memory_space<vmem>> -> memref<1x512x48xf32, #tpu.memory_space<vmem>>
        %dma_start3A_953 = tpu.memref_squeeze %dma_start3A_952 : memref<1x512x48xf32, #tpu.memory_space<vmem>> -> memref<512x48xf32, #tpu.memory_space<vmem>>
        %dma_start3A_954 = tpu.memref_slice %arg5[%mul3A_948] : memref<16384xi32, #tpu.memory_space<vmem>> -> memref<512xi32, #tpu.memory_space<vmem>>
        %dma_start3A_955 = arith.constant 0 : i32
        %dma_start3A_956 = arith.constant 0 : i32
        %dma_start3A_957 = tpu.memref_slice %arg2[%dma_start3A_955, %dma_start3A_956] : memref<1048576x48xf32, #tpu.memory_space<hbm>> -> memref<1048576x48xf32, #tpu.memory_space<hbm>>
        tpu.enqueue_indirect_dma source(%dma_start3A_957 : memref<1048576x48xf32, #tpu.memory_space<hbm>>) target(%dma_start3A_953 : memref<512x48xf32, #tpu.memory_space<vmem>>) offsets(%dma_start3A_954 : memref<512xi32, #tpu.memory_space<vmem>>) semaphore(%arg9 : memref<!tpu.dma_semaphore, #tpu.memory_space<semaphore_mem>>)
      } else {
      }
    }
    %scan3A_207 = arith.constant 16 : i32
    %dma_wait3A = arith.constant 0 : i32
    %dma_wait3A_208 = arith.constant 0 : i32
    %dma_wait3A_209 = tpu.memref_slice %arg7[%dma_wait3A, %dma_wait3A_208] : memref<2x24576xf32, #tpu.memory_space<vmem>> -> memref<1x24576xf32, #tpu.memory_space<vmem>>
    %dma_wait3A_210 = tpu.memref_squeeze %dma_wait3A_209 : memref<1x24576xf32, #tpu.memory_space<vmem>> -> memref<24576xf32, #tpu.memory_space<vmem>>
    %dma_wait3A_211 = arith.constant 0 : i32
    %dma_wait3A_212 = tpu.memref_slice %arg4[%dma_wait3A_211] : memref<25165824xf32, #tpu.memory_space<hbm>> -> memref<24576xf32, #tpu.memory_space<hbm>>
    %dma_wait3A_213 = arith.constant 0 : i32
    %dma_wait3A_214 = tpu.memref_slice %arg7[%dma_wait3A, %dma_wait3A_213] : memref<2x24576xf32, #tpu.memory_space<vmem>> -> memref<1x24576xf32, #tpu.memory_space<vmem>>
    %dma_wait3A_215 = tpu.memref_squeeze %dma_wait3A_214 : memref<1x24576xf32, #tpu.memory_space<vmem>> -> memref<24576xf32, #tpu.memory_space<vmem>>
    %dma_wait3A_216 = arith.constant 0 : i32
    %dma_wait3A_217 = tpu.memref_slice %arg4[%dma_wait3A_216] : memref<25165824xf32, #tpu.memory_space<hbm>> -> memref<24576xf32, #tpu.memory_space<hbm>>
    tpu.wait_dma2 semaphore(%arg10 : memref<!tpu.dma_semaphore, #tpu.memory_space<semaphore_mem>>) src(%dma_wait3A_217 : memref<24576xf32, #tpu.memory_space<hbm>>) dst(%dma_wait3A_215 : memref<24576xf32, #tpu.memory_space<vmem>>)
    %dma_wait3A_218 = arith.constant 1 : i32
    %dma_wait3A_219 = arith.constant 0 : i32
    %dma_wait3A_220 = tpu.memref_slice %arg7[%dma_wait3A_218, %dma_wait3A_219] : memref<2x24576xf32, #tpu.memory_space<vmem>> -> memref<1x24576xf32, #tpu.memory_space<vmem>>
    %dma_wait3A_221 = tpu.memref_squeeze %dma_wait3A_220 : memref<1x24576xf32, #tpu.memory_space<vmem>> -> memref<24576xf32, #tpu.memory_space<vmem>>
    %dma_wait3A_222 = arith.constant 0 : i32
    %dma_wait3A_223 = tpu.memref_slice %arg4[%dma_wait3A_222] : memref<25165824xf32, #tpu.memory_space<hbm>> -> memref<24576xf32, #tpu.memory_space<hbm>>
    %dma_wait3A_224 = arith.constant 0 : i32
    %dma_wait3A_225 = tpu.memref_slice %arg7[%dma_wait3A_218, %dma_wait3A_224] : memref<2x24576xf32, #tpu.memory_space<vmem>> -> memref<1x24576xf32, #tpu.memory_space<vmem>>
    %dma_wait3A_226 = tpu.memref_squeeze %dma_wait3A_225 : memref<1x24576xf32, #tpu.memory_space<vmem>> -> memref<24576xf32, #tpu.memory_space<vmem>>
    %dma_wait3A_227 = arith.constant 0 : i32
    %dma_wait3A_228 = tpu.memref_slice %arg4[%dma_wait3A_227] : memref<25165824xf32, #tpu.memory_space<hbm>> -> memref<24576xf32, #tpu.memory_space<hbm>>
    tpu.wait_dma2 semaphore(%arg11 : memref<!tpu.dma_semaphore, #tpu.memory_space<semaphore_mem>>) src(%dma_wait3A_228 : memref<24576xf32, #tpu.memory_space<hbm>>) dst(%dma_wait3A_226 : memref<24576xf32, #tpu.memory_space<vmem>>)
    return
  }
}

#map = affine_map<(d0, d1) -> (0, 0, 0, 0, 0)>
#map1 = affine_map<(d0, d1) -> (0)>
module attributes {stable_mosaic.version = 14 : i64} {
  func.func @_transpose_kernel(%arg0: i32, %arg1: i32, %arg2: memref<1024x6x8x8x128xf32, #tpu.memory_space<hbm>>, %arg3: memref<50331648xf32, #tpu.memory_space<hbm>>, %arg4: memref<2x6x8x128xf32, #tpu.memory_space<vmem>>, %arg5: memref<2x6144xf32, #tpu.memory_space<vmem>>, %arg6: memref<!tpu.dma_semaphore, #tpu.memory_space<semaphore_mem>>, %arg7: memref<!tpu.dma_semaphore, #tpu.memory_space<semaphore_mem>>, %arg8: memref<!tpu.dma_semaphore, #tpu.memory_space<semaphore_mem>>, %arg9: memref<!tpu.dma_semaphore, #tpu.memory_space<semaphore_mem>>) attributes {dimension_semantics = [#tpu.dimension_semantics<core_parallel>, #tpu.dimension_semantics<subcore_parallel>], iteration_bounds = array<i64: 2, 16>, scalar_prefetch = 0 : i64, scratch_operands = 6 : i64, tpu.core_type = #tpu.core_type<sc_vector_subcore>, window_params = [{transform_indices = #map}, {transform_indices = #map1}]} {
    %mul3A = arith.constant 2 : i32
    %mul3A_0 = arith.muli %arg1, %mul3A : i32
    %add3A = arith.addi %mul3A_0, %arg0 : i32
    %mul3A_1 = arith.constant 32 : i32
    %mul3A_2 = arith.muli %add3A, %mul3A_1 : i32
    %iota3A = tpu.iota {dimensions = array<i32: 0>} : vector<16xi32>
    %add3A_3 = arith.constant 0 : i32
    %add3A_4 = arith.addi %mul3A_2, %add3A_3 : i32
    %dma_start3A = arith.constant 0 : i32
    %dma_start3A_5 = arith.constant 0 : i32
    %dma_start3A_6 = arith.constant 0 : i32
    %dma_start3A_7 = arith.constant 0 : i32
    %dma_start3A_8 = arith.constant 0 : i32
    %dma_start3A_9 = tpu.memref_slice %arg4[%dma_start3A_5, %dma_start3A_6, %dma_start3A_7, %dma_start3A_8] : memref<2x6x8x128xf32, #tpu.memory_space<vmem>> -> memref<1x6x8x128xf32, #tpu.memory_space<vmem>>
    %dma_start3A_10 = tpu.memref_squeeze %dma_start3A_9 : memref<1x6x8x128xf32, #tpu.memory_space<vmem>> -> memref<6x8x128xf32, #tpu.memory_space<vmem>>
    %dma_start3A_11 = arith.constant 0 : i32
    %dma_start3A_12 = arith.constant 0 : i32
    %dma_start3A_13 = arith.constant 0 : i32
    %dma_start3A_14 = tpu.memref_slice %arg2[%add3A_4, %dma_start3A_11, %dma_start3A, %dma_start3A_12, %dma_start3A_13] : memref<1024x6x8x8x128xf32, #tpu.memory_space<hbm>> -> memref<1x6x1x8x128xf32, #tpu.memory_space<hbm>>
    %dma_start3A_15 = tpu.memref_squeeze %dma_start3A_14 : memref<1x6x1x8x128xf32, #tpu.memory_space<hbm>> -> memref<6x8x128xf32, #tpu.memory_space<hbm>>
    %dma_start3A_16 = arith.constant 0 : i32
    %dma_start3A_17 = arith.constant 0 : i32
    %dma_start3A_18 = arith.constant 0 : i32
    %dma_start3A_19 = tpu.memref_slice %arg4[%dma_start3A_5, %dma_start3A_16, %dma_start3A_17, %dma_start3A_18] : memref<2x6x8x128xf32, #tpu.memory_space<vmem>> -> memref<1x6x8x128xf32, #tpu.memory_space<vmem>>
    %dma_start3A_20 = tpu.memref_squeeze %dma_start3A_19 : memref<1x6x8x128xf32, #tpu.memory_space<vmem>> -> memref<6x8x128xf32, #tpu.memory_space<vmem>>
    %dma_start3A_21 = arith.constant 0 : i32
    %dma_start3A_22 = arith.constant 0 : i32
    %dma_start3A_23 = arith.constant 0 : i32
    %dma_start3A_24 = tpu.memref_slice %arg2[%add3A_4, %dma_start3A_21, %dma_start3A, %dma_start3A_22, %dma_start3A_23] : memref<1024x6x8x8x128xf32, #tpu.memory_space<hbm>> -> memref<1x6x1x8x128xf32, #tpu.memory_space<hbm>>
    %dma_start3A_25 = tpu.memref_squeeze %dma_start3A_24 : memref<1x6x1x8x128xf32, #tpu.memory_space<hbm>> -> memref<6x8x128xf32, #tpu.memory_space<hbm>>
    tpu.enqueue_dma source(%dma_start3A_25 : memref<6x8x128xf32, #tpu.memory_space<hbm>>) target(%dma_start3A_20 : memref<6x8x128xf32, #tpu.memory_space<vmem>>) target_semaphore(%arg6 : memref<!tpu.dma_semaphore, #tpu.memory_space<semaphore_mem>>)
    %add3A_26 = arith.constant 0 : i32
    %add3A_27 = arith.addi %mul3A_2, %add3A_26 : i32
    %dma_start3A_28 = arith.constant 1 : i32
    %dma_start3A_29 = arith.constant 1 : i32
    %dma_start3A_30 = arith.constant 0 : i32
    %dma_start3A_31 = arith.constant 0 : i32
    %dma_start3A_32 = arith.constant 0 : i32
    %dma_start3A_33 = tpu.memref_slice %arg4[%dma_start3A_29, %dma_start3A_30, %dma_start3A_31, %dma_start3A_32] : memref<2x6x8x128xf32, #tpu.memory_space<vmem>> -> memref<1x6x8x128xf32, #tpu.memory_space<vmem>>
    %dma_start3A_34 = tpu.memref_squeeze %dma_start3A_33 : memref<1x6x8x128xf32, #tpu.memory_space<vmem>> -> memref<6x8x128xf32, #tpu.memory_space<vmem>>
    %dma_start3A_35 = arith.constant 0 : i32
    %dma_start3A_36 = arith.constant 0 : i32
    %dma_start3A_37 = arith.constant 0 : i32
    %dma_start3A_38 = tpu.memref_slice %arg2[%add3A_27, %dma_start3A_35, %dma_start3A_28, %dma_start3A_36, %dma_start3A_37] : memref<1024x6x8x8x128xf32, #tpu.memory_space<hbm>> -> memref<1x6x1x8x128xf32, #tpu.memory_space<hbm>>
    %dma_start3A_39 = tpu.memref_squeeze %dma_start3A_38 : memref<1x6x1x8x128xf32, #tpu.memory_space<hbm>> -> memref<6x8x128xf32, #tpu.memory_space<hbm>>
    %dma_start3A_40 = arith.constant 0 : i32
    %dma_start3A_41 = arith.constant 0 : i32
    %dma_start3A_42 = arith.constant 0 : i32
    %dma_start3A_43 = tpu.memref_slice %arg4[%dma_start3A_29, %dma_start3A_40, %dma_start3A_41, %dma_start3A_42] : memref<2x6x8x128xf32, #tpu.memory_space<vmem>> -> memref<1x6x8x128xf32, #tpu.memory_space<vmem>>
    %dma_start3A_44 = tpu.memref_squeeze %dma_start3A_43 : memref<1x6x8x128xf32, #tpu.memory_space<vmem>> -> memref<6x8x128xf32, #tpu.memory_space<vmem>>
    %dma_start3A_45 = arith.constant 0 : i32
    %dma_start3A_46 = arith.constant 0 : i32
    %dma_start3A_47 = arith.constant 0 : i32
    %dma_start3A_48 = tpu.memref_slice %arg2[%add3A_27, %dma_start3A_45, %dma_start3A_28, %dma_start3A_46, %dma_start3A_47] : memref<1024x6x8x8x128xf32, #tpu.memory_space<hbm>> -> memref<1x6x1x8x128xf32, #tpu.memory_space<hbm>>
    %dma_start3A_49 = tpu.memref_squeeze %dma_start3A_48 : memref<1x6x1x8x128xf32, #tpu.memory_space<hbm>> -> memref<6x8x128xf32, #tpu.memory_space<hbm>>
    tpu.enqueue_dma source(%dma_start3A_49 : memref<6x8x128xf32, #tpu.memory_space<hbm>>) target(%dma_start3A_44 : memref<6x8x128xf32, #tpu.memory_space<vmem>>) target_semaphore(%arg7 : memref<!tpu.dma_semaphore, #tpu.memory_space<semaphore_mem>>)
    %scan3A = arith.constant 0 : i32
    %scan3A_50 = arith.constant 0 : i32
    %scan3A_51 = arith.constant 128 : i32
    %scan3A_52 = arith.addi %scan3A_50, %scan3A_51 : i32
    %scan3A_53 = arith.constant 1 : i32
    scf.for %scan3A_88 = %scan3A_50 to %scan3A_52 step %scan3A_53  : i32 {
      %mul3A_89 = arith.constant 2 : i32
      %mul3A_90 = arith.muli %mul3A_89, %scan3A_88 : i32
      %add3A_91 = arith.constant 0 : i32
      %add3A_92 = arith.addi %mul3A_90, %add3A_91 : i32
      %jit3A = arith.constant 8 : i32
      %div3A = arith.divsi %add3A_92, %jit3A : i32
      %sign3A = arith.constant 0 : i32
      %sign3A_93 = arith.cmpi sgt, %add3A_92, %sign3A : i32
      %sign3A_94 = arith.extui %sign3A_93 : i1 to i32
      %sign3A_95 = arith.constant 0 : i32
      %sign3A_96 = arith.cmpi slt, %add3A_92, %sign3A_95 : i32
      %sign3A_97 = arith.extui %sign3A_96 : i1 to i32
      %sign3A_98 = arith.subi %sign3A_94, %sign3A_97 : i32
      %sign3A_99 = arith.constant 0 : i32
      %sign3A_100 = arith.cmpi sgt, %jit3A, %sign3A_99 : i32
      %sign3A_101 = arith.extui %sign3A_100 : i1 to i32
      %sign3A_102 = arith.constant 0 : i32
      %sign3A_103 = arith.cmpi slt, %jit3A, %sign3A_102 : i32
      %sign3A_104 = arith.extui %sign3A_103 : i1 to i32
      %sign3A_105 = arith.subi %sign3A_101, %sign3A_104 : i32
      %ne3A = arith.cmpi ne, %sign3A_98, %sign3A_105 : i32
      %rem3A = arith.remsi %add3A_92, %jit3A : i32
      %ne3A_106 = arith.constant 0 : i32
      %ne3A_107 = arith.cmpi ne, %rem3A, %ne3A_106 : i32
      %and3A = arith.andi %ne3A, %ne3A_107 : i1
      %sub3A = arith.constant 1 : i32
      %sub3A_108 = arith.subi %div3A, %sub3A : i32
      %select_n3A = arith.select %and3A, %sub3A_108, %div3A : i32
      %add3A_109 = arith.addi %mul3A_2, %select_n3A : i32
      %jit3A_110 = arith.constant 8 : i32
      %eq3A = arith.constant 0 : i32
      %eq3A_111 = arith.cmpi eq, %jit3A_110, %eq3A : i32
      %jit3A_112 = arith.constant 1 : i32
      %select_n3A_113 = arith.select %eq3A_111, %jit3A_112, %jit3A_110 : i32
      %rem3A_114 = arith.remsi %add3A_92, %select_n3A_113 : i32
      %ne3A_115 = arith.constant 0 : i32
      %ne3A_116 = arith.cmpi ne, %rem3A_114, %ne3A_115 : i32
      %lt3A = arith.constant 0 : i32
      %lt3A_117 = arith.cmpi slt, %rem3A_114, %lt3A : i32
      %lt3A_118 = arith.constant 0 : i32
      %lt3A_119 = arith.cmpi slt, %select_n3A_113, %lt3A_118 : i32
      %ne3A_120 = arith.xori %lt3A_117, %lt3A_119 : i1
      %and3A_121 = arith.andi %ne3A_120, %ne3A_116 : i1
      %add3A_122 = arith.addi %rem3A_114, %select_n3A_113 : i32
      %select_n3A_123 = arith.select %and3A_121, %add3A_122, %rem3A_114 : i32
      %dma_wait3A_124 = arith.constant 0 : i32
      %dma_wait3A_125 = arith.constant 0 : i32
      %dma_wait3A_126 = arith.constant 0 : i32
      %dma_wait3A_127 = arith.constant 0 : i32
      %dma_wait3A_128 = tpu.memref_slice %arg4[%dma_wait3A_124, %dma_wait3A_125, %dma_wait3A_126, %dma_wait3A_127] : memref<2x6x8x128xf32, #tpu.memory_space<vmem>> -> memref<1x6x8x128xf32, #tpu.memory_space<vmem>>
      %dma_wait3A_129 = tpu.memref_squeeze %dma_wait3A_128 : memref<1x6x8x128xf32, #tpu.memory_space<vmem>> -> memref<6x8x128xf32, #tpu.memory_space<vmem>>
      %dma_wait3A_130 = arith.constant 0 : i32
      %dma_wait3A_131 = arith.constant 0 : i32
      %dma_wait3A_132 = arith.constant 0 : i32
      %dma_wait3A_133 = tpu.memref_slice %arg2[%add3A_109, %dma_wait3A_130, %select_n3A_123, %dma_wait3A_131, %dma_wait3A_132] : memref<1024x6x8x8x128xf32, #tpu.memory_space<hbm>> -> memref<1x6x1x8x128xf32, #tpu.memory_space<hbm>>
      %dma_wait3A_134 = tpu.memref_squeeze %dma_wait3A_133 : memref<1x6x1x8x128xf32, #tpu.memory_space<hbm>> -> memref<6x8x128xf32, #tpu.memory_space<hbm>>
      %dma_wait3A_135 = arith.constant 0 : i32
      %dma_wait3A_136 = arith.constant 0 : i32
      %dma_wait3A_137 = arith.constant 0 : i32
      %dma_wait3A_138 = tpu.memref_slice %arg4[%dma_wait3A_124, %dma_wait3A_135, %dma_wait3A_136, %dma_wait3A_137] : memref<2x6x8x128xf32, #tpu.memory_space<vmem>> -> memref<1x6x8x128xf32, #tpu.memory_space<vmem>>
      %dma_wait3A_139 = tpu.memref_squeeze %dma_wait3A_138 : memref<1x6x8x128xf32, #tpu.memory_space<vmem>> -> memref<6x8x128xf32, #tpu.memory_space<vmem>>
      %dma_wait3A_140 = arith.constant 0 : i32
      %dma_wait3A_141 = arith.constant 0 : i32
      %dma_wait3A_142 = arith.constant 0 : i32
      %dma_wait3A_143 = tpu.memref_slice %arg2[%add3A_109, %dma_wait3A_140, %select_n3A_123, %dma_wait3A_141, %dma_wait3A_142] : memref<1024x6x8x8x128xf32, #tpu.memory_space<hbm>> -> memref<1x6x1x8x128xf32, #tpu.memory_space<hbm>>
      %dma_wait3A_144 = tpu.memref_squeeze %dma_wait3A_143 : memref<1x6x1x8x128xf32, #tpu.memory_space<hbm>> -> memref<6x8x128xf32, #tpu.memory_space<hbm>>
      tpu.wait_dma2 semaphore(%arg6 : memref<!tpu.dma_semaphore, #tpu.memory_space<semaphore_mem>>) src(%dma_wait3A_144 : memref<6x8x128xf32, #tpu.memory_space<hbm>>) dst(%dma_wait3A_139 : memref<6x8x128xf32, #tpu.memory_space<vmem>>)
      %gt3A = arith.constant 0 : i32
      %gt3A_145 = arith.cmpi sgt, %scan3A_88, %gt3A : i32
      %convert_element_type3A = arith.extui %gt3A_145 : i1 to i32
      %cond3A = arith.constant 0 : i32
      %cond3A_146 = arith.cmpi ne, %convert_element_type3A, %cond3A : i32
      scf.if %cond3A_146 {
        %sub3A_264 = arith.constant 2 : i32
        %sub3A_265 = arith.subi %add3A_92, %sub3A_264 : i32
        %mul3A_266 = arith.constant 8 : i32
        %mul3A_267 = arith.muli %mul3A_2, %mul3A_266 : i32
        %add3A_268 = arith.addi %mul3A_267, %sub3A_265 : i32
        %mul3A_269 = arith.constant 128 : i32
        %mul3A_270 = arith.muli %add3A_268, %mul3A_269 : i32
        %mul3A_271 = arith.constant 48 : i32
        %mul3A_272 = arith.muli %mul3A_270, %mul3A_271 : i32
        %dma_wait3A_273 = arith.constant 0 : i32
        %dma_wait3A_274 = arith.constant 0 : i32
        %dma_wait3A_275 = tpu.memref_slice %arg5[%dma_wait3A_273, %dma_wait3A_274] : memref<2x6144xf32, #tpu.memory_space<vmem>> -> memref<1x6144xf32, #tpu.memory_space<vmem>>
        %dma_wait3A_276 = tpu.memref_squeeze %dma_wait3A_275 : memref<1x6144xf32, #tpu.memory_space<vmem>> -> memref<6144xf32, #tpu.memory_space<vmem>>
        %dma_wait3A_277 = tpu.memref_slice %arg3[%mul3A_272] : memref<50331648xf32, #tpu.memory_space<hbm>> -> memref<6144xf32, #tpu.memory_space<hbm>>
        %dma_wait3A_278 = tpu.memref_slice %arg3[%mul3A_272] : memref<50331648xf32, #tpu.memory_space<hbm>> -> memref<6144xf32, #tpu.memory_space<hbm>>
        %dma_wait3A_279 = arith.constant 0 : i32
        %dma_wait3A_280 = tpu.memref_slice %arg5[%dma_wait3A_273, %dma_wait3A_279] : memref<2x6144xf32, #tpu.memory_space<vmem>> -> memref<1x6144xf32, #tpu.memory_space<vmem>>
        %dma_wait3A_281 = tpu.memref_squeeze %dma_wait3A_280 : memref<1x6144xf32, #tpu.memory_space<vmem>> -> memref<6144xf32, #tpu.memory_space<vmem>>
        tpu.wait_dma2 semaphore(%arg8 : memref<!tpu.dma_semaphore, #tpu.memory_space<semaphore_mem>>) src(%dma_wait3A_281 : memref<6144xf32, #tpu.memory_space<vmem>>) dst(%dma_wait3A_278 : memref<6144xf32, #tpu.memory_space<hbm>>)
      } else {
      }
      %parallel_loop3A = arith.constant 0 : i32
      %parallel_loop3A_147 = arith.constant 48 : i32
      %parallel_loop3A_148 = arith.constant 1 : i32
      scf.for %parallel_loop3A_264 = %parallel_loop3A to %parallel_loop3A_147 step %parallel_loop3A_148  : i32 {
        %parallel_loop3A_265 = arith.constant 6 : i32
        %parallel_loop3A_266 = arith.divsi %parallel_loop3A_264, %parallel_loop3A_265 : i32
        %parallel_loop3A_267 = arith.constant 0 : i32
        %parallel_loop3A_268 = arith.cmpi sgt, %parallel_loop3A_264, %parallel_loop3A_267 : i32
        %parallel_loop3A_269 = arith.extui %parallel_loop3A_268 : i1 to i32
        %parallel_loop3A_270 = arith.constant 0 : i32
        %parallel_loop3A_271 = arith.cmpi slt, %parallel_loop3A_264, %parallel_loop3A_270 : i32
        %parallel_loop3A_272 = arith.extui %parallel_loop3A_271 : i1 to i32
        %parallel_loop3A_273 = arith.subi %parallel_loop3A_269, %parallel_loop3A_272 : i32
        %parallel_loop3A_274 = arith.constant 0 : i32
        %parallel_loop3A_275 = arith.cmpi sgt, %parallel_loop3A_265, %parallel_loop3A_274 : i32
        %parallel_loop3A_276 = arith.extui %parallel_loop3A_275 : i1 to i32
        %parallel_loop3A_277 = arith.constant 0 : i32
        %parallel_loop3A_278 = arith.cmpi slt, %parallel_loop3A_265, %parallel_loop3A_277 : i32
        %parallel_loop3A_279 = arith.extui %parallel_loop3A_278 : i1 to i32
        %parallel_loop3A_280 = arith.subi %parallel_loop3A_276, %parallel_loop3A_279 : i32
        %parallel_loop3A_281 = arith.cmpi ne, %parallel_loop3A_273, %parallel_loop3A_280 : i32
        %parallel_loop3A_282 = arith.remsi %parallel_loop3A_264, %parallel_loop3A_265 : i32
        %parallel_loop3A_283 = arith.constant 0 : i32
        %parallel_loop3A_284 = arith.cmpi ne, %parallel_loop3A_282, %parallel_loop3A_283 : i32
        %parallel_loop3A_285 = arith.andi %parallel_loop3A_281, %parallel_loop3A_284 : i1
        %parallel_loop3A_286 = arith.constant 1 : i32
        %parallel_loop3A_287 = arith.subi %parallel_loop3A_266, %parallel_loop3A_286 : i32
        %parallel_loop3A_288 = arith.select %parallel_loop3A_285, %parallel_loop3A_287, %parallel_loop3A_266 : i32
        %parallel_loop3A_289 = arith.constant 6 : i32
        %parallel_loop3A_290 = arith.constant 0 : i32
        %parallel_loop3A_291 = arith.cmpi eq, %parallel_loop3A_289, %parallel_loop3A_290 : i32
        %parallel_loop3A_292 = arith.constant 1 : i32
        %parallel_loop3A_293 = arith.select %parallel_loop3A_291, %parallel_loop3A_292, %parallel_loop3A_289 : i32
        %parallel_loop3A_294 = arith.remsi %parallel_loop3A_264, %parallel_loop3A_293 : i32
        %parallel_loop3A_295 = arith.constant 0 : i32
        %parallel_loop3A_296 = arith.cmpi ne, %parallel_loop3A_294, %parallel_loop3A_295 : i32
        %parallel_loop3A_297 = arith.constant 0 : i32
        %parallel_loop3A_298 = arith.cmpi slt, %parallel_loop3A_294, %parallel_loop3A_297 : i32
        %parallel_loop3A_299 = arith.constant 0 : i32
        %parallel_loop3A_300 = arith.cmpi slt, %parallel_loop3A_293, %parallel_loop3A_299 : i32
        %parallel_loop3A_301 = arith.xori %parallel_loop3A_298, %parallel_loop3A_300 : i1
        %parallel_loop3A_302 = arith.andi %parallel_loop3A_301, %parallel_loop3A_296 : i1
        %parallel_loop3A_303 = arith.addi %parallel_loop3A_294, %parallel_loop3A_293 : i32
        %parallel_loop3A_304 = arith.select %parallel_loop3A_302, %parallel_loop3A_303, %parallel_loop3A_294 : i32
        %parallel_loop3A_305 = arith.constant 16 : i32
        %parallel_loop3A_306 = arith.muli %parallel_loop3A_288, %parallel_loop3A_305 : i32
        %parallel_loop3A_307 = vector.broadcast %parallel_loop3A_306 : i32 to vector<16xi32>
        %parallel_loop3A_308 = arith.addi %parallel_loop3A_307, %iota3A : vector<16xi32>
        %parallel_loop3A_309 = arith.constant 48 : i32
        %parallel_loop3A_310 = vector.broadcast %parallel_loop3A_309 : i32 to vector<16xi32>
        %parallel_loop3A_311 = arith.muli %parallel_loop3A_308, %parallel_loop3A_310 : vector<16xi32>
        %parallel_loop3A_312 = arith.constant 8 : i32
        %parallel_loop3A_313 = arith.muli %parallel_loop3A_304, %parallel_loop3A_312 : i32
        %parallel_loop3A_314 = vector.broadcast %parallel_loop3A_313 : i32 to vector<16xi32>
        %parallel_loop3A_315 = arith.addi %parallel_loop3A_311, %parallel_loop3A_314 : vector<16xi32>
        %parallel_loop3A_316 = arith.constant 16 : i32
        %parallel_loop3A_317 = arith.muli %parallel_loop3A_288, %parallel_loop3A_316 : i32
        %parallel_loop3A_318 = arith.constant 0 : i32
        %parallel_loop3A_319 = arith.constant 0 : i32
        %parallel_loop3A_320 = arith.index_cast %parallel_loop3A_318 : i32 to index
        %parallel_loop3A_321 = arith.index_cast %parallel_loop3A_304 : i32 to index
        %parallel_loop3A_322 = arith.index_cast %parallel_loop3A_319 : i32 to index
        %parallel_loop3A_323 = arith.index_cast %parallel_loop3A_317 : i32 to index
        %parallel_loop3A_324 = tpu.vector_load %arg4[%parallel_loop3A_320, %parallel_loop3A_321, %parallel_loop3A_322, %parallel_loop3A_323] {strides = array<i32>} : memref<2x6x8x128xf32, #tpu.memory_space<vmem>>, vector<16xf32>,
        %parallel_loop3A_325 = arith.constant 0 : i32
        %parallel_loop3A_326 = vector.broadcast %parallel_loop3A_325 : i32 to vector<16xi32>
        %parallel_loop3A_327 = arith.addi %parallel_loop3A_315, %parallel_loop3A_326 : vector<16xi32>
        %parallel_loop3A_328 = arith.constant 0 : i32
        %parallel_loop3A_329 = arith.constant 0 : i32
        %parallel_loop3A_330 = tpu.memref_slice %arg5[%parallel_loop3A_328, %parallel_loop3A_329] : memref<2x6144xf32, #tpu.memory_space<vmem>> -> memref<1x6144xf32, #tpu.memory_space<vmem>>
        %parallel_loop3A_331 = tpu.memref_squeeze %parallel_loop3A_330 : memref<1x6144xf32, #tpu.memory_space<vmem>> -> memref<6144xf32, #tpu.memory_space<vmem>>
        tpu.vector_store_idx %parallel_loop3A_331[%parallel_loop3A_327], %parallel_loop3A_324 : memref<6144xf32, #tpu.memory_space<vmem>>[vector<16xi32>], vector<16xf32>,
        %parallel_loop3A_332 = arith.constant 16 : i32
        %parallel_loop3A_333 = arith.muli %parallel_loop3A_288, %parallel_loop3A_332 : i32
        %parallel_loop3A_334 = arith.constant 0 : i32
        %parallel_loop3A_335 = arith.constant 1 : i32
        %parallel_loop3A_336 = arith.index_cast %parallel_loop3A_334 : i32 to index
        %parallel_loop3A_337 = arith.index_cast %parallel_loop3A_304 : i32 to index
        %parallel_loop3A_338 = arith.index_cast %parallel_loop3A_335 : i32 to index
        %parallel_loop3A_339 = arith.index_cast %parallel_loop3A_333 : i32 to index
        %parallel_loop3A_340 = tpu.vector_load %arg4[%parallel_loop3A_336, %parallel_loop3A_337, %parallel_loop3A_338, %parallel_loop3A_339] {strides = array<i32>} : memref<2x6x8x128xf32, #tpu.memory_space<vmem>>, vector<16xf32>,
        %parallel_loop3A_341 = arith.constant 1 : i32
        %parallel_loop3A_342 = vector.broadcast %parallel_loop3A_341 : i32 to vector<16xi32>
        %parallel_loop3A_343 = arith.addi %parallel_loop3A_315, %parallel_loop3A_342 : vector<16xi32>
        %parallel_loop3A_344 = arith.constant 0 : i32
        %parallel_loop3A_345 = arith.constant 0 : i32
        %parallel_loop3A_346 = tpu.memref_slice %arg5[%parallel_loop3A_344, %parallel_loop3A_345] : memref<2x6144xf32, #tpu.memory_space<vmem>> -> memref<1x6144xf32, #tpu.memory_space<vmem>>
        %parallel_loop3A_347 = tpu.memref_squeeze %parallel_loop3A_346 : memref<1x6144xf32, #tpu.memory_space<vmem>> -> memref<6144xf32, #tpu.memory_space<vmem>>
        tpu.vector_store_idx %parallel_loop3A_347[%parallel_loop3A_343], %parallel_loop3A_340 : memref<6144xf32, #tpu.memory_space<vmem>>[vector<16xi32>], vector<16xf32>,
        %parallel_loop3A_348 = arith.constant 16 : i32
        %parallel_loop3A_349 = arith.muli %parallel_loop3A_288, %parallel_loop3A_348 : i32
        %parallel_loop3A_350 = arith.constant 0 : i32
        %parallel_loop3A_351 = arith.constant 2 : i32
        %parallel_loop3A_352 = arith.index_cast %parallel_loop3A_350 : i32 to index
        %parallel_loop3A_353 = arith.index_cast %parallel_loop3A_304 : i32 to index
        %parallel_loop3A_354 = arith.index_cast %parallel_loop3A_351 : i32 to index
        %parallel_loop3A_355 = arith.index_cast %parallel_loop3A_349 : i32 to index
        %parallel_loop3A_356 = tpu.vector_load %arg4[%parallel_loop3A_352, %parallel_loop3A_353, %parallel_loop3A_354, %parallel_loop3A_355] {strides = array<i32>} : memref<2x6x8x128xf32, #tpu.memory_space<vmem>>, vector<16xf32>,
        %parallel_loop3A_357 = arith.constant 2 : i32
        %parallel_loop3A_358 = vector.broadcast %parallel_loop3A_357 : i32 to vector<16xi32>
        %parallel_loop3A_359 = arith.addi %parallel_loop3A_315, %parallel_loop3A_358 : vector<16xi32>
        %parallel_loop3A_360 = arith.constant 0 : i32
        %parallel_loop3A_361 = arith.constant 0 : i32
        %parallel_loop3A_362 = tpu.memref_slice %arg5[%parallel_loop3A_360, %parallel_loop3A_361] : memref<2x6144xf32, #tpu.memory_space<vmem>> -> memref<1x6144xf32, #tpu.memory_space<vmem>>
        %parallel_loop3A_363 = tpu.memref_squeeze %parallel_loop3A_362 : memref<1x6144xf32, #tpu.memory_space<vmem>> -> memref<6144xf32, #tpu.memory_space<vmem>>
        tpu.vector_store_idx %parallel_loop3A_363[%parallel_loop3A_359], %parallel_loop3A_356 : memref<6144xf32, #tpu.memory_space<vmem>>[vector<16xi32>], vector<16xf32>,
        %parallel_loop3A_364 = arith.constant 16 : i32
        %parallel_loop3A_365 = arith.muli %parallel_loop3A_288, %parallel_loop3A_364 : i32
        %parallel_loop3A_366 = arith.constant 0 : i32
        %parallel_loop3A_367 = arith.constant 3 : i32
        %parallel_loop3A_368 = arith.index_cast %parallel_loop3A_366 : i32 to index
        %parallel_loop3A_369 = arith.index_cast %parallel_loop3A_304 : i32 to index
        %parallel_loop3A_370 = arith.index_cast %parallel_loop3A_367 : i32 to index
        %parallel_loop3A_371 = arith.index_cast %parallel_loop3A_365 : i32 to index
        %parallel_loop3A_372 = tpu.vector_load %arg4[%parallel_loop3A_368, %parallel_loop3A_369, %parallel_loop3A_370, %parallel_loop3A_371] {strides = array<i32>} : memref<2x6x8x128xf32, #tpu.memory_space<vmem>>, vector<16xf32>,
        %parallel_loop3A_373 = arith.constant 3 : i32
        %parallel_loop3A_374 = vector.broadcast %parallel_loop3A_373 : i32 to vector<16xi32>
        %parallel_loop3A_375 = arith.addi %parallel_loop3A_315, %parallel_loop3A_374 : vector<16xi32>
        %parallel_loop3A_376 = arith.constant 0 : i32
        %parallel_loop3A_377 = arith.constant 0 : i32
        %parallel_loop3A_378 = tpu.memref_slice %arg5[%parallel_loop3A_376, %parallel_loop3A_377] : memref<2x6144xf32, #tpu.memory_space<vmem>> -> memref<1x6144xf32, #tpu.memory_space<vmem>>
        %parallel_loop3A_379 = tpu.memref_squeeze %parallel_loop3A_378 : memref<1x6144xf32, #tpu.memory_space<vmem>> -> memref<6144xf32, #tpu.memory_space<vmem>>
        tpu.vector_store_idx %parallel_loop3A_379[%parallel_loop3A_375], %parallel_loop3A_372 : memref<6144xf32, #tpu.memory_space<vmem>>[vector<16xi32>], vector<16xf32>,
        %parallel_loop3A_380 = arith.constant 16 : i32
        %parallel_loop3A_381 = arith.muli %parallel_loop3A_288, %parallel_loop3A_380 : i32
        %parallel_loop3A_382 = arith.constant 0 : i32
        %parallel_loop3A_383 = arith.constant 4 : i32
        %parallel_loop3A_384 = arith.index_cast %parallel_loop3A_382 : i32 to index
        %parallel_loop3A_385 = arith.index_cast %parallel_loop3A_304 : i32 to index
        %parallel_loop3A_386 = arith.index_cast %parallel_loop3A_383 : i32 to index
        %parallel_loop3A_387 = arith.index_cast %parallel_loop3A_381 : i32 to index
        %parallel_loop3A_388 = tpu.vector_load %arg4[%parallel_loop3A_384, %parallel_loop3A_385, %parallel_loop3A_386, %parallel_loop3A_387] {strides = array<i32>} : memref<2x6x8x128xf32, #tpu.memory_space<vmem>>, vector<16xf32>,
        %parallel_loop3A_389 = arith.constant 4 : i32
        %parallel_loop3A_390 = vector.broadcast %parallel_loop3A_389 : i32 to vector<16xi32>
        %parallel_loop3A_391 = arith.addi %parallel_loop3A_315, %parallel_loop3A_390 : vector<16xi32>
        %parallel_loop3A_392 = arith.constant 0 : i32
        %parallel_loop3A_393 = arith.constant 0 : i32
        %parallel_loop3A_394 = tpu.memref_slice %arg5[%parallel_loop3A_392, %parallel_loop3A_393] : memref<2x6144xf32, #tpu.memory_space<vmem>> -> memref<1x6144xf32, #tpu.memory_space<vmem>>
        %parallel_loop3A_395 = tpu.memref_squeeze %parallel_loop3A_394 : memref<1x6144xf32, #tpu.memory_space<vmem>> -> memref<6144xf32, #tpu.memory_space<vmem>>
        tpu.vector_store_idx %parallel_loop3A_395[%parallel_loop3A_391], %parallel_loop3A_388 : memref<6144xf32, #tpu.memory_space<vmem>>[vector<16xi32>], vector<16xf32>,
        %parallel_loop3A_396 = arith.constant 16 : i32
        %parallel_loop3A_397 = arith.muli %parallel_loop3A_288, %parallel_loop3A_396 : i32
        %parallel_loop3A_398 = arith.constant 0 : i32
        %parallel_loop3A_399 = arith.constant 5 : i32
        %parallel_loop3A_400 = arith.index_cast %parallel_loop3A_398 : i32 to index
        %parallel_loop3A_401 = arith.index_cast %parallel_loop3A_304 : i32 to index
        %parallel_loop3A_402 = arith.index_cast %parallel_loop3A_399 : i32 to index
        %parallel_loop3A_403 = arith.index_cast %parallel_loop3A_397 : i32 to index
        %parallel_loop3A_404 = tpu.vector_load %arg4[%parallel_loop3A_400, %parallel_loop3A_401, %parallel_loop3A_402, %parallel_loop3A_403] {strides = array<i32>} : memref<2x6x8x128xf32, #tpu.memory_space<vmem>>, vector<16xf32>,
        %parallel_loop3A_405 = arith.constant 5 : i32
        %parallel_loop3A_406 = vector.broadcast %parallel_loop3A_405 : i32 to vector<16xi32>
        %parallel_loop3A_407 = arith.addi %parallel_loop3A_315, %parallel_loop3A_406 : vector<16xi32>
        %parallel_loop3A_408 = arith.constant 0 : i32
        %parallel_loop3A_409 = arith.constant 0 : i32
        %parallel_loop3A_410 = tpu.memref_slice %arg5[%parallel_loop3A_408, %parallel_loop3A_409] : memref<2x6144xf32, #tpu.memory_space<vmem>> -> memref<1x6144xf32, #tpu.memory_space<vmem>>
        %parallel_loop3A_411 = tpu.memref_squeeze %parallel_loop3A_410 : memref<1x6144xf32, #tpu.memory_space<vmem>> -> memref<6144xf32, #tpu.memory_space<vmem>>
        tpu.vector_store_idx %parallel_loop3A_411[%parallel_loop3A_407], %parallel_loop3A_404 : memref<6144xf32, #tpu.memory_space<vmem>>[vector<16xi32>], vector<16xf32>,
        %parallel_loop3A_412 = arith.constant 16 : i32
        %parallel_loop3A_413 = arith.muli %parallel_loop3A_288, %parallel_loop3A_412 : i32
        %parallel_loop3A_414 = arith.constant 0 : i32
        %parallel_loop3A_415 = arith.constant 6 : i32
        %parallel_loop3A_416 = arith.index_cast %parallel_loop3A_414 : i32 to index
        %parallel_loop3A_417 = arith.index_cast %parallel_loop3A_304 : i32 to index
        %parallel_loop3A_418 = arith.index_cast %parallel_loop3A_415 : i32 to index
        %parallel_loop3A_419 = arith.index_cast %parallel_loop3A_413 : i32 to index
        %parallel_loop3A_420 = tpu.vector_load %arg4[%parallel_loop3A_416, %parallel_loop3A_417, %parallel_loop3A_418, %parallel_loop3A_419] {strides = array<i32>} : memref<2x6x8x128xf32, #tpu.memory_space<vmem>>, vector<16xf32>,
        %parallel_loop3A_421 = arith.constant 6 : i32
        %parallel_loop3A_422 = vector.broadcast %parallel_loop3A_421 : i32 to vector<16xi32>
        %parallel_loop3A_423 = arith.addi %parallel_loop3A_315, %parallel_loop3A_422 : vector<16xi32>
        %parallel_loop3A_424 = arith.constant 0 : i32
        %parallel_loop3A_425 = arith.constant 0 : i32
        %parallel_loop3A_426 = tpu.memref_slice %arg5[%parallel_loop3A_424, %parallel_loop3A_425] : memref<2x6144xf32, #tpu.memory_space<vmem>> -> memref<1x6144xf32, #tpu.memory_space<vmem>>
        %parallel_loop3A_427 = tpu.memref_squeeze %parallel_loop3A_426 : memref<1x6144xf32, #tpu.memory_space<vmem>> -> memref<6144xf32, #tpu.memory_space<vmem>>
        tpu.vector_store_idx %parallel_loop3A_427[%parallel_loop3A_423], %parallel_loop3A_420 : memref<6144xf32, #tpu.memory_space<vmem>>[vector<16xi32>], vector<16xf32>,
        %parallel_loop3A_428 = arith.constant 16 : i32
        %parallel_loop3A_429 = arith.muli %parallel_loop3A_288, %parallel_loop3A_428 : i32
        %parallel_loop3A_430 = arith.constant 0 : i32
        %parallel_loop3A_431 = arith.constant 7 : i32
        %parallel_loop3A_432 = arith.index_cast %parallel_loop3A_430 : i32 to index
        %parallel_loop3A_433 = arith.index_cast %parallel_loop3A_304 : i32 to index
        %parallel_loop3A_434 = arith.index_cast %parallel_loop3A_431 : i32 to index
        %parallel_loop3A_435 = arith.index_cast %parallel_loop3A_429 : i32 to index
        %parallel_loop3A_436 = tpu.vector_load %arg4[%parallel_loop3A_432, %parallel_loop3A_433, %parallel_loop3A_434, %parallel_loop3A_435] {strides = array<i32>} : memref<2x6x8x128xf32, #tpu.memory_space<vmem>>, vector<16xf32>,
        %parallel_loop3A_437 = arith.constant 7 : i32
        %parallel_loop3A_438 = vector.broadcast %parallel_loop3A_437 : i32 to vector<16xi32>
        %parallel_loop3A_439 = arith.addi %parallel_loop3A_315, %parallel_loop3A_438 : vector<16xi32>
        %parallel_loop3A_440 = arith.constant 0 : i32
        %parallel_loop3A_441 = arith.constant 0 : i32
        %parallel_loop3A_442 = tpu.memref_slice %arg5[%parallel_loop3A_440, %parallel_loop3A_441] : memref<2x6144xf32, #tpu.memory_space<vmem>> -> memref<1x6144xf32, #tpu.memory_space<vmem>>
        %parallel_loop3A_443 = tpu.memref_squeeze %parallel_loop3A_442 : memref<1x6144xf32, #tpu.memory_space<vmem>> -> memref<6144xf32, #tpu.memory_space<vmem>>
        tpu.vector_store_idx %parallel_loop3A_443[%parallel_loop3A_439], %parallel_loop3A_436 : memref<6144xf32, #tpu.memory_space<vmem>>[vector<16xi32>], vector<16xf32>,
      } {sc.loop_unroll_factor = 4 : i64, sc.parallel_access}
      %mul3A_149 = arith.constant 8 : i32
      %mul3A_150 = arith.muli %mul3A_2, %mul3A_149 : i32
      %add3A_151 = arith.addi %mul3A_150, %add3A_92 : i32
      %mul3A_152 = arith.constant 128 : i32
      %mul3A_153 = arith.muli %add3A_151, %mul3A_152 : i32
      %mul3A_154 = arith.constant 48 : i32
      %mul3A_155 = arith.muli %mul3A_153, %mul3A_154 : i32
      %dma_start3A_156 = arith.constant 0 : i32
      %dma_start3A_157 = arith.constant 0 : i32
      %dma_start3A_158 = tpu.memref_slice %arg5[%dma_start3A_156, %dma_start3A_157] : memref<2x6144xf32, #tpu.memory_space<vmem>> -> memref<1x6144xf32, #tpu.memory_space<vmem>>
      %dma_start3A_159 = tpu.memref_squeeze %dma_start3A_158 : memref<1x6144xf32, #tpu.memory_space<vmem>> -> memref<6144xf32, #tpu.memory_space<vmem>>
      %dma_start3A_160 = tpu.memref_slice %arg3[%mul3A_155] : memref<50331648xf32, #tpu.memory_space<hbm>> -> memref<6144xf32, #tpu.memory_space<hbm>>
      %dma_start3A_161 = tpu.memref_slice %arg3[%mul3A_155] : memref<50331648xf32, #tpu.memory_space<hbm>> -> memref<6144xf32, #tpu.memory_space<hbm>>
      %dma_start3A_162 = arith.constant 0 : i32
      %dma_start3A_163 = tpu.memref_slice %arg5[%dma_start3A_156, %dma_start3A_162] : memref<2x6144xf32, #tpu.memory_space<vmem>> -> memref<1x6144xf32, #tpu.memory_space<vmem>>
      %dma_start3A_164 = tpu.memref_squeeze %dma_start3A_163 : memref<1x6144xf32, #tpu.memory_space<vmem>> -> memref<6144xf32, #tpu.memory_space<vmem>>
      tpu.enqueue_dma source(%dma_start3A_164 : memref<6144xf32, #tpu.memory_space<vmem>>) target(%dma_start3A_161 : memref<6144xf32, #tpu.memory_space<hbm>>) target_semaphore(%arg8 : memref<!tpu.dma_semaphore, #tpu.memory_space<semaphore_mem>>)
      %le3A = arith.constant 126 : i32
      %le3A_165 = arith.cmpi sle, %scan3A_88, %le3A : i32
      %convert_element_type3A_166 = arith.extui %le3A_165 : i1 to i32
      %cond3A_167 = arith.constant 0 : i32
      %cond3A_168 = arith.cmpi ne, %convert_element_type3A_166, %cond3A_167 : i32
      scf.if %cond3A_168 {
        %add3A_264 = arith.constant 2 : i32
        %add3A_265 = arith.addi %add3A_92, %add3A_264 : i32
        %jit3A_266 = arith.constant 8 : i32
        %div3A_267 = arith.divsi %add3A_265, %jit3A_266 : i32
        %sign3A_268 = arith.constant 0 : i32
        %sign3A_269 = arith.cmpi sgt, %add3A_265, %sign3A_268 : i32
        %sign3A_270 = arith.extui %sign3A_269 : i1 to i32
        %sign3A_271 = arith.constant 0 : i32
        %sign3A_272 = arith.cmpi slt, %add3A_265, %sign3A_271 : i32
        %sign3A_273 = arith.extui %sign3A_272 : i1 to i32
        %sign3A_274 = arith.subi %sign3A_270, %sign3A_273 : i32
        %sign3A_275 = arith.constant 0 : i32
        %sign3A_276 = arith.cmpi sgt, %jit3A_266, %sign3A_275 : i32
        %sign3A_277 = arith.extui %sign3A_276 : i1 to i32
        %sign3A_278 = arith.constant 0 : i32
        %sign3A_279 = arith.cmpi slt, %jit3A_266, %sign3A_278 : i32
        %sign3A_280 = arith.extui %sign3A_279 : i1 to i32
        %sign3A_281 = arith.subi %sign3A_277, %sign3A_280 : i32
        %ne3A_282 = arith.cmpi ne, %sign3A_274, %sign3A_281 : i32
        %rem3A_283 = arith.remsi %add3A_265, %jit3A_266 : i32
        %ne3A_284 = arith.constant 0 : i32
        %ne3A_285 = arith.cmpi ne, %rem3A_283, %ne3A_284 : i32
        %and3A_286 = arith.andi %ne3A_282, %ne3A_285 : i1
        %sub3A_287 = arith.constant 1 : i32
        %sub3A_288 = arith.subi %div3A_267, %sub3A_287 : i32
        %select_n3A_289 = arith.select %and3A_286, %sub3A_288, %div3A_267 : i32
        %add3A_290 = arith.addi %mul3A_2, %select_n3A_289 : i32
        %jit3A_291 = arith.constant 8 : i32
        %eq3A_292 = arith.constant 0 : i32
        %eq3A_293 = arith.cmpi eq, %jit3A_291, %eq3A_292 : i32
        %jit3A_294 = arith.constant 1 : i32
        %select_n3A_295 = arith.select %eq3A_293, %jit3A_294, %jit3A_291 : i32
        %rem3A_296 = arith.remsi %add3A_265, %select_n3A_295 : i32
        %ne3A_297 = arith.constant 0 : i32
        %ne3A_298 = arith.cmpi ne, %rem3A_296, %ne3A_297 : i32
        %lt3A_299 = arith.constant 0 : i32
        %lt3A_300 = arith.cmpi slt, %rem3A_296, %lt3A_299 : i32
        %lt3A_301 = arith.constant 0 : i32
        %lt3A_302 = arith.cmpi slt, %select_n3A_295, %lt3A_301 : i32
        %ne3A_303 = arith.xori %lt3A_300, %lt3A_302 : i1
        %and3A_304 = arith.andi %ne3A_303, %ne3A_298 : i1
        %add3A_305 = arith.addi %rem3A_296, %select_n3A_295 : i32
        %select_n3A_306 = arith.select %and3A_304, %add3A_305, %rem3A_296 : i32
        %dma_start3A_307 = arith.constant 0 : i32
        %dma_start3A_308 = arith.constant 0 : i32
        %dma_start3A_309 = arith.constant 0 : i32
        %dma_start3A_310 = arith.constant 0 : i32
        %dma_start3A_311 = tpu.memref_slice %arg4[%dma_start3A_307, %dma_start3A_308, %dma_start3A_309, %dma_start3A_310] : memref<2x6x8x128xf32, #tpu.memory_space<vmem>> -> memref<1x6x8x128xf32, #tpu.memory_space<vmem>>
        %dma_start3A_312 = tpu.memref_squeeze %dma_start3A_311 : memref<1x6x8x128xf32, #tpu.memory_space<vmem>> -> memref<6x8x128xf32, #tpu.memory_space<vmem>>
        %dma_start3A_313 = arith.constant 0 : i32
        %dma_start3A_314 = arith.constant 0 : i32
        %dma_start3A_315 = arith.constant 0 : i32
        %dma_start3A_316 = tpu.memref_slice %arg2[%add3A_290, %dma_start3A_313, %select_n3A_306, %dma_start3A_314, %dma_start3A_315] : memref<1024x6x8x8x128xf32, #tpu.memory_space<hbm>> -> memref<1x6x1x8x128xf32, #tpu.memory_space<hbm>>
        %dma_start3A_317 = tpu.memref_squeeze %dma_start3A_316 : memref<1x6x1x8x128xf32, #tpu.memory_space<hbm>> -> memref<6x8x128xf32, #tpu.memory_space<hbm>>
        %dma_start3A_318 = arith.constant 0 : i32
        %dma_start3A_319 = arith.constant 0 : i32
        %dma_start3A_320 = arith.constant 0 : i32
        %dma_start3A_321 = tpu.memref_slice %arg4[%dma_start3A_307, %dma_start3A_318, %dma_start3A_319, %dma_start3A_320] : memref<2x6x8x128xf32, #tpu.memory_space<vmem>> -> memref<1x6x8x128xf32, #tpu.memory_space<vmem>>
        %dma_start3A_322 = tpu.memref_squeeze %dma_start3A_321 : memref<1x6x8x128xf32, #tpu.memory_space<vmem>> -> memref<6x8x128xf32, #tpu.memory_space<vmem>>
        %dma_start3A_323 = arith.constant 0 : i32
        %dma_start3A_324 = arith.constant 0 : i32
        %dma_start3A_325 = arith.constant 0 : i32
        %dma_start3A_326 = tpu.memref_slice %arg2[%add3A_290, %dma_start3A_323, %select_n3A_306, %dma_start3A_324, %dma_start3A_325] : memref<1024x6x8x8x128xf32, #tpu.memory_space<hbm>> -> memref<1x6x1x8x128xf32, #tpu.memory_space<hbm>>
        %dma_start3A_327 = tpu.memref_squeeze %dma_start3A_326 : memref<1x6x1x8x128xf32, #tpu.memory_space<hbm>> -> memref<6x8x128xf32, #tpu.memory_space<hbm>>
        tpu.enqueue_dma source(%dma_start3A_327 : memref<6x8x128xf32, #tpu.memory_space<hbm>>) target(%dma_start3A_322 : memref<6x8x128xf32, #tpu.memory_space<vmem>>) target_semaphore(%arg6 : memref<!tpu.dma_semaphore, #tpu.memory_space<semaphore_mem>>)
      } else {
      }
      %mul3A_169 = arith.constant 2 : i32
      %mul3A_170 = arith.muli %mul3A_169, %scan3A_88 : i32
      %add3A_171 = arith.constant 1 : i32
      %add3A_172 = arith.addi %mul3A_170, %add3A_171 : i32
      %jit3A_173 = arith.constant 8 : i32
      %div3A_174 = arith.divsi %add3A_172, %jit3A_173 : i32
      %sign3A_175 = arith.constant 0 : i32
      %sign3A_176 = arith.cmpi sgt, %add3A_172, %sign3A_175 : i32
      %sign3A_177 = arith.extui %sign3A_176 : i1 to i32
      %sign3A_178 = arith.constant 0 : i32
      %sign3A_179 = arith.cmpi slt, %add3A_172, %sign3A_178 : i32
      %sign3A_180 = arith.extui %sign3A_179 : i1 to i32
      %sign3A_181 = arith.subi %sign3A_177, %sign3A_180 : i32
      %sign3A_182 = arith.constant 0 : i32
      %sign3A_183 = arith.cmpi sgt, %jit3A_173, %sign3A_182 : i32
      %sign3A_184 = arith.extui %sign3A_183 : i1 to i32
      %sign3A_185 = arith.constant 0 : i32
      %sign3A_186 = arith.cmpi slt, %jit3A_173, %sign3A_185 : i32
      %sign3A_187 = arith.extui %sign3A_186 : i1 to i32
      %sign3A_188 = arith.subi %sign3A_184, %sign3A_187 : i32
      %ne3A_189 = arith.cmpi ne, %sign3A_181, %sign3A_188 : i32
      %rem3A_190 = arith.remsi %add3A_172, %jit3A_173 : i32
      %ne3A_191 = arith.constant 0 : i32
      %ne3A_192 = arith.cmpi ne, %rem3A_190, %ne3A_191 : i32
      %and3A_193 = arith.andi %ne3A_189, %ne3A_192 : i1
      %sub3A_194 = arith.constant 1 : i32
      %sub3A_195 = arith.subi %div3A_174, %sub3A_194 : i32
      %select_n3A_196 = arith.select %and3A_193, %sub3A_195, %div3A_174 : i32
      %add3A_197 = arith.addi %mul3A_2, %select_n3A_196 : i32
      %jit3A_198 = arith.constant 8 : i32
      %eq3A_199 = arith.constant 0 : i32
      %eq3A_200 = arith.cmpi eq, %jit3A_198, %eq3A_199 : i32
      %jit3A_201 = arith.constant 1 : i32
      %select_n3A_202 = arith.select %eq3A_200, %jit3A_201, %jit3A_198 : i32
      %rem3A_203 = arith.remsi %add3A_172, %select_n3A_202 : i32
      %ne3A_204 = arith.constant 0 : i32
      %ne3A_205 = arith.cmpi ne, %rem3A_203, %ne3A_204 : i32
      %lt3A_206 = arith.constant 0 : i32
      %lt3A_207 = arith.cmpi slt, %rem3A_203, %lt3A_206 : i32
      %lt3A_208 = arith.constant 0 : i32
      %lt3A_209 = arith.cmpi slt, %select_n3A_202, %lt3A_208 : i32
      %ne3A_210 = arith.xori %lt3A_207, %lt3A_209 : i1
      %and3A_211 = arith.andi %ne3A_210, %ne3A_205 : i1
      %add3A_212 = arith.addi %rem3A_203, %select_n3A_202 : i32
      %select_n3A_213 = arith.select %and3A_211, %add3A_212, %rem3A_203 : i32
      %dma_wait3A_214 = arith.constant 1 : i32
      %dma_wait3A_215 = arith.constant 0 : i32
      %dma_wait3A_216 = arith.constant 0 : i32
      %dma_wait3A_217 = arith.constant 0 : i32
      %dma_wait3A_218 = tpu.memref_slice %arg4[%dma_wait3A_214, %dma_wait3A_215, %dma_wait3A_216, %dma_wait3A_217] : memref<2x6x8x128xf32, #tpu.memory_space<vmem>> -> memref<1x6x8x128xf32, #tpu.memory_space<vmem>>
      %dma_wait3A_219 = tpu.memref_squeeze %dma_wait3A_218 : memref<1x6x8x128xf32, #tpu.memory_space<vmem>> -> memref<6x8x128xf32, #tpu.memory_space<vmem>>
      %dma_wait3A_220 = arith.constant 0 : i32
      %dma_wait3A_221 = arith.constant 0 : i32
      %dma_wait3A_222 = arith.constant 0 : i32
      %dma_wait3A_223 = tpu.memref_slice %arg2[%add3A_197, %dma_wait3A_220, %select_n3A_213, %dma_wait3A_221, %dma_wait3A_222] : memref<1024x6x8x8x128xf32, #tpu.memory_space<hbm>> -> memref<1x6x1x8x128xf32, #tpu.memory_space<hbm>>
      %dma_wait3A_224 = tpu.memref_squeeze %dma_wait3A_223 : memref<1x6x1x8x128xf32, #tpu.memory_space<hbm>> -> memref<6x8x128xf32, #tpu.memory_space<hbm>>
      %dma_wait3A_225 = arith.constant 0 : i32
      %dma_wait3A_226 = arith.constant 0 : i32
      %dma_wait3A_227 = arith.constant 0 : i32
      %dma_wait3A_228 = tpu.memref_slice %arg4[%dma_wait3A_214, %dma_wait3A_225, %dma_wait3A_226, %dma_wait3A_227] : memref<2x6x8x128xf32, #tpu.memory_space<vmem>> -> memref<1x6x8x128xf32, #tpu.memory_space<vmem>>
      %dma_wait3A_229 = tpu.memref_squeeze %dma_wait3A_228 : memref<1x6x8x128xf32, #tpu.memory_space<vmem>> -> memref<6x8x128xf32, #tpu.memory_space<vmem>>
      %dma_wait3A_230 = arith.constant 0 : i32
      %dma_wait3A_231 = arith.constant 0 : i32
      %dma_wait3A_232 = arith.constant 0 : i32
      %dma_wait3A_233 = tpu.memref_slice %arg2[%add3A_197, %dma_wait3A_230, %select_n3A_213, %dma_wait3A_231, %dma_wait3A_232] : memref<1024x6x8x8x128xf32, #tpu.memory_space<hbm>> -> memref<1x6x1x8x128xf32, #tpu.memory_space<hbm>>
      %dma_wait3A_234 = tpu.memref_squeeze %dma_wait3A_233 : memref<1x6x1x8x128xf32, #tpu.memory_space<hbm>> -> memref<6x8x128xf32, #tpu.memory_space<hbm>>
      tpu.wait_dma2 semaphore(%arg7 : memref<!tpu.dma_semaphore, #tpu.memory_space<semaphore_mem>>) src(%dma_wait3A_234 : memref<6x8x128xf32, #tpu.memory_space<hbm>>) dst(%dma_wait3A_229 : memref<6x8x128xf32, #tpu.memory_space<vmem>>)
      %gt3A_235 = arith.constant 0 : i32
      %gt3A_236 = arith.cmpi sgt, %scan3A_88, %gt3A_235 : i32
      %convert_element_type3A_237 = arith.extui %gt3A_236 : i1 to i32
      %cond3A_238 = arith.constant 0 : i32
      %cond3A_239 = arith.cmpi ne, %convert_element_type3A_237, %cond3A_238 : i32
      scf.if %cond3A_239 {
        %sub3A_264 = arith.constant 2 : i32
        %sub3A_265 = arith.subi %add3A_172, %sub3A_264 : i32
        %mul3A_266 = arith.constant 8 : i32
        %mul3A_267 = arith.muli %mul3A_2, %mul3A_266 : i32
        %add3A_268 = arith.addi %mul3A_267, %sub3A_265 : i32
        %mul3A_269 = arith.constant 128 : i32
        %mul3A_270 = arith.muli %add3A_268, %mul3A_269 : i32
        %mul3A_271 = arith.constant 48 : i32
        %mul3A_272 = arith.muli %mul3A_270, %mul3A_271 : i32
        %dma_wait3A_273 = arith.constant 1 : i32
        %dma_wait3A_274 = arith.constant 0 : i32
        %dma_wait3A_275 = tpu.memref_slice %arg5[%dma_wait3A_273, %dma_wait3A_274] : memref<2x6144xf32, #tpu.memory_space<vmem>> -> memref<1x6144xf32, #tpu.memory_space<vmem>>
        %dma_wait3A_276 = tpu.memref_squeeze %dma_wait3A_275 : memref<1x6144xf32, #tpu.memory_space<vmem>> -> memref<6144xf32, #tpu.memory_space<vmem>>
        %dma_wait3A_277 = tpu.memref_slice %arg3[%mul3A_272] : memref<50331648xf32, #tpu.memory_space<hbm>> -> memref<6144xf32, #tpu.memory_space<hbm>>
        %dma_wait3A_278 = tpu.memref_slice %arg3[%mul3A_272] : memref<50331648xf32, #tpu.memory_space<hbm>> -> memref<6144xf32, #tpu.memory_space<hbm>>
        %dma_wait3A_279 = arith.constant 0 : i32
        %dma_wait3A_280 = tpu.memref_slice %arg5[%dma_wait3A_273, %dma_wait3A_279] : memref<2x6144xf32, #tpu.memory_space<vmem>> -> memref<1x6144xf32, #tpu.memory_space<vmem>>
        %dma_wait3A_281 = tpu.memref_squeeze %dma_wait3A_280 : memref<1x6144xf32, #tpu.memory_space<vmem>> -> memref<6144xf32, #tpu.memory_space<vmem>>
        tpu.wait_dma2 semaphore(%arg9 : memref<!tpu.dma_semaphore, #tpu.memory_space<semaphore_mem>>) src(%dma_wait3A_281 : memref<6144xf32, #tpu.memory_space<vmem>>) dst(%dma_wait3A_278 : memref<6144xf32, #tpu.memory_space<hbm>>)
      } else {
      }
      %parallel_loop3A_240 = arith.constant 0 : i32
      %parallel_loop3A_241 = arith.constant 48 : i32
      %parallel_loop3A_242 = arith.constant 1 : i32
      scf.for %parallel_loop3A_264 = %parallel_loop3A_240 to %parallel_loop3A_241 step %parallel_loop3A_242  : i32 {
        %parallel_loop3A_265 = arith.constant 6 : i32
        %parallel_loop3A_266 = arith.divsi %parallel_loop3A_264, %parallel_loop3A_265 : i32
        %parallel_loop3A_267 = arith.constant 0 : i32
        %parallel_loop3A_268 = arith.cmpi sgt, %parallel_loop3A_264, %parallel_loop3A_267 : i32
        %parallel_loop3A_269 = arith.extui %parallel_loop3A_268 : i1 to i32
        %parallel_loop3A_270 = arith.constant 0 : i32
        %parallel_loop3A_271 = arith.cmpi slt, %parallel_loop3A_264, %parallel_loop3A_270 : i32
        %parallel_loop3A_272 = arith.extui %parallel_loop3A_271 : i1 to i32
        %parallel_loop3A_273 = arith.subi %parallel_loop3A_269, %parallel_loop3A_272 : i32
        %parallel_loop3A_274 = arith.constant 0 : i32
        %parallel_loop3A_275 = arith.cmpi sgt, %parallel_loop3A_265, %parallel_loop3A_274 : i32
        %parallel_loop3A_276 = arith.extui %parallel_loop3A_275 : i1 to i32
        %parallel_loop3A_277 = arith.constant 0 : i32
        %parallel_loop3A_278 = arith.cmpi slt, %parallel_loop3A_265, %parallel_loop3A_277 : i32
        %parallel_loop3A_279 = arith.extui %parallel_loop3A_278 : i1 to i32
        %parallel_loop3A_280 = arith.subi %parallel_loop3A_276, %parallel_loop3A_279 : i32
        %parallel_loop3A_281 = arith.cmpi ne, %parallel_loop3A_273, %parallel_loop3A_280 : i32
        %parallel_loop3A_282 = arith.remsi %parallel_loop3A_264, %parallel_loop3A_265 : i32
        %parallel_loop3A_283 = arith.constant 0 : i32
        %parallel_loop3A_284 = arith.cmpi ne, %parallel_loop3A_282, %parallel_loop3A_283 : i32
        %parallel_loop3A_285 = arith.andi %parallel_loop3A_281, %parallel_loop3A_284 : i1
        %parallel_loop3A_286 = arith.constant 1 : i32
        %parallel_loop3A_287 = arith.subi %parallel_loop3A_266, %parallel_loop3A_286 : i32
        %parallel_loop3A_288 = arith.select %parallel_loop3A_285, %parallel_loop3A_287, %parallel_loop3A_266 : i32
        %parallel_loop3A_289 = arith.constant 6 : i32
        %parallel_loop3A_290 = arith.constant 0 : i32
        %parallel_loop3A_291 = arith.cmpi eq, %parallel_loop3A_289, %parallel_loop3A_290 : i32
        %parallel_loop3A_292 = arith.constant 1 : i32
        %parallel_loop3A_293 = arith.select %parallel_loop3A_291, %parallel_loop3A_292, %parallel_loop3A_289 : i32
        %parallel_loop3A_294 = arith.remsi %parallel_loop3A_264, %parallel_loop3A_293 : i32
        %parallel_loop3A_295 = arith.constant 0 : i32
        %parallel_loop3A_296 = arith.cmpi ne, %parallel_loop3A_294, %parallel_loop3A_295 : i32
        %parallel_loop3A_297 = arith.constant 0 : i32
        %parallel_loop3A_298 = arith.cmpi slt, %parallel_loop3A_294, %parallel_loop3A_297 : i32
        %parallel_loop3A_299 = arith.constant 0 : i32
        %parallel_loop3A_300 = arith.cmpi slt, %parallel_loop3A_293, %parallel_loop3A_299 : i32
        %parallel_loop3A_301 = arith.xori %parallel_loop3A_298, %parallel_loop3A_300 : i1
        %parallel_loop3A_302 = arith.andi %parallel_loop3A_301, %parallel_loop3A_296 : i1
        %parallel_loop3A_303 = arith.addi %parallel_loop3A_294, %parallel_loop3A_293 : i32
        %parallel_loop3A_304 = arith.select %parallel_loop3A_302, %parallel_loop3A_303, %parallel_loop3A_294 : i32
        %parallel_loop3A_305 = arith.constant 16 : i32
        %parallel_loop3A_306 = arith.muli %parallel_loop3A_288, %parallel_loop3A_305 : i32
        %parallel_loop3A_307 = vector.broadcast %parallel_loop3A_306 : i32 to vector<16xi32>
        %parallel_loop3A_308 = arith.addi %parallel_loop3A_307, %iota3A : vector<16xi32>
        %parallel_loop3A_309 = arith.constant 48 : i32
        %parallel_loop3A_310 = vector.broadcast %parallel_loop3A_309 : i32 to vector<16xi32>
        %parallel_loop3A_311 = arith.muli %parallel_loop3A_308, %parallel_loop3A_310 : vector<16xi32>
        %parallel_loop3A_312 = arith.constant 8 : i32
        %parallel_loop3A_313 = arith.muli %parallel_loop3A_304, %parallel_loop3A_312 : i32
        %parallel_loop3A_314 = vector.broadcast %parallel_loop3A_313 : i32 to vector<16xi32>
        %parallel_loop3A_315 = arith.addi %parallel_loop3A_311, %parallel_loop3A_314 : vector<16xi32>
        %parallel_loop3A_316 = arith.constant 16 : i32
        %parallel_loop3A_317 = arith.muli %parallel_loop3A_288, %parallel_loop3A_316 : i32
        %parallel_loop3A_318 = arith.constant 1 : i32
        %parallel_loop3A_319 = arith.constant 0 : i32
        %parallel_loop3A_320 = arith.index_cast %parallel_loop3A_318 : i32 to index
        %parallel_loop3A_321 = arith.index_cast %parallel_loop3A_304 : i32 to index
        %parallel_loop3A_322 = arith.index_cast %parallel_loop3A_319 : i32 to index
        %parallel_loop3A_323 = arith.index_cast %parallel_loop3A_317 : i32 to index
        %parallel_loop3A_324 = tpu.vector_load %arg4[%parallel_loop3A_320, %parallel_loop3A_321, %parallel_loop3A_322, %parallel_loop3A_323] {strides = array<i32>} : memref<2x6x8x128xf32, #tpu.memory_space<vmem>>, vector<16xf32>,
        %parallel_loop3A_325 = arith.constant 0 : i32
        %parallel_loop3A_326 = vector.broadcast %parallel_loop3A_325 : i32 to vector<16xi32>
        %parallel_loop3A_327 = arith.addi %parallel_loop3A_315, %parallel_loop3A_326 : vector<16xi32>
        %parallel_loop3A_328 = arith.constant 1 : i32
        %parallel_loop3A_329 = arith.constant 0 : i32
        %parallel_loop3A_330 = tpu.memref_slice %arg5[%parallel_loop3A_328, %parallel_loop3A_329] : memref<2x6144xf32, #tpu.memory_space<vmem>> -> memref<1x6144xf32, #tpu.memory_space<vmem>>
        %parallel_loop3A_331 = tpu.memref_squeeze %parallel_loop3A_330 : memref<1x6144xf32, #tpu.memory_space<vmem>> -> memref<6144xf32, #tpu.memory_space<vmem>>
        tpu.vector_store_idx %parallel_loop3A_331[%parallel_loop3A_327], %parallel_loop3A_324 : memref<6144xf32, #tpu.memory_space<vmem>>[vector<16xi32>], vector<16xf32>,
        %parallel_loop3A_332 = arith.constant 16 : i32
        %parallel_loop3A_333 = arith.muli %parallel_loop3A_288, %parallel_loop3A_332 : i32
        %parallel_loop3A_334 = arith.constant 1 : i32
        %parallel_loop3A_335 = arith.constant 1 : i32
        %parallel_loop3A_336 = arith.index_cast %parallel_loop3A_334 : i32 to index
        %parallel_loop3A_337 = arith.index_cast %parallel_loop3A_304 : i32 to index
        %parallel_loop3A_338 = arith.index_cast %parallel_loop3A_335 : i32 to index
        %parallel_loop3A_339 = arith.index_cast %parallel_loop3A_333 : i32 to index
        %parallel_loop3A_340 = tpu.vector_load %arg4[%parallel_loop3A_336, %parallel_loop3A_337, %parallel_loop3A_338, %parallel_loop3A_339] {strides = array<i32>} : memref<2x6x8x128xf32, #tpu.memory_space<vmem>>, vector<16xf32>,
        %parallel_loop3A_341 = arith.constant 1 : i32
        %parallel_loop3A_342 = vector.broadcast %parallel_loop3A_341 : i32 to vector<16xi32>
        %parallel_loop3A_343 = arith.addi %parallel_loop3A_315, %parallel_loop3A_342 : vector<16xi32>
        %parallel_loop3A_344 = arith.constant 1 : i32
        %parallel_loop3A_345 = arith.constant 0 : i32
        %parallel_loop3A_346 = tpu.memref_slice %arg5[%parallel_loop3A_344, %parallel_loop3A_345] : memref<2x6144xf32, #tpu.memory_space<vmem>> -> memref<1x6144xf32, #tpu.memory_space<vmem>>
        %parallel_loop3A_347 = tpu.memref_squeeze %parallel_loop3A_346 : memref<1x6144xf32, #tpu.memory_space<vmem>> -> memref<6144xf32, #tpu.memory_space<vmem>>
        tpu.vector_store_idx %parallel_loop3A_347[%parallel_loop3A_343], %parallel_loop3A_340 : memref<6144xf32, #tpu.memory_space<vmem>>[vector<16xi32>], vector<16xf32>,
        %parallel_loop3A_348 = arith.constant 16 : i32
        %parallel_loop3A_349 = arith.muli %parallel_loop3A_288, %parallel_loop3A_348 : i32
        %parallel_loop3A_350 = arith.constant 1 : i32
        %parallel_loop3A_351 = arith.constant 2 : i32
        %parallel_loop3A_352 = arith.index_cast %parallel_loop3A_350 : i32 to index
        %parallel_loop3A_353 = arith.index_cast %parallel_loop3A_304 : i32 to index
        %parallel_loop3A_354 = arith.index_cast %parallel_loop3A_351 : i32 to index
        %parallel_loop3A_355 = arith.index_cast %parallel_loop3A_349 : i32 to index
        %parallel_loop3A_356 = tpu.vector_load %arg4[%parallel_loop3A_352, %parallel_loop3A_353, %parallel_loop3A_354, %parallel_loop3A_355] {strides = array<i32>} : memref<2x6x8x128xf32, #tpu.memory_space<vmem>>, vector<16xf32>,
        %parallel_loop3A_357 = arith.constant 2 : i32
        %parallel_loop3A_358 = vector.broadcast %parallel_loop3A_357 : i32 to vector<16xi32>
        %parallel_loop3A_359 = arith.addi %parallel_loop3A_315, %parallel_loop3A_358 : vector<16xi32>
        %parallel_loop3A_360 = arith.constant 1 : i32
        %parallel_loop3A_361 = arith.constant 0 : i32
        %parallel_loop3A_362 = tpu.memref_slice %arg5[%parallel_loop3A_360, %parallel_loop3A_361] : memref<2x6144xf32, #tpu.memory_space<vmem>> -> memref<1x6144xf32, #tpu.memory_space<vmem>>
        %parallel_loop3A_363 = tpu.memref_squeeze %parallel_loop3A_362 : memref<1x6144xf32, #tpu.memory_space<vmem>> -> memref<6144xf32, #tpu.memory_space<vmem>>
        tpu.vector_store_idx %parallel_loop3A_363[%parallel_loop3A_359], %parallel_loop3A_356 : memref<6144xf32, #tpu.memory_space<vmem>>[vector<16xi32>], vector<16xf32>,
        %parallel_loop3A_364 = arith.constant 16 : i32
        %parallel_loop3A_365 = arith.muli %parallel_loop3A_288, %parallel_loop3A_364 : i32
        %parallel_loop3A_366 = arith.constant 1 : i32
        %parallel_loop3A_367 = arith.constant 3 : i32
        %parallel_loop3A_368 = arith.index_cast %parallel_loop3A_366 : i32 to index
        %parallel_loop3A_369 = arith.index_cast %parallel_loop3A_304 : i32 to index
        %parallel_loop3A_370 = arith.index_cast %parallel_loop3A_367 : i32 to index
        %parallel_loop3A_371 = arith.index_cast %parallel_loop3A_365 : i32 to index
        %parallel_loop3A_372 = tpu.vector_load %arg4[%parallel_loop3A_368, %parallel_loop3A_369, %parallel_loop3A_370, %parallel_loop3A_371] {strides = array<i32>} : memref<2x6x8x128xf32, #tpu.memory_space<vmem>>, vector<16xf32>,
        %parallel_loop3A_373 = arith.constant 3 : i32
        %parallel_loop3A_374 = vector.broadcast %parallel_loop3A_373 : i32 to vector<16xi32>
        %parallel_loop3A_375 = arith.addi %parallel_loop3A_315, %parallel_loop3A_374 : vector<16xi32>
        %parallel_loop3A_376 = arith.constant 1 : i32
        %parallel_loop3A_377 = arith.constant 0 : i32
        %parallel_loop3A_378 = tpu.memref_slice %arg5[%parallel_loop3A_376, %parallel_loop3A_377] : memref<2x6144xf32, #tpu.memory_space<vmem>> -> memref<1x6144xf32, #tpu.memory_space<vmem>>
        %parallel_loop3A_379 = tpu.memref_squeeze %parallel_loop3A_378 : memref<1x6144xf32, #tpu.memory_space<vmem>> -> memref<6144xf32, #tpu.memory_space<vmem>>
        tpu.vector_store_idx %parallel_loop3A_379[%parallel_loop3A_375], %parallel_loop3A_372 : memref<6144xf32, #tpu.memory_space<vmem>>[vector<16xi32>], vector<16xf32>,
        %parallel_loop3A_380 = arith.constant 16 : i32
        %parallel_loop3A_381 = arith.muli %parallel_loop3A_288, %parallel_loop3A_380 : i32
        %parallel_loop3A_382 = arith.constant 1 : i32
        %parallel_loop3A_383 = arith.constant 4 : i32
        %parallel_loop3A_384 = arith.index_cast %parallel_loop3A_382 : i32 to index
        %parallel_loop3A_385 = arith.index_cast %parallel_loop3A_304 : i32 to index
        %parallel_loop3A_386 = arith.index_cast %parallel_loop3A_383 : i32 to index
        %parallel_loop3A_387 = arith.index_cast %parallel_loop3A_381 : i32 to index
        %parallel_loop3A_388 = tpu.vector_load %arg4[%parallel_loop3A_384, %parallel_loop3A_385, %parallel_loop3A_386, %parallel_loop3A_387] {strides = array<i32>} : memref<2x6x8x128xf32, #tpu.memory_space<vmem>>, vector<16xf32>,
        %parallel_loop3A_389 = arith.constant 4 : i32
        %parallel_loop3A_390 = vector.broadcast %parallel_loop3A_389 : i32 to vector<16xi32>
        %parallel_loop3A_391 = arith.addi %parallel_loop3A_315, %parallel_loop3A_390 : vector<16xi32>
        %parallel_loop3A_392 = arith.constant 1 : i32
        %parallel_loop3A_393 = arith.constant 0 : i32
        %parallel_loop3A_394 = tpu.memref_slice %arg5[%parallel_loop3A_392, %parallel_loop3A_393] : memref<2x6144xf32, #tpu.memory_space<vmem>> -> memref<1x6144xf32, #tpu.memory_space<vmem>>
        %parallel_loop3A_395 = tpu.memref_squeeze %parallel_loop3A_394 : memref<1x6144xf32, #tpu.memory_space<vmem>> -> memref<6144xf32, #tpu.memory_space<vmem>>
        tpu.vector_store_idx %parallel_loop3A_395[%parallel_loop3A_391], %parallel_loop3A_388 : memref<6144xf32, #tpu.memory_space<vmem>>[vector<16xi32>], vector<16xf32>,
        %parallel_loop3A_396 = arith.constant 16 : i32
        %parallel_loop3A_397 = arith.muli %parallel_loop3A_288, %parallel_loop3A_396 : i32
        %parallel_loop3A_398 = arith.constant 1 : i32
        %parallel_loop3A_399 = arith.constant 5 : i32
        %parallel_loop3A_400 = arith.index_cast %parallel_loop3A_398 : i32 to index
        %parallel_loop3A_401 = arith.index_cast %parallel_loop3A_304 : i32 to index
        %parallel_loop3A_402 = arith.index_cast %parallel_loop3A_399 : i32 to index
        %parallel_loop3A_403 = arith.index_cast %parallel_loop3A_397 : i32 to index
        %parallel_loop3A_404 = tpu.vector_load %arg4[%parallel_loop3A_400, %parallel_loop3A_401, %parallel_loop3A_402, %parallel_loop3A_403] {strides = array<i32>} : memref<2x6x8x128xf32, #tpu.memory_space<vmem>>, vector<16xf32>,
        %parallel_loop3A_405 = arith.constant 5 : i32
        %parallel_loop3A_406 = vector.broadcast %parallel_loop3A_405 : i32 to vector<16xi32>
        %parallel_loop3A_407 = arith.addi %parallel_loop3A_315, %parallel_loop3A_406 : vector<16xi32>
        %parallel_loop3A_408 = arith.constant 1 : i32
        %parallel_loop3A_409 = arith.constant 0 : i32
        %parallel_loop3A_410 = tpu.memref_slice %arg5[%parallel_loop3A_408, %parallel_loop3A_409] : memref<2x6144xf32, #tpu.memory_space<vmem>> -> memref<1x6144xf32, #tpu.memory_space<vmem>>
        %parallel_loop3A_411 = tpu.memref_squeeze %parallel_loop3A_410 : memref<1x6144xf32, #tpu.memory_space<vmem>> -> memref<6144xf32, #tpu.memory_space<vmem>>
        tpu.vector_store_idx %parallel_loop3A_411[%parallel_loop3A_407], %parallel_loop3A_404 : memref<6144xf32, #tpu.memory_space<vmem>>[vector<16xi32>], vector<16xf32>,
        %parallel_loop3A_412 = arith.constant 16 : i32
        %parallel_loop3A_413 = arith.muli %parallel_loop3A_288, %parallel_loop3A_412 : i32
        %parallel_loop3A_414 = arith.constant 1 : i32
        %parallel_loop3A_415 = arith.constant 6 : i32
        %parallel_loop3A_416 = arith.index_cast %parallel_loop3A_414 : i32 to index
        %parallel_loop3A_417 = arith.index_cast %parallel_loop3A_304 : i32 to index
        %parallel_loop3A_418 = arith.index_cast %parallel_loop3A_415 : i32 to index
        %parallel_loop3A_419 = arith.index_cast %parallel_loop3A_413 : i32 to index
        %parallel_loop3A_420 = tpu.vector_load %arg4[%parallel_loop3A_416, %parallel_loop3A_417, %parallel_loop3A_418, %parallel_loop3A_419] {strides = array<i32>} : memref<2x6x8x128xf32, #tpu.memory_space<vmem>>, vector<16xf32>,
        %parallel_loop3A_421 = arith.constant 6 : i32
        %parallel_loop3A_422 = vector.broadcast %parallel_loop3A_421 : i32 to vector<16xi32>
        %parallel_loop3A_423 = arith.addi %parallel_loop3A_315, %parallel_loop3A_422 : vector<16xi32>
        %parallel_loop3A_424 = arith.constant 1 : i32
        %parallel_loop3A_425 = arith.constant 0 : i32
        %parallel_loop3A_426 = tpu.memref_slice %arg5[%parallel_loop3A_424, %parallel_loop3A_425] : memref<2x6144xf32, #tpu.memory_space<vmem>> -> memref<1x6144xf32, #tpu.memory_space<vmem>>
        %parallel_loop3A_427 = tpu.memref_squeeze %parallel_loop3A_426 : memref<1x6144xf32, #tpu.memory_space<vmem>> -> memref<6144xf32, #tpu.memory_space<vmem>>
        tpu.vector_store_idx %parallel_loop3A_427[%parallel_loop3A_423], %parallel_loop3A_420 : memref<6144xf32, #tpu.memory_space<vmem>>[vector<16xi32>], vector<16xf32>,
        %parallel_loop3A_428 = arith.constant 16 : i32
        %parallel_loop3A_429 = arith.muli %parallel_loop3A_288, %parallel_loop3A_428 : i32
        %parallel_loop3A_430 = arith.constant 1 : i32
        %parallel_loop3A_431 = arith.constant 7 : i32
        %parallel_loop3A_432 = arith.index_cast %parallel_loop3A_430 : i32 to index
        %parallel_loop3A_433 = arith.index_cast %parallel_loop3A_304 : i32 to index
        %parallel_loop3A_434 = arith.index_cast %parallel_loop3A_431 : i32 to index
        %parallel_loop3A_435 = arith.index_cast %parallel_loop3A_429 : i32 to index
        %parallel_loop3A_436 = tpu.vector_load %arg4[%parallel_loop3A_432, %parallel_loop3A_433, %parallel_loop3A_434, %parallel_loop3A_435] {strides = array<i32>} : memref<2x6x8x128xf32, #tpu.memory_space<vmem>>, vector<16xf32>,
        %parallel_loop3A_437 = arith.constant 7 : i32
        %parallel_loop3A_438 = vector.broadcast %parallel_loop3A_437 : i32 to vector<16xi32>
        %parallel_loop3A_439 = arith.addi %parallel_loop3A_315, %parallel_loop3A_438 : vector<16xi32>
        %parallel_loop3A_440 = arith.constant 1 : i32
        %parallel_loop3A_441 = arith.constant 0 : i32
        %parallel_loop3A_442 = tpu.memref_slice %arg5[%parallel_loop3A_440, %parallel_loop3A_441] : memref<2x6144xf32, #tpu.memory_space<vmem>> -> memref<1x6144xf32, #tpu.memory_space<vmem>>
        %parallel_loop3A_443 = tpu.memref_squeeze %parallel_loop3A_442 : memref<1x6144xf32, #tpu.memory_space<vmem>> -> memref<6144xf32, #tpu.memory_space<vmem>>
        tpu.vector_store_idx %parallel_loop3A_443[%parallel_loop3A_439], %parallel_loop3A_436 : memref<6144xf32, #tpu.memory_space<vmem>>[vector<16xi32>], vector<16xf32>,
      } {sc.loop_unroll_factor = 4 : i64, sc.parallel_access}
      %mul3A_243 = arith.constant 8 : i32
      %mul3A_244 = arith.muli %mul3A_2, %mul3A_243 : i32
      %add3A_245 = arith.addi %mul3A_244, %add3A_172 : i32
      %mul3A_246 = arith.constant 128 : i32
      %mul3A_247 = arith.muli %add3A_245, %mul3A_246 : i32
      %mul3A_248 = arith.constant 48 : i32
      %mul3A_249 = arith.muli %mul3A_247, %mul3A_248 : i32
      %dma_start3A_250 = arith.constant 1 : i32
      %dma_start3A_251 = arith.constant 0 : i32
      %dma_start3A_252 = tpu.memref_slice %arg5[%dma_start3A_250, %dma_start3A_251] : memref<2x6144xf32, #tpu.memory_space<vmem>> -> memref<1x6144xf32, #tpu.memory_space<vmem>>
      %dma_start3A_253 = tpu.memref_squeeze %dma_start3A_252 : memref<1x6144xf32, #tpu.memory_space<vmem>> -> memref<6144xf32, #tpu.memory_space<vmem>>
      %dma_start3A_254 = tpu.memref_slice %arg3[%mul3A_249] : memref<50331648xf32, #tpu.memory_space<hbm>> -> memref<6144xf32, #tpu.memory_space<hbm>>
      %dma_start3A_255 = tpu.memref_slice %arg3[%mul3A_249] : memref<50331648xf32, #tpu.memory_space<hbm>> -> memref<6144xf32, #tpu.memory_space<hbm>>
      %dma_start3A_256 = arith.constant 0 : i32
      %dma_start3A_257 = tpu.memref_slice %arg5[%dma_start3A_250, %dma_start3A_256] : memref<2x6144xf32, #tpu.memory_space<vmem>> -> memref<1x6144xf32, #tpu.memory_space<vmem>>
      %dma_start3A_258 = tpu.memref_squeeze %dma_start3A_257 : memref<1x6144xf32, #tpu.memory_space<vmem>> -> memref<6144xf32, #tpu.memory_space<vmem>>
      tpu.enqueue_dma source(%dma_start3A_258 : memref<6144xf32, #tpu.memory_space<vmem>>) target(%dma_start3A_255 : memref<6144xf32, #tpu.memory_space<hbm>>) target_semaphore(%arg9 : memref<!tpu.dma_semaphore, #tpu.memory_space<semaphore_mem>>)
      %le3A_259 = arith.constant 126 : i32
      %le3A_260 = arith.cmpi sle, %scan3A_88, %le3A_259 : i32
      %convert_element_type3A_261 = arith.extui %le3A_260 : i1 to i32
      %cond3A_262 = arith.constant 0 : i32
      %cond3A_263 = arith.cmpi ne, %convert_element_type3A_261, %cond3A_262 : i32
      scf.if %cond3A_263 {
        %add3A_264 = arith.constant 2 : i32
        %add3A_265 = arith.addi %add3A_172, %add3A_264 : i32
        %jit3A_266 = arith.constant 8 : i32
        %div3A_267 = arith.divsi %add3A_265, %jit3A_266 : i32
        %sign3A_268 = arith.constant 0 : i32
        %sign3A_269 = arith.cmpi sgt, %add3A_265, %sign3A_268 : i32
        %sign3A_270 = arith.extui %sign3A_269 : i1 to i32
        %sign3A_271 = arith.constant 0 : i32
        %sign3A_272 = arith.cmpi slt, %add3A_265, %sign3A_271 : i32
        %sign3A_273 = arith.extui %sign3A_272 : i1 to i32
        %sign3A_274 = arith.subi %sign3A_270, %sign3A_273 : i32
        %sign3A_275 = arith.constant 0 : i32
        %sign3A_276 = arith.cmpi sgt, %jit3A_266, %sign3A_275 : i32
        %sign3A_277 = arith.extui %sign3A_276 : i1 to i32
        %sign3A_278 = arith.constant 0 : i32
        %sign3A_279 = arith.cmpi slt, %jit3A_266, %sign3A_278 : i32
        %sign3A_280 = arith.extui %sign3A_279 : i1 to i32
        %sign3A_281 = arith.subi %sign3A_277, %sign3A_280 : i32
        %ne3A_282 = arith.cmpi ne, %sign3A_274, %sign3A_281 : i32
        %rem3A_283 = arith.remsi %add3A_265, %jit3A_266 : i32
        %ne3A_284 = arith.constant 0 : i32
        %ne3A_285 = arith.cmpi ne, %rem3A_283, %ne3A_284 : i32
        %and3A_286 = arith.andi %ne3A_282, %ne3A_285 : i1
        %sub3A_287 = arith.constant 1 : i32
        %sub3A_288 = arith.subi %div3A_267, %sub3A_287 : i32
        %select_n3A_289 = arith.select %and3A_286, %sub3A_288, %div3A_267 : i32
        %add3A_290 = arith.addi %mul3A_2, %select_n3A_289 : i32
        %jit3A_291 = arith.constant 8 : i32
        %eq3A_292 = arith.constant 0 : i32
        %eq3A_293 = arith.cmpi eq, %jit3A_291, %eq3A_292 : i32
        %jit3A_294 = arith.constant 1 : i32
        %select_n3A_295 = arith.select %eq3A_293, %jit3A_294, %jit3A_291 : i32
        %rem3A_296 = arith.remsi %add3A_265, %select_n3A_295 : i32
        %ne3A_297 = arith.constant 0 : i32
        %ne3A_298 = arith.cmpi ne, %rem3A_296, %ne3A_297 : i32
        %lt3A_299 = arith.constant 0 : i32
        %lt3A_300 = arith.cmpi slt, %rem3A_296, %lt3A_299 : i32
        %lt3A_301 = arith.constant 0 : i32
        %lt3A_302 = arith.cmpi slt, %select_n3A_295, %lt3A_301 : i32
        %ne3A_303 = arith.xori %lt3A_300, %lt3A_302 : i1
        %and3A_304 = arith.andi %ne3A_303, %ne3A_298 : i1
        %add3A_305 = arith.addi %rem3A_296, %select_n3A_295 : i32
        %select_n3A_306 = arith.select %and3A_304, %add3A_305, %rem3A_296 : i32
        %dma_start3A_307 = arith.constant 1 : i32
        %dma_start3A_308 = arith.constant 0 : i32
        %dma_start3A_309 = arith.constant 0 : i32
        %dma_start3A_310 = arith.constant 0 : i32
        %dma_start3A_311 = tpu.memref_slice %arg4[%dma_start3A_307, %dma_start3A_308, %dma_start3A_309, %dma_start3A_310] : memref<2x6x8x128xf32, #tpu.memory_space<vmem>> -> memref<1x6x8x128xf32, #tpu.memory_space<vmem>>
        %dma_start3A_312 = tpu.memref_squeeze %dma_start3A_311 : memref<1x6x8x128xf32, #tpu.memory_space<vmem>> -> memref<6x8x128xf32, #tpu.memory_space<vmem>>
        %dma_start3A_313 = arith.constant 0 : i32
        %dma_start3A_314 = arith.constant 0 : i32
        %dma_start3A_315 = arith.constant 0 : i32
        %dma_start3A_316 = tpu.memref_slice %arg2[%add3A_290, %dma_start3A_313, %select_n3A_306, %dma_start3A_314, %dma_start3A_315] : memref<1024x6x8x8x128xf32, #tpu.memory_space<hbm>> -> memref<1x6x1x8x128xf32, #tpu.memory_space<hbm>>
        %dma_start3A_317 = tpu.memref_squeeze %dma_start3A_316 : memref<1x6x1x8x128xf32, #tpu.memory_space<hbm>> -> memref<6x8x128xf32, #tpu.memory_space<hbm>>
        %dma_start3A_318 = arith.constant 0 : i32
        %dma_start3A_319 = arith.constant 0 : i32
        %dma_start3A_320 = arith.constant 0 : i32
        %dma_start3A_321 = tpu.memref_slice %arg4[%dma_start3A_307, %dma_start3A_318, %dma_start3A_319, %dma_start3A_320] : memref<2x6x8x128xf32, #tpu.memory_space<vmem>> -> memref<1x6x8x128xf32, #tpu.memory_space<vmem>>
        %dma_start3A_322 = tpu.memref_squeeze %dma_start3A_321 : memref<1x6x8x128xf32, #tpu.memory_space<vmem>> -> memref<6x8x128xf32, #tpu.memory_space<vmem>>
        %dma_start3A_323 = arith.constant 0 : i32
        %dma_start3A_324 = arith.constant 0 : i32
        %dma_start3A_325 = arith.constant 0 : i32
        %dma_start3A_326 = tpu.memref_slice %arg2[%add3A_290, %dma_start3A_323, %select_n3A_306, %dma_start3A_324, %dma_start3A_325] : memref<1024x6x8x8x128xf32, #tpu.memory_space<hbm>> -> memref<1x6x1x8x128xf32, #tpu.memory_space<hbm>>
        %dma_start3A_327 = tpu.memref_squeeze %dma_start3A_326 : memref<1x6x1x8x128xf32, #tpu.memory_space<hbm>> -> memref<6x8x128xf32, #tpu.memory_space<hbm>>
        tpu.enqueue_dma source(%dma_start3A_327 : memref<6x8x128xf32, #tpu.memory_space<hbm>>) target(%dma_start3A_322 : memref<6x8x128xf32, #tpu.memory_space<vmem>>) target_semaphore(%arg7 : memref<!tpu.dma_semaphore, #tpu.memory_space<semaphore_mem>>)
      } else {
      }
    }
    %scan3A_54 = arith.constant 128 : i32
    %mul3A_55 = arith.constant 8 : i32
    %mul3A_56 = arith.muli %mul3A_2, %mul3A_55 : i32
    %add3A_57 = arith.constant 254 : i32
    %add3A_58 = arith.addi %mul3A_56, %add3A_57 : i32
    %mul3A_59 = arith.constant 128 : i32
    %mul3A_60 = arith.muli %add3A_58, %mul3A_59 : i32
    %mul3A_61 = arith.constant 48 : i32
    %mul3A_62 = arith.muli %mul3A_60, %mul3A_61 : i32
    %dma_wait3A = arith.constant 0 : i32
    %dma_wait3A_63 = arith.constant 0 : i32
    %dma_wait3A_64 = tpu.memref_slice %arg5[%dma_wait3A, %dma_wait3A_63] : memref<2x6144xf32, #tpu.memory_space<vmem>> -> memref<1x6144xf32, #tpu.memory_space<vmem>>
    %dma_wait3A_65 = tpu.memref_squeeze %dma_wait3A_64 : memref<1x6144xf32, #tpu.memory_space<vmem>> -> memref<6144xf32, #tpu.memory_space<vmem>>
    %dma_wait3A_66 = tpu.memref_slice %arg3[%mul3A_62] : memref<50331648xf32, #tpu.memory_space<hbm>> -> memref<6144xf32, #tpu.memory_space<hbm>>
    %dma_wait3A_67 = tpu.memref_slice %arg3[%mul3A_62] : memref<50331648xf32, #tpu.memory_space<hbm>> -> memref<6144xf32, #tpu.memory_space<hbm>>
    %dma_wait3A_68 = arith.constant 0 : i32
    %dma_wait3A_69 = tpu.memref_slice %arg5[%dma_wait3A, %dma_wait3A_68] : memref<2x6144xf32, #tpu.memory_space<vmem>> -> memref<1x6144xf32, #tpu.memory_space<vmem>>
    %dma_wait3A_70 = tpu.memref_squeeze %dma_wait3A_69 : memref<1x6144xf32, #tpu.memory_space<vmem>> -> memref<6144xf32, #tpu.memory_space<vmem>>
    tpu.wait_dma2 semaphore(%arg8 : memref<!tpu.dma_semaphore, #tpu.memory_space<semaphore_mem>>) src(%dma_wait3A_70 : memref<6144xf32, #tpu.memory_space<vmem>>) dst(%dma_wait3A_67 : memref<6144xf32, #tpu.memory_space<hbm>>)
    %mul3A_71 = arith.constant 8 : i32
    %mul3A_72 = arith.muli %mul3A_2, %mul3A_71 : i32
    %add3A_73 = arith.constant 255 : i32
    %add3A_74 = arith.addi %mul3A_72, %add3A_73 : i32
    %mul3A_75 = arith.constant 128 : i32
    %mul3A_76 = arith.muli %add3A_74, %mul3A_75 : i32
    %mul3A_77 = arith.constant 48 : i32
    %mul3A_78 = arith.muli %mul3A_76, %mul3A_77 : i32
    %dma_wait3A_79 = arith.constant 1 : i32
    %dma_wait3A_80 = arith.constant 0 : i32
    %dma_wait3A_81 = tpu.memref_slice %arg5[%dma_wait3A_79, %dma_wait3A_80] : memref<2x6144xf32, #tpu.memory_space<vmem>> -> memref<1x6144xf32, #tpu.memory_space<vmem>>
    %dma_wait3A_82 = tpu.memref_squeeze %dma_wait3A_81 : memref<1x6144xf32, #tpu.memory_space<vmem>> -> memref<6144xf32, #tpu.memory_space<vmem>>
    %dma_wait3A_83 = tpu.memref_slice %arg3[%mul3A_78] : memref<50331648xf32, #tpu.memory_space<hbm>> -> memref<6144xf32, #tpu.memory_space<hbm>>
    %dma_wait3A_84 = tpu.memref_slice %arg3[%mul3A_78] : memref<50331648xf32, #tpu.memory_space<hbm>> -> memref<6144xf32, #tpu.memory_space<hbm>>
    %dma_wait3A_85 = arith.constant 0 : i32
    %dma_wait3A_86 = tpu.memref_slice %arg5[%dma_wait3A_79, %dma_wait3A_85] : memref<2x6144xf32, #tpu.memory_space<vmem>> -> memref<1x6144xf32, #tpu.memory_space<vmem>>
    %dma_wait3A_87 = tpu.memref_squeeze %dma_wait3A_86 : memref<1x6144xf32, #tpu.memory_space<vmem>> -> memref<6144xf32, #tpu.memory_space<vmem>>
    tpu.wait_dma2 semaphore(%arg9 : memref<!tpu.dma_semaphore, #tpu.memory_space<semaphore_mem>>) src(%dma_wait3A_87 : memref<6144xf32, #tpu.memory_space<vmem>>) dst(%dma_wait3A_84 : memref<6144xf32, #tpu.memory_space<hbm>>)
    return
  }
}

</mosaic_0001>

<sc_bundles>
// kernel: kernel.4.cloned.1.call-start
scs
__scs_entry_jumppad:
0x0: {  	(pc) =	sbr.rel $0x88, $3  }
0x1: {  	(tag) =	ssettag $0x0;
	lr =	simm.s32 $0x1  }
0x2: {  	[smem:$0x3F9F] =	sst lr;
	_ =	strace $0xD0000000  }
0x3: {  	_ = 	snop  }
0x4: {  	_ = 	snop  }
0x5: {  	_ = 	snop  }
0x6: {  	_ = 	snop  }
0x7: {  	_ = 	snop  }
__scs_overlays_trampoline_lowered:
0x8: {  	[smem:$0x3FAE] =	sst s0  }
0x9: {  	[smem:$0x3FAF] =	sst s1  }
0xa: {  	[smem:$0x3FB0] =	sst s2  }
0xb: {  	[smem:$0x3FB1] =	sst s3  }
0xc: {  	[smem:$0x3FB2] =	sst s4  }
0xd: {  	[smem:$0x3FB3] =	sst s5  }
0xe: {  	[smem:$0x3FB4] =	sst s6  }
0xf: {  	[smem:$0x3FB5] =	sst s7  }
0x10: {  	[smem:$0x3FB6] =	sst s8  }
0x11: {  	[smem:$0x3FB7] =	sst s9;
	s0 =	simm.s32 @!p0 $0x0  }
0x12: {  	s1 =	sld [smem:$0x3F9D];
	s0 =	simm.s32 @p0 $0x1  }
0x13: {  	[smem:$0x3FB8] =	sst s0;
	s0 =	simm.s32 @!p1 $0x0  }
0x14: {  	s2 =	sld [smem:$0x3F9C];
	s0 =	simm.s32 @p1 $0x1  }
0x15: {  	[smem:$0x3FB9] =	sst s0;
	s0 =	simm.s32 @!p2 $0x0  }
0x16: {  	s3 =	sld [smem:$0x3FDB];
	s0 =	simm.s32 @p2 $0x1  }
0x17: {  	s4 =	simm.s32 $0x1BF5;
	[smem:$0x3FBB] =	sst s0  }
0x18: {  	s0 =	sld [smem:$0x3F9E];
	_ =	swait.ge [sflag:s4], $0x0  }
0x19: {  	s7 =	sld [smem:$0x3F9F]  }
0x1a: {  	s8 =	sadd.s32 $0xFFFFE003, lr  }
0x1b: {  	s9 =	sadd.s32 $0xFFFFFEF7, lr;
	s5 =	simm.s32 $0xFFFFFFFF;
	p2 =	slt.u32 s8, $0xFFFFF086  }
0x1c: {  	p1 =	slt.u32 s9, $0xF7A;
	s5 =	simm.s32 @!p2 $0x0  }
0x1d: {  	s5 =	simm.s32 @p1 $0x1;
	p0 =	seq.s32 s7, s2  }
0x1e: {  	s7 =	smul.u32 @!p0 $0xF7A, s2;
	p2 =	seq.s32 @!p0 s5, $0x0  }
0x1f: {  	s9 =	smul.u32 $0xF7A, s1;
	s8 =	simm.s32 @!p0 $0x1BF5;
	p2 =	por !p2, p0  }
0x20: {  	[sflag:s8] =	ssyncset.s32 @!p0 $0xFFFFF086;
	s6 =	sadd.s32 @!p0 s3, s7;
	s7 =	simm.s32 @!p0 $0x108  }
0x21: {  	s3 =	sadd.s32 s3, s9;
	s6 =	sadd.s32 @!p0 $0x88, s6;
	s7 =	simm.s32 @p2 $0x1082  }
0x22: {  	[simem:s7], [sflag:s8] =	dma.local @!p0 [hbm:s6], $0xF7A  }
0x23: {  	s9 =	sor.u32 $0xD0000000, s2;
	s6 =	simm.s32 $0x108;
	_ =	swait.ge @!p0 [sflag:s8], $0x0  }
0x24: {  	s3 =	sadd.s32 $0x88, s3;
	s6 =	simm.s32 @!p1 $0x1082;
	[sflag:s4] =	ssyncset.s32 $0xFFFFF086  }
0x25: {  	[simem:s6], [sflag:s4] =	dma.local [hbm:s3], $0xF7A  }
0x26: {  	[smem:$0x3F9F] =	sst s1;
	(tag) =	ssettag s2;
	_ =	strace s9  }
0x27: {  	s1 =	sld [smem:$0x3FAF]  }
0x28: {  	s2 =	sld [smem:$0x3FB0]  }
0x29: {  	s4 =	sld [smem:$0x3FB2]  }
0x2a: {  	p0 =	seq.s32 s5, $0x0;
	s5 =	sld [smem:$0x3FB3]  }
0x2b: {  	s6 =	sld [smem:$0x3FB4]  }
0x2c: {  	s7 =	sld [smem:$0x3FB5]  }
0x2d: {  	s3 =	simm.s32 $0x108;
	s8 =	sld [smem:$0x3FB6]  }
0x2e: {  	s3 =	simm.s32 @!p0 $0x1082;
	s9 =	sld [smem:$0x3FB7]  }
0x2f: {  	lr =	sadd.s32 s0, s3;
	s0 =	sld [smem:$0x3FAE]  }
0x30: {  	s3 =	sld [smem:$0x3FB1]  }
0x31: {  	[smem:$0x3FBA] =	sst s10  }
0x32: {  	s10 =	sld [smem:$0x3FB8];
	_ =	sdelay $0x3  }
0x33: {  	p0 =	seq.s32 s10, $0x1;
	s10 =	sld [smem:$0x3FBA];
	_ =	sdelay $0x3  }
0x34: {  	[smem:$0x3FBA] =	sst s10  }
0x35: {  	s10 =	sld [smem:$0x3FB9];
	_ =	sdelay $0x3  }
0x36: {  	p1 =	seq.s32 s10, $0x1;
	s10 =	sld [smem:$0x3FBA];
	_ =	sdelay $0x3  }
0x37: {  	[smem:$0x3FBA] =	sst s10  }
0x38: {  	s10 =	sld [smem:$0x3FBB]  }
0x39: {  	_ = 	snop;
	(pc) =	sbr.ind lr, $3  }
0x3a: {  	_ = 	snop  }
0x3b: {  	_ = 	snop  }
0x3c: {  	p2 =	seq.s32 s10, $0x1;
	s10 =	sld [smem:$0x3FBA]  }
0x3d: {  	_ =	shalt  }
0x3e: {  	_ =	shalt  }
0x3f: {  	_ =	shalt  }
0x40: {  	_ =	shalt  }
0x41: {  	_ =	shalt  }
0x42: {  	_ =	shalt  }
0x43: {  	_ =	shalt  }
0x44: {  	_ =	shalt  }
0x45: {  	_ =	shalt  }
0x46: {  	_ =	shalt  }
0x47: {  	_ =	shalt  }
0x48: {  	_ =	shalt  }
0x49: {  	_ =	shalt  }
0x4a: {  	_ =	shalt  }
0x4b: {  	_ =	shalt  }
0x4c: {  	_ =	shalt  }
0x4d: {  	_ =	shalt  }
0x4e: {  	_ =	shalt  }
0x4f: {  	_ =	shalt  }
0x50: {  	_ =	shalt  }
0x51: {  	_ =	shalt  }
0x52: {  	_ =	shalt  }
0x53: {  	_ =	shalt  }
0x54: {  	_ =	shalt  }
0x55: {  	_ =	shalt  }
0x56: {  	_ =	shalt  }
0x57: {  	_ =	shalt  }
0x58: {  	_ =	shalt  }
0x59: {  	_ =	shalt  }
0x5a: {  	_ =	shalt  }
0x5b: {  	_ =	shalt  }
0x5c: {  	_ =	shalt  }
0x5d: {  	_ =	shalt  }
0x5e: {  	_ =	shalt  }
0x5f: {  	_ =	shalt  }
0x60: {  	_ =	shalt  }
0x61: {  	_ =	shalt  }
0x62: {  	_ =	shalt  }
0x63: {  	_ =	shalt  }
0x64: {  	_ =	shalt  }
0x65: {  	_ =	shalt  }
0x66: {  	_ =	shalt  }
0x67: {  	_ =	shalt  }
0x68: {  	_ =	shalt  }
0x69: {  	_ =	shalt  }
0x6a: {  	_ =	shalt  }
0x6b: {  	_ =	shalt  }
0x6c: {  	_ =	shalt  }
0x6d: {  	_ =	shalt  }
0x6e: {  	_ =	shalt  }
0x6f: {  	_ =	shalt  }
0x70: {  	_ =	shalt  }
0x71: {  	_ =	shalt  }
0x72: {  	_ =	shalt  }
0x73: {  	_ =	shalt  }
0x74: {  	_ =	shalt  }
0x75: {  	_ =	shalt  }
0x76: {  	_ =	shalt  }
0x77: {  	_ =	shalt  }
0x78: {  	_ =	shalt  }
0x79: {  	_ =	shalt  }
0x7a: {  	_ =	shalt  }
0x7b: {  	_ =	shalt  }
0x7c: {  	_ =	shalt  }
0x7d: {  	_ =	shalt  }
0x7e: {  	_ =	shalt  }
0x7f: {  	_ =	shalt  }
0x80: {  	_ =	shalt  }
0x81: {  	_ =	shalt  }
0x82: {  	_ =	shalt  }
0x83: {  	_ =	shalt  }
0x84: {  	_ =	shalt  }
0x85: {  	_ =	shalt  }
0x86: {  	_ =	shalt  }
0x87: {  	_ =	shalt  }
.Lfunc_end0:
.L_simem_size_0:
called_computation_lowered:
.L_overlay_start_0:
0x88: {  	s2 =	sld [smem:$0x3FD9]  }
0x89: {  	s3 =	sld [smem:$0x3FFE];
	_ =	sdelay $0x1  }
0x8a: {  	s1 =	srdreg.scid  }
0x8b: {  	s0 =	sand.u32 $0x1, s1  }
0x8c: {  	s17 =	sshll.u32 s0, $0xA;
	s2 =	sadd.s32 s3, s2  }
0x8d: {  	s2 =	sadd.s32 s2, s17  }
0x8e: {  	[smem:$0x3FC6] =	sst s2  }
0x8f: {  	_ = 	snop  }
0x90: {  	s2 =	sld [smem:$0x3FC9];
	(tm) =	ssettm $0x1  }
0x91: {  	s18 =	sld [smem:$0x3FFB];
	_ =	sdelay $0x3  }
0x92: {  	_ =	strace s18  }
0x93: {  	s3 =	sld [smem:$0x3FFC];
	_ =	sdelay $0x3  }
0x94: {  	_ =	strace s3  }
0x95: {  	s3 =	sld [smem:$0x3FFD];
	_ =	sdelay $0x3  }
0x96: {  	_ =	strace s3  }
0x97: {  	_ =	strace $0x8FFFFFFF  }
0x98: {  	s19 =	sld [smem:$0x3FDB];
	_ =	sdelay $0x1  }
0x99: {  	s4 =	simm.s32 $_scs_section_size  }
0x9a: {  	s5 =	simm.s32 $_size__tile_overlayer_lowered;
	s6 =	simm.s32 $_tile_overlayer_lowered  }
0x9b: {  	s22 =	simm.s32 $0x1BFF;
	s21 =	sshll.u32 s6, $0x1;
	s3 =	sadd.s32 s4, s19  }
0x9c: {  	s7 =	simm.s32 $0x0;
	s20 =	sshll.u32 s5, $0x1;
	s5 =	sadd.s32 s21, s3  }
0x9d: {  	[timem:s7], [sflag:s22] =	dma.local [hbm:s5], s20  }
0x9e: {  	_ =	swait.ge [sflag:s22], s20  }
0x9f: {  	s4 =	ssub.s32 $0x0, s20;
	[sflag:s22] =	ssyncset.done $0x0  }
0xa0: {  	[sflag:s22] =	ssyncadd.s32 s4;
	_ =	sdelay $0x1  }
0xa1: {  	s23 =	simm.s32 $0x1B8B  }
0xa2: {  	_ =	swait.ge [sflag:s23], $0x1  }
0xa3: {  	[sflag:s23] =	ssyncset.done $0x0  }
0xa4: {  	s25 =	simm.s32 $0x1B8E;
	s24 =	sld [smem:$0x3FFE];
	[sflag:s23] =	ssyncadd.s32 $0xFFFFFFFF  }
0xa5: {  	s26 =	simm.s32 $execute0_lowered;
	[smem:$0x3FD2] =	sst s25  }
0xa6: {  	s5 =	sshll.u32 s26, $0x1;
	_ =	strace $0x80000046;
	[dreg:$0x1] =	wrdreg $0xFFFFFFFF  }
0xa7: {  	s28 =	simm.s32 $_size_execute0_lowered;
	s3 =	sadd.s32 s3, s5;
	[dreg:$0x0] =	wrdreg $0x0  }
0xa8: {  	s5 =	sshll.u32 s28, $0x1;
	[dreg:$0x2] =	wrdreg s3  }
0xa9: {  	[dreg:$0x3] =	wrdreg s5  }
0xaa: {  	[dreg:$0x4] =	wrdreg $0xC0  }
0xab: {  	_ =	task [dreg:s7], $0x5FFFF  }
0xac: {  	[dreg:$0x1] =	wrdreg $0xFFFFFFFF  }
0xad: {  	[dreg:$0x0] =	wrdreg $0x60  }
0xae: {  	[dreg:$0x2] =	wrdreg s2  }
0xaf: {  	[dreg:$0x3] =	wrdreg s24  }
0xb0: {  	[dreg:$0x4] =	wrdreg $0x9  }
0xb1: {  	_ =	task.clear_ibuf [dreg:s7], $0x5FFFF;
	_ =	strace $0x90000046  }
0xb2: {  	s29 =	simm.s32 $0x9;
	_ =	strace $0x80000048  }
0xb3: {  	_ =	swait.ge [sflag:s29], $0x1  }
0xb4: {  	[sflag:s29] =	ssyncadd.s32 $0xFFFFFFFF  }
0xb5: {  	_ =	strace $0x90000048  }
0xb6: {  	_ =	sfence  }
0xb7: {  	s30 =	sld [smem:$0x0];
	_ =	sdelay $0x2  }
0xb8: {  	s31 =	sshll.u32 s1, $0xD;
	s1 =	sshrl.u32 s1, $0x2  }
0xb9: {  	s3 =	sand.u32 $0x4000, s31;
	s1 =	sadd.s32 s1, s30  }
0xba: {  	s0 =	sor.u32 s3, s0;
	s1 =	sshll.u32 s1, $0x11  }
0xbb: {  	s0 =	sor.u32 s1, s0  }
0xbc: {  	s0 =	sadd.s32 $0x8F2B, s0  }
0xbd: {  	[sflag:s0] =	ssyncadd.remote.s32 $0x1  }
0xbe: {  	_ =	sfence.sel $0xFFFF  }
0xbf: {  	[dreg:$0x0] =	wrdreg $0xFFFFFFFF;
	(pc) =	sbr.abs _section_cstart, $3  }
0xc0: {  	[dreg:$0x1] =	wrdreg $0xFFFFFFFF  }
0xc1: {  	_ =	task.clear_ibuf [dreg:s7], $0x2FFFF;
	_ =	strace $0x9FFFFFFF  }
0xc2: {  	(tm) =	ssettm $0x7FFFFFFF  }
0xc3: {  	_ =	shalt  }
tec
execute0_lowered:
.L_overlay_start_1:
0x0: {  	(tag) =	ssettag $0x1  }
0x1: {  	s3 =	rddreg [dreg:$0x0]  }
0x2: {  	s0 =	srdreg.scid;
	s2 =	stileid.u32  }
0x3: {  	s1 =	rddreg [dreg:$0x1];
	s0 =	sand.u32 $0x1, s0;
	s4 =	sshll.u32 s2, $0x1  }
0x4: {  	s15 =	simm.s32 $0x0;
	s14 =	simm.s32 $0x3000;
	s5 =	sor.u32 s0, s4  }
0x5: {  	v0 =	vlaneseq.u32;
	s16 =	simm.s32 $0x4800;
	s0 =	ssub.s32 $0x2, s0;
	s6 =	smul.u32 $0x30000, s5  }
.Ltmp0:
0x6: {  	[smem:$0x7FF] =	sst s15;
	v0 =	vmul.u32 $0x30, v0;
	s29 =	sshrl.u32 s0, $0x1;
	(pc) =	sbr.rel .LBB2_1-.Ltmp0, $4  }
0x7: {  	s2 =	simm.s32 $0x0;
	s0 =	ssub.s32 s0, s29;
	s30 =	sadd.s32 s3, s6  }
0x8: {  	_ =	strace $0x80000047;
	v1 =	vor.u32 $0x1, v0;
	s0 =	smax.u32 s0, $0x1;
	[dreg:$0x3] =	wrdreg s30  }
0x9: {  	s4 =	sadd.s32 $0x800, s1;
	v2 =	vor.u32 $0x2, v0;
	v3 =	vor.u32 $0x3, v0;
	v4 =	vor.u32 $0x4, v0;
	s31 =	sadd.s32 $0x80, s30;
	[dreg:$0x5] =	wrdreg s0  }
0xa: {  	s8 =	sshll.u32 s5, $0x8;
	v5 =	vor.u32 $0x5, v0;
	v6 =	vor.u32 $0x6, v0;
	v7 =	vor.u32 $0x7, v0;
	s6 =	sshll.u32 s5, $0x5;
	[dreg:$0x4] =	wrdreg s31  }
.LBB2_8:
0xb: {  	s0 =	simm.s32 $0x3  }
0xc: {  	_ =	swait.ge [sflag:s0], $0x1800  }
0xd: {  	[sflag:s0] =	ssyncset.done $0x0  }
0xe: {  	s1 =	simm.s32 $0x4;
	[sflag:s0] =	ssyncadd.s32 $0xFFFFE800  }
0xf: {  	_ =	swait.ge [sflag:s1], $0x1800  }
0x10: {  	s2 =	rddreg [dreg:$0x6]  }
0x11: {  	s31 =	rddreg [dreg:$0x5];
	s2 =	sadd.s32 $0x1, s2  }
0x12: {  	p0 =	sne.s32 s2, s31  }
.Ltmp1:
0x13: {  	_ = 	snop;
	(pc) =	sbr.rel @!p0 .LBB2_9-.Ltmp1, $3  }
0x14: {  	_ =	sdelay $0x1  }
0x15: {  	[sflag:s1] =	ssyncset.done $0x0  }
0x16: {  	[sflag:s1] =	ssyncadd.s32 $0xFFFFE800  }
.LBB2_1:
0x17: {  	[dreg:$0x6] =	wrdreg s2  }
0x18: {  	s0 =	rddreg [dreg:$0x3];
	s1 =	simm.s32 $0x400;
	s30 =	simm.s32 $0x2000  }
0x19: {  	[tilespmem:s15], [sflag:$0x1] =	stream.strided.gather [hbm4b:s0+s1], $0x1800, s30, s1, $0x38;
	[tilespmem:$0x6000] =	vst v63  }
0x1a: {  	s31 =	rddreg [dreg:$0x4];
	s3 =	simm.s32 $0x1800;
	s20 =	simm.s32 $0x0  }
0x1b: {  	[tilespmem:s3], [sflag:$0x2] =	stream.strided.gather [hbm4b:s31+s1], $0x1800, s30, s1, $0x38;
	[tilespmem:$0x6000] =	vst v63  }
.LBB2_2:
0x1c: {  	s0 =	simm.s32 $0x1;
	p0 =	seq.s32 s20, $0x0;
	s1 =	simm.s32 $0x0  }
0x1d: {  	_ =	swait.ge [sflag:s0], $0x1800;
	s26 =	sor.u32 $0x2, s1;
	s5 =	sor.u32 $0x1, s1  }
0x1e: {  	s9 =	smul.u32 $0xAB, s1;
	s1 =	sor.u32 $0x3, s1;
	[sflag:s0] =	ssyncset.done $0x0  }
0x1f: {  	s7 =	sand.u32 $0xFF, s26;
	s10 =	sand.u32 $0xFF, s5;
	s12 =	sand.u32 $0xFF, s1  }
0x20: {  	[sflag:s0] =	ssyncadd.s32 $0xFFFFE800;
	s0 =	simm.s32 @!p0 $0x3;
	s7 =	smul.u32 $0xAB, s7  }
0x21: {  	s10 =	smul.u32 $0xAB, s10;
	s17 =	sshrl.u32 s9, $0xA;
	s9 =	sshrl.u32 s9, $0x6  }
0x22: {  	s12 =	smul.u32 $0xAB, s12;
	_ =	swait.ge @!p0 [sflag:s0], $0x1800;
	s17 =	sand.u32 $0x3F, s17  }
0x23: {  	s9 =	sand.u32 $0xF0, s9;
	[sflag:s0] =	ssyncset.done @!p0 $0x0;
	s18 =	sshrl.u32 s7, $0xA  }
0x24: {  	s7 =	sshrl.u32 s7, $0x6;
	s10 =	sshrl.u32 s10, $0xA;
	s18 =	smul.u32 $0x6, s18  }
0x25: {  	s17 =	smul.u32 $0x6, s17;
	s19 =	sshrl.u32 s12, $0xA;
	s7 =	sand.u32 $0xF0, s7  }
0x26: {  	s12 =	sshrl.u32 s12, $0x6;
	[sflag:s0] =	ssyncadd.s32 @!p0 $0xFFFFE800;
	v8 =	vmov s7;
	s0 =	ssub.s32 s26, s18  }
0x27: {  	v9 =	vmov s9;
	s10 =	smul.u32 $0x6, s10;
	s17 =	ssub.s32 $0x0, s17;
	v8 =	vmul.u32 $0x30, v8;
	s0 =	sand.u32 $0xFF, s0  }
0x28: {  	v9 =	vmul.u32 $0x30, v9;
	s19 =	smul.u32 $0x6, s19;
	s17 =	sand.u32 $0xFF, s17;
	s2 =	sshll.u32 s0, $0x3  }
0x29: {  	s12 =	sand.u32 $0xF0, s12;
	s21 =	sshll.u32 s17, $0x3;
	v8 =	vadd.s32 s2, v8  }
0x2a: {  	s5 =	ssub.s32 s5, s10;
	s1 =	ssub.s32 s1, s19;
	v11 =	vadd.s32 s21, v9;
	s0 =	sshll.u32 s0, $0xA;
	v10 =	vbroadcast v8, $0x0  }
0x2b: {  	v12 =	vmov s12;
	s17 =	sshll.u32 s17, $0xA;
	s5 =	sand.u32 $0xFF, s5;
	s30 =	sor.u32 s7, s0;
	v8 =	vbroadcast v11, $0x0  }
0x2c: {  	s3 =	sand.u32 $0xFF, s1;
	s31 =	sor.u32 s9, s17;
	s7 =	sshll.u32 s5, $0x3;
	v11 =	vmul.u32 $0x30, v12;
	v13 =	vld [tilespmem:s30+$0x0];
	v12 =	vadd.s32 v0, v10  }
0x2d: {  	s10 =	sshll.u32 s3, $0x3;
	v15 =	vld [tilespmem:s31+$0x0];
	v9 =	vadd.s32 s7, v9;
	v14 =	vadd.s32 v0, v8  }
0x2e: {  	s11 =	sshll.u32 s5, $0xA;
	v9 =	vbroadcast v9, $0x0;
	v11 =	vadd.s32 s10, v11  }
0x2f: {  	s0 =	sshll.u32 s3, $0xA;
	s28 =	sor.u32 s9, s11;
	v11 =	vbroadcast v11, $0x0  }
0x30: {  	s29 =	sor.u32 s12, s0;
	v17 =	vld [tilespmem:s28+$0x0];
	v16 =	vadd.s32 v0, v9  }
0x31: {  	s13 =	sor.u32 $0x80, s30;
	v18 =	vld [tilespmem:s29+$0x0];
	v19 =	vadd.s32 v0, v11;
	[tilespmem:v12+s14+$0x0] =	vst.idx.msk $0xffff, v13  }
0x32: {  	s25 =	simm.s32 $0x4;
	s15 =	sor.u32 $0x80, s31;
	[tilespmem:v14+s14+$0x0] =	vst.idx.msk $0xffff, v15;
	v13 =	vadd.s32 v1, v10;
	v12 =	vld [tilespmem:s13+$0x0]  }
0x33: {  	s18 =	smul.u32 $0xAB, s25;
	v15 =	vadd.s32 v1, v8;
	v14 =	vld [tilespmem:s15+$0x0]  }
0x34: {  	s1 =	sor.u32 $0x1, s25;
	s21 =	sor.u32 $0x3, s25  }
0x35: {  	s24 =	sshrl.u32 s18, $0xA;
	s23 =	sand.u32 $0xFF, s21;
	s19 =	sor.u32 $0x80, s28;
	[tilespmem:v16+s14+$0x0] =	vst.idx.msk $0xffff, v17  }
0x36: {  	s26 =	sand.u32 $0x3F, s24;
	s7 =	smul.u32 $0xAB, s23;
	s17 =	sor.u32 $0x80, s29;
	v16 =	vadd.s32 v1, v9;
	v17 =	vld [tilespmem:s19+$0x0];
	[tilespmem:v19+s14+$0x0] =	vst.idx.msk $0xffff, v18  }
0x37: {  	s22 =	sand.u32 $0xFF, s1;
	s5 =	sshrl.u32 s18, $0x6;
	s3 =	smul.u32 $0x6, s26;
	v18 =	vld [tilespmem:s17+$0x0];
	[tilespmem:v13+s14+$0x0] =	vst.idx.msk $0xffff, v12;
	v12 =	vadd.s32 v1, v11  }
0x38: {  	s11 =	sor.u32 $0x180, s31;
	s0 =	sand.u32 $0xF0, s5;
	s10 =	smul.u32 $0xAB, s22;
	[tilespmem:v15+s14+$0x0] =	vst.idx.msk $0xffff, v14;
	v14 =	vadd.s32 v2, v10;
	v13 =	vld [tilespmem:s30+$0x100]  }
0x39: {  	s22 =	sshrl.u32 s7, $0xA;
	s18 =	ssub.s32 $0x4, s3;
	v19 =	vadd.s32 v2, v8;
	s17 =	sor.u32 $0x2, s25;
	v15 =	vld [tilespmem:s31+$0x100]  }
0x3a: {  	v20 =	vmov s0;
	s7 =	sshrl.u32 s7, $0x6;
	s12 =	smul.u32 $0x6, s22;
	s2 =	sand.u32 $0xFF, s17  }
0x3b: {  	s18 =	sand.u32 $0xFF, s18;
	s7 =	sand.u32 $0xF0, s7;
	s15 =	smul.u32 $0xAB, s2;
	[tilespmem:v16+s14+$0x0] =	vst.idx.msk $0xffff, v17;
	v16 =	vmul.u32 $0x30, v20  }
0x3c: {  	s10 =	sshrl.u32 s10, $0xA;
	s23 =	sshll.u32 s18, $0x3;
	s9 =	ssub.s32 s21, s12;
	v17 =	vld [tilespmem:s28+$0x100];
	[tilespmem:v12+s14+$0x0] =	vst.idx.msk $0xffff, v18;
	v18 =	vadd.s32 v2, v9  }
0x3d: {  	v21 =	vadd.s32 v2, v11;
	s10 =	smul.u32 $0x6, s10;
	s13 =	sor.u32 $0x180, s30;
	s22 =	sshrl.u32 s15, $0xA;
	v12 =	vadd.s32 s23, v16;
	v20 =	vld [tilespmem:s29+$0x100];
	[tilespmem:v14+s14+$0x0] =	vst.idx.msk $0xffff, v13  }
0x3e: {  	s18 =	sshll.u32 s18, $0xA;
	s9 =	sand.u32 $0xFF, s9;
	s23 =	smul.u32 $0x6, s22;
	[tilespmem:v19+s14+$0x0] =	vst.idx.msk $0xffff, v15;
	v12 =	vbroadcast v12, $0x0;
	v14 =	vadd.s32 v3, v10;
	v13 =	vld [tilespmem:s13+$0x0]  }
0x3f: {  	s24 =	sshll.u32 s9, $0xA;
	s5 =	sshrl.u32 s15, $0x6;
	s22 =	sor.u32 s0, s18;
	v19 =	vadd.s32 v3, v8;
	v15 =	vld [tilespmem:s11+$0x0]  }
0x40: {  	v22 =	vmov s7;
	s5 =	sand.u32 $0xF0, s5;
	v24 =	vld [tilespmem:s22+$0x0];
	s12 =	ssub.s32 s17, s23;
	s23 =	sor.u32 s7, s24;
	v23 =	vadd.s32 v0, v12  }
0x41: {  	s3 =	sor.u32 $0x180, s29;
	v22 =	vmul.u32 $0x30, v22;
	s2 =	sor.u32 $0x180, s28;
	v25 =	vmov s5;
	[tilespmem:v18+s14+$0x0] =	vst.idx.msk $0xffff, v17;
	v18 =	vld [tilespmem:s23+$0x0]  }
0x42: {  	s9 =	sshll.u32 s9, $0x3;
	s1 =	ssub.s32 s1, s10;
	s26 =	sand.u32 $0xFF, s12;
	v17 =	vmul.u32 $0x30, v25;
	[tilespmem:v21+s14+$0x0] =	vst.idx.msk $0xffff, v20;
	v20 =	vld [tilespmem:s2+$0x0];
	v21 =	vadd.s32 v3, v9  }
0x43: {  	v22 =	vadd.s32 s9, v22;
	s1 =	sand.u32 $0xFF, s1;
	s11 =	sshll.u32 s26, $0x3;
	v25 =	vadd.s32 v3, v11;
	[tilespmem:v14+s14+$0x0] =	vst.idx.msk $0xffff, v13;
	v26 =	vld [tilespmem:s3+$0x0]  }
0x44: {  	s12 =	sshll.u32 s1, $0x3;
	s7 =	sshll.u32 s26, $0xA;
	v14 =	vadd.s32 s11, v17;
	v13 =	vbroadcast v22, $0x0;
	[tilespmem:v19+s14+$0x0] =	vst.idx.msk $0xffff, v15;
	v22 =	vadd.s32 v4, v10;
	v19 =	vld [tilespmem:s30+$0x200]  }
0x45: {  	s24 =	sor.u32 s5, s7;
	v15 =	vbroadcast v14, $0x0;
	v14 =	vadd.s32 s12, v16;
	[tilespmem:v23+s14+$0x0] =	vst.idx.msk $0xffff, v24;
	v16 =	vld [tilespmem:s31+$0x200];
	v23 =	vadd.s32 v4, v8  }
0x46: {  	s13 =	sor.u32 $0x80, s22;
	s1 =	sshll.u32 s1, $0xA;
	v29 =	vld [tilespmem:s24+$0x0];
	v14 =	vbroadcast v14, $0x0;
	v27 =	vadd.s32 v0, v13  }
0x47: {  	s26 =	sor.u32 s0, s1;
	v17 =	vld [tilespmem:s13+$0x0];
	v28 =	vadd.s32 v0, v15;
	[tilespmem:v21+s14+$0x0] =	vst.idx.msk $0xffff, v20  }
0x48: {  	v20 =	vadd.s32 v0, v14;
	v21 =	vld [tilespmem:s26+$0x0];
	[tilespmem:v25+s14+$0x0] =	vst.idx.msk $0xffff, v26  }
0x49: {  	v31 =	vadd.s32 v4, v11;
	[tilespmem:v22+s14+$0x0] =	vst.idx.msk $0xffff, v19;
	v30 =	vld [tilespmem:s29+$0x200]  }
0x4a: {  	s15 =	sor.u32 $0x280, s31;
	v24 =	vld [tilespmem:s28+$0x200];
	v25 =	vadd.s32 v4, v9;
	[tilespmem:v23+s14+$0x0] =	vst.idx.msk $0xffff, v16  }
0x4b: {  	s17 =	sor.u32 $0x80, s23;
	v23 =	vadd.s32 v1, v12;
	[tilespmem:v27+s14+$0x0] =	vst.idx.msk $0xffff, v18;
	v19 =	vld [tilespmem:s15+$0x0]  }
0x4c: {  	s18 =	sor.u32 $0x80, s24;
	v22 =	vadd.s32 v5, v8;
	[tilespmem:v28+s14+$0x0] =	vst.idx.msk $0xffff, v29;
	v18 =	vld [tilespmem:s17+$0x0]  }
0x4d: {  	s21 =	sshll.u32 s20, $0x1;
	s19 =	sor.u32 $0x280, s30;
	s0 =	sor.u32 $0x380, s31;
	v27 =	vadd.s32 v1, v15;
	[tilespmem:v20+s14+$0x0] =	vst.idx.msk $0xffff, v21;
	v26 =	vld [tilespmem:s18+$0x0]  }
0x4e: {  	s5 =	sor.u32 $0x280, s28;
	s1 =	sor.u32 $0x280, s26;
	s7 =	sor.u32 $0x80, s26;
	v16 =	vadd.s32 v1, v14;
	v20 =	vld [tilespmem:s19+$0x0];
	v21 =	vadd.s32 v5, v10;
	[tilespmem:v31+s14+$0x0] =	vst.idx.msk $0xffff, v30  }
.LBB2_3:
0x4f: {  	s25 =	sadd.s32 $0x4, s25;
	v28 =	vld [tilespmem:s7+$0x0];
	[tilespmem:v25+s14+$0x0] =	vst.idx.msk $0xffff, v24;
	s7 =	sor.u32 $0x280, s29;
	s9 =	sor.u32 $0x380, s29  }
0x50: {  	s17 =	sor.u32 $0x1, s25;
	s18 =	sor.u32 $0x2, s25;
	s19 =	sor.u32 $0x3, s25;
	[tilespmem:v23+s14+$0x0] =	vst.idx.msk $0xffff, v17;
	v17 =	vld [tilespmem:s5+$0x0];
	v23 =	vadd.s32 v5, v9  }
0x51: {  	s10 =	sand.u32 $0xFF, s17;
	s11 =	sand.u32 $0xFF, s18;
	s2 =	sand.u32 $0xFF, s19;
	[tilespmem:v22+s14+$0x0] =	vst.idx.msk $0xffff, v19;
	v19 =	vld [tilespmem:s7+$0x0];
	v22 =	vadd.s32 v5, v11  }
0x52: {  	v25 =	vadd.s32 v1, v13;
	s3 =	sor.u32 $0x380, s30;
	s5 =	sor.u32 $0x380, s28;
	s7 =	smul.u32 $0xAB, s25;
	v24 =	vld [tilespmem:s22+$0x100];
	[tilespmem:v27+s14+$0x0] =	vst.idx.msk $0xffff, v26  }
0x53: {  	s12 =	sor.u32 $0x180, s24;
	s13 =	smul.u32 $0xAB, s10;
	v26 =	vadd.s32 v2, v12;
	s10 =	sor.u32 $0x180, s22;
	v27 =	vld [tilespmem:s24+$0x100];
	[tilespmem:v21+s14+$0x0] =	vst.idx.msk $0xffff, v20  }
0x54: {  	s2 =	smul.u32 $0xAB, s2;
	s15 =	sshrl.u32 s7, $0xA;
	s7 =	sshrl.u32 s7, $0x6;
	v20 =	vadd.s32 v6, v10;
	[tilespmem:v16+s14+$0x0] =	vst.idx.msk $0xffff, v28;
	v16 =	vld [tilespmem:s30+$0x300]  }
0x55: {  	s11 =	smul.u32 $0xAB, s11;
	s15 =	sand.u32 $0x3F, s15;
	s13 =	sshrl.u32 s13, $0xA;
	v28 =	vadd.s32 v6, v8;
	v21 =	vld [tilespmem:s31+$0x300];
	[tilespmem:v23+s14+$0x0] =	vst.idx.msk $0xffff, v17  }
0x56: {  	s30 =	sshrl.u32 s2, $0xA;
	s2 =	sshrl.u32 s2, $0x6;
	s15 =	smul.u32 $0x6, s15;
	v17 =	vadd.s32 v2, v15;
	v23 =	vld [tilespmem:s28+$0x300];
	[tilespmem:v22+s14+$0x0] =	vst.idx.msk $0xffff, v19  }
0x57: {  	s7 =	sand.u32 $0xF0, s7;
	s31 =	sshrl.u32 s11, $0xA;
	s28 =	sand.u32 $0xF0, s2;
	v19 =	vadd.s32 v6, v11;
	[tilespmem:v25+s14+$0x0] =	vst.idx.msk $0xffff, v18;
	v18 =	vld [tilespmem:s29+$0x300]  }
0x58: {  	s11 =	sshrl.u32 s11, $0x6;
	v22 =	vmov s7;
	s2 =	ssub.s32 s25, s15;
	s15 =	smul.u32 $0x6, s30;
	v25 =	vmov s28;
	[tilespmem:v26+s14+$0x0] =	vst.idx.msk $0xffff, v24;
	v24 =	vld [tilespmem:s23+$0x100];
	v26 =	vadd.s32 v2, v13  }
0x59: {  	v30 =	vadd.s32 v6, v9;
	s11 =	sand.u32 $0xF0, s11;
	v22 =	vmul.u32 $0x30, v22;
	s29 =	smul.u32 $0x6, s31;
	s2 =	sand.u32 $0xFF, s2;
	v29 =	vld [tilespmem:s26+$0x100];
	[tilespmem:v20+s14+$0x0] =	vst.idx.msk $0xffff, v16  }
0x5a: {  	s30 =	sshll.u32 s2, $0x3;
	s2 =	sshll.u32 s2, $0xA;
	v16 =	vmov s11;
	s15 =	ssub.s32 s19, s15;
	v20 =	vadd.s32 v2, v14;
	[tilespmem:v28+s14+$0x0] =	vst.idx.msk $0xffff, v21;
	v21 =	vld [tilespmem:s3+$0x0];
	v28 =	vadd.s32 v7, v10;
	v10 =	vmovc v15  }
0x5b: {  	v25 =	vmul.u32 $0x30, v25;
	v15 =	vadd.s32 s30, v22;
	s3 =	smul.u32 $0x6, s13;
	s13 =	ssub.s32 s18, s29;
	v16 =	vmul.u32 $0x30, v16;
	s15 =	sand.u32 $0xFF, s15;
	v31 =	vld [tilespmem:s10+$0x0];
	[tilespmem:v17+s14+$0x0] =	vst.idx.msk $0xffff, v27  }
0x5c: {  	s2 =	sor.u32 s7, s2;
	v17 =	vbroadcast v15, $0x0;
	s10 =	sand.u32 $0xFF, s13;
	s13 =	sshll.u32 s15, $0x3;
	v27 =	vadd.s32 v3, v12;
	v32 =	vld [tilespmem:s12+$0x0];
	[tilespmem:v19+s14+$0x0] =	vst.idx.msk $0xffff, v18  }
0x5d: {  	s3 =	ssub.s32 s17, s3;
	s12 =	sshll.u32 s10, $0x3;
	s10 =	sshll.u32 s10, $0xA;
	v15 =	vadd.s32 s13, v25;
	v18 =	vadd.s32 v3, v10;
	[tilespmem:v26+s14+$0x0] =	vst.idx.msk $0xffff, v24;
	v19 =	vld [tilespmem:s9+$0x0];
	v24 =	vadd.s32 v7, v11  }
0x5e: {  	v25 =	vadd.s32 v0, v17;
	s3 =	sand.u32 $0xFF, s3;
	v16 =	vadd.s32 s12, v16;
	s9 =	sor.u32 s11, s10;
	s10 =	sshll.u32 s15, $0xA;
	v11 =	vmovc v13;
	v13 =	vbroadcast v15, $0x0;
	v26 =	vld [tilespmem:s0+$0x0];
	[tilespmem:v30+s14+$0x0] =	vst.idx.msk $0xffff, v23  }
0x5f: {  	p1 =	slt.u32 s25, $0x2C;
	s0 =	sshll.u32 s3, $0x3;
	s3 =	sshll.u32 s3, $0xA;
	v15 =	vbroadcast v16, $0x0;
	v30 =	vadd.s32 v7, v9;
	v9 =	vmov v14;
	v23 =	vld [tilespmem:s5+$0x0];
	[tilespmem:v28+s14+$0x0] =	vst.idx.msk $0xffff, v21  }
0x60: {  	s31 =	smov.u32 s22;
	s22 =	smov.u32 s2;
	v14 =	vadd.s32 s0, v22;
	s0 =	sor.u32 s28, s10;
	v21 =	vld [tilespmem:s2+$0x0];
	[tilespmem:v20+s14+$0x0] =	vst.idx.msk $0xffff, v29;
	v20 =	vadd.s32 v7, v8;
	v8 =	vmovc v12;
	v12 =	vmov v17  }
0x61: {  	s30 =	smov.u32 s24;
	s24 =	smov.u32 s9;
	v14 =	vbroadcast v14, $0x0;
	v22 =	vadd.s32 v0, v15;
	s2 =	sor.u32 $0x180, s26;
	v28 =	vld [tilespmem:s0+$0x0];
	[tilespmem:v27+s14+$0x0] =	vst.idx.msk $0xffff, v31;
	v27 =	vadd.s32 v3, v11  }
0x62: {  	s29 =	smov.u32 s23;
	v33 =	vadd.s32 v3, v9;
	v29 =	vadd.s32 v0, v13;
	v31 =	vld [tilespmem:s2+$0x0];
	[tilespmem:v18+s14+$0x0] =	vst.idx.msk $0xffff, v32;
	s2 =	sor.u32 $0x180, s23;
	s23 =	smov.u32 s0  }
0x63: {  	s28 =	smov.u32 s26;
	s5 =	smov.u32 s1;
	v32 =	vadd.s32 v0, v14;
	v16 =	vadd.s32 v1, v14;
	v18 =	vld [tilespmem:s2+$0x0];
	[tilespmem:v24+s14+$0x0] =	vst.idx.msk $0xffff, v19  }
0x64: {  	s26 =	sor.u32 s7, s3;
	v24 =	vadd.s32 v4, v10;
	v19 =	vld [tilespmem:s30+$0x200];
	[tilespmem:v30+s14+$0x0] =	vst.idx.msk $0xffff, v23  }
0x65: {  	s1 =	sor.u32 $0x280, s26;
	s0 =	sor.u32 $0x80, s22;
	v23 =	vadd.s32 v4, v8;
	[tilespmem:v25+s14+$0x0] =	vst.idx.msk $0xffff, v21;
	v21 =	vld [tilespmem:s31+$0x200]  }
0x66: {  	v17 =	vld [tilespmem:s0+$0x0];
	[tilespmem:v20+s14+$0x0] =	vst.idx.msk $0xffff, v26  }
0x67: {  	v20 =	vld [tilespmem:s24+$0x0];
	[tilespmem:v33+s14+$0x0] =	vst.idx.msk $0xffff, v31  }
0x68: {  	v26 =	vld [tilespmem:s26+$0x0];
	[tilespmem:v27+s14+$0x0] =	vst.idx.msk $0xffff, v18  }
0x69: {  	v31 =	vadd.s32 v4, v11;
	[tilespmem:v24+s14+$0x0] =	vst.idx.msk $0xffff, v19;
	v30 =	vld [tilespmem:s29+$0x200]  }
.Ltmp2:
0x6a: {  	v25 =	vadd.s32 v4, v9;
	s0 =	sor.u32 $0x280, s31;
	[tilespmem:v23+s14+$0x0] =	vst.idx.msk $0xffff, v21;
	v24 =	vld [tilespmem:s28+$0x200];
	(pc) =	sbr.rel @p1 .LBB2_3-.Ltmp2, $4  }
0x6b: {  	s2 =	sor.u32 $0x80, s23;
	v23 =	vadd.s32 v1, v12;
	[tilespmem:v29+s14+$0x0] =	vst.idx.msk $0xffff, v28;
	v19 =	vld [tilespmem:s0+$0x0]  }
0x6c: {  	s0 =	sor.u32 $0x80, s24;
	[tilespmem:v22+s14+$0x0] =	vst.idx.msk $0xffff, v20;
	v18 =	vld [tilespmem:s2+$0x0];
	v22 =	vadd.s32 v5, v8  }
0x6d: {  	v27 =	vadd.s32 v1, v15;
	s2 =	sor.u32 $0x280, s30;
	[tilespmem:v32+s14+$0x0] =	vst.idx.msk $0xffff, v26;
	v26 =	vld [tilespmem:s0+$0x0]  }
0x6e: {  	s7 =	sor.u32 $0x80, s26;
	v21 =	vadd.s32 v5, v10;
	s0 =	sor.u32 $0x380, s31;
	v20 =	vld [tilespmem:s2+$0x0];
	[tilespmem:v31+s14+$0x0] =	vst.idx.msk $0xffff, v30  }
0x6f: {  	_ =	sdelay $0x2  }
0x70: {  	v28 =	vadd.s32 v1, v13  }
0x71: {  	v29 =	vld [tilespmem:s7+$0x0];
	[tilespmem:v23+s14+$0x0] =	vst.idx.msk $0xffff, v17  }
0x72: {  	[tilespmem:v22+s14+$0x0] =	vst.idx.msk $0xffff, v19  }
0x73: {  	v19 =	vld [tilespmem:s22+$0x100];
	v22 =	vadd.s32 v2, v12;
	[tilespmem:v27+s14+$0x0] =	vst.idx.msk $0xffff, v26  }
0x74: {  	[tilespmem:v25+s14+$0x0] =	vst.idx.msk $0xffff, v24;
	v25 =	vadd.s32 v2, v15;
	v24 =	vld [tilespmem:s24+$0x100]  }
0x75: {  	v26 =	vld [tilespmem:s5+$0x0];
	v27 =	vadd.s32 v5, v9;
	[tilespmem:v28+s14+$0x0] =	vst.idx.msk $0xffff, v18  }
0x76: {  	[tilespmem:v16+s14+$0x0] =	vst.idx.msk $0xffff, v29;
	v18 =	vadd.s32 v2, v13;
	v16 =	vld [tilespmem:s23+$0x100]  }
0x77: {  	v23 =	vadd.s32 v2, v14;
	[tilespmem:v21+s14+$0x0] =	vst.idx.msk $0xffff, v20;
	v17 =	vld [tilespmem:s26+$0x100]  }
0x78: {  	s2 =	sor.u32 $0x280, s29;
	[tilespmem:v22+s14+$0x0] =	vst.idx.msk $0xffff, v19  }
0x79: {  	s18 =	sor.u32 $0x180, s24;
	v20 =	vld [tilespmem:s2+$0x0];
	v21 =	vadd.s32 v5, v11;
	[tilespmem:v25+s14+$0x0] =	vst.idx.msk $0xffff, v24  }
0x7a: {  	[tilespmem:v27+s14+$0x0] =	vst.idx.msk $0xffff, v26;
	v25 =	vadd.s32 v3, v15;
	v24 =	vld [tilespmem:s18+$0x0]  }
0x7b: {  	s25 =	sor.u32 $0x180, s22;
	v26 =	vld [tilespmem:s30+$0x300];
	v27 =	vadd.s32 v6, v10;
	[tilespmem:v18+s14+$0x0] =	vst.idx.msk $0xffff, v16  }
0x7c: {  	s19 =	sor.u32 $0x180, s23;
	v22 =	vld [tilespmem:s25+$0x0];
	[tilespmem:v23+s14+$0x0] =	vst.idx.msk $0xffff, v17;
	v23 =	vadd.s32 v3, v12  }
0x7d: {  	s3 =	sor.u32 $0x180, s26;
	v16 =	vadd.s32 v3, v13;
	v17 =	vld [tilespmem:s19+$0x0]  }
0x7e: {  	v19 =	vadd.s32 v3, v14;
	[tilespmem:v21+s14+$0x0] =	vst.idx.msk $0xffff, v20;
	v18 =	vld [tilespmem:s3+$0x0]  }
0x7f: {  	v20 =	vld [tilespmem:s31+$0x300];
	v21 =	vadd.s32 v6, v8;
	[tilespmem:v25+s14+$0x0] =	vst.idx.msk $0xffff, v24  }
0x80: {  	[tilespmem:v27+s14+$0x0] =	vst.idx.msk $0xffff, v26;
	v25 =	vadd.s32 v4, v15;
	v24 =	vld [tilespmem:s24+$0x200]  }
0x81: {  	v26 =	vld [tilespmem:s29+$0x300];
	v27 =	vadd.s32 v6, v11;
	[tilespmem:v23+s14+$0x0] =	vst.idx.msk $0xffff, v22  }
0x82: {  	v23 =	vadd.s32 v4, v12;
	[tilespmem:v16+s14+$0x0] =	vst.idx.msk $0xffff, v17;
	v22 =	vld [tilespmem:s22+$0x200]  }
0x83: {  	[tilespmem:v19+s14+$0x0] =	vst.idx.msk $0xffff, v18;
	v17 =	vadd.s32 v4, v13;
	v16 =	vld [tilespmem:s23+$0x200]  }
0x84: {  	[tilespmem:v21+s14+$0x0] =	vst.idx.msk $0xffff, v20;
	v19 =	vadd.s32 v4, v14;
	v18 =	vld [tilespmem:s26+$0x200]  }
0x85: {  	s5 =	sor.u32 $0x280, s24;
	v20 =	vld [tilespmem:s28+$0x300];
	v21 =	vadd.s32 v6, v9;
	[tilespmem:v25+s14+$0x0] =	vst.idx.msk $0xffff, v24  }
0x86: {  	s10 =	sor.u32 $0x380, s30;
	[tilespmem:v27+s14+$0x0] =	vst.idx.msk $0xffff, v26;
	v25 =	vadd.s32 v5, v15;
	v24 =	vld [tilespmem:s5+$0x0]  }
0x87: {  	s9 =	sor.u32 $0x280, s22;
	v10 =	vadd.s32 v7, v10;
	v26 =	vld [tilespmem:s10+$0x0];
	[tilespmem:v23+s14+$0x0] =	vst.idx.msk $0xffff, v22  }
0x88: {  	s7 =	sor.u32 $0x280, s23;
	v23 =	vadd.s32 v5, v12;
	[tilespmem:v17+s14+$0x0] =	vst.idx.msk $0xffff, v16;
	v22 =	vld [tilespmem:s9+$0x0]  }
0x89: {  	[tilespmem:v19+s14+$0x0] =	vst.idx.msk $0xffff, v18;
	v17 =	vadd.s32 v5, v13;
	v16 =	vld [tilespmem:s7+$0x0]  }
0x8a: {  	s11 =	sor.u32 $0x380, s29;
	[tilespmem:v21+s14+$0x0] =	vst.idx.msk $0xffff, v20;
	v19 =	vadd.s32 v5, v14;
	v18 =	vld [tilespmem:s1+$0x0]  }
0x8b: {  	v11 =	vadd.s32 v7, v11;
	v20 =	vld [tilespmem:s11+$0x0];
	[tilespmem:v25+s14+$0x0] =	vst.idx.msk $0xffff, v24  }
0x8c: {  	s12 =	sor.u32 $0x380, s28;
	[tilespmem:v10+s14+$0x0] =	vst.idx.msk $0xffff, v26;
	v24 =	vadd.s32 v6, v15;
	v21 =	vld [tilespmem:s24+$0x300]  }
0x8d: {  	v9 =	vadd.s32 v7, v9;
	[tilespmem:v23+s14+$0x0] =	vst.idx.msk $0xffff, v22;
	v23 =	vld [tilespmem:s12+$0x0]  }
0x8e: {  	v22 =	vadd.s32 v6, v12;
	[tilespmem:v17+s14+$0x0] =	vst.idx.msk $0xffff, v16;
	v10 =	vld [tilespmem:s22+$0x300]  }
0x8f: {  	[tilespmem:v19+s14+$0x0] =	vst.idx.msk $0xffff, v18;
	v17 =	vadd.s32 v6, v13;
	v16 =	vld [tilespmem:s23+$0x300]  }
0x90: {  	[tilespmem:v11+s14+$0x0] =	vst.idx.msk $0xffff, v20;
	v19 =	vadd.s32 v6, v14;
	v18 =	vld [tilespmem:s26+$0x300]  }
0x91: {  	[tilespmem:v24+s14+$0x0] =	vst.idx.msk $0xffff, v21  }
0x92: {  	s13 =	sor.u32 $0x380, s24;
	v8 =	vadd.s32 v7, v8;
	v11 =	vld [tilespmem:s0+$0x0];
	[tilespmem:v9+s14+$0x0] =	vst.idx.msk $0xffff, v23  }
0x93: {  	s18 =	sor.u32 $0x380, s22;
	v15 =	vadd.s32 v7, v15;
	v20 =	vld [tilespmem:s13+$0x0];
	[tilespmem:v22+s14+$0x0] =	vst.idx.msk $0xffff, v10  }
0x94: {  	s15 =	sor.u32 $0x380, s23;
	v12 =	vadd.s32 v7, v12;
	[tilespmem:v17+s14+$0x0] =	vst.idx.msk $0xffff, v16;
	v9 =	vld [tilespmem:s18+$0x0]  }
0x95: {  	s17 =	sor.u32 $0x380, s26;
	v13 =	vadd.s32 v7, v13;
	[tilespmem:v19+s14+$0x0] =	vst.idx.msk $0xffff, v18;
	v16 =	vld [tilespmem:s15+$0x0]  }
0x96: {  	v14 =	vadd.s32 v7, v14;
	v10 =	vld [tilespmem:s17+$0x0]  }
0x97: {  	[tilespmem:v8+s14+$0x0] =	vst.idx.msk $0xffff, v11  }
0x98: {  	s19 =	sadd.s32 s8, s21;
	[tilespmem:v15+s14+$0x0] =	vst.idx.msk $0xffff, v20  }
0x99: {  	s0 =	smul.u32 $0x300, s19;
	[tilespmem:v12+s14+$0x0] =	vst.idx.msk $0xffff, v9  }
0x9a: {  	[tilespmem:v13+s14+$0x0] =	vst.idx.msk $0xffff, v16  }
0x9b: {  	p1 =	seq.s32 s20, $0x7F;
	s0 =	sadd.s32 s4, s0;
	s15 =	simm.s32 $0x0;
	[tilespmem:v14+s14+$0x0] =	vst.idx.msk $0xffff, v10  }
0x9c: {  	[hbm4b:s0+s15] =	stream.linear.scatter [tilespmem:s14], [sflag:$0x3], $0x1800, $0x38;
	[tilespmem:$0x6000] =	vst v63  }
0x9d: {  	s0 =	sadd.s32 @!p1 $0x2, s21  }
0x9e: {  	s2 =	simm.s32 @!p1 $0x2000;
	s23 =	simm.s32 $0x0;
	s1 =	sshrl.u32 @!p1 s0, $0x3  }
0x9f: {  	s3 =	simm.s32 @!p1 $0x0;
	s26 =	sor.u32 $0x1, s23;
	s1 =	sadd.s32 @!p1 s6, s1  }
0xa0: {  	s10 =	sand.u32 $0xFF, s26;
	s0 =	sshll.u32 @!p1 s0, $0xA;
	s1 =	smul.u32 @!p1 $0xC000, s1  }
0xa1: {  	s24 =	sor.u32 $0x3, s23;
	s10 =	smul.u32 $0xAB, s10;
	s0 =	sand.u32 @!p1 $0x1800, s0  }
0xa2: {  	s11 =	smul.u32 $0xAB, s23;
	s25 =	sand.u32 $0xFF, s24;
	s0 =	sor.u32 @!p1 s0, s1  }
0xa3: {  	s10 =	sshrl.u32 s10, $0xA;
	s1 =	rddreg [dreg:$0x0];
	s0 =	sshrl.u32 @!p1 s0, $0x3  }
0xa4: {  	s10 =	smul.u32 $0x6, s10;
	s0 =	sadd.s32 @!p1 s1, s0;
	s1 =	simm.s32 @!p1 $0x400  }
0xa5: {  	[tilespmem:s3], [sflag:$0x1] =	stream.strided.gather @!p1 [hbm4b:s0+s1], $0x1800, s2, s1, $0x38;
	[tilespmem:$0x6000] =	vst v63  }
0xa6: {  	s22 =	simm.s32 $0x2;
	s7 =	sshrl.u32 s11, $0x6;
	s3 =	smul.u32 $0xAB, s25  }
0xa7: {  	s13 =	sshrl.u32 s11, $0xA;
	s7 =	sand.u32 $0xF0, s7;
	s5 =	ssub.s32 s26, s10  }
0xa8: {  	s2 =	simm.s32 @!p0 $0x4;
	_ =	swait.ge [sflag:s22], $0x1800;
	s9 =	sshrl.u32 s3, $0xA  }
0xa9: {  	[sflag:s22] =	ssyncset.done $0x0;
	s3 =	sshrl.u32 s3, $0x6;
	s9 =	smul.u32 $0x6, s9  }
0xaa: {  	s0 =	sor.u32 $0x2, s23;
	[sflag:s22] =	ssyncadd.s32 $0xFFFFE800;
	s3 =	sand.u32 $0xF0, s3  }
0xab: {  	s12 =	sand.u32 $0xFF, s0;
	_ =	swait.ge @!p0 [sflag:s2], $0x1800;
	v8 =	vmov s3;
	s1 =	ssub.s32 s24, s9  }
0xac: {  	[sflag:s2] =	ssyncset.done @!p0 $0x0;
	v8 =	vmul.u32 $0x30, v8;
	s9 =	sand.u32 $0x3F, s13;
	s1 =	sand.u32 $0xFF, s1  }
0xad: {  	[sflag:s2] =	ssyncadd.s32 @!p0 $0xFFFFE800;
	s2 =	smul.u32 $0xAB, s12;
	s11 =	sshll.u32 s1, $0x3  }
0xae: {  	s5 =	sand.u32 $0xFF, s5;
	v9 =	vmov s7;
	s9 =	smul.u32 $0x6, s9;
	v8 =	vadd.s32 s11, v8  }
0xaf: {  	s23 =	sshll.u32 s5, $0x3;
	s1 =	sshll.u32 s1, $0xA;
	v11 =	vbroadcast v8, $0x0;
	v8 =	vmul.u32 $0x30, v9  }
0xb0: {  	s17 =	sshrl.u32 s2, $0xA;
	s22 =	sor.u32 s3, s1;
	s9 =	ssub.s32 $0x0, s9  }
0xb1: {  	s18 =	sshrl.u32 s2, $0x6;
	s19 =	smul.u32 $0x6, s17;
	v12 =	vld [tilespmem:s22+$0x1800];
	s24 =	sand.u32 $0xFF, s9;
	v9 =	vadd.s32 v0, v11;
	v10 =	vadd.s32 s23, v8  }
0xb2: {  	s25 =	sshll.u32 s5, $0xA;
	s1 =	sand.u32 $0xF0, s18;
	s26 =	sshll.u32 s24, $0x3;
	v10 =	vbroadcast v10, $0x0  }
0xb3: {  	s25 =	sor.u32 s7, s25;
	v13 =	vmov s1;
	s0 =	ssub.s32 s0, s19;
	v8 =	vadd.s32 s26, v8  }
0xb4: {  	v15 =	vld [tilespmem:s25+$0x1800];
	s3 =	sshll.u32 s24, $0xA;
	v13 =	vmul.u32 $0x30, v13;
	s0 =	sand.u32 $0xFF, s0;
	v8 =	vbroadcast v8, $0x0;
	v14 =	vadd.s32 v0, v10  }
0xb5: {  	s23 =	sor.u32 s7, s3;
	s5 =	sshll.u32 s0, $0x3  }
0xb6: {  	v17 =	vld [tilespmem:s23+$0x1800];
	v13 =	vadd.s32 s5, v13;
	v16 =	vadd.s32 v0, v8;
	[tilespmem:v9+s16+$0x0] =	vst.idx.msk $0xffff, v12  }
0xb7: {  	s0 =	sshll.u32 s0, $0xA;
	v9 =	vbroadcast v13, $0x0;
	v12 =	vadd.s32 v1, v11;
	v13 =	vld [tilespmem:s22+$0x1880]  }
0xb8: {  	s24 =	sor.u32 s1, s0;
	s1 =	simm.s32 $0x4  }
0xb9: {  	v19 =	vld [tilespmem:s24+$0x1800];
	s2 =	sor.u32 $0x1, s1;
	s0 =	sor.u32 $0x2, s1;
	v18 =	vadd.s32 v0, v9;
	[tilespmem:v14+s16+$0x0] =	vst.idx.msk $0xffff, v15  }
0xba: {  	s3 =	sor.u32 $0x3, s1;
	s10 =	smul.u32 $0xAB, s1;
	s9 =	sand.u32 $0xFF, s2;
	v15 =	vadd.s32 v1, v10;
	v14 =	vld [tilespmem:s25+$0x1880]  }
0xbb: {  	s11 =	sand.u32 $0xFF, s0;
	s12 =	sand.u32 $0xFF, s3;
	s13 =	smul.u32 $0xAB, s9;
	[tilespmem:v16+s16+$0x0] =	vst.idx.msk $0xffff, v17  }
0xbc: {  	s17 =	sshrl.u32 s10, $0xA;
	s7 =	sshrl.u32 s10, $0x6;
	s10 =	smul.u32 $0xAB, s12;
	v17 =	vadd.s32 v1, v8;
	v16 =	vld [tilespmem:s23+$0x1880];
	[tilespmem:v12+s16+$0x0] =	vst.idx.msk $0xffff, v13  }
0xbd: {  	s18 =	smul.u32 $0xAB, s11;
	s12 =	sand.u32 $0x3F, s17;
	v13 =	vadd.s32 v2, v11;
	v12 =	vld [tilespmem:s22+$0x1900]  }
0xbe: {  	s5 =	sand.u32 $0xF0, s7;
	s19 =	smul.u32 $0x6, s12;
	s11 =	sshrl.u32 s13, $0xA;
	[tilespmem:v18+s16+$0x0] =	vst.idx.msk $0xffff, v19  }
0xbf: {  	s26 =	sshrl.u32 s10, $0xA;
	s10 =	sshrl.u32 s10, $0x6;
	s11 =	smul.u32 $0x6, s11;
	v19 =	vadd.s32 v1, v9;
	v18 =	vld [tilespmem:s24+$0x1880];
	[tilespmem:v15+s16+$0x0] =	vst.idx.msk $0xffff, v14  }
0xc0: {  	v20 =	vadd.s32 v2, v10;
	s13 =	sshrl.u32 s18, $0xA;
	s7 =	sshrl.u32 s18, $0x6;
	s12 =	smul.u32 $0x6, s26;
	v15 =	vld [tilespmem:s25+$0x1900]  }
0xc1: {  	s10 =	sand.u32 $0xF0, s10;
	s9 =	ssub.s32 $0x4, s19;
	s2 =	ssub.s32 s2, s11;
	v14 =	vmov s5;
	[tilespmem:v17+s16+$0x0] =	vst.idx.msk $0xffff, v16  }
0xc2: {  	s9 =	sand.u32 $0xFF, s9;
	s3 =	ssub.s32 s3, s12;
	s2 =	sand.u32 $0xFF, s2;
	[tilespmem:v13+s16+$0x0] =	vst.idx.msk $0xffff, v12;
	v12 =	vmul.u32 $0x30, v14;
	v13 =	vmov s10  }
0xc3: {  	v22 =	vadd.s32 v2, v8;
	s17 =	sshll.u32 s9, $0x3;
	s3 =	sand.u32 $0xFF, s3;
	s18 =	sshll.u32 s2, $0x3;
	v21 =	vld [tilespmem:s23+$0x1900];
	v13 =	vmul.u32 $0x30, v13  }
0xc4: {  	s19 =	smul.u32 $0x6, s13;
	s13 =	sshll.u32 s3, $0x3;
	v17 =	vadd.s32 v3, v11;
	v16 =	vld [tilespmem:s22+$0x1980];
	[tilespmem:v19+s16+$0x0] =	vst.idx.msk $0xffff, v18;
	v18 =	vadd.s32 s17, v12;
	v12 =	vadd.s32 s18, v12  }
0xc5: {  	v24 =	vadd.s32 v2, v9;
	s2 =	sshll.u32 s2, $0xA;
	v23 =	vld [tilespmem:s24+$0x1900];
	s17 =	sand.u32 $0xF0, s7;
	v13 =	vadd.s32 s13, v13;
	v14 =	vbroadcast v12, $0x0;
	[tilespmem:v20+s16+$0x0] =	vst.idx.msk $0xffff, v15  }
0xc6: {  	v26 =	vadd.s32 v3, v10;
	s3 =	sshll.u32 s3, $0xA;
	s26 =	sor.u32 s5, s2;
	v12 =	vmov s17;
	v13 =	vbroadcast v13, $0x0;
	v20 =	vld [tilespmem:s25+$0x1980]  }
0xc7: {  	s31 =	sor.u32 s10, s3;
	v25 =	vld [tilespmem:s26+$0x1800];
	s18 =	sshll.u32 s9, $0xA;
	v15 =	vmul.u32 $0x30, v12;
	v12 =	vbroadcast v18, $0x0;
	v18 =	vadd.s32 v0, v14  }
0xc8: {  	v28 =	vld [tilespmem:s31+$0x1800];
	s28 =	sor.u32 s5, s18;
	[tilespmem:v22+s16+$0x0] =	vst.idx.msk $0xffff, v21  }
0xc9: {  	s0 =	ssub.s32 s0, s19;
	v31 =	vld [tilespmem:s28+$0x1800];
	[tilespmem:v17+s16+$0x0] =	vst.idx.msk $0xffff, v16;
	v29 =	vadd.s32 v0, v13  }
0xca: {  	s0 =	sand.u32 $0xFF, s0;
	v22 =	vld [tilespmem:s23+$0x1980];
	v30 =	vadd.s32 v0, v12;
	[tilespmem:v24+s16+$0x0] =	vst.idx.msk $0xffff, v23  }
0xcb: {  	v27 =	vadd.s32 v3, v8;
	s19 =	sshll.u32 s0, $0x3;
	v19 =	vld [tilespmem:s22+$0x1A00];
	[tilespmem:v26+s16+$0x0] =	vst.idx.msk $0xffff, v20  }
0xcc: {  	s0 =	sshll.u32 s0, $0xA;
	v15 =	vadd.s32 s19, v15;
	v20 =	vld [tilespmem:s24+$0x1980];
	[tilespmem:v18+s16+$0x0] =	vst.idx.msk $0xffff, v25;
	v25 =	vadd.s32 v3, v9  }
0xcd: {  	s29 =	sor.u32 s17, s0;
	v15 =	vbroadcast v15, $0x0;
	v26 =	vadd.s32 v4, v10;
	v21 =	vld [tilespmem:s25+$0x1A00]  }
0xce: {  	v23 =	vadd.s32 v4, v11;
	v24 =	vld [tilespmem:s29+$0x1800];
	[tilespmem:v29+s16+$0x0] =	vst.idx.msk $0xffff, v28  }
0xcf: {  	s30 =	sor.u32 $0x1, s21;
	v17 =	vadd.s32 v1, v13;
	v16 =	vadd.s32 v0, v15;
	v18 =	vld [tilespmem:s26+$0x1880];
	[tilespmem:v30+s16+$0x0] =	vst.idx.msk $0xffff, v31  }
.LBB2_5:
0xd0: {  	s1 =	sadd.s32 $0x4, s1;
	v28 =	vld [tilespmem:s31+$0x1880];
	[tilespmem:v27+s16+$0x0] =	vst.idx.msk $0xffff, v22  }
0xd1: {  	v27 =	vadd.s32 v4, v8;
	s5 =	sor.u32 $0x1, s1;
	s9 =	sor.u32 $0x2, s1;
	s17 =	sor.u32 $0x3, s1;
	v22 =	vld [tilespmem:s23+$0x1A00];
	[tilespmem:v25+s16+$0x0] =	vst.idx.msk $0xffff, v20  }
0xd2: {  	v20 =	vadd.s32 v1, v14;
	v25 =	vadd.s32 v4, v9;
	s0 =	sand.u32 $0xFF, s5;
	s2 =	sand.u32 $0xFF, s9;
	s3 =	sand.u32 $0xFF, s17;
	[tilespmem:v26+s16+$0x0] =	vst.idx.msk $0xffff, v21;
	v21 =	vld [tilespmem:s24+$0x1A00]  }
0xd3: {  	s7 =	smul.u32 $0xAB, s1;
	p0 =	slt.u32 s1, $0x2C;
	v26 =	vld [tilespmem:s28+$0x1880];
	[tilespmem:v23+s16+$0x0] =	vst.idx.msk $0xffff, v19  }
0xd4: {  	s0 =	smul.u32 $0xAB, s0;
	v19 =	vadd.s32 v5, v10;
	[tilespmem:v16+s16+$0x0] =	vst.idx.msk $0xffff, v24;
	v16 =	vld [tilespmem:s25+$0x1A80]  }
0xd5: {  	s10 =	sshrl.u32 s7, $0xA;
	s7 =	sshrl.u32 s7, $0x6;
	s3 =	smul.u32 $0xAB, s3;
	v23 =	vadd.s32 v5, v11;
	[tilespmem:v17+s16+$0x0] =	vst.idx.msk $0xffff, v28;
	v17 =	vld [tilespmem:s22+$0x1A80]  }
0xd6: {  	s2 =	smul.u32 $0xAB, s2;
	s10 =	sand.u32 $0x3F, s10;
	s7 =	sand.u32 $0xF0, s7;
	v24 =	vadd.s32 v1, v12;
	v28 =	vld [tilespmem:s31+$0x1900];
	[tilespmem:v27+s16+$0x0] =	vst.idx.msk $0xffff, v22  }
0xd7: {  	s10 =	smul.u32 $0x6, s10;
	s11 =	sshrl.u32 s3, $0xA;
	s3 =	sshrl.u32 s3, $0x6;
	v22 =	vmov s7;
	[tilespmem:v20+s16+$0x0] =	vst.idx.msk $0xffff, v18;
	v18 =	vld [tilespmem:s23+$0x1A80];
	v20 =	vadd.s32 v5, v8  }
0xd8: {  	v29 =	vadd.s32 v1, v15;
	s12 =	sshrl.u32 s0, $0xA;
	s0 =	sshrl.u32 s2, $0xA;
	s2 =	sshrl.u32 s2, $0x6;
	v22 =	vmul.u32 $0x30, v22;
	v27 =	vld [tilespmem:s29+$0x1880];
	[tilespmem:v25+s16+$0x0] =	vst.idx.msk $0xffff, v21;
	v21 =	vadd.s32 v5, v9  }
0xd9: {  	s13 =	smul.u32 $0x6, s0;
	s2 =	sand.u32 $0xF0, s2;
	s10 =	ssub.s32 s1, s10;
	[tilespmem:v19+s16+$0x0] =	vst.idx.msk $0xffff, v16;
	v16 =	vld [tilespmem:s24+$0x1A80]  }
0xda: {  	v30 =	vadd.s32 v6, v10;
	s11 =	smul.u32 $0x6, s11;
	s0 =	sand.u32 $0xF0, s3;
	s10 =	sand.u32 $0xFF, s10;
	v19 =	vmov s2;
	v25 =	vld [tilespmem:s25+$0x1B00];
	[tilespmem:v23+s16+$0x0] =	vst.idx.msk $0xffff, v17  }
0xdb: {  	s12 =	smul.u32 $0x6, s12;
	s3 =	sshll.u32 s10, $0x3;
	v17 =	vmul.u32 $0x30, v19;
	v19 =	vmov s0;
	v23 =	vadd.s32 v2, v13;
	[tilespmem:v24+s16+$0x0] =	vst.idx.msk $0xffff, v26;
	v24 =	vld [tilespmem:s22+$0x1B00]  }
0xdc: {  	v26 =	vadd.s32 s3, v22;
	s3 =	ssub.s32 s9, s13;
	s9 =	ssub.s32 s17, s11;
	v31 =	vld [tilespmem:s28+$0x1900];
	[tilespmem:v20+s16+$0x0] =	vst.idx.msk $0xffff, v18;
	v18 =	vadd.s32 v6, v11  }
0xdd: {  	s10 =	sshll.u32 s10, $0xA;
	v19 =	vmul.u32 $0x30, v19;
	v20 =	vbroadcast v26, $0x0;
	s3 =	sand.u32 $0xFF, s3;
	s9 =	sand.u32 $0xFF, s9;
	v26 =	vadd.s32 v2, v12;
	[tilespmem:v29+s16+$0x0] =	vst.idx.msk $0xffff, v27;
	v27 =	vld [tilespmem:s23+$0x1B00]  }
0xde: {  	v32 =	vadd.s32 v2, v15;
	v33 =	vadd.s32 v6, v8;
	s5 =	ssub.s32 s5, s12;
	s10 =	sor.u32 s7, s10;
	s11 =	sshll.u32 s3, $0xA;
	v29 =	vld [tilespmem:s29+$0x1900];
	[tilespmem:v21+s16+$0x0] =	vst.idx.msk $0xffff, v16  }
0xdf: {  	s5 =	sand.u32 $0xFF, s5;
	s3 =	sshll.u32 s3, $0x3;
	v34 =	vadd.s32 v0, v20;
	s2 =	sor.u32 s2, s11;
	[tilespmem:v30+s16+$0x0] =	vst.idx.msk $0xffff, v25;
	v21 =	vld [tilespmem:s24+$0x1B00];
	v25 =	vadd.s32 v6, v9  }
0xe0: {  	s11 =	sshll.u32 s5, $0x3;
	s5 =	sshll.u32 s5, $0xA;
	v16 =	vadd.s32 s3, v17;
	s3 =	sshll.u32 s9, $0xA;
	[tilespmem:v23+s16+$0x0] =	vst.idx.msk $0xffff, v28;
	v23 =	vadd.s32 v7, v8;
	v28 =	vld [tilespmem:s25+$0x1B80];
	v8 =	vmovc v12;
	v12 =	vmov v20  }
0xe1: {  	s9 =	sshll.u32 s9, $0x3;
	v17 =	vadd.s32 s11, v22;
	v30 =	vadd.s32 v2, v14;
	v20 =	vbroadcast v16, $0x0;
	s25 =	smov.u32 s26;
	v22 =	vld [tilespmem:s26+$0x1900];
	[tilespmem:v18+s16+$0x0] =	vst.idx.msk $0xffff, v24;
	s26 =	sor.u32 s7, s5  }
0xe2: {  	v18 =	vbroadcast v17, $0x0;
	v17 =	vadd.s32 s9, v19;
	v24 =	vadd.s32 v3, v13;
	[tilespmem:v26+s16+$0x0] =	vst.idx.msk $0xffff, v31;
	v19 =	vld [tilespmem:s31+$0x1980]  }
0xe3: {  	v16 =	vadd.s32 v0, v20;
	v26 =	vbroadcast v17, $0x0;
	v31 =	vadd.s32 v7, v11;
	[tilespmem:v32+s16+$0x0] =	vst.idx.msk $0xffff, v29;
	v29 =	vld [tilespmem:s22+$0x1B80];
	s22 =	smov.u32 s31  }
0xe4: {  	v32 =	vadd.s32 v0, v18;
	v35 =	vld [tilespmem:s26+$0x1800];
	[tilespmem:v33+s16+$0x0] =	vst.idx.msk $0xffff, v27;
	v27 =	vadd.s32 v7, v10;
	v10 =	vmov v14  }
0xe5: {  	v17 =	vadd.s32 v1, v26;
	v33 =	vld [tilespmem:s23+$0x1B80];
	[tilespmem:v25+s16+$0x0] =	vst.idx.msk $0xffff, v21;
	v21 =	vadd.s32 v7, v9;
	v9 =	vmov v15;
	s23 =	smov.u32 s28;
	s28 =	smov.u32 s10  }
0xe6: {  	v11 =	vmovc v13;
	v14 =	vmov v18;
	v13 =	vmov v26;
	v15 =	vmov v20;
	[tilespmem:v30+s16+$0x0] =	vst.idx.msk $0xffff, v22;
	v25 =	vld [tilespmem:s24+$0x1B80];
	s24 =	smov.u32 s29;
	s29 =	smov.u32 s2  }
0xe7: {  	s31 =	sor.u32 s0, s3;
	v20 =	vadd.s32 v3, v10;
	v18 =	vld [tilespmem:s25+$0x1980];
	[tilespmem:v24+s16+$0x0] =	vst.idx.msk $0xffff, v19  }
0xe8: {  	v24 =	vadd.s32 v0, v13;
	v30 =	vld [tilespmem:s31+$0x1800];
	[tilespmem:v31+s16+$0x0] =	vst.idx.msk $0xffff, v29  }
0xe9: {  	v19 =	vld [tilespmem:s22+$0x1A00];
	[tilespmem:v27+s16+$0x0] =	vst.idx.msk $0xffff, v28  }
0xea: {  	v28 =	vld [tilespmem:s28+$0x1800];
	[tilespmem:v23+s16+$0x0] =	vst.idx.msk $0xffff, v33  }
.Ltmp3:
0xeb: {  	v27 =	vadd.s32 v3, v8;
	v22 =	vld [tilespmem:s23+$0x1980];
	[tilespmem:v21+s16+$0x0] =	vst.idx.msk $0xffff, v25;
	(pc) =	sbr.rel @p0 .LBB2_5-.Ltmp3, $4  }
0xec: {  	v25 =	vadd.s32 v3, v9;
	[tilespmem:v20+s16+$0x0] =	vst.idx.msk $0xffff, v18;
	v20 =	vld [tilespmem:s24+$0x1980]  }
0xed: {  	v26 =	vadd.s32 v4, v10;
	[tilespmem:v32+s16+$0x0] =	vst.idx.msk $0xffff, v35;
	v21 =	vld [tilespmem:s25+$0x1A00]  }
0xee: {  	v23 =	vadd.s32 v4, v11;
	v18 =	vld [tilespmem:s26+$0x1880];
	[tilespmem:v24+s16+$0x0] =	vst.idx.msk $0xffff, v30  }
0xef: {  	[tilespmem:v34+s16+$0x0] =	vst.idx.msk $0xffff, v28;
	v24 =	vld [tilespmem:s29+$0x1800]  }
0xf0: {  	_ =	sdelay $0x3  }
0xf1: {  	v28 =	vld [tilespmem:s31+$0x1880];
	[tilespmem:v27+s16+$0x0] =	vst.idx.msk $0xffff, v22  }
0xf2: {  	v39 =	vadd.s32 v1, v14;
	[tilespmem:v23+s16+$0x0] =	vst.idx.msk $0xffff, v19  }
0xf3: {  	v42 =	vld [tilespmem:s28+$0x1880];
	v43 =	vadd.s32 v1, v12;
	[tilespmem:v25+s16+$0x0] =	vst.idx.msk $0xffff, v20  }
0xf4: {  	v38 =	vadd.s32 v4, v8;
	v22 =	vld [tilespmem:s23+$0x1A00];
	[tilespmem:v26+s16+$0x0] =	vst.idx.msk $0xffff, v21  }
0xf5: {  	v49 =	vadd.s32 v5, v11;
	v48 =	vld [tilespmem:s22+$0x1A80];
	[tilespmem:v16+s16+$0x0] =	vst.idx.msk $0xffff, v24  }
0xf6: {  	v45 =	vadd.s32 v1, v15;
	[tilespmem:v17+s16+$0x0] =	vst.idx.msk $0xffff, v28;
	v44 =	vld [tilespmem:s29+$0x1880]  }
0xf7: {  	v41 =	vadd.s32 v4, v9;
	v40 =	vld [tilespmem:s24+$0x1A00];
	[tilespmem:v39+s16+$0x0] =	vst.idx.msk $0xffff, v18  }
0xf8: {  	v47 =	vadd.s32 v5, v10;
	v46 =	vld [tilespmem:s25+$0x1A80];
	[tilespmem:v43+s16+$0x0] =	vst.idx.msk $0xffff, v42  }
0xf9: {  	v51 =	vadd.s32 v2, v13;
	[tilespmem:v38+s16+$0x0] =	vst.idx.msk $0xffff, v22;
	v50 =	vld [tilespmem:s31+$0x1900]  }
0xfa: {  	v53 =	vadd.s32 v2, v14;
	v52 =	vld [tilespmem:s26+$0x1900];
	[tilespmem:v49+s16+$0x0] =	vst.idx.msk $0xffff, v48  }
0xfb: {  	v55 =	vadd.s32 v2, v12;
	v54 =	vld [tilespmem:s28+$0x1900];
	[tilespmem:v45+s16+$0x0] =	vst.idx.msk $0xffff, v44  }
0xfc: {  	v56 =	vadd.s32 v2, v15;
	[tilespmem:v41+s16+$0x0] =	vst.idx.msk $0xffff, v40;
	v17 =	vld [tilespmem:s29+$0x1900]  }
0xfd: {  	v58 =	vadd.s32 v5, v8;
	v57 =	vld [tilespmem:s23+$0x1A80];
	[tilespmem:v47+s16+$0x0] =	vst.idx.msk $0xffff, v46  }
0xfe: {  	v35 =	vadd.s32 v6, v11;
	v34 =	vld [tilespmem:s22+$0x1B00];
	[tilespmem:v51+s16+$0x0] =	vst.idx.msk $0xffff, v50  }
0xff: {  	v61 =	vadd.s32 v3, v13;
	[tilespmem:v53+s16+$0x0] =	vst.idx.msk $0xffff, v52;
	v18 =	vld [tilespmem:s31+$0x1980]  }
0x100: {  	v62 =	vadd.s32 v3, v14;
	[tilespmem:v55+s16+$0x0] =	vst.idx.msk $0xffff, v54;
	v16 =	vld [tilespmem:s26+$0x1980]  }
0x101: {  	v30 =	vadd.s32 v3, v12;
	v63 =	vld [tilespmem:s28+$0x1980];
	[tilespmem:v56+s16+$0x0] =	vst.idx.msk $0xffff, v17  }
0x102: {  	v31 =	vadd.s32 v3, v15;
	[tilespmem:v58+s16+$0x0] =	vst.idx.msk $0xffff, v57;
	v23 =	vld [tilespmem:s29+$0x1980]  }
0x103: {  	v59 =	vadd.s32 v5, v9;
	v60 =	vld [tilespmem:s24+$0x1A80];
	[tilespmem:v35+s16+$0x0] =	vst.idx.msk $0xffff, v34  }
0x104: {  	v33 =	vadd.s32 v6, v10;
	v32 =	vld [tilespmem:s25+$0x1B00];
	[tilespmem:v61+s16+$0x0] =	vst.idx.msk $0xffff, v18  }
0x105: {  	v36 =	vadd.s32 v4, v13;
	[tilespmem:v62+s16+$0x0] =	vst.idx.msk $0xffff, v16;
	v18 =	vld [tilespmem:s31+$0x1A00]  }
0x106: {  	v37 =	vadd.s32 v4, v14;
	[tilespmem:v30+s16+$0x0] =	vst.idx.msk $0xffff, v63;
	v19 =	vld [tilespmem:s26+$0x1A00]  }
0x107: {  	v38 =	vadd.s32 v4, v12;
	v17 =	vld [tilespmem:s28+$0x1A00];
	[tilespmem:v31+s16+$0x0] =	vst.idx.msk $0xffff, v23  }
0x108: {  	v39 =	vadd.s32 v4, v15;
	[tilespmem:v59+s16+$0x0] =	vst.idx.msk $0xffff, v60;
	v23 =	vld [tilespmem:s29+$0x1A00]  }
0x109: {  	v41 =	vadd.s32 v6, v8;
	v40 =	vld [tilespmem:s23+$0x1B00];
	[tilespmem:v33+s16+$0x0] =	vst.idx.msk $0xffff, v32  }
0x10a: {  	v49 =	vadd.s32 v7, v11;
	v48 =	vld [tilespmem:s22+$0x1B80];
	[tilespmem:v36+s16+$0x0] =	vst.idx.msk $0xffff, v18  }
0x10b: {  	v44 =	vadd.s32 v5, v13;
	[tilespmem:v37+s16+$0x0] =	vst.idx.msk $0xffff, v19;
	v16 =	vld [tilespmem:s31+$0x1A80]  }
0x10c: {  	v45 =	vadd.s32 v5, v14;
	[tilespmem:v38+s16+$0x0] =	vst.idx.msk $0xffff, v17;
	v19 =	vld [tilespmem:s26+$0x1A80]  }
0x10d: {  	v46 =	vadd.s32 v5, v12;
	v17 =	vld [tilespmem:s28+$0x1A80];
	[tilespmem:v39+s16+$0x0] =	vst.idx.msk $0xffff, v23  }
0x10e: {  	v47 =	vadd.s32 v5, v15;
	[tilespmem:v41+s16+$0x0] =	vst.idx.msk $0xffff, v40;
	v24 =	vld [tilespmem:s29+$0x1A80]  }
0x10f: {  	v43 =	vadd.s32 v6, v9;
	v42 =	vld [tilespmem:s24+$0x1B00];
	[tilespmem:v49+s16+$0x0] =	vst.idx.msk $0xffff, v48  }
0x110: {  	v51 =	vadd.s32 v7, v10;
	v50 =	vld [tilespmem:s25+$0x1B80];
	[tilespmem:v44+s16+$0x0] =	vst.idx.msk $0xffff, v16  }
0x111: {  	v52 =	vadd.s32 v6, v13;
	[tilespmem:v45+s16+$0x0] =	vst.idx.msk $0xffff, v19;
	v16 =	vld [tilespmem:s31+$0x1B00]  }
0x112: {  	v53 =	vadd.s32 v6, v14;
	[tilespmem:v46+s16+$0x0] =	vst.idx.msk $0xffff, v17;
	v19 =	vld [tilespmem:s26+$0x1B00]  }
0x113: {  	v54 =	vadd.s32 v6, v12;
	v17 =	vld [tilespmem:s28+$0x1B00];
	[tilespmem:v47+s16+$0x0] =	vst.idx.msk $0xffff, v24  }
0x114: {  	v56 =	vadd.s32 v6, v15;
	[tilespmem:v43+s16+$0x0] =	vst.idx.msk $0xffff, v42;
	v55 =	vld [tilespmem:s29+$0x1B00]  }
0x115: {  	v8 =	vadd.s32 v7, v8;
	v57 =	vld [tilespmem:s23+$0x1B80];
	[tilespmem:v51+s16+$0x0] =	vst.idx.msk $0xffff, v50  }
0x116: {  	v58 =	vadd.s32 v7, v9;
	v59 =	vld [tilespmem:s24+$0x1B80];
	[tilespmem:v52+s16+$0x0] =	vst.idx.msk $0xffff, v16  }
0x117: {  	v60 =	vadd.s32 v7, v13;
	[tilespmem:v53+s16+$0x0] =	vst.idx.msk $0xffff, v19;
	v16 =	vld [tilespmem:s31+$0x1B80]  }
0x118: {  	v62 =	vadd.s32 v7, v14;
	[tilespmem:v54+s16+$0x0] =	vst.idx.msk $0xffff, v17;
	v61 =	vld [tilespmem:s26+$0x1B80]  }
0x119: {  	v63 =	vadd.s32 v7, v12;
	v17 =	vld [tilespmem:s28+$0x1B80];
	[tilespmem:v56+s16+$0x0] =	vst.idx.msk $0xffff, v55  }
0x11a: {  	[tilespmem:v8+s16+$0x0] =	vst.idx.msk $0xffff, v57;
	v8 =	vadd.s32 v7, v15;
	v11 =	vld [tilespmem:s29+$0x1B80]  }
0x11b: {  	[tilespmem:v58+s16+$0x0] =	vst.idx.msk $0xffff, v59  }
.Ltmp4:
0x11c: {  	s0 =	sadd.s32 s8, s30;
	[tilespmem:v60+s16+$0x0] =	vst.idx.msk $0xffff, v16;
	(pc) =	sbr.rel @p1 .LBB2_8-.Ltmp4, $4  }
0x11d: {  	s0 =	smul.u32 $0x300, s0;
	[tilespmem:v62+s16+$0x0] =	vst.idx.msk $0xffff, v61  }
0x11e: {  	[tilespmem:v63+s16+$0x0] =	vst.idx.msk $0xffff, v17  }
0x11f: {  	s0 =	sadd.s32 s4, s0;
	[tilespmem:v8+s16+$0x0] =	vst.idx.msk $0xffff, v11  }
0x120: {  	[hbm4b:s0+s15] =	stream.linear.scatter [tilespmem:s16], [sflag:$0x4], $0x1800, $0x38;
	[tilespmem:$0x6000] =	vst v63  }
0x121: {  	s0 =	sadd.s32 $0x3, s21  }
0x122: {  	s1 =	sshrl.u32 s0, $0x3  }
0x123: {  	s1 =	sadd.s32 s6, s1  }
0x124: {  	s0 =	sshll.u32 s0, $0xA;
	s1 =	smul.u32 $0xC000, s1  }
.Ltmp5:
0x125: {  	s0 =	sand.u32 $0x1C00, s0;
	(pc) =	sbr.rel .LBB2_2-.Ltmp5, $4  }
0x126: {  	s30 =	rddreg [dreg:$0x0];
	s0 =	sor.u32 s0, s1  }
0x127: {  	s31 =	simm.s32 $0x400;
	s2 =	simm.s32 $0x2000;
	s0 =	sshrl.u32 s0, $0x3  }
0x128: {  	s3 =	simm.s32 $0x1800;
	s20 =	sadd.s32 $0x1, s20;
	s0 =	sadd.s32 s30, s0  }
0x129: {  	[tilespmem:s3], [sflag:$0x2] =	stream.strided.gather [hbm4b:s0+s31], $0x1800, s2, s31, $0x38;
	[tilespmem:$0x6000] =	vst v63  }
.LBB2_9:
0x12a: {  	_ =	sfence.sel $0x180000  }
0x12b: {  	[bflag:$0x0] =	sbarrier.arrive $0xFFFF  }
0x12c: {  	_ =	strace $0x90000047  }
0x12d: {  	s0 =	stileid.u32;
	[bflag:$0x2] =	sbarrier.arrive $0xFFFF  }
0x12e: {  	p0 =	sne.s32 s0, $0x0;
	s0 =	rddreg [dreg:$0x2]  }
0x12f: {  	s0 =	sadd.s32 @!p0 $0x100000, s0  }
0x130: {  	[sflag:s0] =	ssyncadd.tile.s32 @!p0 $0x1;
	_ =	shalt  }
.Lfunc_end2:
_tile_overlayer_lowered:
.L_overlay_start_2:
0x131: {  	(tag) =	ssettag $0x2  }
0x132: {  	s0 =	rddreg [dreg:$0x0];
	s2 =	stileid.u32  }
0x133: {  	s1 =	rddreg [dreg:$0x1];
	p0 =	sne.s32 s2, $0x0  }
0x134: {  	s3 =	rddreg [dreg:$0x2];
	[bflag:$0x3] =	sbarrier.arrive $0xFFFF;
	s2 =	simm.s32 @!p0 $0x1C05  }
0x135: {  	[timem:s3], [sflag:s2] =	dma.local @!p0 [hbm:s0], s1  }
0x136: {  	s0 =	simm.s32 @!p0 $0x5  }
0x137: {  	_ =	swait.ge @!p0 [sflag:s0], s1  }
0x138: {  	s1 =	ssub.s32 @!p0 $0x0, s1;
	[sflag:s0] =	ssyncset.done @!p0 $0x0  }
0x139: {  	[sflag:s0] =	ssyncadd.s32 @!p0 s1  }
0x13a: {  	[bflag:$0x3] =	sbarrier.arrive $0xFFFF  }
0x13b: {  	_ =	shalt  }

// kernel: kernel.7.cloned.1.call-start
scs
__scs_entry_jumppad:
0x0: {  	(pc) =	sbr.rel $0x88, $3  }
0x1: {  	(tag) =	ssettag $0x0;
	lr =	simm.s32 $0x1  }
0x2: {  	[smem:$0x3F9F] =	sst lr;
	_ =	strace $0xD0000000  }
0x3: {  	_ = 	snop  }
0x4: {  	_ = 	snop  }
0x5: {  	_ = 	snop  }
0x6: {  	_ = 	snop  }
0x7: {  	_ = 	snop  }
__scs_overlays_trampoline_lowered:
0x8: {  	[smem:$0x3FAE] =	sst s0  }
0x9: {  	[smem:$0x3FAF] =	sst s1  }
0xa: {  	[smem:$0x3FB0] =	sst s2  }
0xb: {  	[smem:$0x3FB1] =	sst s3  }
0xc: {  	[smem:$0x3FB2] =	sst s4  }
0xd: {  	[smem:$0x3FB3] =	sst s5  }
0xe: {  	[smem:$0x3FB4] =	sst s6  }
0xf: {  	[smem:$0x3FB5] =	sst s7  }
0x10: {  	[smem:$0x3FB6] =	sst s8  }
0x11: {  	[smem:$0x3FB7] =	sst s9;
	s0 =	simm.s32 @!p0 $0x0  }
0x12: {  	s1 =	sld [smem:$0x3F9D];
	s0 =	simm.s32 @p0 $0x1  }
0x13: {  	[smem:$0x3FB8] =	sst s0;
	s0 =	simm.s32 @!p1 $0x0  }
0x14: {  	s2 =	sld [smem:$0x3F9C];
	s0 =	simm.s32 @p1 $0x1  }
0x15: {  	[smem:$0x3FB9] =	sst s0;
	s0 =	simm.s32 @!p2 $0x0  }
0x16: {  	s3 =	sld [smem:$0x3FDB];
	s0 =	simm.s32 @p2 $0x1  }
0x17: {  	s4 =	simm.s32 $0x1BF5;
	[smem:$0x3FBB] =	sst s0  }
0x18: {  	s0 =	sld [smem:$0x3F9E];
	_ =	swait.ge [sflag:s4], $0x0  }
0x19: {  	s7 =	sld [smem:$0x3F9F]  }
0x1a: {  	s8 =	sadd.s32 $0xFFFFE003, lr  }
0x1b: {  	s9 =	sadd.s32 $0xFFFFFEF7, lr;
	s5 =	simm.s32 $0xFFFFFFFF;
	p2 =	slt.u32 s8, $0xFFFFF086  }
0x1c: {  	p1 =	slt.u32 s9, $0xF7A;
	s5 =	simm.s32 @!p2 $0x0  }
0x1d: {  	s5 =	simm.s32 @p1 $0x1;
	p0 =	seq.s32 s7, s2  }
0x1e: {  	s7 =	smul.u32 @!p0 $0xF7A, s2;
	p2 =	seq.s32 @!p0 s5, $0x0  }
0x1f: {  	s9 =	smul.u32 $0xF7A, s1;
	s8 =	simm.s32 @!p0 $0x1BF5;
	p2 =	por !p2, p0  }
0x20: {  	[sflag:s8] =	ssyncset.s32 @!p0 $0xFFFFF086;
	s6 =	sadd.s32 @!p0 s3, s7;
	s7 =	simm.s32 @!p0 $0x108  }
0x21: {  	s3 =	sadd.s32 s3, s9;
	s6 =	sadd.s32 @!p0 $0x88, s6;
	s7 =	simm.s32 @p2 $0x1082  }
0x22: {  	[simem:s7], [sflag:s8] =	dma.local @!p0 [hbm:s6], $0xF7A  }
0x23: {  	s9 =	sor.u32 $0xD0000000, s2;
	s6 =	simm.s32 $0x108;
	_ =	swait.ge @!p0 [sflag:s8], $0x0  }
0x24: {  	s3 =	sadd.s32 $0x88, s3;
	s6 =	simm.s32 @!p1 $0x1082;
	[sflag:s4] =	ssyncset.s32 $0xFFFFF086  }
0x25: {  	[simem:s6], [sflag:s4] =	dma.local [hbm:s3], $0xF7A  }
0x26: {  	[smem:$0x3F9F] =	sst s1;
	(tag) =	ssettag s2;
	_ =	strace s9  }
0x27: {  	s1 =	sld [smem:$0x3FAF]  }
0x28: {  	s2 =	sld [smem:$0x3FB0]  }
0x29: {  	s4 =	sld [smem:$0x3FB2]  }
0x2a: {  	p0 =	seq.s32 s5, $0x0;
	s5 =	sld [smem:$0x3FB3]  }
0x2b: {  	s6 =	sld [smem:$0x3FB4]  }
0x2c: {  	s7 =	sld [smem:$0x3FB5]  }
0x2d: {  	s3 =	simm.s32 $0x108;
	s8 =	sld [smem:$0x3FB6]  }
0x2e: {  	s3 =	simm.s32 @!p0 $0x1082;
	s9 =	sld [smem:$0x3FB7]  }
0x2f: {  	lr =	sadd.s32 s0, s3;
	s0 =	sld [smem:$0x3FAE]  }
0x30: {  	s3 =	sld [smem:$0x3FB1]  }
0x31: {  	[smem:$0x3FBA] =	sst s10  }
0x32: {  	s10 =	sld [smem:$0x3FB8];
	_ =	sdelay $0x3  }
0x33: {  	p0 =	seq.s32 s10, $0x1;
	s10 =	sld [smem:$0x3FBA];
	_ =	sdelay $0x3  }
0x34: {  	[smem:$0x3FBA] =	sst s10  }
0x35: {  	s10 =	sld [smem:$0x3FB9];
	_ =	sdelay $0x3  }
0x36: {  	p1 =	seq.s32 s10, $0x1;
	s10 =	sld [smem:$0x3FBA];
	_ =	sdelay $0x3  }
0x37: {  	[smem:$0x3FBA] =	sst s10  }
0x38: {  	s10 =	sld [smem:$0x3FBB]  }
0x39: {  	_ = 	snop;
	(pc) =	sbr.ind lr, $3  }
0x3a: {  	_ = 	snop  }
0x3b: {  	_ = 	snop  }
0x3c: {  	p2 =	seq.s32 s10, $0x1;
	s10 =	sld [smem:$0x3FBA]  }
0x3d: {  	_ =	shalt  }
0x3e: {  	_ =	shalt  }
0x3f: {  	_ =	shalt  }
0x40: {  	_ =	shalt  }
0x41: {  	_ =	shalt  }
0x42: {  	_ =	shalt  }
0x43: {  	_ =	shalt  }
0x44: {  	_ =	shalt  }
0x45: {  	_ =	shalt  }
0x46: {  	_ =	shalt  }
0x47: {  	_ =	shalt  }
0x48: {  	_ =	shalt  }
0x49: {  	_ =	shalt  }
0x4a: {  	_ =	shalt  }
0x4b: {  	_ =	shalt  }
0x4c: {  	_ =	shalt  }
0x4d: {  	_ =	shalt  }
0x4e: {  	_ =	shalt  }
0x4f: {  	_ =	shalt  }
0x50: {  	_ =	shalt  }
0x51: {  	_ =	shalt  }
0x52: {  	_ =	shalt  }
0x53: {  	_ =	shalt  }
0x54: {  	_ =	shalt  }
0x55: {  	_ =	shalt  }
0x56: {  	_ =	shalt  }
0x57: {  	_ =	shalt  }
0x58: {  	_ =	shalt  }
0x59: {  	_ =	shalt  }
0x5a: {  	_ =	shalt  }
0x5b: {  	_ =	shalt  }
0x5c: {  	_ =	shalt  }
0x5d: {  	_ =	shalt  }
0x5e: {  	_ =	shalt  }
0x5f: {  	_ =	shalt  }
0x60: {  	_ =	shalt  }
0x61: {  	_ =	shalt  }
0x62: {  	_ =	shalt  }
0x63: {  	_ =	shalt  }
0x64: {  	_ =	shalt  }
0x65: {  	_ =	shalt  }
0x66: {  	_ =	shalt  }
0x67: {  	_ =	shalt  }
0x68: {  	_ =	shalt  }
0x69: {  	_ =	shalt  }
0x6a: {  	_ =	shalt  }
0x6b: {  	_ =	shalt  }
0x6c: {  	_ =	shalt  }
0x6d: {  	_ =	shalt  }
0x6e: {  	_ =	shalt  }
0x6f: {  	_ =	shalt  }
0x70: {  	_ =	shalt  }
0x71: {  	_ =	shalt  }
0x72: {  	_ =	shalt  }
0x73: {  	_ =	shalt  }
0x74: {  	_ =	shalt  }
0x75: {  	_ =	shalt  }
0x76: {  	_ =	shalt  }
0x77: {  	_ =	shalt  }
0x78: {  	_ =	shalt  }
0x79: {  	_ =	shalt  }
0x7a: {  	_ =	shalt  }
0x7b: {  	_ =	shalt  }
0x7c: {  	_ =	shalt  }
0x7d: {  	_ =	shalt  }
0x7e: {  	_ =	shalt  }
0x7f: {  	_ =	shalt  }
0x80: {  	_ =	shalt  }
0x81: {  	_ =	shalt  }
0x82: {  	_ =	shalt  }
0x83: {  	_ =	shalt  }
0x84: {  	_ =	shalt  }
0x85: {  	_ =	shalt  }
0x86: {  	_ =	shalt  }
0x87: {  	_ =	shalt  }
.Lfunc_end0:
.L_simem_size_0:
called_computation.1_lowered:
.L_overlay_start_0:
0x88: {  	s2 =	sld [smem:$0x3FD9]  }
0x89: {  	s3 =	sld [smem:$0x3FFE];
	_ =	sdelay $0x1  }
0x8a: {  	s1 =	srdreg.scid  }
0x8b: {  	s0 =	sand.u32 $0x1, s1  }
0x8c: {  	s17 =	sshll.u32 s0, $0xA;
	s2 =	sadd.s32 s3, s2  }
0x8d: {  	s2 =	sadd.s32 s2, s17  }
0x8e: {  	[smem:$0x3FC6] =	sst s2  }
0x8f: {  	_ = 	snop  }
0x90: {  	s2 =	sld [smem:$0x3FC8]  }
0x91: {  	s18 =	sld [smem:$0x3FD0];
	(tm) =	ssettm $0x1  }
0x92: {  	s4 =	sld [smem:$0x3FFB];
	_ =	sdelay $0x3  }
0x93: {  	_ =	strace s4  }
0x94: {  	s4 =	sld [smem:$0x3FFC];
	_ =	sdelay $0x3  }
0x95: {  	_ =	strace s4  }
0x96: {  	s4 =	sld [smem:$0x3FFD];
	_ =	sdelay $0x3  }
0x97: {  	_ =	strace s4  }
0x98: {  	_ =	strace $0x8FFFFFFF  }
0x99: {  	s19 =	sld [smem:$0x3FDB];
	_ =	sdelay $0x1  }
0x9a: {  	s5 =	simm.s32 $_scs_section_size  }
0x9b: {  	s6 =	simm.s32 $_size__tile_overlayer_lowered;
	s7 =	simm.s32 $_tile_overlayer_lowered  }
0x9c: {  	s22 =	simm.s32 $0x1BFF;
	s21 =	sshll.u32 s7, $0x1;
	s4 =	sadd.s32 s5, s19  }
0x9d: {  	s8 =	simm.s32 $0x0;
	s20 =	sshll.u32 s6, $0x1;
	s6 =	sadd.s32 s21, s4  }
0x9e: {  	[timem:s8], [sflag:s22] =	dma.local [hbm:s6], s20  }
0x9f: {  	_ =	swait.ge [sflag:s22], s20  }
0xa0: {  	s5 =	ssub.s32 $0x0, s20;
	[sflag:s22] =	ssyncset.done $0x0  }
0xa1: {  	[sflag:s22] =	ssyncadd.s32 s5;
	_ =	sdelay $0x1  }
0xa2: {  	s23 =	simm.s32 $0x1B8B  }
0xa3: {  	_ =	swait.ge [sflag:s23], $0x1  }
0xa4: {  	[sflag:s23] =	ssyncset.done $0x0  }
0xa5: {  	s25 =	simm.s32 $0x1B8E;
	s24 =	sld [smem:$0x3FFE];
	[sflag:s23] =	ssyncadd.s32 $0xFFFFFFFF  }
0xa6: {  	s26 =	simm.s32 $execute0_lowered;
	[smem:$0x3FD2] =	sst s25  }
0xa7: {  	s6 =	sshll.u32 s26, $0x1;
	_ =	strace $0x80000049;
	[dreg:$0x1] =	wrdreg $0xFFFFFFFF  }
0xa8: {  	s28 =	simm.s32 $_size_execute0_lowered;
	s4 =	sadd.s32 s4, s6;
	[dreg:$0x0] =	wrdreg $0x0  }
0xa9: {  	s6 =	sshll.u32 s28, $0x1;
	[dreg:$0x2] =	wrdreg s4  }
0xaa: {  	[dreg:$0x3] =	wrdreg s6  }
0xab: {  	[dreg:$0x4] =	wrdreg $0xC0  }
0xac: {  	_ =	task [dreg:s8], $0x5FFFF  }
0xad: {  	[dreg:$0x1] =	wrdreg $0xFFFFFFFF  }
0xae: {  	[dreg:$0x0] =	wrdreg $0x60  }
0xaf: {  	[dreg:$0x2] =	wrdreg s24  }
0xb0: {  	[dreg:$0x3] =	wrdreg s2  }
0xb1: {  	[dreg:$0x4] =	wrdreg s18  }
0xb2: {  	[dreg:$0x5] =	wrdreg $0x9  }
0xb3: {  	_ =	task.clear_ibuf [dreg:s8], $0x6FFFF;
	_ =	strace $0x90000049  }
0xb4: {  	s29 =	simm.s32 $0x9;
	_ =	strace $0x8000004B  }
0xb5: {  	_ =	swait.ge [sflag:s29], $0x1  }
0xb6: {  	[sflag:s29] =	ssyncadd.s32 $0xFFFFFFFF  }
0xb7: {  	_ =	strace $0x9000004B  }
0xb8: {  	_ =	sfence  }
0xb9: {  	s30 =	sld [smem:$0x0];
	_ =	sdelay $0x2  }
0xba: {  	s31 =	sshll.u32 s1, $0xD;
	s1 =	sshrl.u32 s1, $0x2  }
0xbb: {  	s3 =	sand.u32 $0x4000, s31;
	s1 =	sadd.s32 s1, s30  }
0xbc: {  	s0 =	sor.u32 s3, s0;
	s1 =	sshll.u32 s1, $0x11  }
0xbd: {  	s0 =	sor.u32 s1, s0  }
0xbe: {  	s0 =	sadd.s32 $0x8F2B, s0  }
0xbf: {  	[sflag:s0] =	ssyncadd.remote.s32 $0x1  }
0xc0: {  	_ =	sfence.sel $0xFFFF  }
0xc1: {  	[dreg:$0x0] =	wrdreg $0xFFFFFFFF;
	(pc) =	sbr.abs _section_cstart, $3  }
0xc2: {  	[dreg:$0x1] =	wrdreg $0xFFFFFFFF  }
0xc3: {  	_ =	task.clear_ibuf [dreg:s8], $0x2FFFF;
	_ =	strace $0x9FFFFFFF  }
0xc4: {  	(tm) =	ssettm $0x7FFFFFFF  }
0xc5: {  	_ =	shalt  }
tec
execute0_lowered:
.L_overlay_start_1:
0x0: {  	(tag) =	ssettag $0x1  }
0x1: {  	s0 =	rddreg [dreg:$0x0]  }
0x2: {  	s2 =	rddreg [dreg:$0x1]  }
0x3: {  	s1 =	rddreg [dreg:$0x2];
	s3 =	simm.s32 $0x0  }
0x4: {  	[smem:$0x7FF] =	sst s3;
	s0 =	sadd.s32 $0x800, s0  }
0x5: {  	s24 =	sadd.s32 $0x280000, s1;
	_ =	strace $0x8000004A;
	[dreg:$0x4] =	wrdreg s0  }
0x6: {  	s25 =	sadd.s32 $0x80, s1;
	[dreg:$0x7] =	wrdreg s24  }
0x7: {  	s4 =	srdreg.scid;
	s26 =	sadd.s32 $0x280080, s1;
	[dreg:$0x8] =	wrdreg s25  }
0x8: {  	s6 =	stileid.u32;
	s28 =	sadd.s32 $0x100, s1;
	[dreg:$0x9] =	wrdreg s26  }
0x9: {  	s4 =	sand.u32 $0x1, s4;
	s29 =	sadd.s32 $0x280100, s1;
	[dreg:$0xa] =	wrdreg s28  }
0xa: {  	s6 =	sshll.u32 s6, $0x1;
	s31 =	sadd.s32 $0x180, s1;
	[dreg:$0xb] =	wrdreg s29  }
0xb: {  	s1 =	sadd.s32 $0x280180, s1;
	s5 =	ssub.s32 $0x2, s4;
	[dreg:$0xc] =	wrdreg s31  }
.Ltmp0:
0xc: {  	s4 =	sor.u32 s4, s6;
	[dreg:$0xd] =	wrdreg s1;
	(pc) =	sbr.rel .LBB2_1-.Ltmp0, $4  }
0xd: {  	v0 =	vlaneseq.u32;
	s22 =	sshrl.u32 s5, $0x1;
	s23 =	sshll.u32 s4, $0xE;
	s4 =	sshll.u32 s4, $0xB  }
0xe: {  	v0 =	vmul.u32 $0x80, v0;
	s0 =	ssub.s32 s5, s22;
	[dreg:$0x5] =	wrdreg s23;
	s2 =	sadd.s32 s2, s4  }
0xf: {  	s20 =	simm.s32 $0x10000;
	[dreg:$0x6] =	wrdreg s2;
	s0 =	smax.u32 s0, $0x1  }
0x10: {  	s30 =	simm.s32 $0x16000;
	v1 =	vor.u32 $0x800, v0;
	v2 =	vor.u32 $0x1000, v0;
	s2 =	simm.s32 $0x0;
	[dreg:$0xe] =	wrdreg s0  }
.LBB2_12:
0x11: {  	s0 =	simm.s32 $0x3  }
0x12: {  	_ =	swait.ge [sflag:s0], $0x6000  }
0x13: {  	[sflag:s0] =	ssyncset.done $0x0  }
0x14: {  	s1 =	simm.s32 $0x4;
	[sflag:s0] =	ssyncadd.s32 $0xFFFFA000  }
0x15: {  	_ =	swait.ge [sflag:s1], $0x6000  }
0x16: {  	s2 =	rddreg [dreg:$0xf]  }
0x17: {  	s31 =	rddreg [dreg:$0xe];
	s2 =	sadd.s32 $0x1, s2  }
0x18: {  	p0 =	sne.s32 s2, s31  }
.Ltmp1:
0x19: {  	_ = 	snop;
	(pc) =	sbr.rel @!p0 .LBB2_13-.Ltmp1, $3  }
0x1a: {  	_ =	sdelay $0x1  }
0x1b: {  	[sflag:s1] =	ssyncset.done $0x0  }
0x1c: {  	[sflag:s1] =	ssyncadd.s32 $0xFFFFA000  }
.LBB2_1:
0x1d: {  	[dreg:$0xf] =	wrdreg s2  }
0x1e: {  	s0 =	rddreg [dreg:$0x6];
	s26 =	simm.s32 $0x5  }
0x1f: {  	[tilespmem:s3], [sflag:$0x5] =	stream.linear.gather [hbm4b:s0+s3], $0x4000, $0x38;
	[tilespmem:$0x1C000] =	vst v63  }
0x20: {  	_ =	swait.ge [sflag:s26], $0x4000  }
0x21: {  	s1 =	simm.s32 $0x200;
	[sflag:s26] =	ssyncset.done $0x0  }
0x22: {  	s29 =	simm.s32 $0x4000;
	s28 =	rddreg [dreg:$0x4];
	[sflag:s26] =	ssyncadd.s32 $0xFFFFC000  }
0x23: {  	[tilespmem:s29], [sflag:$0x1] =	stream.indirect.gather [hbm4b:s28+s1], $0x30, s3, s1, $0xb8;
	[tilespmem:$0x1C000] =	vst v63  }
0x24: {  	s31 =	simm.s32 $0xA000;
	s5 =	simm.s32 $0x0  }
0x25: {  	[tilespmem:s31], [sflag:$0x2] =	stream.indirect.gather [hbm4b:s28+s1], $0x30, s1, s1, $0xb8;
	[tilespmem:$0x1C000] =	vst v63  }
.LBB2_2:
0x26: {  	s1 =	simm.s32 $0x1  }
0x27: {  	p0 =	seq.s32 s5, $0x0;
	_ =	swait.ge [sflag:s1], $0x6000  }
0x28: {  	s0 =	simm.s32 $0x0;
	[dreg:$0x10] =	wrdreg s5;
	[sflag:s1] =	ssyncset.done $0x0  }
0x29: {  	s2 =	simm.s32 @!p0 $0x3;
	s0 =	smul.u32 $0x1780, s0;
	[sflag:s1] =	ssyncadd.s32 $0xFFFFA000  }
0x2a: {  	_ =	swait.ge @!p0 [sflag:s2], $0x6000  }
0x2b: {  	s0 =	sadd.s32 $0x0, s0;
	[sflag:s2] =	ssyncset.done @!p0 $0x0  }
0x2c: {  	s23 =	simm.s32 $0x4180;
	s10 =	sadd.s32 $0x8, s0;
	[sflag:s2] =	ssyncadd.s32 @!p0 $0xFFFFA000  }
0x2d: {  	s4 =	sadd.s32 $0xC, s0;
	v4 =	vadd.s32 s10, v0;
	v3 =	vld [tilespmem:s23+$0x0]  }
0x2e: {  	v6 =	vadd.s32 s4, v0;
	v5 =	vld [tilespmem:s23+$0xC0]  }
0x2f: {  	s11 =	sadd.s32 $0x4, s0  }
0x30: {  	v8 =	vadd.s32 s11, v0;
	v7 =	vld [tilespmem:s23+$0xFFFFFF40];
	_ =	sdelay $0x1  }
0x31: {  	v10 =	vadd.s32 s0, v0;
	v9 =	vld [tilespmem:s23+$0xFFFFFE80];
	[tilespmem:v4+s20+$0x0] =	vst.idx.msk $0xffff, v3  }
0x32: {  	v4 =	vadd.s32 s10, v1;
	[tilespmem:v6+s20+$0x0] =	vst.idx.msk $0xffff, v5;
	v3 =	vld [tilespmem:s23+$0x10]  }
0x33: {  	v6 =	vadd.s32 s4, v1;
	v5 =	vld [tilespmem:s23+$0xD0]  }
0x34: {  	[tilespmem:v8+s20+$0x0] =	vst.idx.msk $0xffff, v7  }
0x35: {  	v8 =	vadd.s32 s11, v1;
	v7 =	vld [tilespmem:s23+$0xFFFFFF50]  }
0x36: {  	[tilespmem:v10+s20+$0x0] =	vst.idx.msk $0xffff, v9  }
0x37: {  	v10 =	vadd.s32 s0, v1;
	v9 =	vld [tilespmem:s23+$0xFFFFFE90];
	[tilespmem:v4+s20+$0x0] =	vst.idx.msk $0xffff, v3  }
0x38: {  	v4 =	vadd.s32 s10, v2;
	[tilespmem:v6+s20+$0x0] =	vst.idx.msk $0xffff, v5;
	v3 =	vld [tilespmem:s23+$0x20]  }
0x39: {  	v6 =	vadd.s32 s4, v2;
	v5 =	vld [tilespmem:s23+$0xE0]  }
0x3a: {  	[tilespmem:v8+s20+$0x0] =	vst.idx.msk $0xffff, v7  }
0x3b: {  	v8 =	vadd.s32 s11, v2;
	v7 =	vld [tilespmem:s23+$0xFFFFFF60]  }
0x3c: {  	[tilespmem:v10+s20+$0x0] =	vst.idx.msk $0xffff, v9  }
0x3d: {  	s12 =	sadd.s32 $0x9, s0;
	v10 =	vadd.s32 s0, v2;
	v9 =	vld [tilespmem:s23+$0xFFFFFEA0];
	[tilespmem:v4+s20+$0x0] =	vst.idx.msk $0xffff, v3  }
0x3e: {  	s13 =	sadd.s32 $0xD, s0;
	v4 =	vadd.s32 s12, v0;
	[tilespmem:v6+s20+$0x0] =	vst.idx.msk $0xffff, v5;
	v3 =	vld [tilespmem:s23+$0x30]  }
0x3f: {  	v6 =	vadd.s32 s13, v0;
	v5 =	vld [tilespmem:s23+$0xF0]  }
0x40: {  	s14 =	sadd.s32 $0x5, s0;
	[tilespmem:v8+s20+$0x0] =	vst.idx.msk $0xffff, v7  }
0x41: {  	v8 =	vadd.s32 s14, v0;
	v7 =	vld [tilespmem:s23+$0xFFFFFF70]  }
0x42: {  	[tilespmem:v10+s20+$0x0] =	vst.idx.msk $0xffff, v9  }
0x43: {  	s6 =	sadd.s32 $0x1, s0;
	[tilespmem:v4+s20+$0x0] =	vst.idx.msk $0xffff, v3  }
0x44: {  	v9 =	vld [tilespmem:s23+$0xFFFFFEB0];
	[tilespmem:v6+s20+$0x0] =	vst.idx.msk $0xffff, v5;
	v5 =	vadd.s32 s6, v0  }
0x45: {  	v4 =	vadd.s32 s12, v1;
	v3 =	vld [tilespmem:s23+$0x40]  }
0x46: {  	s16 =	simm.s32 $0x0;
	[tilespmem:v8+s20+$0x0] =	vst.idx.msk $0xffff, v7;
	v7 =	vadd.s32 s13, v1;
	v6 =	vld [tilespmem:s23+$0x100]  }
0x47: {  	s18 =	smul.u32 $0x1780, s16  }
0x48: {  	v10 =	vadd.s32 s14, v1;
	v8 =	vld [tilespmem:s23+$0xFFFFFF80]  }
0x49: {  	s24 =	simm.s32 $0x4480;
	s4 =	sadd.s32 $0x10, s18;
	[tilespmem:v5+s20+$0x0] =	vst.idx.msk $0xffff, v9  }
0x4a: {  	v12 =	vld [tilespmem:s24+$0xFFFFFE80];
	v13 =	vadd.s32 s4, v0;
	[tilespmem:v4+s20+$0x0] =	vst.idx.msk $0xffff, v3  }
0x4b: {  	[tilespmem:v7+s20+$0x0] =	vst.idx.msk $0xffff, v6;
	v5 =	vld [tilespmem:s23+$0xFFFFFEC0];
	v6 =	vadd.s32 s6, v1  }
0x4c: {  	v4 =	vadd.s32 s12, v2;
	v3 =	vld [tilespmem:s23+$0x50]  }
0x4d: {  	[tilespmem:v10+s20+$0x0] =	vst.idx.msk $0xffff, v8;
	v8 =	vadd.s32 s13, v2;
	v7 =	vld [tilespmem:s23+$0x110]  }
0x4e: {  	v10 =	vadd.s32 s14, v2;
	v9 =	vld [tilespmem:s23+$0xFFFFFF90]  }
0x4f: {  	[tilespmem:v13+s20+$0x0] =	vst.idx.msk $0xffff, v12  }
0x50: {  	v13 =	vadd.s32 s4, v1;
	v12 =	vld [tilespmem:s24+$0xFFFFFE90];
	[tilespmem:v6+s20+$0x0] =	vst.idx.msk $0xffff, v5  }
0x51: {  	s7 =	sadd.s32 $0x4, s4;
	[tilespmem:v4+s20+$0x0] =	vst.idx.msk $0xffff, v3;
	v4 =	vadd.s32 s6, v2;
	v5 =	vld [tilespmem:s23+$0xFFFFFED0]  }
0x52: {  	s15 =	sadd.s32 $0xE, s0;
	v14 =	vld [tilespmem:s24+$0xFFFFFF40];
	v15 =	vadd.s32 s7, v0;
	[tilespmem:v8+s20+$0x0] =	vst.idx.msk $0xffff, v7  }
0x53: {  	s17 =	sadd.s32 $0x6, s0;
	v7 =	vadd.s32 s15, v0;
	[tilespmem:v10+s20+$0x0] =	vst.idx.msk $0xffff, v9;
	v6 =	vld [tilespmem:s23+$0x120]  }
0x54: {  	s19 =	sadd.s32 $0xA, s0;
	v9 =	vadd.s32 s17, v0;
	v8 =	vld [tilespmem:s23+$0xFFFFFFA0]  }
0x55: {  	v11 =	vadd.s32 s19, v0;
	s8 =	sadd.s32 $0x8, s4;
	[tilespmem:v13+s20+$0x0] =	vst.idx.msk $0xffff, v12;
	v3 =	vld [tilespmem:s23+$0x60]  }
0x56: {  	v10 =	vld [tilespmem:s24+$0x0];
	[tilespmem:v4+s20+$0x0] =	vst.idx.msk $0xffff, v5;
	v4 =	vadd.s32 s8, v0  }
0x57: {  	s9 =	sadd.s32 $0xC, s4;
	[tilespmem:v15+s20+$0x0] =	vst.idx.msk $0xffff, v14;
	v13 =	vadd.s32 s4, v2;
	v12 =	vld [tilespmem:s24+$0xFFFFFEA0]  }
0x58: {  	s10 =	sadd.s32 $0x2, s0;
	[tilespmem:v7+s20+$0x0] =	vst.idx.msk $0xffff, v6;
	v6 =	vld [tilespmem:s24+$0xC0];
	v7 =	vadd.s32 s9, v0  }
0x59: {  	v5 =	vld [tilespmem:s23+$0xFFFFFEE0];
	[tilespmem:v9+s20+$0x0] =	vst.idx.msk $0xffff, v8;
	v8 =	vadd.s32 s10, v0  }
0x5a: {  	[tilespmem:v11+s20+$0x0] =	vst.idx.msk $0xffff, v3;
	v11 =	vadd.s32 s15, v1;
	v3 =	vld [tilespmem:s23+$0x130]  }
0x5b: {  	v15 =	vadd.s32 s7, v1;
	v14 =	vld [tilespmem:s24+$0xFFFFFF50];
	[tilespmem:v4+s20+$0x0] =	vst.idx.msk $0xffff, v10  }
0x5c: {  	[tilespmem:v13+s20+$0x0] =	vst.idx.msk $0xffff, v12;
	v10 =	vadd.s32 s8, v1;
	v4 =	vld [tilespmem:s24+$0x10]  }
0x5d: {  	v13 =	vadd.s32 s17, v1;
	v12 =	vld [tilespmem:s23+$0xFFFFFFB0];
	[tilespmem:v7+s20+$0x0] =	vst.idx.msk $0xffff, v6  }
0x5e: {  	v7 =	vadd.s32 s9, v1;
	[tilespmem:v8+s20+$0x0] =	vst.idx.msk $0xffff, v5;
	v6 =	vld [tilespmem:s24+$0xD0]  }
0x5f: {  	v8 =	vadd.s32 s10, v1;
	v5 =	vld [tilespmem:s23+$0xFFFFFEF0];
	[tilespmem:v11+s20+$0x0] =	vst.idx.msk $0xffff, v3  }
0x60: {  	[tilespmem:v15+s20+$0x0] =	vst.idx.msk $0xffff, v14;
	v11 =	vadd.s32 s15, v2;
	v3 =	vld [tilespmem:s23+$0x140]  }
0x61: {  	v15 =	vadd.s32 s7, v2;
	v14 =	vld [tilespmem:s24+$0xFFFFFF60];
	[tilespmem:v10+s20+$0x0] =	vst.idx.msk $0xffff, v4  }
0x62: {  	[tilespmem:v13+s20+$0x0] =	vst.idx.msk $0xffff, v12;
	v10 =	vadd.s32 s8, v2;
	v4 =	vld [tilespmem:s24+$0x20]  }
0x63: {  	v13 =	vadd.s32 s17, v2;
	v12 =	vld [tilespmem:s23+$0xFFFFFFC0];
	[tilespmem:v7+s20+$0x0] =	vst.idx.msk $0xffff, v6  }
0x64: {  	v7 =	vadd.s32 s9, v2;
	[tilespmem:v8+s20+$0x0] =	vst.idx.msk $0xffff, v5;
	v6 =	vld [tilespmem:s24+$0xE0]  }
0x65: {  	s21 =	sadd.s32 $0xF, s0;
	v8 =	vadd.s32 s10, v2;
	v5 =	vld [tilespmem:s23+$0xFFFFFF00];
	[tilespmem:v11+s20+$0x0] =	vst.idx.msk $0xffff, v3  }
0x66: {  	[tilespmem:v15+s20+$0x0] =	vst.idx.msk $0xffff, v14;
	v11 =	vadd.s32 s21, v0;
	v3 =	vld [tilespmem:s23+$0x150]  }
0x67: {  	s22 =	sadd.s32 $0x5, s4;
	v9 =	vld [tilespmem:s23+$0x70];
	[tilespmem:v10+s20+$0x0] =	vst.idx.msk $0xffff, v4;
	v4 =	vadd.s32 s19, v1  }
0x68: {  	s25 =	sadd.s32 $0x9, s4;
	v15 =	vadd.s32 s22, v0;
	[tilespmem:v13+s20+$0x0] =	vst.idx.msk $0xffff, v12;
	v10 =	vld [tilespmem:s24+$0xFFFFFF70]  }
0x69: {  	s31 =	sadd.s32 $0x1, s4;
	[tilespmem:v7+s20+$0x0] =	vst.idx.msk $0xffff, v6;
	v6 =	vld [tilespmem:s24+$0x30];
	v7 =	vadd.s32 s25, v0  }
0x6a: {  	s26 =	sadd.s32 $0xD, s4;
	v14 =	vld [tilespmem:s24+$0xFFFFFEB0];
	v12 =	vadd.s32 s31, v0;
	[tilespmem:v8+s20+$0x0] =	vst.idx.msk $0xffff, v5  }
0x6b: {  	v8 =	vadd.s32 s26, v0;
	v5 =	vld [tilespmem:s24+$0xF0];
	[tilespmem:v11+s20+$0x0] =	vst.idx.msk $0xffff, v3  }
0x6c: {  	s28 =	sadd.s32 $0x3, s0;
	v11 =	vadd.s32 s21, v1;
	v3 =	vld [tilespmem:s23+$0x160];
	[tilespmem:v4+s20+$0x0] =	vst.idx.msk $0xffff, v9  }
0x6d: {  	[tilespmem:v15+s20+$0x0] =	vst.idx.msk $0xffff, v10;
	v4 =	vld [tilespmem:s23+$0xFFFFFF10];
	v9 =	vadd.s32 s28, v0  }
0x6e: {  	v15 =	vadd.s32 s22, v1;
	v10 =	vld [tilespmem:s24+$0xFFFFFF80];
	[tilespmem:v7+s20+$0x0] =	vst.idx.msk $0xffff, v6  }
0x6f: {  	v16 =	vadd.s32 s25, v1;
	[tilespmem:v12+s20+$0x0] =	vst.idx.msk $0xffff, v14;
	v6 =	vld [tilespmem:s24+$0x40]  }
0x70: {  	[tilespmem:v8+s20+$0x0] =	vst.idx.msk $0xffff, v5;
	v5 =	vadd.s32 s19, v2;
	v8 =	vld [tilespmem:s23+$0x80]  }
0x71: {  	s29 =	sadd.s32 $0x7, s0;
	[tilespmem:v11+s20+$0x0] =	vst.idx.msk $0xffff, v3;
	v3 =	vld [tilespmem:s24+$0x100];
	v11 =	vadd.s32 s26, v1  }
0x72: {  	[tilespmem:v9+s20+$0x0] =	vst.idx.msk $0xffff, v4;
	v4 =	vld [tilespmem:s23+$0xFFFFFFD0];
	v9 =	vadd.s32 s29, v0  }
0x73: {  	v17 =	vadd.s32 s31, v1;
	v12 =	vld [tilespmem:s24+$0xFFFFFEC0];
	[tilespmem:v15+s20+$0x0] =	vst.idx.msk $0xffff, v10  }
0x74: {  	v10 =	vld [tilespmem:s23+$0xFFFFFF20];
	[tilespmem:v16+s20+$0x0] =	vst.idx.msk $0xffff, v6;
	v6 =	vadd.s32 s28, v1  }
0x75: {  	s0 =	sadd.s32 $0xB, s0;
	v15 =	vadd.s32 s25, v2;
	[tilespmem:v5+s20+$0x0] =	vst.idx.msk $0xffff, v8;
	v13 =	vld [tilespmem:s24+$0x50]  }
0x76: {  	v8 =	vadd.s32 s0, v0;
	[tilespmem:v11+s20+$0x0] =	vst.idx.msk $0xffff, v3;
	v3 =	vld [tilespmem:s23+$0x90]  }
0x77: {  	v16 =	vadd.s32 s26, v2;
	v11 =	vld [tilespmem:s24+$0x110];
	[tilespmem:v9+s20+$0x0] =	vst.idx.msk $0xffff, v4  }
0x78: {  	[tilespmem:v17+s20+$0x0] =	vst.idx.msk $0xffff, v12;
	v9 =	vadd.s32 s29, v1;
	v4 =	vld [tilespmem:s23+$0xFFFFFFE0]  }
0x79: {  	v7 =	vld [tilespmem:s24+$0xFFFFFF90];
	[tilespmem:v6+s20+$0x0] =	vst.idx.msk $0xffff, v10  }
0x7a: {  	v18 =	vadd.s32 s28, v2;
	[tilespmem:v15+s20+$0x0] =	vst.idx.msk $0xffff, v13;
	v10 =	vld [tilespmem:s23+$0xFFFFFF30]  }
0x7b: {  	[tilespmem:v8+s20+$0x0] =	vst.idx.msk $0xffff, v3;
	v5 =	vld [tilespmem:s24+$0x60]  }
0x7c: {  	v14 =	vadd.s32 s22, v2;
	[tilespmem:v16+s20+$0x0] =	vst.idx.msk $0xffff, v11;
	v8 =	vld [tilespmem:s23+$0xA0]  }
0x7d: {  	s18 =	simm.s32 $0x20;
	s2 =	sadd.s32 $0x3, s4;
	s6 =	sadd.s32 $0xE, s4;
	v13 =	vld [tilespmem:s24+$0x120];
	[tilespmem:v9+s20+$0x0] =	vst.idx.msk $0xffff, v4;
	v9 =	vadd.s32 s0, v1  }
0x7e: {  	s14 =	sadd.s32 $0xA, s4;
	s15 =	sadd.s32 $0x6, s4;
	s17 =	sadd.s32 $0x2, s4;
	v6 =	vadd.s32 s21, v2;
	v3 =	vadd.s32 s31, v2;
	v15 =	vadd.s32 s6, v0;
	v12 =	vld [tilespmem:s23+$0xFFFFFFF0]  }
0x7f: {  	s25 =	sadd.s32 $0xF, s4;
	s26 =	sadd.s32 $0xB, s4;
	v11 =	vadd.s32 s29, v2;
	v4 =	vadd.s32 s0, v2;
	s0 =	sadd.s32 $0x7, s4;
	[tilespmem:v18+s20+$0x0] =	vst.idx.msk $0xffff, v10;
	v10 =	vld [tilespmem:s23+$0x170]  }
.LBB2_3:
0x80: {  	s4 =	sshrl.u32 s18, $0x7  }
0x81: {  	p1 =	slt.u32 s18, $0x1F0;
	v16 =	vld [tilespmem:s24+$0xFFFFFED0];
	[tilespmem:v14+s20+$0x0] =	vst.idx.msk $0xffff, v7;
	s5 =	smov.u32 s18;
	s18 =	sadd.s32 $0x10, s18  }
0x82: {  	v14 =	vadd.s32 s15, v0;
	s4 =	smul.u32 $0x1780, s4;
	v7 =	vld [tilespmem:s24+$0xFFFFFFA0];
	[tilespmem:v9+s20+$0x0] =	vst.idx.msk $0xffff, v8  }
0x83: {  	[tilespmem:v15+s20+$0x0] =	vst.idx.msk $0xffff, v13;
	v8 =	vld [tilespmem:s23+$0xB0];
	s23 =	smov.u32 s24;
	s24 =	sadd.s32 $0x300, s24  }
0x84: {  	v13 =	vadd.s32 s14, v0;
	s10 =	sadd.s32 s4, s5;
	v9 =	vld [tilespmem:s24+$0x0];
	[tilespmem:v11+s20+$0x0] =	vst.idx.msk $0xffff, v12  }
0x85: {  	v11 =	vld [tilespmem:s24+$0xFFFFFE80];
	v12 =	vadd.s32 s10, v0;
	s12 =	sadd.s32 $0x4, s10;
	s21 =	sadd.s32 $0x5, s10;
	s11 =	sadd.s32 $0x8, s10;
	[tilespmem:v6+s20+$0x0] =	vst.idx.msk $0xffff, v10  }
0x86: {  	s29 =	sadd.s32 $0x1, s10;
	s7 =	sadd.s32 $0x9, s10;
	s4 =	sadd.s32 $0xD, s10;
	v6 =	vld [tilespmem:s24+$0xFFFFFF40];
	v10 =	vadd.s32 s12, v0;
	[tilespmem:v3+s20+$0x0] =	vst.idx.msk $0xffff, v16  }
0x87: {  	s8 =	sadd.s32 $0x6, s10;
	s13 =	sadd.s32 $0xC, s10;
	s28 =	sadd.s32 $0xE, s10;
	v3 =	vadd.s32 s29, v2;
	v15 =	vadd.s32 s11, v0;
	v16 =	vld [tilespmem:s23+$0xFFFFFEE0];
	[tilespmem:v14+s20+$0x0] =	vst.idx.msk $0xffff, v7  }
0x88: {  	s22 =	sadd.s32 $0x2, s10;
	s9 =	sadd.s32 $0xA, s10;
	s16 =	sadd.s32 $0xF, s10;
	v14 =	vadd.s32 s13, v0;
	v7 =	vld [tilespmem:s24+$0xC0];
	[tilespmem:v4+s20+$0x0] =	vst.idx.msk $0xffff, v8  }
0x89: {  	s19 =	sadd.s32 $0x3, s10;
	s31 =	sadd.s32 $0x7, s10;
	s5 =	sadd.s32 $0xB, s10;
	v4 =	vadd.s32 s17, v0;
	[tilespmem:v13+s20+$0x0] =	vst.idx.msk $0xffff, v5;
	v5 =	vld [tilespmem:s23+$0x130]  }
0x8a: {  	[tilespmem:v12+s20+$0x0] =	vst.idx.msk $0xffff, v11;
	v8 =	vld [tilespmem:s23+$0x70];
	v11 =	vadd.s32 s6, v1  }
0x8b: {  	v13 =	vadd.s32 s10, v1;
	v12 =	vld [tilespmem:s24+$0xFFFFFE90];
	[tilespmem:v10+s20+$0x0] =	vst.idx.msk $0xffff, v6  }
0x8c: {  	v10 =	vadd.s32 s12, v1;
	v6 =	vld [tilespmem:s24+$0xFFFFFF50];
	[tilespmem:v15+s20+$0x0] =	vst.idx.msk $0xffff, v9  }
0x8d: {  	v15 =	vadd.s32 s11, v1;
	v9 =	vld [tilespmem:s24+$0x10];
	[tilespmem:v14+s20+$0x0] =	vst.idx.msk $0xffff, v7  }
0x8e: {  	v14 =	vadd.s32 s13, v1;
	v7 =	vld [tilespmem:s24+$0xD0];
	[tilespmem:v4+s20+$0x0] =	vst.idx.msk $0xffff, v16  }
0x8f: {  	v16 =	vadd.s32 s17, v1;
	v4 =	vld [tilespmem:s23+$0xFFFFFEF0];
	[tilespmem:v11+s20+$0x0] =	vst.idx.msk $0xffff, v5  }
0x90: {  	v11 =	vadd.s32 s6, v2;
	s6 =	smov.u32 s28;
	[tilespmem:v13+s20+$0x0] =	vst.idx.msk $0xffff, v12;
	v5 =	vld [tilespmem:s23+$0x140]  }
0x91: {  	v13 =	vadd.s32 s10, v2;
	v12 =	vld [tilespmem:s24+$0xFFFFFEA0];
	[tilespmem:v10+s20+$0x0] =	vst.idx.msk $0xffff, v6  }
0x92: {  	v10 =	vadd.s32 s12, v2;
	v6 =	vld [tilespmem:s24+$0xFFFFFF60];
	[tilespmem:v15+s20+$0x0] =	vst.idx.msk $0xffff, v9  }
0x93: {  	v15 =	vadd.s32 s11, v2;
	v9 =	vld [tilespmem:s24+$0x20];
	[tilespmem:v14+s20+$0x0] =	vst.idx.msk $0xffff, v7  }
0x94: {  	v14 =	vadd.s32 s13, v2;
	v7 =	vld [tilespmem:s24+$0xE0];
	[tilespmem:v16+s20+$0x0] =	vst.idx.msk $0xffff, v4  }
0x95: {  	v16 =	vadd.s32 s17, v2;
	s17 =	smov.u32 s22;
	v4 =	vld [tilespmem:s23+$0xFFFFFF00];
	[tilespmem:v11+s20+$0x0] =	vst.idx.msk $0xffff, v5  }
0x96: {  	v11 =	vadd.s32 s25, v0;
	[tilespmem:v13+s20+$0x0] =	vst.idx.msk $0xffff, v12;
	v5 =	vld [tilespmem:s23+$0x150]  }
0x97: {  	[tilespmem:v10+s20+$0x0] =	vst.idx.msk $0xffff, v6;
	v6 =	vld [tilespmem:s23+$0xFFFFFFB0];
	v10 =	vadd.s32 s15, v1  }
0x98: {  	v12 =	vld [tilespmem:s24+$0xFFFFFEB0];
	[tilespmem:v15+s20+$0x0] =	vst.idx.msk $0xffff, v9;
	v9 =	vadd.s32 s14, v1  }
0x99: {  	v15 =	vadd.s32 s21, v0;
	v13 =	vld [tilespmem:s24+$0xFFFFFF70];
	[tilespmem:v14+s20+$0x0] =	vst.idx.msk $0xffff, v7  }
0x9a: {  	v14 =	vadd.s32 s7, v0;
	v7 =	vld [tilespmem:s24+$0x30];
	[tilespmem:v16+s20+$0x0] =	vst.idx.msk $0xffff, v4  }
0x9b: {  	v16 =	vadd.s32 s4, v0;
	v4 =	vld [tilespmem:s24+$0xF0];
	[tilespmem:v11+s20+$0x0] =	vst.idx.msk $0xffff, v5  }
0x9c: {  	[tilespmem:v10+s20+$0x0] =	vst.idx.msk $0xffff, v6;
	v5 =	vld [tilespmem:s23+$0x160];
	v6 =	vadd.s32 s25, v1  }
0x9d: {  	v11 =	vadd.s32 s15, v2;
	s15 =	smov.u32 s8;
	v10 =	vld [tilespmem:s23+$0xFFFFFFC0];
	[tilespmem:v9+s20+$0x0] =	vst.idx.msk $0xffff, v8  }
0x9e: {  	v9 =	vadd.s32 s2, v0;
	[tilespmem:v15+s20+$0x0] =	vst.idx.msk $0xffff, v13;
	v8 =	vld [tilespmem:s23+$0xFFFFFF10];
	v13 =	vadd.s32 s14, v2;
	s14 =	smov.u32 s9  }
0x9f: {  	v17 =	vadd.s32 s21, v1;
	v15 =	vld [tilespmem:s24+$0xFFFFFF80];
	[tilespmem:v14+s20+$0x0] =	vst.idx.msk $0xffff, v7  }
0xa0: {  	v18 =	vadd.s32 s7, v1;
	v14 =	vld [tilespmem:s24+$0x40];
	[tilespmem:v16+s20+$0x0] =	vst.idx.msk $0xffff, v4  }
0xa1: {  	v4 =	vld [tilespmem:s23+$0x80];
	[tilespmem:v6+s20+$0x0] =	vst.idx.msk $0xffff, v5  }
0xa2: {  	v6 =	vadd.s32 s4, v1;
	v5 =	vld [tilespmem:s24+$0x100];
	[tilespmem:v11+s20+$0x0] =	vst.idx.msk $0xffff, v10  }
0xa3: {  	[tilespmem:v9+s20+$0x0] =	vst.idx.msk $0xffff, v8;
	v8 =	vld [tilespmem:s23+$0xFFFFFFD0];
	v9 =	vadd.s32 s0, v0  }
0xa4: {  	v10 =	vadd.s32 s29, v0;
	[tilespmem:v17+s20+$0x0] =	vst.idx.msk $0xffff, v15;
	v11 =	vld [tilespmem:s23+$0xFFFFFF20];
	v15 =	vadd.s32 s26, v0  }
0xa5: {  	v7 =	vld [tilespmem:s24+$0xFFFFFF90];
	[tilespmem:v18+s20+$0x0] =	vst.idx.msk $0xffff, v14;
	v14 =	vadd.s32 s2, v1  }
0xa6: {  	v17 =	vadd.s32 s7, v2;
	v16 =	vld [tilespmem:s24+$0x50];
	[tilespmem:v13+s20+$0x0] =	vst.idx.msk $0xffff, v4  }
0xa7: {  	[tilespmem:v6+s20+$0x0] =	vst.idx.msk $0xffff, v5;
	v4 =	vld [tilespmem:s23+$0x90]  }
0xa8: {  	v13 =	vadd.s32 s4, v2;
	v6 =	vld [tilespmem:s24+$0x110];
	[tilespmem:v9+s20+$0x0] =	vst.idx.msk $0xffff, v8  }
0xa9: {  	[tilespmem:v10+s20+$0x0] =	vst.idx.msk $0xffff, v12;
	v10 =	vld [tilespmem:s23+$0xFFFFFFE0];
	v12 =	vadd.s32 s0, v1  }
0xaa: {  	v19 =	vadd.s32 s29, v1;
	v9 =	vadd.s32 s26, v1;
	v18 =	vld [tilespmem:s24+$0xFFFFFEC0];
	[tilespmem:v14+s20+$0x0] =	vst.idx.msk $0xffff, v11  }
0xab: {  	[tilespmem:v17+s20+$0x0] =	vst.idx.msk $0xffff, v16;
	v16 =	vld [tilespmem:s23+$0xFFFFFF30];
	v17 =	vadd.s32 s2, v2;
	s2 =	smov.u32 s19  }
.Ltmp2:
0xac: {  	v14 =	vadd.s32 s21, v2;
	v5 =	vld [tilespmem:s24+$0x60];
	[tilespmem:v15+s20+$0x0] =	vst.idx.msk $0xffff, v4;
	(pc) =	sbr.rel @p1 .LBB2_3-.Ltmp2, $4  }
0xad: {  	[tilespmem:v13+s20+$0x0] =	vst.idx.msk $0xffff, v6;
	v8 =	vld [tilespmem:s23+$0xA0]  }
0xae: {  	v15 =	vadd.s32 s6, v0;
	v13 =	vld [tilespmem:s24+$0x120];
	[tilespmem:v12+s20+$0x0] =	vst.idx.msk $0xffff, v10  }
0xaf: {  	v11 =	vadd.s32 s0, v2;
	s0 =	smov.u32 s31;
	[tilespmem:v19+s20+$0x0] =	vst.idx.msk $0xffff, v18;
	v12 =	vld [tilespmem:s23+$0xFFFFFFF0]  }
0xb0: {  	v4 =	vadd.s32 s26, v2;
	s26 =	smov.u32 s5;
	v6 =	vadd.s32 s25, v2;
	s25 =	smov.u32 s16;
	[tilespmem:v17+s20+$0x0] =	vst.idx.msk $0xffff, v16;
	v10 =	vld [tilespmem:s23+$0x170]  }
0xb1: {  	v16 =	vld [tilespmem:s24+$0xFFFFFED0];
	_ =	sdelay $0x3  }
0xb2: {  	[tilespmem:v14+s20+$0x0] =	vst.idx.msk $0xffff, v7  }
0xb3: {  	v36 =	vadd.s32 s15, v0;
	v14 =	vld [tilespmem:s24+$0xFFFFFFA0];
	[tilespmem:v3+s20+$0x0] =	vst.idx.msk $0xffff, v16  }
0xb4: {  	v35 =	vadd.s32 s17, v0;
	v3 =	vld [tilespmem:s24+$0xFFFFFEE0];
	_ =	sdelay $0x3  }
0xb5: {  	v17 =	vadd.s32 s14, v0;
	[tilespmem:v36+s20+$0x0] =	vst.idx.msk $0xffff, v14  }
0xb6: {  	v39 =	vadd.s32 s15, v1;
	v38 =	vld [tilespmem:s24+$0xFFFFFFB0];
	[tilespmem:v35+s20+$0x0] =	vst.idx.msk $0xffff, v3  }
0xb7: {  	v37 =	vadd.s32 s17, v1;
	[tilespmem:v15+s20+$0x0] =	vst.idx.msk $0xffff, v13;
	v3 =	vld [tilespmem:s24+$0xFFFFFEF0]  }
0xb8: {  	v41 =	vadd.s32 s6, v1;
	v40 =	vld [tilespmem:s24+$0x130];
	_ =	sdelay $0x1  }
0xb9: {  	[tilespmem:v17+s20+$0x0] =	vst.idx.msk $0xffff, v5  }
0xba: {  	v43 =	vadd.s32 s14, v1;
	v42 =	vld [tilespmem:s24+$0x70];
	[tilespmem:v39+s20+$0x0] =	vst.idx.msk $0xffff, v38  }
0xbb: {  	v44 =	vadd.s32 s15, v2;
	v45 =	vld [tilespmem:s24+$0xFFFFFFC0];
	[tilespmem:v37+s20+$0x0] =	vst.idx.msk $0xffff, v3  }
0xbc: {  	[tilespmem:v41+s20+$0x0] =	vst.idx.msk $0xffff, v40;
	v3 =	vadd.s32 s17, v2;
	v7 =	vld [tilespmem:s24+$0xFFFFFF00]  }
0xbd: {  	v46 =	vadd.s32 s6, v2;
	v15 =	vld [tilespmem:s24+$0x140];
	_ =	sdelay $0x1  }
0xbe: {  	[tilespmem:v43+s20+$0x0] =	vst.idx.msk $0xffff, v42  }
0xbf: {  	v47 =	vadd.s32 s14, v2;
	v17 =	vld [tilespmem:s24+$0x80];
	[tilespmem:v44+s20+$0x0] =	vst.idx.msk $0xffff, v45  }
0xc0: {  	v49 =	vadd.s32 s0, v0;
	v5 =	vld [tilespmem:s24+$0xFFFFFFD0];
	[tilespmem:v3+s20+$0x0] =	vst.idx.msk $0xffff, v7  }
0xc1: {  	v48 =	vadd.s32 s2, v0;
	[tilespmem:v46+s20+$0x0] =	vst.idx.msk $0xffff, v15;
	v3 =	vld [tilespmem:s24+$0xFFFFFF10]  }
0xc2: {  	v50 =	vadd.s32 s25, v0;
	v14 =	vld [tilespmem:s24+$0x150];
	_ =	sdelay $0x1  }
0xc3: {  	[tilespmem:v47+s20+$0x0] =	vst.idx.msk $0xffff, v17  }
0xc4: {  	v51 =	vadd.s32 s26, v0;
	v17 =	vld [tilespmem:s24+$0x90];
	[tilespmem:v49+s20+$0x0] =	vst.idx.msk $0xffff, v5  }
0xc5: {  	v54 =	vadd.s32 s0, v1;
	v53 =	vld [tilespmem:s24+$0xFFFFFFE0];
	[tilespmem:v48+s20+$0x0] =	vst.idx.msk $0xffff, v3  }
0xc6: {  	v52 =	vadd.s32 s2, v1;
	[tilespmem:v50+s20+$0x0] =	vst.idx.msk $0xffff, v14;
	v3 =	vld [tilespmem:s24+$0xFFFFFF20]  }
0xc7: {  	v55 =	vadd.s32 s25, v1;
	[tilespmem:v9+s20+$0x0] =	vst.idx.msk $0xffff, v8;
	v14 =	vld [tilespmem:s24+$0x160]  }
0xc8: {  	[tilespmem:v11+s20+$0x0] =	vst.idx.msk $0xffff, v12  }
0xc9: {  	v58 =	vld [tilespmem:s23+$0xB0];
	[tilespmem:v51+s20+$0x0] =	vst.idx.msk $0xffff, v17  }
0xca: {  	v56 =	vadd.s32 s26, v1;
	v57 =	vld [tilespmem:s24+$0xA0];
	[tilespmem:v54+s20+$0x0] =	vst.idx.msk $0xffff, v53  }
0xcb: {  	v59 =	vadd.s32 s0, v2;
	v60 =	vld [tilespmem:s24+$0xFFFFFFF0];
	[tilespmem:v52+s20+$0x0] =	vst.idx.msk $0xffff, v3  }
0xcc: {  	[tilespmem:v55+s20+$0x0] =	vst.idx.msk $0xffff, v14;
	v3 =	vadd.s32 s2, v2;
	v5 =	vld [tilespmem:s24+$0xFFFFFF30]  }
0xcd: {  	v62 =	vadd.s32 s25, v2;
	[tilespmem:v6+s20+$0x0] =	vst.idx.msk $0xffff, v10;
	v61 =	vld [tilespmem:s24+$0x170]  }
0xce: {  	[tilespmem:v4+s20+$0x0] =	vst.idx.msk $0xffff, v58  }
0xcf: {  	[tilespmem:v56+s20+$0x0] =	vst.idx.msk $0xffff, v57  }
0xd0: {  	v63 =	vadd.s32 s26, v2;
	v8 =	vld [tilespmem:s24+$0xB0];
	[tilespmem:v59+s20+$0x0] =	vst.idx.msk $0xffff, v60  }
0xd1: {  	[tilespmem:v3+s20+$0x0] =	vst.idx.msk $0xffff, v5  }
0xd2: {  	s4 =	rddreg [dreg:$0x10];
	[tilespmem:v62+s20+$0x0] =	vst.idx.msk $0xffff, v61  }
0xd3: {  	s5 =	sshll.u32 s4, $0xA;
	s28 =	rddreg [dreg:$0x5]  }
0xd4: {  	s1 =	rddreg [dreg:$0x2];
	s24 =	sor.u32 s28, s5  }
0xd5: {  	[tilespmem:v63+s20+$0x0] =	vst.idx.msk $0xffff, v8;
	s0 =	sadd.s32 s1, s24;
	s29 =	sor.u32 $0x80000, s24  }
0xd6: {  	[hbm4b:s0+s3] =	stream.linear.scatter [tilespmem:s20], [sflag:$0x3], $0x400, $0x38;
	[tilespmem:$0x1C000] =	vst v63  }
0xd7: {  	s31 =	simm.s32 $0x10400;
	s6 =	sor.u32 $0x100000, s24;
	s0 =	sadd.s32 s1, s29  }
0xd8: {  	[hbm4b:s0+s3] =	stream.linear.scatter [tilespmem:s31], [sflag:$0x3], $0x400, $0x38;
	[tilespmem:$0x1C000] =	vst v63  }
0xd9: {  	s7 =	simm.s32 $0x10800;
	s8 =	sor.u32 $0x180000, s24;
	s0 =	sadd.s32 s1, s6  }
0xda: {  	[hbm4b:s0+s3] =	stream.linear.scatter [tilespmem:s7], [sflag:$0x3], $0x400, $0x38;
	[tilespmem:$0x1C000] =	vst v63  }
0xdb: {  	s9 =	simm.s32 $0x10C00;
	s10 =	sor.u32 $0x200000, s24;
	s0 =	sadd.s32 s1, s8  }
0xdc: {  	[hbm4b:s0+s3] =	stream.linear.scatter [tilespmem:s9], [sflag:$0x3], $0x400, $0x38;
	[tilespmem:$0x1C000] =	vst v63  }
0xdd: {  	s11 =	simm.s32 $0x11000;
	s12 =	rddreg [dreg:$0x7];
	s0 =	sadd.s32 s1, s10  }
0xde: {  	[hbm4b:s0+s3] =	stream.linear.scatter [tilespmem:s11], [sflag:$0x3], $0x400, $0x38;
	[tilespmem:$0x1C000] =	vst v63  }
0xdf: {  	s13 =	simm.s32 $0x11400;
	s14 =	rddreg [dreg:$0x8];
	s0 =	sadd.s32 s24, s12  }
0xe0: {  	[hbm4b:s0+s3] =	stream.linear.scatter [tilespmem:s13], [sflag:$0x3], $0x400, $0x38;
	[tilespmem:$0x1C000] =	vst v63  }
0xe1: {  	s15 =	simm.s32 $0x11800;
	s16 =	sor.u32 $0x80080, s24;
	s0 =	sadd.s32 s24, s14  }
0xe2: {  	[hbm4b:s0+s3] =	stream.linear.scatter [tilespmem:s15], [sflag:$0x3], $0x400, $0x38;
	[tilespmem:$0x1C000] =	vst v63  }
0xe3: {  	s17 =	simm.s32 $0x11C00;
	s18 =	sor.u32 $0x100080, s24;
	s0 =	sadd.s32 s1, s16  }
0xe4: {  	[hbm4b:s0+s3] =	stream.linear.scatter [tilespmem:s17], [sflag:$0x3], $0x400, $0x38;
	[tilespmem:$0x1C000] =	vst v63  }
0xe5: {  	s19 =	simm.s32 $0x12000;
	s21 =	sor.u32 $0x180080, s24;
	s0 =	sadd.s32 s1, s18  }
0xe6: {  	[hbm4b:s0+s3] =	stream.linear.scatter [tilespmem:s19], [sflag:$0x3], $0x400, $0x38;
	[tilespmem:$0x1C000] =	vst v63  }
0xe7: {  	s22 =	simm.s32 $0x12400;
	s23 =	sor.u32 $0x200080, s24;
	s0 =	sadd.s32 s1, s21  }
0xe8: {  	[hbm4b:s0+s3] =	stream.linear.scatter [tilespmem:s22], [sflag:$0x3], $0x400, $0x38;
	[tilespmem:$0x1C000] =	vst v63  }
0xe9: {  	s25 =	simm.s32 $0x12800;
	s26 =	rddreg [dreg:$0x9];
	s0 =	sadd.s32 s1, s23  }
0xea: {  	[hbm4b:s0+s3] =	stream.linear.scatter [tilespmem:s25], [sflag:$0x3], $0x400, $0x38;
	[tilespmem:$0x1C000] =	vst v63  }
0xeb: {  	s28 =	simm.s32 $0x12C00;
	s29 =	rddreg [dreg:$0xa];
	s0 =	sadd.s32 s24, s26  }
0xec: {  	[hbm4b:s0+s3] =	stream.linear.scatter [tilespmem:s28], [sflag:$0x3], $0x400, $0x38;
	[tilespmem:$0x1C000] =	vst v63  }
0xed: {  	s31 =	simm.s32 $0x13000;
	s6 =	sor.u32 $0x80100, s24;
	s0 =	sadd.s32 s24, s29  }
0xee: {  	[hbm4b:s0+s3] =	stream.linear.scatter [tilespmem:s31], [sflag:$0x3], $0x400, $0x38;
	[tilespmem:$0x1C000] =	vst v63  }
0xef: {  	s7 =	simm.s32 $0x13400;
	s8 =	sor.u32 $0x100100, s24;
	s0 =	sadd.s32 s1, s6  }
0xf0: {  	[hbm4b:s0+s3] =	stream.linear.scatter [tilespmem:s7], [sflag:$0x3], $0x400, $0x38;
	[tilespmem:$0x1C000] =	vst v63  }
0xf1: {  	s9 =	simm.s32 $0x13800;
	s10 =	sor.u32 $0x180100, s24;
	s0 =	sadd.s32 s1, s8  }
0xf2: {  	[hbm4b:s0+s3] =	stream.linear.scatter [tilespmem:s9], [sflag:$0x3], $0x400, $0x38;
	[tilespmem:$0x1C000] =	vst v63  }
0xf3: {  	s11 =	simm.s32 $0x13C00;
	s12 =	sor.u32 $0x200100, s24;
	s0 =	sadd.s32 s1, s10  }
0xf4: {  	[hbm4b:s0+s3] =	stream.linear.scatter [tilespmem:s11], [sflag:$0x3], $0x400, $0x38;
	[tilespmem:$0x1C000] =	vst v63  }
0xf5: {  	s13 =	simm.s32 $0x14000;
	s14 =	rddreg [dreg:$0xb];
	s0 =	sadd.s32 s1, s12  }
0xf6: {  	[hbm4b:s0+s3] =	stream.linear.scatter [tilespmem:s13], [sflag:$0x3], $0x400, $0x38;
	[tilespmem:$0x1C000] =	vst v63  }
0xf7: {  	s15 =	simm.s32 $0x14400;
	s16 =	rddreg [dreg:$0xc];
	s0 =	sadd.s32 s24, s14  }
0xf8: {  	[hbm4b:s0+s3] =	stream.linear.scatter [tilespmem:s15], [sflag:$0x3], $0x400, $0x38;
	[tilespmem:$0x1C000] =	vst v63  }
0xf9: {  	s17 =	simm.s32 $0x14800;
	s18 =	sor.u32 $0x80180, s24;
	s0 =	sadd.s32 s24, s16  }
0xfa: {  	[hbm4b:s0+s3] =	stream.linear.scatter [tilespmem:s17], [sflag:$0x3], $0x400, $0x38;
	[tilespmem:$0x1C000] =	vst v63  }
0xfb: {  	s19 =	simm.s32 $0x14C00;
	s21 =	sor.u32 $0x100180, s24;
	s0 =	sadd.s32 s1, s18  }
0xfc: {  	[hbm4b:s0+s3] =	stream.linear.scatter [tilespmem:s19], [sflag:$0x3], $0x400, $0x38;
	[tilespmem:$0x1C000] =	vst v63  }
0xfd: {  	s22 =	simm.s32 $0x15000;
	s23 =	sor.u32 $0x180180, s24;
	s0 =	sadd.s32 s1, s21  }
0xfe: {  	[hbm4b:s0+s3] =	stream.linear.scatter [tilespmem:s22], [sflag:$0x3], $0x400, $0x38;
	[tilespmem:$0x1C000] =	vst v63  }
0xff: {  	p1 =	sne.s32 s4, $0xF;
	s25 =	simm.s32 $0x15400;
	s0 =	sadd.s32 s1, s23  }
0x100: {  	[hbm4b:s0+s3] =	stream.linear.scatter [tilespmem:s25], [sflag:$0x3], $0x400, $0x38;
	[tilespmem:$0x1C000] =	vst v63  }
.Ltmp3:
0x101: {  	s26 =	sor.u32 $0x200180, s24;
	(pc) =	sbr.rel @p1 .LBB2_6-.Ltmp3, $4  }
0x102: {  	s28 =	simm.s32 $0x15800;
	s29 =	rddreg [dreg:$0xd];
	s0 =	sadd.s32 s1, s26  }
0x103: {  	[hbm4b:s0+s3] =	stream.linear.scatter [tilespmem:s28], [sflag:$0x3], $0x400, $0x38;
	[tilespmem:$0x1C000] =	vst v63  }
0x104: {  	[dreg:$0x11] =	wrdreg s5;
	s31 =	simm.s32 $0x15C00;
	s0 =	sadd.s32 s24, s29  }
0x105: {  	[hbm4b:s0+s3] =	stream.linear.scatter [tilespmem:s31], [sflag:$0x3], $0x400, $0x38;
	[tilespmem:$0x1C000] =	vst v63  }
.Ltmp4:
0x106: {  	(pc) =	sbr.rel .LBB2_7-.Ltmp4, $4  }
0x107: {  	s0 =	simm.s32 $0x2  }
0x108: {  	_ =	swait.ge [sflag:s0], $0x6000  }
0x109: {  	[sflag:s0] =	ssyncset.done $0x0  }
0x10a: {  	[sflag:s0] =	ssyncadd.s32 $0xFFFFA000  }
.LBB2_6:
0x10b: {  	s0 =	sand.u32 $0x3FFFFC00, s5  }
0x10c: {  	s1 =	rddreg [dreg:$0x4];
	s2 =	simm.s32 $0x200;
	s4 =	simm.s32 $0x4000  }
.Ltmp5:
0x10d: {  	s31 =	simm.s32 $0x2;
	s0 =	sadd.s32 $0x400, s0;
	(pc) =	sbr.rel @p0 .LBB2_8-.Ltmp5, $4  }
0x10e: {  	[tilespmem:s4], [sflag:$0x1] =	stream.indirect.gather [hbm4b:s1+s2], $0x30, s0, s2, $0xb8;
	[tilespmem:$0x1C000] =	vst v63  }
0x10f: {  	_ =	swait.ge [sflag:s31], $0x6000  }
0x110: {  	[sflag:s31] =	ssyncset.done $0x0  }
0x111: {  	[sflag:s31] =	ssyncadd.s32 $0xFFFFA000  }
.LBB2_7:
0x112: {  	s0 =	simm.s32 $0x4  }
0x113: {  	_ =	swait.ge [sflag:s0], $0x6000  }
0x114: {  	[sflag:s0] =	ssyncset.done $0x0  }
0x115: {  	[sflag:s0] =	ssyncadd.s32 $0xFFFFA000  }
.LBB2_8:
0x116: {  	s0 =	simm.s32 $0x0  }
0x117: {  	s0 =	smul.u32 $0x1780, s0;
	_ =	sdelay $0x1  }
0x118: {  	s0 =	sadd.s32 $0x0, s0  }
0x119: {  	s25 =	simm.s32 $0xA2F0;
	s2 =	sadd.s32 $0x8, s0  }
0x11a: {  	v3 =	vld [tilespmem:s25+$0xFFFFFE90];
	s4 =	sadd.s32 $0xC, s0;
	v4 =	vadd.s32 s2, v0  }
0x11b: {  	v5 =	vld [tilespmem:s25+$0xFFFFFF50];
	v6 =	vadd.s32 s4, v0  }
0x11c: {  	s5 =	sadd.s32 $0x4, s0  }
0x11d: {  	v7 =	vld [tilespmem:s25+$0xFFFFFDD0];
	v8 =	vadd.s32 s5, v0;
	_ =	sdelay $0x1  }
0x11e: {  	v9 =	vld [tilespmem:s25+$0xFFFFFD10];
	v10 =	vadd.s32 s0, v0;
	[tilespmem:v4+s30+$0x0] =	vst.idx.msk $0xffff, v3  }
0x11f: {  	v4 =	vadd.s32 s2, v1;
	[tilespmem:v6+s30+$0x0] =	vst.idx.msk $0xffff, v5;
	v3 =	vld [tilespmem:s25+$0xFFFFFEA0]  }
0x120: {  	v6 =	vadd.s32 s4, v1;
	v5 =	vld [tilespmem:s25+$0xFFFFFF60]  }
0x121: {  	[tilespmem:v8+s30+$0x0] =	vst.idx.msk $0xffff, v7  }
0x122: {  	v8 =	vadd.s32 s5, v1;
	v7 =	vld [tilespmem:s25+$0xFFFFFDE0]  }
0x123: {  	[tilespmem:v10+s30+$0x0] =	vst.idx.msk $0xffff, v9  }
0x124: {  	v10 =	vadd.s32 s0, v1;
	v9 =	vld [tilespmem:s25+$0xFFFFFD20];
	[tilespmem:v4+s30+$0x0] =	vst.idx.msk $0xffff, v3  }
0x125: {  	v4 =	vadd.s32 s2, v2;
	[tilespmem:v6+s30+$0x0] =	vst.idx.msk $0xffff, v5;
	v3 =	vld [tilespmem:s25+$0xFFFFFEB0]  }
0x126: {  	v6 =	vadd.s32 s4, v2;
	v5 =	vld [tilespmem:s25+$0xFFFFFF70]  }
0x127: {  	[tilespmem:v8+s30+$0x0] =	vst.idx.msk $0xffff, v7  }
0x128: {  	v8 =	vadd.s32 s5, v2;
	v7 =	vld [tilespmem:s25+$0xFFFFFDF0]  }
0x129: {  	[tilespmem:v10+s30+$0x0] =	vst.idx.msk $0xffff, v9  }
0x12a: {  	s8 =	sadd.s32 $0x9, s0;
	v10 =	vadd.s32 s0, v2;
	v9 =	vld [tilespmem:s25+$0xFFFFFD30];
	[tilespmem:v4+s30+$0x0] =	vst.idx.msk $0xffff, v3  }
0x12b: {  	s9 =	sadd.s32 $0xD, s0;
	v4 =	vadd.s32 s8, v0;
	[tilespmem:v6+s30+$0x0] =	vst.idx.msk $0xffff, v5;
	v3 =	vld [tilespmem:s25+$0xFFFFFEC0]  }
0x12c: {  	v6 =	vadd.s32 s9, v0;
	v5 =	vld [tilespmem:s25+$0xFFFFFF80]  }
0x12d: {  	s10 =	sadd.s32 $0x5, s0;
	[tilespmem:v8+s30+$0x0] =	vst.idx.msk $0xffff, v7  }
0x12e: {  	v8 =	vadd.s32 s10, v0;
	v7 =	vld [tilespmem:s25+$0xFFFFFE00]  }
0x12f: {  	[tilespmem:v10+s30+$0x0] =	vst.idx.msk $0xffff, v9  }
0x130: {  	s6 =	sadd.s32 $0x1, s0;
	[tilespmem:v4+s30+$0x0] =	vst.idx.msk $0xffff, v3  }
0x131: {  	v9 =	vld [tilespmem:s25+$0xFFFFFD40];
	[tilespmem:v6+s30+$0x0] =	vst.idx.msk $0xffff, v5;
	v5 =	vadd.s32 s6, v0  }
0x132: {  	v4 =	vadd.s32 s8, v1;
	v3 =	vld [tilespmem:s25+$0xFFFFFED0]  }
0x133: {  	s12 =	simm.s32 $0x0;
	[tilespmem:v8+s30+$0x0] =	vst.idx.msk $0xffff, v7;
	v7 =	vadd.s32 s9, v1;
	v6 =	vld [tilespmem:s25+$0xFFFFFF90]  }
0x134: {  	s14 =	smul.u32 $0x1780, s12  }
0x135: {  	v10 =	vadd.s32 s10, v1;
	v8 =	vld [tilespmem:s25+$0xFFFFFE10]  }
0x136: {  	s26 =	simm.s32 $0xA5F0;
	s4 =	sadd.s32 $0x10, s14;
	[tilespmem:v5+s30+$0x0] =	vst.idx.msk $0xffff, v9  }
0x137: {  	v12 =	vld [tilespmem:s26+$0xFFFFFD10];
	v13 =	vadd.s32 s4, v0;
	[tilespmem:v4+s30+$0x0] =	vst.idx.msk $0xffff, v3  }
0x138: {  	[tilespmem:v7+s30+$0x0] =	vst.idx.msk $0xffff, v6;
	v5 =	vld [tilespmem:s25+$0xFFFFFD50];
	v6 =	vadd.s32 s6, v1  }
0x139: {  	v4 =	vadd.s32 s8, v2;
	v3 =	vld [tilespmem:s25+$0xFFFFFEE0]  }
0x13a: {  	[tilespmem:v10+s30+$0x0] =	vst.idx.msk $0xffff, v8;
	v8 =	vadd.s32 s9, v2;
	v7 =	vld [tilespmem:s25+$0xFFFFFFA0]  }
0x13b: {  	v10 =	vadd.s32 s10, v2;
	v9 =	vld [tilespmem:s25+$0xFFFFFE20]  }
0x13c: {  	[tilespmem:v13+s30+$0x0] =	vst.idx.msk $0xffff, v12  }
0x13d: {  	v13 =	vadd.s32 s4, v1;
	v12 =	vld [tilespmem:s26+$0xFFFFFD20];
	[tilespmem:v6+s30+$0x0] =	vst.idx.msk $0xffff, v5  }
0x13e: {  	s7 =	sadd.s32 $0x4, s4;
	[tilespmem:v4+s30+$0x0] =	vst.idx.msk $0xffff, v3;
	v4 =	vadd.s32 s6, v2;
	v5 =	vld [tilespmem:s25+$0xFFFFFD60]  }
0x13f: {  	v14 =	vld [tilespmem:s26+$0xFFFFFDD0];
	s11 =	sadd.s32 $0xE, s0;
	v15 =	vadd.s32 s7, v0;
	[tilespmem:v8+s30+$0x0] =	vst.idx.msk $0xffff, v7  }
0x140: {  	s13 =	sadd.s32 $0x6, s0;
	v7 =	vadd.s32 s11, v0;
	[tilespmem:v10+s30+$0x0] =	vst.idx.msk $0xffff, v9;
	v6 =	vld [tilespmem:s25+$0xFFFFFFB0]  }
0x141: {  	s15 =	sadd.s32 $0xA, s0;
	v9 =	vadd.s32 s13, v0;
	v8 =	vld [tilespmem:s25+$0xFFFFFE30]  }
0x142: {  	v11 =	vadd.s32 s15, v0;
	[tilespmem:v13+s30+$0x0] =	vst.idx.msk $0xffff, v12;
	s8 =	sadd.s32 $0x8, s4;
	v3 =	vld [tilespmem:s25+$0xFFFFFEF0]  }
0x143: {  	v10 =	vld [tilespmem:s26+$0xFFFFFE90];
	[tilespmem:v4+s30+$0x0] =	vst.idx.msk $0xffff, v5;
	v4 =	vadd.s32 s8, v0  }
0x144: {  	[tilespmem:v15+s30+$0x0] =	vst.idx.msk $0xffff, v14;
	v13 =	vadd.s32 s4, v2;
	v12 =	vld [tilespmem:s26+$0xFFFFFD30];
	s9 =	sadd.s32 $0xC, s4  }
0x145: {  	s10 =	sadd.s32 $0x2, s0;
	[tilespmem:v7+s30+$0x0] =	vst.idx.msk $0xffff, v6;
	v6 =	vld [tilespmem:s26+$0xFFFFFF50];
	v7 =	vadd.s32 s9, v0  }
0x146: {  	v5 =	vld [tilespmem:s25+$0xFFFFFD70];
	[tilespmem:v9+s30+$0x0] =	vst.idx.msk $0xffff, v8;
	v8 =	vadd.s32 s10, v0  }
0x147: {  	[tilespmem:v11+s30+$0x0] =	vst.idx.msk $0xffff, v3;
	v11 =	vadd.s32 s11, v1;
	v3 =	vld [tilespmem:s25+$0xFFFFFFC0]  }
0x148: {  	v15 =	vadd.s32 s7, v1;
	v14 =	vld [tilespmem:s26+$0xFFFFFDE0];
	[tilespmem:v4+s30+$0x0] =	vst.idx.msk $0xffff, v10  }
0x149: {  	[tilespmem:v13+s30+$0x0] =	vst.idx.msk $0xffff, v12;
	v10 =	vadd.s32 s8, v1;
	v4 =	vld [tilespmem:s26+$0xFFFFFEA0]  }
0x14a: {  	v13 =	vadd.s32 s13, v1;
	v12 =	vld [tilespmem:s25+$0xFFFFFE40];
	[tilespmem:v7+s30+$0x0] =	vst.idx.msk $0xffff, v6  }
0x14b: {  	v7 =	vadd.s32 s9, v1;
	[tilespmem:v8+s30+$0x0] =	vst.idx.msk $0xffff, v5;
	v6 =	vld [tilespmem:s26+$0xFFFFFF60]  }
0x14c: {  	v8 =	vadd.s32 s10, v1;
	v5 =	vld [tilespmem:s25+$0xFFFFFD80];
	[tilespmem:v11+s30+$0x0] =	vst.idx.msk $0xffff, v3  }
0x14d: {  	[tilespmem:v15+s30+$0x0] =	vst.idx.msk $0xffff, v14;
	v11 =	vadd.s32 s11, v2;
	v3 =	vld [tilespmem:s25+$0xFFFFFFD0]  }
0x14e: {  	v15 =	vadd.s32 s7, v2;
	v14 =	vld [tilespmem:s26+$0xFFFFFDF0];
	[tilespmem:v10+s30+$0x0] =	vst.idx.msk $0xffff, v4  }
0x14f: {  	[tilespmem:v13+s30+$0x0] =	vst.idx.msk $0xffff, v12;
	v10 =	vadd.s32 s8, v2;
	v4 =	vld [tilespmem:s26+$0xFFFFFEB0]  }
0x150: {  	v13 =	vadd.s32 s13, v2;
	v12 =	vld [tilespmem:s25+$0xFFFFFE50];
	[tilespmem:v7+s30+$0x0] =	vst.idx.msk $0xffff, v6  }
0x151: {  	v7 =	vadd.s32 s9, v2;
	[tilespmem:v8+s30+$0x0] =	vst.idx.msk $0xffff, v5;
	v6 =	vld [tilespmem:s26+$0xFFFFFF70]  }
0x152: {  	s16 =	sadd.s32 $0xF, s0;
	v8 =	vadd.s32 s10, v2;
	v5 =	vld [tilespmem:s25+$0xFFFFFD90];
	[tilespmem:v11+s30+$0x0] =	vst.idx.msk $0xffff, v3  }
0x153: {  	[tilespmem:v15+s30+$0x0] =	vst.idx.msk $0xffff, v14;
	v11 =	vadd.s32 s16, v0;
	v3 =	vld [tilespmem:s25+$0xFFFFFFE0]  }
0x154: {  	s19 =	sadd.s32 $0x5, s4;
	v9 =	vld [tilespmem:s25+$0xFFFFFF00];
	[tilespmem:v10+s30+$0x0] =	vst.idx.msk $0xffff, v4;
	v4 =	vadd.s32 s15, v1  }
0x155: {  	s21 =	sadd.s32 $0x9, s4;
	v15 =	vadd.s32 s19, v0;
	[tilespmem:v13+s30+$0x0] =	vst.idx.msk $0xffff, v12;
	v10 =	vld [tilespmem:s26+$0xFFFFFE00]  }
0x156: {  	s29 =	sadd.s32 $0x1, s4;
	[tilespmem:v7+s30+$0x0] =	vst.idx.msk $0xffff, v6;
	v6 =	vld [tilespmem:s26+$0xFFFFFEC0];
	v7 =	vadd.s32 s21, v0  }
0x157: {  	s22 =	sadd.s32 $0xD, s4;
	v14 =	vld [tilespmem:s26+$0xFFFFFD40];
	v12 =	vadd.s32 s29, v0;
	[tilespmem:v8+s30+$0x0] =	vst.idx.msk $0xffff, v5  }
0x158: {  	v8 =	vadd.s32 s22, v0;
	v5 =	vld [tilespmem:s26+$0xFFFFFF80];
	[tilespmem:v11+s30+$0x0] =	vst.idx.msk $0xffff, v3  }
0x159: {  	s23 =	sadd.s32 $0x3, s0;
	v11 =	vadd.s32 s16, v1;
	v3 =	vld [tilespmem:s25+$0xFFFFFFF0];
	[tilespmem:v4+s30+$0x0] =	vst.idx.msk $0xffff, v9  }
0x15a: {  	[tilespmem:v15+s30+$0x0] =	vst.idx.msk $0xffff, v10;
	v4 =	vld [tilespmem:s25+$0xFFFFFDA0];
	v9 =	vadd.s32 s23, v0  }
0x15b: {  	v15 =	vadd.s32 s19, v1;
	v10 =	vld [tilespmem:s26+$0xFFFFFE10];
	[tilespmem:v7+s30+$0x0] =	vst.idx.msk $0xffff, v6  }
0x15c: {  	v16 =	vadd.s32 s21, v1;
	[tilespmem:v12+s30+$0x0] =	vst.idx.msk $0xffff, v14;
	v6 =	vld [tilespmem:s26+$0xFFFFFED0]  }
0x15d: {  	[tilespmem:v8+s30+$0x0] =	vst.idx.msk $0xffff, v5;
	v5 =	vadd.s32 s15, v2;
	v8 =	vld [tilespmem:s25+$0xFFFFFF10]  }
0x15e: {  	s28 =	sadd.s32 $0x7, s0;
	[tilespmem:v11+s30+$0x0] =	vst.idx.msk $0xffff, v3;
	v3 =	vld [tilespmem:s26+$0xFFFFFF90];
	v11 =	vadd.s32 s22, v1  }
0x15f: {  	[tilespmem:v9+s30+$0x0] =	vst.idx.msk $0xffff, v4;
	v4 =	vld [tilespmem:s25+$0xFFFFFE60];
	v9 =	vadd.s32 s28, v0  }
0x160: {  	v17 =	vadd.s32 s29, v1;
	v12 =	vld [tilespmem:s26+$0xFFFFFD50];
	[tilespmem:v15+s30+$0x0] =	vst.idx.msk $0xffff, v10  }
0x161: {  	v10 =	vld [tilespmem:s25+$0xFFFFFDB0];
	[tilespmem:v16+s30+$0x0] =	vst.idx.msk $0xffff, v6;
	v6 =	vadd.s32 s23, v1  }
0x162: {  	s0 =	sadd.s32 $0xB, s0;
	v15 =	vadd.s32 s21, v2;
	[tilespmem:v5+s30+$0x0] =	vst.idx.msk $0xffff, v8;
	v13 =	vld [tilespmem:s26+$0xFFFFFEE0]  }
0x163: {  	v8 =	vadd.s32 s0, v0;
	[tilespmem:v11+s30+$0x0] =	vst.idx.msk $0xffff, v3;
	v3 =	vld [tilespmem:s25+$0xFFFFFF20]  }
0x164: {  	v16 =	vadd.s32 s22, v2;
	v11 =	vld [tilespmem:s26+$0xFFFFFFA0];
	[tilespmem:v9+s30+$0x0] =	vst.idx.msk $0xffff, v4  }
0x165: {  	[tilespmem:v17+s30+$0x0] =	vst.idx.msk $0xffff, v12;
	v9 =	vadd.s32 s28, v1;
	v4 =	vld [tilespmem:s25+$0xFFFFFE70]  }
0x166: {  	v7 =	vld [tilespmem:s26+$0xFFFFFE20];
	[tilespmem:v6+s30+$0x0] =	vst.idx.msk $0xffff, v10  }
0x167: {  	v18 =	vadd.s32 s23, v2;
	[tilespmem:v15+s30+$0x0] =	vst.idx.msk $0xffff, v13;
	v10 =	vld [tilespmem:s25+$0xFFFFFDC0]  }
0x168: {  	[tilespmem:v8+s30+$0x0] =	vst.idx.msk $0xffff, v3;
	v5 =	vld [tilespmem:s26+$0xFFFFFEF0]  }
0x169: {  	v14 =	vadd.s32 s19, v2;
	[tilespmem:v16+s30+$0x0] =	vst.idx.msk $0xffff, v11;
	v8 =	vld [tilespmem:s25+$0xFFFFFF30]  }
0x16a: {  	s17 =	sadd.s32 $0x6, s4;
	s14 =	sadd.s32 $0xE, s4;
	s18 =	sadd.s32 $0x2, s4;
	v13 =	vld [tilespmem:s26+$0xFFFFFFB0];
	[tilespmem:v9+s30+$0x0] =	vst.idx.msk $0xffff, v4;
	v9 =	vadd.s32 s0, v1  }
0x16b: {  	s31 =	sadd.s32 $0xF, s4;
	s2 =	sadd.s32 $0x7, s4;
	s6 =	sadd.s32 $0x3, s4;
	v6 =	vadd.s32 s16, v2;
	v3 =	vadd.s32 s29, v2;
	v15 =	vadd.s32 s14, v0;
	v12 =	vld [tilespmem:s25+$0xFFFFFE80]  }
0x16c: {  	s15 =	sadd.s32 $0xA, s4;
	s21 =	simm.s32 $0x20;
	v11 =	vadd.s32 s28, v2;
	v4 =	vadd.s32 s0, v2;
	s0 =	sadd.s32 $0xB, s4;
	[tilespmem:v18+s30+$0x0] =	vst.idx.msk $0xffff, v10;
	v10 =	vld [tilespmem:s25+$0x0]  }
.LBB2_9:
0x16d: {  	s4 =	sshrl.u32 s21, $0x7  }
0x16e: {  	p0 =	slt.u32 s21, $0x1F0;
	v16 =	vld [tilespmem:s26+$0xFFFFFD60];
	[tilespmem:v14+s30+$0x0] =	vst.idx.msk $0xffff, v7;
	s5 =	smov.u32 s21;
	s21 =	sadd.s32 $0x10, s21  }
0x16f: {  	v14 =	vadd.s32 s17, v0;
	s4 =	smul.u32 $0x1780, s4;
	v7 =	vld [tilespmem:s26+$0xFFFFFE30];
	[tilespmem:v9+s30+$0x0] =	vst.idx.msk $0xffff, v8  }
0x170: {  	[tilespmem:v15+s30+$0x0] =	vst.idx.msk $0xffff, v13;
	v8 =	vld [tilespmem:s25+$0xFFFFFF40];
	s25 =	smov.u32 s26;
	s26 =	sadd.s32 $0x300, s26  }
0x171: {  	v13 =	vadd.s32 s15, v0;
	s11 =	sadd.s32 s4, s5;
	v9 =	vld [tilespmem:s26+$0xFFFFFE90];
	[tilespmem:v11+s30+$0x0] =	vst.idx.msk $0xffff, v12  }
0x172: {  	v11 =	vld [tilespmem:s26+$0xFFFFFD10];
	v12 =	vadd.s32 s11, v0;
	s13 =	sadd.s32 $0x4, s11;
	s16 =	sadd.s32 $0x5, s11;
	s12 =	sadd.s32 $0x8, s11;
	[tilespmem:v6+s30+$0x0] =	vst.idx.msk $0xffff, v10  }
0x173: {  	s19 =	sadd.s32 $0x1, s11;
	s8 =	sadd.s32 $0x9, s11;
	s28 =	sadd.s32 $0xD, s11;
	v6 =	vld [tilespmem:s26+$0xFFFFFDD0];
	v10 =	vadd.s32 s13, v0;
	[tilespmem:v3+s30+$0x0] =	vst.idx.msk $0xffff, v16  }
0x174: {  	s9 =	sadd.s32 $0x6, s11;
	s22 =	sadd.s32 $0xC, s11;
	s23 =	sadd.s32 $0xE, s11;
	v3 =	vadd.s32 s19, v2;
	v15 =	vadd.s32 s12, v0;
	v16 =	vld [tilespmem:s25+$0xFFFFFD70];
	[tilespmem:v14+s30+$0x0] =	vst.idx.msk $0xffff, v7  }
0x175: {  	s1 =	sadd.s32 $0x2, s11;
	s10 =	sadd.s32 $0xA, s11;
	s5 =	sadd.s32 $0xF, s11;
	v14 =	vadd.s32 s22, v0;
	v7 =	vld [tilespmem:s26+$0xFFFFFF50];
	[tilespmem:v4+s30+$0x0] =	vst.idx.msk $0xffff, v8  }
0x176: {  	s7 =	sadd.s32 $0x3, s11;
	s4 =	sadd.s32 $0x7, s11;
	s29 =	sadd.s32 $0xB, s11;
	v4 =	vadd.s32 s18, v0;
	[tilespmem:v13+s30+$0x0] =	vst.idx.msk $0xffff, v5;
	v5 =	vld [tilespmem:s25+$0xFFFFFFC0]  }
0x177: {  	[tilespmem:v12+s30+$0x0] =	vst.idx.msk $0xffff, v11;
	v8 =	vld [tilespmem:s25+$0xFFFFFF00];
	v11 =	vadd.s32 s14, v1  }
0x178: {  	v13 =	vadd.s32 s11, v1;
	v12 =	vld [tilespmem:s26+$0xFFFFFD20];
	[tilespmem:v10+s30+$0x0] =	vst.idx.msk $0xffff, v6  }
0x179: {  	v10 =	vadd.s32 s13, v1;
	v6 =	vld [tilespmem:s26+$0xFFFFFDE0];
	[tilespmem:v15+s30+$0x0] =	vst.idx.msk $0xffff, v9  }
0x17a: {  	v15 =	vadd.s32 s12, v1;
	v9 =	vld [tilespmem:s26+$0xFFFFFEA0];
	[tilespmem:v14+s30+$0x0] =	vst.idx.msk $0xffff, v7  }
0x17b: {  	v14 =	vadd.s32 s22, v1;
	v7 =	vld [tilespmem:s26+$0xFFFFFF60];
	[tilespmem:v4+s30+$0x0] =	vst.idx.msk $0xffff, v16  }
0x17c: {  	v16 =	vadd.s32 s18, v1;
	v4 =	vld [tilespmem:s25+$0xFFFFFD80];
	[tilespmem:v11+s30+$0x0] =	vst.idx.msk $0xffff, v5  }
0x17d: {  	v11 =	vadd.s32 s14, v2;
	s14 =	smov.u32 s23;
	[tilespmem:v13+s30+$0x0] =	vst.idx.msk $0xffff, v12;
	v5 =	vld [tilespmem:s25+$0xFFFFFFD0]  }
0x17e: {  	v13 =	vadd.s32 s11, v2;
	v12 =	vld [tilespmem:s26+$0xFFFFFD30];
	[tilespmem:v10+s30+$0x0] =	vst.idx.msk $0xffff, v6  }
0x17f: {  	v10 =	vadd.s32 s13, v2;
	v6 =	vld [tilespmem:s26+$0xFFFFFDF0];
	[tilespmem:v15+s30+$0x0] =	vst.idx.msk $0xffff, v9  }
0x180: {  	v15 =	vadd.s32 s12, v2;
	v9 =	vld [tilespmem:s26+$0xFFFFFEB0];
	[tilespmem:v14+s30+$0x0] =	vst.idx.msk $0xffff, v7  }
0x181: {  	v14 =	vadd.s32 s22, v2;
	v7 =	vld [tilespmem:s26+$0xFFFFFF70];
	[tilespmem:v16+s30+$0x0] =	vst.idx.msk $0xffff, v4  }
0x182: {  	v16 =	vadd.s32 s18, v2;
	s18 =	smov.u32 s1;
	v4 =	vld [tilespmem:s25+$0xFFFFFD90];
	[tilespmem:v11+s30+$0x0] =	vst.idx.msk $0xffff, v5  }
0x183: {  	v11 =	vadd.s32 s31, v0;
	[tilespmem:v13+s30+$0x0] =	vst.idx.msk $0xffff, v12;
	v5 =	vld [tilespmem:s25+$0xFFFFFFE0]  }
0x184: {  	[tilespmem:v10+s30+$0x0] =	vst.idx.msk $0xffff, v6;
	v6 =	vld [tilespmem:s25+$0xFFFFFE40];
	v10 =	vadd.s32 s17, v1  }
0x185: {  	v12 =	vld [tilespmem:s26+$0xFFFFFD40];
	[tilespmem:v15+s30+$0x0] =	vst.idx.msk $0xffff, v9;
	v9 =	vadd.s32 s15, v1  }
0x186: {  	v15 =	vadd.s32 s16, v0;
	v13 =	vld [tilespmem:s26+$0xFFFFFE00];
	[tilespmem:v14+s30+$0x0] =	vst.idx.msk $0xffff, v7  }
0x187: {  	v14 =	vadd.s32 s8, v0;
	v7 =	vld [tilespmem:s26+$0xFFFFFEC0];
	[tilespmem:v16+s30+$0x0] =	vst.idx.msk $0xffff, v4  }
0x188: {  	v16 =	vadd.s32 s28, v0;
	v4 =	vld [tilespmem:s26+$0xFFFFFF80];
	[tilespmem:v11+s30+$0x0] =	vst.idx.msk $0xffff, v5  }
0x189: {  	[tilespmem:v10+s30+$0x0] =	vst.idx.msk $0xffff, v6;
	v5 =	vld [tilespmem:s25+$0xFFFFFFF0];
	v6 =	vadd.s32 s31, v1  }
0x18a: {  	v11 =	vadd.s32 s17, v2;
	s17 =	smov.u32 s9;
	v10 =	vld [tilespmem:s25+$0xFFFFFE50];
	[tilespmem:v9+s30+$0x0] =	vst.idx.msk $0xffff, v8  }
0x18b: {  	v9 =	vadd.s32 s6, v0;
	[tilespmem:v15+s30+$0x0] =	vst.idx.msk $0xffff, v13;
	v8 =	vld [tilespmem:s25+$0xFFFFFDA0];
	v13 =	vadd.s32 s15, v2;
	s15 =	smov.u32 s10  }
0x18c: {  	v17 =	vadd.s32 s16, v1;
	v15 =	vld [tilespmem:s26+$0xFFFFFE10];
	[tilespmem:v14+s30+$0x0] =	vst.idx.msk $0xffff, v7  }
0x18d: {  	v18 =	vadd.s32 s8, v1;
	v14 =	vld [tilespmem:s26+$0xFFFFFED0];
	[tilespmem:v16+s30+$0x0] =	vst.idx.msk $0xffff, v4  }
0x18e: {  	v4 =	vld [tilespmem:s25+$0xFFFFFF10];
	[tilespmem:v6+s30+$0x0] =	vst.idx.msk $0xffff, v5  }
0x18f: {  	v6 =	vadd.s32 s28, v1;
	v5 =	vld [tilespmem:s26+$0xFFFFFF90];
	[tilespmem:v11+s30+$0x0] =	vst.idx.msk $0xffff, v10  }
0x190: {  	[tilespmem:v9+s30+$0x0] =	vst.idx.msk $0xffff, v8;
	v8 =	vld [tilespmem:s25+$0xFFFFFE60];
	v9 =	vadd.s32 s2, v0  }
0x191: {  	v10 =	vadd.s32 s19, v0;
	[tilespmem:v17+s30+$0x0] =	vst.idx.msk $0xffff, v15;
	v11 =	vld [tilespmem:s25+$0xFFFFFDB0];
	v15 =	vadd.s32 s0, v0  }
0x192: {  	v7 =	vld [tilespmem:s26+$0xFFFFFE20];
	[tilespmem:v18+s30+$0x0] =	vst.idx.msk $0xffff, v14;
	v14 =	vadd.s32 s6, v1  }
0x193: {  	v17 =	vadd.s32 s8, v2;
	v16 =	vld [tilespmem:s26+$0xFFFFFEE0];
	[tilespmem:v13+s30+$0x0] =	vst.idx.msk $0xffff, v4  }
0x194: {  	[tilespmem:v6+s30+$0x0] =	vst.idx.msk $0xffff, v5;
	v4 =	vld [tilespmem:s25+$0xFFFFFF20]  }
0x195: {  	v13 =	vadd.s32 s28, v2;
	v6 =	vld [tilespmem:s26+$0xFFFFFFA0];
	[tilespmem:v9+s30+$0x0] =	vst.idx.msk $0xffff, v8  }
0x196: {  	[tilespmem:v10+s30+$0x0] =	vst.idx.msk $0xffff, v12;
	v10 =	vld [tilespmem:s25+$0xFFFFFE70];
	v12 =	vadd.s32 s2, v1  }
0x197: {  	v19 =	vadd.s32 s19, v1;
	v9 =	vadd.s32 s0, v1;
	v18 =	vld [tilespmem:s26+$0xFFFFFD50];
	[tilespmem:v14+s30+$0x0] =	vst.idx.msk $0xffff, v11  }
0x198: {  	[tilespmem:v17+s30+$0x0] =	vst.idx.msk $0xffff, v16;
	v16 =	vld [tilespmem:s25+$0xFFFFFDC0];
	v17 =	vadd.s32 s6, v2;
	s6 =	smov.u32 s7  }
.Ltmp6:
0x199: {  	v14 =	vadd.s32 s16, v2;
	v5 =	vld [tilespmem:s26+$0xFFFFFEF0];
	[tilespmem:v15+s30+$0x0] =	vst.idx.msk $0xffff, v4;
	(pc) =	sbr.rel @p0 .LBB2_9-.Ltmp6, $4  }
0x19a: {  	[tilespmem:v13+s30+$0x0] =	vst.idx.msk $0xffff, v6;
	v8 =	vld [tilespmem:s25+$0xFFFFFF30]  }
0x19b: {  	v15 =	vadd.s32 s14, v0;
	v13 =	vld [tilespmem:s26+$0xFFFFFFB0];
	[tilespmem:v12+s30+$0x0] =	vst.idx.msk $0xffff, v10  }
0x19c: {  	v11 =	vadd.s32 s2, v2;
	s2 =	smov.u32 s4;
	[tilespmem:v19+s30+$0x0] =	vst.idx.msk $0xffff, v18;
	v12 =	vld [tilespmem:s25+$0xFFFFFE80]  }
0x19d: {  	v4 =	vadd.s32 s0, v2;
	s0 =	smov.u32 s29;
	v6 =	vadd.s32 s31, v2;
	s31 =	smov.u32 s5;
	[tilespmem:v17+s30+$0x0] =	vst.idx.msk $0xffff, v16;
	v10 =	vld [tilespmem:s25+$0x0]  }
0x19e: {  	v16 =	vld [tilespmem:s26+$0xFFFFFD60];
	_ =	sdelay $0x3  }
0x19f: {  	[tilespmem:v14+s30+$0x0] =	vst.idx.msk $0xffff, v7;
	v17 =	vadd.s32 s15, v0  }
0x1a0: {  	v37 =	vadd.s32 s17, v0;
	v14 =	vld [tilespmem:s26+$0xFFFFFE30];
	[tilespmem:v3+s30+$0x0] =	vst.idx.msk $0xffff, v16  }
0x1a1: {  	v36 =	vadd.s32 s18, v0;
	v3 =	vld [tilespmem:s26+$0xFFFFFD70];
	_ =	sdelay $0x1  }
0x1a2: {  	[tilespmem:v15+s30+$0x0] =	vst.idx.msk $0xffff, v13  }
0x1a3: {  	v42 =	vadd.s32 s14, v1;
	v41 =	vld [tilespmem:s26+$0xFFFFFFC0];
	[tilespmem:v17+s30+$0x0] =	vst.idx.msk $0xffff, v5  }
0x1a4: {  	v44 =	vadd.s32 s15, v1;
	[tilespmem:v37+s30+$0x0] =	vst.idx.msk $0xffff, v14;
	v43 =	vld [tilespmem:s26+$0xFFFFFF00]  }
0x1a5: {  	v40 =	vadd.s32 s17, v1;
	v39 =	vld [tilespmem:s26+$0xFFFFFE40];
	[tilespmem:v36+s30+$0x0] =	vst.idx.msk $0xffff, v3  }
0x1a6: {  	v38 =	vadd.s32 s18, v1;
	v3 =	vld [tilespmem:s26+$0xFFFFFD80];
	_ =	sdelay $0x1  }
0x1a7: {  	[tilespmem:v42+s30+$0x0] =	vst.idx.msk $0xffff, v41  }
0x1a8: {  	v47 =	vadd.s32 s14, v2;
	v15 =	vld [tilespmem:s26+$0xFFFFFFD0];
	[tilespmem:v44+s30+$0x0] =	vst.idx.msk $0xffff, v43  }
0x1a9: {  	v48 =	vadd.s32 s15, v2;
	[tilespmem:v40+s30+$0x0] =	vst.idx.msk $0xffff, v39;
	v17 =	vld [tilespmem:s26+$0xFFFFFF10]  }
0x1aa: {  	v45 =	vadd.s32 s17, v2;
	v46 =	vld [tilespmem:s26+$0xFFFFFE50];
	[tilespmem:v38+s30+$0x0] =	vst.idx.msk $0xffff, v3  }
0x1ab: {  	v3 =	vadd.s32 s18, v2;
	v7 =	vld [tilespmem:s26+$0xFFFFFD90];
	_ =	sdelay $0x1  }
0x1ac: {  	[tilespmem:v47+s30+$0x0] =	vst.idx.msk $0xffff, v15  }
0x1ad: {  	v51 =	vadd.s32 s31, v0;
	v14 =	vld [tilespmem:s26+$0xFFFFFFE0];
	[tilespmem:v48+s30+$0x0] =	vst.idx.msk $0xffff, v17  }
0x1ae: {  	v52 =	vadd.s32 s0, v0;
	[tilespmem:v45+s30+$0x0] =	vst.idx.msk $0xffff, v46;
	v17 =	vld [tilespmem:s26+$0xFFFFFF20]  }
0x1af: {  	v50 =	vadd.s32 s2, v0;
	v5 =	vld [tilespmem:s26+$0xFFFFFE60];
	[tilespmem:v3+s30+$0x0] =	vst.idx.msk $0xffff, v7  }
0x1b0: {  	v49 =	vadd.s32 s6, v0;
	v3 =	vld [tilespmem:s26+$0xFFFFFDA0];
	_ =	sdelay $0x1  }
0x1b1: {  	[tilespmem:v51+s30+$0x0] =	vst.idx.msk $0xffff, v14  }
0x1b2: {  	v56 =	vadd.s32 s31, v1;
	v14 =	vld [tilespmem:s26+$0xFFFFFFF0];
	[tilespmem:v52+s30+$0x0] =	vst.idx.msk $0xffff, v17  }
0x1b3: {  	v57 =	vadd.s32 s0, v1;
	[tilespmem:v50+s30+$0x0] =	vst.idx.msk $0xffff, v5;
	v58 =	vld [tilespmem:s26+$0xFFFFFF30]  }
0x1b4: {  	v55 =	vadd.s32 s2, v1;
	v54 =	vld [tilespmem:s26+$0xFFFFFE70];
	[tilespmem:v49+s30+$0x0] =	vst.idx.msk $0xffff, v3  }
0x1b5: {  	v53 =	vadd.s32 s6, v1;
	[tilespmem:v9+s30+$0x0] =	vst.idx.msk $0xffff, v8;
	v3 =	vld [tilespmem:s26+$0xFFFFFDB0]  }
0x1b6: {  	[tilespmem:v11+s30+$0x0] =	vst.idx.msk $0xffff, v12  }
0x1b7: {  	v59 =	vld [tilespmem:s25+$0xFFFFFF40];
	[tilespmem:v56+s30+$0x0] =	vst.idx.msk $0xffff, v14  }
0x1b8: {  	v62 =	vadd.s32 s31, v2;
	v14 =	vld [tilespmem:s26+$0x0];
	[tilespmem:v57+s30+$0x0] =	vst.idx.msk $0xffff, v58  }
0x1b9: {  	v63 =	vadd.s32 s0, v2;
	[tilespmem:v55+s30+$0x0] =	vst.idx.msk $0xffff, v54;
	v8 =	vld [tilespmem:s26+$0xFFFFFF40]  }
0x1ba: {  	v60 =	vadd.s32 s2, v2;
	v61 =	vld [tilespmem:s26+$0xFFFFFE80];
	[tilespmem:v53+s30+$0x0] =	vst.idx.msk $0xffff, v3  }
0x1bb: {  	[tilespmem:v6+s30+$0x0] =	vst.idx.msk $0xffff, v10;
	v3 =	vadd.s32 s6, v2;
	v5 =	vld [tilespmem:s26+$0xFFFFFDC0]  }
0x1bc: {  	[tilespmem:v4+s30+$0x0] =	vst.idx.msk $0xffff, v59  }
0x1bd: {  	[tilespmem:v62+s30+$0x0] =	vst.idx.msk $0xffff, v14  }
0x1be: {  	[tilespmem:v63+s30+$0x0] =	vst.idx.msk $0xffff, v8  }
0x1bf: {  	s0 =	sor.u32 $0x200, s24;
	s2 =	rddreg [dreg:$0x2];
	[tilespmem:v60+s30+$0x0] =	vst.idx.msk $0xffff, v61  }
0x1c0: {  	s7 =	sor.u32 $0x80200, s24;
	s4 =	simm.s32 $0x16400;
	s1 =	sadd.s32 s2, s0;
	[tilespmem:v3+s30+$0x0] =	vst.idx.msk $0xffff, v5  }
0x1c1: {  	[hbm4b:s1+s3] =	stream.linear.scatter [tilespmem:s30], [sflag:$0x4], $0x400, $0x38;
	[tilespmem:$0x1C000] =	vst v63  }
0x1c2: {  	s8 =	sor.u32 $0x100200, s24;
	s9 =	simm.s32 $0x16800;
	s1 =	sadd.s32 s2, s7  }
0x1c3: {  	[hbm4b:s1+s3] =	stream.linear.scatter [tilespmem:s4], [sflag:$0x4], $0x400, $0x38;
	[tilespmem:$0x1C000] =	vst v63  }
0x1c4: {  	s10 =	sor.u32 $0x180200, s24;
	s11 =	simm.s32 $0x16C00;
	s1 =	sadd.s32 s2, s8  }
0x1c5: {  	[hbm4b:s1+s3] =	stream.linear.scatter [tilespmem:s9], [sflag:$0x4], $0x400, $0x38;
	[tilespmem:$0x1C000] =	vst v63  }
0x1c6: {  	s12 =	sor.u32 $0x200200, s24;
	s13 =	simm.s32 $0x17000;
	s1 =	sadd.s32 s2, s10  }
0x1c7: {  	[hbm4b:s1+s3] =	stream.linear.scatter [tilespmem:s11], [sflag:$0x4], $0x400, $0x38;
	[tilespmem:$0x1C000] =	vst v63  }
0x1c8: {  	s15 =	simm.s32 $0x17400;
	s14 =	rddreg [dreg:$0x7];
	s1 =	sadd.s32 s2, s12  }
0x1c9: {  	[hbm4b:s1+s3] =	stream.linear.scatter [tilespmem:s13], [sflag:$0x4], $0x400, $0x38;
	[tilespmem:$0x1C000] =	vst v63  }
0x1ca: {  	s17 =	simm.s32 $0x17800;
	s16 =	rddreg [dreg:$0x8];
	s1 =	sadd.s32 s0, s14  }
0x1cb: {  	[hbm4b:s1+s3] =	stream.linear.scatter [tilespmem:s15], [sflag:$0x4], $0x400, $0x38;
	[tilespmem:$0x1C000] =	vst v63  }
0x1cc: {  	s19 =	simm.s32 $0x17C00;
	s18 =	sor.u32 $0x80280, s24;
	s1 =	sadd.s32 s0, s16  }
0x1cd: {  	[hbm4b:s1+s3] =	stream.linear.scatter [tilespmem:s17], [sflag:$0x4], $0x400, $0x38;
	[tilespmem:$0x1C000] =	vst v63  }
0x1ce: {  	s21 =	sor.u32 $0x100280, s24;
	s22 =	simm.s32 $0x18000;
	s1 =	sadd.s32 s2, s18  }
0x1cf: {  	[hbm4b:s1+s3] =	stream.linear.scatter [tilespmem:s19], [sflag:$0x4], $0x400, $0x38;
	[tilespmem:$0x1C000] =	vst v63  }
0x1d0: {  	s23 =	sor.u32 $0x180280, s24;
	s28 =	simm.s32 $0x18800;
	s1 =	sadd.s32 s2, s21  }
0x1d1: {  	[hbm4b:s1+s3] =	stream.linear.scatter [tilespmem:s22], [sflag:$0x4], $0x400, $0x38;
	[tilespmem:$0x1C000] =	vst v63  }
0x1d2: {  	s25 =	simm.s32 $0x18400;
	s26 =	sor.u32 $0x200280, s24;
	s1 =	sadd.s32 s2, s23  }
0x1d3: {  	[hbm4b:s1+s3] =	stream.linear.scatter [tilespmem:s25], [sflag:$0x4], $0x400, $0x38;
	[tilespmem:$0x1C000] =	vst v63  }
0x1d4: {  	s31 =	simm.s32 $0x18C00;
	s29 =	rddreg [dreg:$0x9];
	s1 =	sadd.s32 s2, s26  }
0x1d5: {  	[hbm4b:s1+s3] =	stream.linear.scatter [tilespmem:s28], [sflag:$0x4], $0x400, $0x38;
	[tilespmem:$0x1C000] =	vst v63  }
0x1d6: {  	s5 =	simm.s32 $0x19000;
	s4 =	rddreg [dreg:$0xa];
	s1 =	sadd.s32 s0, s29  }
0x1d7: {  	[hbm4b:s1+s3] =	stream.linear.scatter [tilespmem:s31], [sflag:$0x4], $0x400, $0x38;
	[tilespmem:$0x1C000] =	vst v63  }
0x1d8: {  	s6 =	sor.u32 $0x80300, s24;
	s7 =	simm.s32 $0x19400;
	s1 =	sadd.s32 s0, s4  }
0x1d9: {  	[hbm4b:s1+s3] =	stream.linear.scatter [tilespmem:s5], [sflag:$0x4], $0x400, $0x38;
	[tilespmem:$0x1C000] =	vst v63  }
0x1da: {  	s8 =	sor.u32 $0x100300, s24;
	s9 =	simm.s32 $0x19800;
	s1 =	sadd.s32 s2, s6  }
0x1db: {  	[hbm4b:s1+s3] =	stream.linear.scatter [tilespmem:s7], [sflag:$0x4], $0x400, $0x38;
	[tilespmem:$0x1C000] =	vst v63  }
0x1dc: {  	s10 =	sor.u32 $0x180300, s24;
	s11 =	simm.s32 $0x19C00;
	s1 =	sadd.s32 s2, s8  }
0x1dd: {  	[hbm4b:s1+s3] =	stream.linear.scatter [tilespmem:s9], [sflag:$0x4], $0x400, $0x38;
	[tilespmem:$0x1C000] =	vst v63  }
0x1de: {  	s12 =	sor.u32 $0x200300, s24;
	s13 =	simm.s32 $0x1A000;
	s1 =	sadd.s32 s2, s10  }
0x1df: {  	[hbm4b:s1+s3] =	stream.linear.scatter [tilespmem:s11], [sflag:$0x4], $0x400, $0x38;
	[tilespmem:$0x1C000] =	vst v63  }
0x1e0: {  	s14 =	rddreg [dreg:$0xb];
	s15 =	simm.s32 $0x1A400;
	s1 =	sadd.s32 s2, s12  }
0x1e1: {  	[hbm4b:s1+s3] =	stream.linear.scatter [tilespmem:s13], [sflag:$0x4], $0x400, $0x38;
	[tilespmem:$0x1C000] =	vst v63  }
0x1e2: {  	s16 =	rddreg [dreg:$0xc];
	s17 =	simm.s32 $0x1A800;
	s1 =	sadd.s32 s0, s14  }
0x1e3: {  	[hbm4b:s1+s3] =	stream.linear.scatter [tilespmem:s15], [sflag:$0x4], $0x400, $0x38;
	[tilespmem:$0x1C000] =	vst v63  }
0x1e4: {  	s18 =	sor.u32 $0x80380, s24;
	s19 =	simm.s32 $0x1AC00;
	s1 =	sadd.s32 s0, s16  }
0x1e5: {  	[hbm4b:s1+s3] =	stream.linear.scatter [tilespmem:s17], [sflag:$0x4], $0x400, $0x38;
	[tilespmem:$0x1C000] =	vst v63  }
0x1e6: {  	s21 =	sor.u32 $0x100380, s24;
	s22 =	simm.s32 $0x1B000;
	s1 =	sadd.s32 s2, s18  }
0x1e7: {  	[hbm4b:s1+s3] =	stream.linear.scatter [tilespmem:s19], [sflag:$0x4], $0x400, $0x38;
	[tilespmem:$0x1C000] =	vst v63  }
0x1e8: {  	s23 =	sor.u32 $0x180380, s24;
	s5 =	rddreg [dreg:$0x10];
	s1 =	sadd.s32 s2, s21  }
0x1e9: {  	[hbm4b:s1+s3] =	stream.linear.scatter [tilespmem:s22], [sflag:$0x4], $0x400, $0x38;
	[tilespmem:$0x1C000] =	vst v63  }
0x1ea: {  	s25 =	simm.s32 $0x1B400;
	p0 =	seq.s32 s5, $0xF;
	s1 =	sadd.s32 s2, s23  }
0x1eb: {  	[hbm4b:s1+s3] =	stream.linear.scatter [tilespmem:s25], [sflag:$0x4], $0x400, $0x38;
	[tilespmem:$0x1C000] =	vst v63  }
.Ltmp7:
0x1ec: {  	s26 =	sor.u32 $0x200380, s24;
	(pc) =	sbr.rel @p0 .LBB2_12-.Ltmp7, $4  }
0x1ed: {  	s28 =	simm.s32 $0x1B800;
	s29 =	rddreg [dreg:$0xd];
	s1 =	sadd.s32 s2, s26  }
0x1ee: {  	[hbm4b:s1+s3] =	stream.linear.scatter [tilespmem:s28], [sflag:$0x4], $0x400, $0x38;
	[tilespmem:$0x1C000] =	vst v63  }
0x1ef: {  	s31 =	simm.s32 $0x1BC00;
	s0 =	sadd.s32 s0, s29  }
0x1f0: {  	[hbm4b:s0+s3] =	stream.linear.scatter [tilespmem:s31], [sflag:$0x4], $0x400, $0x38;
	[tilespmem:$0x1C000] =	vst v63  }
.Ltmp8:
0x1f1: {  	(pc) =	sbr.rel .LBB2_2-.Ltmp8, $4  }
0x1f2: {  	s0 =	rddreg [dreg:$0x11]  }
0x1f3: {  	s1 =	rddreg [dreg:$0x4];
	s2 =	simm.s32 $0x200;
	s0 =	sand.u32 $0x3FFFFC00, s0  }
0x1f4: {  	s4 =	simm.s32 $0xA000;
	s5 =	sadd.s32 $0x1, s5;
	s0 =	sadd.s32 $0x600, s0  }
0x1f5: {  	[tilespmem:s4], [sflag:$0x2] =	stream.indirect.gather [hbm4b:s1+s2], $0x30, s0, s2, $0xb8;
	[tilespmem:$0x1C000] =	vst v63  }
.LBB2_13:
0x1f6: {  	_ =	sfence.sel $0x180000  }
0x1f7: {  	[bflag:$0x0] =	sbarrier.arrive $0xFFFF  }
0x1f8: {  	_ =	strace $0x9000004A  }
0x1f9: {  	s0 =	stileid.u32;
	[bflag:$0x2] =	sbarrier.arrive $0xFFFF  }
0x1fa: {  	p0 =	sne.s32 s0, $0x0;
	s0 =	rddreg [dreg:$0x3]  }
0x1fb: {  	s0 =	sadd.s32 @!p0 $0x100000, s0  }
0x1fc: {  	[sflag:s0] =	ssyncadd.tile.s32 @!p0 $0x1;
	_ =	shalt  }
.Lfunc_end2:
_tile_overlayer_lowered:
.L_overlay_start_2:
0x1fd: {  	(tag) =	ssettag $0x2  }
0x1fe: {  	s0 =	rddreg [dreg:$0x0];
	s2 =	stileid.u32  }
0x1ff: {  	s1 =	rddreg [dreg:$0x1];
	p0 =	sne.s32 s2, $0x0  }
0x200: {  	s3 =	rddreg [dreg:$0x2];
	[bflag:$0x3] =	sbarrier.arrive $0xFFFF;
	s2 =	simm.s32 @!p0 $0x1C05  }
0x201: {  	[timem:s3], [sflag:s2] =	dma.local @!p0 [hbm:s0], s1  }
0x202: {  	s0 =	simm.s32 @!p0 $0x5  }
0x203: {  	_ =	swait.ge @!p0 [sflag:s0], s1  }
0x204: {  	s1 =	ssub.s32 @!p0 $0x0, s1;
	[sflag:s0] =	ssyncset.done @!p0 $0x0  }
0x205: {  	[sflag:s0] =	ssyncadd.s32 @!p0 s1  }
0x206: {  	[bflag:$0x3] =	sbarrier.arrive $0xFFFF  }
0x207: {  	_ =	shalt  }

</sc_bundles>
